<compile_context>
chip_gen: v7x
topology: tpu7x:2x2x1
jax: 0.10.2.dev20260603
libtpu: 0.0.44.dev20260713+nightly
codegen_flags: <defaults>
</compile_context>

<pallas_src>
import functools

import jax
import jax.numpy as jnp
from jax import lax
from jax.experimental import pallas as pl
from jax.experimental.pallas import tpu as pltpu
from jax.experimental.pallas import tpu_sc as plsc

N_NODES = 10000
N_EDGES = 320000
D = 128
NUM_BASES = 4
NUM_RATINGS = 5

NC = 2
NS = 16
NW = NC * NS
CHUNK = 80
NCHUNKS = 128
EPW = NCHUNKS * CHUNK
E_PAD = NW * EPW
NBUF = 4
IDXR = 8
N_PAD = 10240
ROWS_PER_TILE = N_PAD // NS


def _i32(v):
    return jnp.asarray(v, jnp.int32)


def _table_body(a_ref, x_ref, bs_ref, ei_ref, et_ref, out_ref, gidx_ref,
                dst_ref):
    i = pl.program_id(0)
    xb = x_ref[...]
    for r in range(NUM_RATINGS):
        w = a_ref[r, 0] * bs_ref[0]
        for k in range(1, NUM_BASES):
            w = w + a_ref[r, k] * bs_ref[k]
        out_ref[r] = lax.dot_general(
            xb, w, (((1,), (1,)), ((), ())),
            preferred_element_type=jnp.float32)

    pad = (E_PAD - N_EDGES) // D

    @pl.when(i == 0)
    def _():
        f = (lax.broadcasted_iota(jnp.int32, (pad, D), 0) * jnp.int32(D)
             + lax.broadcasted_iota(jnp.int32, (pad, D), 1))
        g = et_ref[...] * jnp.int32(N_NODES) + ei_ref[0]
        gidx_ref[...] = jnp.concatenate([g, f], axis=0)
        dst_ref[...] = jnp.concatenate(
            [ei_ref[1],
             jnp.int32(N_NODES) + f % jnp.int32(N_PAD - N_NODES)], axis=0)


def _combine_body(x_ref, w0_ref, p_ref, out_ref):
    out_ref[...] = (
        lax.dot_general(x_ref[...], w0_ref[...], (((1,), (1,)), ((), ())),
                        preferred_element_type=jnp.float32)
        + p_ref[0] + p_ref[1])


def _sc_body(table, gidx1, dst1, out, gall, dall, rows0, rows1, rows2,
             rows3, acc, gsem, ssem, isem):
    i32 = jnp.int32
    rows = (rows0, rows1, rows2, rows3)
    c = lax.axis_index("c")
    s = lax.axis_index("s")
    wid = s * i32(NC) + c
    ebase = wid * i32(EPW)
    sbase = s * i32(ROWS_PER_TILE)

    def zfill(i, carry):
        for j in range(D // 16):
            rows0[i, pl.ds(j * 16, 16)] = jnp.zeros((16,), jnp.float32)
        return carry
    lax.fori_loop(i32(0), i32(CHUNK), zfill, 0)
    for t in range(ROWS_PER_TILE // CHUNK):
        pltpu.sync_copy(rows0, acc.at[pl.ds(sbase + i32(t * CHUNK), CHUNK)])
    rem = ROWS_PER_TILE % CHUNK
    if rem:
        pltpu.sync_copy(
            rows0.at[pl.ds(0, rem)],
            acc.at[pl.ds(sbase + i32(ROWS_PER_TILE - rem), rem)])
    plsc.subcore_barrier()

    def idx_start(k, m):
        off = ebase + k * i32(CHUNK)
        pltpu.async_copy(gidx1.at[pl.ds(off, CHUNK)],
                         gall.at[i32(m), i32(0)], isem)
        pltpu.async_copy(dst1.at[pl.ds(off, CHUNK)],
                         dall.at[i32(m), i32(0)], isem)

    def idx_wait(k, m):
        off = ebase + k * i32(CHUNK)
        pltpu.make_async_copy(gidx1.at[pl.ds(off, CHUNK)],
                              gall.at[i32(m), i32(0)], isem).wait()
        pltpu.make_async_copy(dst1.at[pl.ds(off, CHUNK)],
                              dall.at[i32(m), i32(0)], isem).wait()

    def gat_start(k, m, b):
        pltpu.async_copy(table.at[gall.at[i32(m), i32(0)]], rows[b], gsem)

    def gat_wait(k, m, b):
        pltpu.make_async_copy(table.at[gall.at[i32(m), i32(0)]], rows[b],
                              gsem).wait()

    def scat_start(k, m, b):
        pltpu.async_copy(rows[b], acc.at[dall.at[i32(m), i32(0)]], ssem,
                         add=True)

    def scat_wait(k, m, b):
        pltpu.make_async_copy(rows[b], acc.at[dall.at[i32(m), i32(0)]],
                              ssem).wait()

    for k in range(5):
        idx_start(i32(k), k % IDXR)
    for k in range(3):
        idx_wait(i32(k), k % IDXR)
        gat_start(i32(k), k % IDXR, k % NBUF)

    def main(t, carry):
        for u in range(IDXR):
            k = t * i32(IDXR) + i32(u)

            def kk(d):
                return k + i32(d)

            if True:
                @pl.when(kk(0) >= i32(1))
                def _():
                    scat_wait(kk(-1), (u - 1) % IDXR, (u - 1) % NBUF)

                @pl.when(kk(3) < i32(NCHUNKS))
                def _():
                    idx_wait(kk(3), (u + 3) % IDXR)
                    gat_start(kk(3), (u + 3) % IDXR, (u + 3) % NBUF)

                gat_wait(kk(0), u % IDXR, u % NBUF)
                scat_start(kk(0), u % IDXR, u % NBUF)

                @pl.when(kk(5) < i32(NCHUNKS))
                def _():
                    idx_start(kk(5), (u + 5) % IDXR)
        return carry
    lax.fori_loop(i32(0), i32(NCHUNKS // IDXR), main, 0)
    scat_wait(i32(NCHUNKS - 1), (NCHUNKS - 1) % IDXR, (NCHUNKS - 1) % NBUF)
    plsc.subcore_barrier()

    pltpu.sync_copy(acc.at[pl.ds(sbase, ROWS_PER_TILE)],
                    out.at[c, pl.ds(sbase, ROWS_PER_TILE)])


def kernel(x, Bs, A, W0, edge_index, edge_type):
    nb = 5
    blk = N_NODES // nb
    erows = N_EDGES // D
    ei32 = edge_index.astype(jnp.int32)
    et32 = edge_type.astype(jnp.int32)

    table, gidx, dst = pl.pallas_call(
        _table_body,
        grid=(nb,),
        in_specs=[
            pl.BlockSpec((NUM_RATINGS, NUM_BASES),
                         lambda i: (_i32(0), _i32(0)),
                         memory_space=pltpu.SMEM),
            pl.BlockSpec((blk, D), lambda i: (_i32(i), _i32(0))),
            pl.BlockSpec((NUM_BASES, D, D),
                         lambda i: (_i32(0), _i32(0), _i32(0))),
            pl.BlockSpec((2, erows, D),
                         lambda i: (_i32(0), _i32(0), _i32(0))),
            pl.BlockSpec((erows, D), lambda i: (_i32(0), _i32(0))),
        ],
        out_specs=[
            pl.BlockSpec((NUM_RATINGS, blk, D),
                         lambda i: (_i32(0), _i32(i), _i32(0))),
            pl.BlockSpec((E_PAD // D, D), lambda i: (_i32(0), _i32(0))),
            pl.BlockSpec((E_PAD // D, D), lambda i: (_i32(0), _i32(0))),
        ],
        out_shape=[
            jax.ShapeDtypeStruct((NUM_RATINGS, N_NODES, D), jnp.float32),
            jax.ShapeDtypeStruct((E_PAD // D, D), jnp.int32),
            jax.ShapeDtypeStruct((E_PAD // D, D), jnp.int32),
        ],
    )(A, x, Bs, ei32.reshape(2, erows, D), et32.reshape(erows, D))

    mesh = plsc.VectorSubcoreMesh(core_axis_name="c", subcore_axis_name="s")
    partials = pl.kernel(
        _sc_body,
        out_type=jax.ShapeDtypeStruct((NC, N_PAD, D), jnp.float32),
        mesh=mesh,
        scratch_types=[
            pltpu.VMEM((IDXR, 1, CHUNK), jnp.int32),
            pltpu.VMEM((IDXR, 1, CHUNK), jnp.int32),
            pltpu.VMEM((CHUNK, D), jnp.float32),
            pltpu.VMEM((CHUNK, D), jnp.float32),
            pltpu.VMEM((CHUNK, D), jnp.float32),
            pltpu.VMEM((CHUNK, D), jnp.float32),
            pltpu.VMEM_SHARED((N_PAD, D), jnp.float32),
            pltpu.SemaphoreType.DMA,
            pltpu.SemaphoreType.DMA,
            pltpu.SemaphoreType.DMA,
        ],
    )(table.reshape(NUM_RATINGS * N_NODES, D), gidx.reshape(E_PAD),
      dst.reshape(E_PAD))

    out = pl.pallas_call(
        _combine_body,
        grid=(nb,),
        in_specs=[
            pl.BlockSpec((blk, D), lambda i: (_i32(i), _i32(0))),
            pl.BlockSpec((D, D), lambda i: (_i32(0), _i32(0))),
            pl.BlockSpec((NC, blk, D), lambda i: (_i32(0), _i32(i), _i32(0))),
        ],
        out_specs=pl.BlockSpec((blk, D), lambda i: (_i32(i), _i32(0))),
        out_shape=jax.ShapeDtypeStruct((N_NODES, D), jnp.float32),
    )(x, W0, partials)
    return out

# --- scband reference (transcript-rebuilt; emitter-appended) ---
"""Pipeline reference for scband-rgcnlayer-23467701305774 (READ-ONLY COPY).

The authoritative reference and input builder live on the scoring server;
editing this copy changes nothing except your own understanding.
"""

import jax, jax.numpy as jnp
import numpy as np

jax.config.update("jax_enable_x64", True)

N_NODES = 10000
N_EDGES = 320000
D_IN = 128
D_OUT = 128
NUM_BASES = 4
RATINGS = [0, 1, 2, 3, 4]


def setup_inputs(seed: int = 0) -> dict:
    key = jax.random.key(seed)
    k1, k2, k3, k4, k5, k6 = jax.random.split(key, 6)
    x = jax.random.normal(k1, (N_NODES, D_IN), dtype=jnp.float32)
    edge_index = jax.random.randint(k2, (2, N_EDGES), 0, N_NODES, dtype=jnp.int64)
    edge_type = jax.random.randint(k3, (N_EDGES,), 0, len(RATINGS), dtype=jnp.int64)
    # Learned parameters (keras 'random_normal' initializer, stddev=0.05)
    Bs = jax.random.normal(k4, (NUM_BASES, D_OUT, D_IN), dtype=jnp.float32) * 0.05
    A = jax.random.normal(k5, (len(RATINGS), NUM_BASES), dtype=jnp.float32) * 0.05
    W0 = jax.random.normal(k6, (D_OUT, D_IN), dtype=jnp.float32) * 0.05
    return {"x": x, "Bs": Bs, "A": A, "W0": W0, "edge_index": edge_index, "edge_type": edge_type}


def reference(x, Bs, A, W0, edge_index, edge_type):
    # output = (W_0 @ x^T)^T = x @ W_0^T
    out = x @ W0.T
    src = edge_index[0]
    dst = edge_index[1]
    # gather source-node features once [E, d_in]
    src_feat = jnp.take(x, src, axis=0)
    for i, r in enumerate(RATINGS):
        # W_r = sum_k a_r[k] * B[k]   -> [d_out, d_in]
        W_r = jnp.einsum('k,kij->ij', A[i], Bs)
        # boolean_mask(edges, edge_type==r) expressed as zero-weighting (same math:
        # masked-out edges contribute exactly 0 to the segment sum)
        mask = (edge_type == r).astype(x.dtype)
        # (W_r @ src_feat^T)^T = src_feat @ W_r^T
        msg = (src_feat @ W_r.T) * mask[:, None]
        # unsorted_segment_sum over target nodes
        out = out + jax.ops.segment_sum(msg, dst, num_segments=N_NODES)
    return out

if __name__ == "__main__":
    import jax
    _d = setup_inputs()
    print(jax.jit(kernel)(*tuple(_d.values())))

</pallas_src>

<mosaic_0001>
#map = affine_map<(d0, d1) -> (0, 0)>
#map1 = affine_map<(d0, d1) -> (0)>
#map2 = affine_map<(d0, d1) -> (0, 0, 0)>
module attributes {stable_mosaic.version = 14 : i64} {
  func.func @_sc_body(%arg0: i32, %arg1: i32, %arg2: memref<50000x128xf32, #tpu.memory_space<hbm>>, %arg3: memref<327680xi32, #tpu.memory_space<hbm>>, %arg4: memref<327680xi32, #tpu.memory_space<hbm>>, %arg5: memref<2x10240x128xf32, #tpu.memory_space<hbm>>, %arg6: memref<8x1x80xi32, #tpu.memory_space<vmem>>, %arg7: memref<8x1x80xi32, #tpu.memory_space<vmem>>, %arg8: memref<80x128xf32, #tpu.memory_space<vmem>>, %arg9: memref<80x128xf32, #tpu.memory_space<vmem>>, %arg10: memref<80x128xf32, #tpu.memory_space<vmem>>, %arg11: memref<80x128xf32, #tpu.memory_space<vmem>>, %arg12: memref<10240x128xf32, #tpu.memory_space<vmem_shared>>, %arg13: memref<!tpu.dma_semaphore, #tpu.memory_space<semaphore_mem>>, %arg14: memref<!tpu.dma_semaphore, #tpu.memory_space<semaphore_mem>>, %arg15: memref<!tpu.dma_semaphore, #tpu.memory_space<semaphore_mem>>) attributes {dimension_semantics = [#tpu.dimension_semantics<core_parallel>, #tpu.dimension_semantics<subcore_parallel>], iteration_bounds = array<i64: 2, 16>, scalar_prefetch = 0 : i64, scratch_operands = 10 : i64, tpu.core_type = #tpu.core_type<sc_vector_subcore>, window_params = [{transform_indices = #map}, {transform_indices = #map1}, {transform_indices = #map1}, {transform_indices = #map2}]} {
    %mul3A = arith.constant 2 : i32
    %mul3A_0 = arith.muli %arg1, %mul3A : i32
    %add3A = arith.addi %mul3A_0, %arg0 : i32
    %mul3A_1 = arith.constant 10240 : i32
    %mul3A_2 = arith.muli %add3A, %mul3A_1 : i32
    %mul3A_3 = arith.constant 640 : i32
    %mul3A_4 = arith.muli %arg1, %mul3A_3 : i32
    %while3A = arith.constant 0 : i64
    %while3A_5 = arith.constant 0 : i32
    %while3A_6 = arith.constant 80 : i32
    %while3A_7 = arith.subi %while3A_6, %while3A_5 : i32
    %while3A_8 = arith.addi %while3A_5, %while3A_7 : i32
    %while3A_9 = arith.constant 1 : i32
    %while3A_10 = arith.divsi %while3A_7, %while3A_9 : i32
    %while3A_11 = arith.muli %while3A_10, %while3A_9 : i32
    %while3A_12 = arith.addi %while3A_5, %while3A_11 : i32
    %while3A_13 = arith.constant 1 : i32
    scf.for %while3A_265 = %while3A_5 to %while3A_12 step %while3A_13  : i32 {
      %broadcast_in_dim3A = arith.constant 0.000000e+00 : f32
      %broadcast_in_dim3A_266 = vector.broadcast %broadcast_in_dim3A : f32 to vector<16xf32>
      %swap3A = arith.index_cast %while3A_265 : i32 to index
      %swap3A_267 = arith.constant 0 : index
      %swap3A_268 = tpu.vector_load %arg8[%swap3A, %swap3A_267] {strides = array<i32>} : memref<80x128xf32, #tpu.memory_space<vmem>>, vector<1x16xf32>,
      %swap3A_269 = vector.shape_cast %swap3A_268 : vector<1x16xf32> to vector<16xf32>
      %swap3A_270 = vector.shape_cast %broadcast_in_dim3A_266 : vector<16xf32> to vector<1x16xf32>
      tpu.vector_store %arg8[%swap3A, %swap3A_267], %swap3A_270 {strides = array<i32>} : memref<80x128xf32, #tpu.memory_space<vmem>>, vector<1x16xf32>,
      %broadcast_in_dim3A_271 = arith.constant 0.000000e+00 : f32
      %broadcast_in_dim3A_272 = vector.broadcast %broadcast_in_dim3A_271 : f32 to vector<16xf32>
      %swap3A_273 = arith.index_cast %while3A_265 : i32 to index
      %swap3A_274 = arith.constant 16 : index
      %swap3A_275 = tpu.vector_load %arg8[%swap3A_273, %swap3A_274] {strides = array<i32>} : memref<80x128xf32, #tpu.memory_space<vmem>>, vector<1x16xf32>,
      %swap3A_276 = vector.shape_cast %swap3A_275 : vector<1x16xf32> to vector<16xf32>
      %swap3A_277 = vector.shape_cast %broadcast_in_dim3A_272 : vector<16xf32> to vector<1x16xf32>
      tpu.vector_store %arg8[%swap3A_273, %swap3A_274], %swap3A_277 {strides = array<i32>} : memref<80x128xf32, #tpu.memory_space<vmem>>, vector<1x16xf32>,
      %broadcast_in_dim3A_278 = arith.constant 0.000000e+00 : f32
      %broadcast_in_dim3A_279 = vector.broadcast %broadcast_in_dim3A_278 : f32 to vector<16xf32>
      %swap3A_280 = arith.index_cast %while3A_265 : i32 to index
      %swap3A_281 = arith.constant 32 : index
      %swap3A_282 = tpu.vector_load %arg8[%swap3A_280, %swap3A_281] {strides = array<i32>} : memref<80x128xf32, #tpu.memory_space<vmem>>, vector<1x16xf32>,
      %swap3A_283 = vector.shape_cast %swap3A_282 : vector<1x16xf32> to vector<16xf32>
      %swap3A_284 = vector.shape_cast %broadcast_in_dim3A_279 : vector<16xf32> to vector<1x16xf32>
      tpu.vector_store %arg8[%swap3A_280, %swap3A_281], %swap3A_284 {strides = array<i32>} : memref<80x128xf32, #tpu.memory_space<vmem>>, vector<1x16xf32>,
      %broadcast_in_dim3A_285 = arith.constant 0.000000e+00 : f32
      %broadcast_in_dim3A_286 = vector.broadcast %broadcast_in_dim3A_285 : f32 to vector<16xf32>
      %swap3A_287 = arith.index_cast %while3A_265 : i32 to index
      %swap3A_288 = arith.constant 48 : index
      %swap3A_289 = tpu.vector_load %arg8[%swap3A_287, %swap3A_288] {strides = array<i32>} : memref<80x128xf32, #tpu.memory_space<vmem>>, vector<1x16xf32>,
      %swap3A_290 = vector.shape_cast %swap3A_289 : vector<1x16xf32> to vector<16xf32>
      %swap3A_291 = vector.shape_cast %broadcast_in_dim3A_286 : vector<16xf32> to vector<1x16xf32>
      tpu.vector_store %arg8[%swap3A_287, %swap3A_288], %swap3A_291 {strides = array<i32>} : memref<80x128xf32, #tpu.memory_space<vmem>>, vector<1x16xf32>,
      %broadcast_in_dim3A_292 = arith.constant 0.000000e+00 : f32
      %broadcast_in_dim3A_293 = vector.broadcast %broadcast_in_dim3A_292 : f32 to vector<16xf32>
      %swap3A_294 = arith.index_cast %while3A_265 : i32 to index
      %swap3A_295 = arith.constant 64 : index
      %swap3A_296 = tpu.vector_load %arg8[%swap3A_294, %swap3A_295] {strides = array<i32>} : memref<80x128xf32, #tpu.memory_space<vmem>>, vector<1x16xf32>,
      %swap3A_297 = vector.shape_cast %swap3A_296 : vector<1x16xf32> to vector<16xf32>
      %swap3A_298 = vector.shape_cast %broadcast_in_dim3A_293 : vector<16xf32> to vector<1x16xf32>
      tpu.vector_store %arg8[%swap3A_294, %swap3A_295], %swap3A_298 {strides = array<i32>} : memref<80x128xf32, #tpu.memory_space<vmem>>, vector<1x16xf32>,
      %broadcast_in_dim3A_299 = arith.constant 0.000000e+00 : f32
      %broadcast_in_dim3A_300 = vector.broadcast %broadcast_in_dim3A_299 : f32 to vector<16xf32>
      %swap3A_301 = arith.index_cast %while3A_265 : i32 to index
      %swap3A_302 = arith.constant 80 : index
      %swap3A_303 = tpu.vector_load %arg8[%swap3A_301, %swap3A_302] {strides = array<i32>} : memref<80x128xf32, #tpu.memory_space<vmem>>, vector<1x16xf32>,
      %swap3A_304 = vector.shape_cast %swap3A_303 : vector<1x16xf32> to vector<16xf32>
      %swap3A_305 = vector.shape_cast %broadcast_in_dim3A_300 : vector<16xf32> to vector<1x16xf32>
      tpu.vector_store %arg8[%swap3A_301, %swap3A_302], %swap3A_305 {strides = array<i32>} : memref<80x128xf32, #tpu.memory_space<vmem>>, vector<1x16xf32>,
      %broadcast_in_dim3A_306 = arith.constant 0.000000e+00 : f32
      %broadcast_in_dim3A_307 = vector.broadcast %broadcast_in_dim3A_306 : f32 to vector<16xf32>
      %swap3A_308 = arith.index_cast %while3A_265 : i32 to index
      %swap3A_309 = arith.constant 96 : index
      %swap3A_310 = tpu.vector_load %arg8[%swap3A_308, %swap3A_309] {strides = array<i32>} : memref<80x128xf32, #tpu.memory_space<vmem>>, vector<1x16xf32>,
      %swap3A_311 = vector.shape_cast %swap3A_310 : vector<1x16xf32> to vector<16xf32>
      %swap3A_312 = vector.shape_cast %broadcast_in_dim3A_307 : vector<16xf32> to vector<1x16xf32>
      tpu.vector_store %arg8[%swap3A_308, %swap3A_309], %swap3A_312 {strides = array<i32>} : memref<80x128xf32, #tpu.memory_space<vmem>>, vector<1x16xf32>,
      %broadcast_in_dim3A_313 = arith.constant 0.000000e+00 : f32
      %broadcast_in_dim3A_314 = vector.broadcast %broadcast_in_dim3A_313 : f32 to vector<16xf32>
      %swap3A_315 = arith.index_cast %while3A_265 : i32 to index
      %swap3A_316 = arith.constant 112 : index
      %swap3A_317 = tpu.vector_load %arg8[%swap3A_315, %swap3A_316] {strides = array<i32>} : memref<80x128xf32, #tpu.memory_space<vmem>>, vector<1x16xf32>,
      %swap3A_318 = vector.shape_cast %swap3A_317 : vector<1x16xf32> to vector<16xf32>
      %swap3A_319 = vector.shape_cast %broadcast_in_dim3A_314 : vector<16xf32> to vector<1x16xf32>
      tpu.vector_store %arg8[%swap3A_315, %swap3A_316], %swap3A_319 {strides = array<i32>} : memref<80x128xf32, #tpu.memory_space<vmem>>, vector<1x16xf32>,
    }
    %while3A_14 = arith.constant 1 : i32
    scf.for %while3A_265 = %while3A_12 to %while3A_8 step %while3A_14  : i32 {
      %broadcast_in_dim3A = arith.constant 0.000000e+00 : f32
      %broadcast_in_dim3A_266 = vector.broadcast %broadcast_in_dim3A : f32 to vector<16xf32>
      %swap3A = arith.index_cast %while3A_265 : i32 to index
      %swap3A_267 = arith.constant 0 : index
      %swap3A_268 = tpu.vector_load %arg8[%swap3A, %swap3A_267] {strides = array<i32>} : memref<80x128xf32, #tpu.memory_space<vmem>>, vector<1x16xf32>,
      %swap3A_269 = vector.shape_cast %swap3A_268 : vector<1x16xf32> to vector<16xf32>
      %swap3A_270 = vector.shape_cast %broadcast_in_dim3A_266 : vector<16xf32> to vector<1x16xf32>
      tpu.vector_store %arg8[%swap3A, %swap3A_267], %swap3A_270 {strides = array<i32>} : memref<80x128xf32, #tpu.memory_space<vmem>>, vector<1x16xf32>,
      %broadcast_in_dim3A_271 = arith.constant 0.000000e+00 : f32
      %broadcast_in_dim3A_272 = vector.broadcast %broadcast_in_dim3A_271 : f32 to vector<16xf32>
      %swap3A_273 = arith.index_cast %while3A_265 : i32 to index
      %swap3A_274 = arith.constant 16 : index
      %swap3A_275 = tpu.vector_load %arg8[%swap3A_273, %swap3A_274] {strides = array<i32>} : memref<80x128xf32, #tpu.memory_space<vmem>>, vector<1x16xf32>,
      %swap3A_276 = vector.shape_cast %swap3A_275 : vector<1x16xf32> to vector<16xf32>
      %swap3A_277 = vector.shape_cast %broadcast_in_dim3A_272 : vector<16xf32> to vector<1x16xf32>
      tpu.vector_store %arg8[%swap3A_273, %swap3A_274], %swap3A_277 {strides = array<i32>} : memref<80x128xf32, #tpu.memory_space<vmem>>, vector<1x16xf32>,
      %broadcast_in_dim3A_278 = arith.constant 0.000000e+00 : f32
      %broadcast_in_dim3A_279 = vector.broadcast %broadcast_in_dim3A_278 : f32 to vector<16xf32>
      %swap3A_280 = arith.index_cast %while3A_265 : i32 to index
      %swap3A_281 = arith.constant 32 : index
      %swap3A_282 = tpu.vector_load %arg8[%swap3A_280, %swap3A_281] {strides = array<i32>} : memref<80x128xf32, #tpu.memory_space<vmem>>, vector<1x16xf32>,
      %swap3A_283 = vector.shape_cast %swap3A_282 : vector<1x16xf32> to vector<16xf32>
      %swap3A_284 = vector.shape_cast %broadcast_in_dim3A_279 : vector<16xf32> to vector<1x16xf32>
      tpu.vector_store %arg8[%swap3A_280, %swap3A_281], %swap3A_284 {strides = array<i32>} : memref<80x128xf32, #tpu.memory_space<vmem>>, vector<1x16xf32>,
      %broadcast_in_dim3A_285 = arith.constant 0.000000e+00 : f32
      %broadcast_in_dim3A_286 = vector.broadcast %broadcast_in_dim3A_285 : f32 to vector<16xf32>
      %swap3A_287 = arith.index_cast %while3A_265 : i32 to index
      %swap3A_288 = arith.constant 48 : index
      %swap3A_289 = tpu.vector_load %arg8[%swap3A_287, %swap3A_288] {strides = array<i32>} : memref<80x128xf32, #tpu.memory_space<vmem>>, vector<1x16xf32>,
      %swap3A_290 = vector.shape_cast %swap3A_289 : vector<1x16xf32> to vector<16xf32>
      %swap3A_291 = vector.shape_cast %broadcast_in_dim3A_286 : vector<16xf32> to vector<1x16xf32>
      tpu.vector_store %arg8[%swap3A_287, %swap3A_288], %swap3A_291 {strides = array<i32>} : memref<80x128xf32, #tpu.memory_space<vmem>>, vector<1x16xf32>,
      %broadcast_in_dim3A_292 = arith.constant 0.000000e+00 : f32
      %broadcast_in_dim3A_293 = vector.broadcast %broadcast_in_dim3A_292 : f32 to vector<16xf32>
      %swap3A_294 = arith.index_cast %while3A_265 : i32 to index
      %swap3A_295 = arith.constant 64 : index
      %swap3A_296 = tpu.vector_load %arg8[%swap3A_294, %swap3A_295] {strides = array<i32>} : memref<80x128xf32, #tpu.memory_space<vmem>>, vector<1x16xf32>,
      %swap3A_297 = vector.shape_cast %swap3A_296 : vector<1x16xf32> to vector<16xf32>
      %swap3A_298 = vector.shape_cast %broadcast_in_dim3A_293 : vector<16xf32> to vector<1x16xf32>
      tpu.vector_store %arg8[%swap3A_294, %swap3A_295], %swap3A_298 {strides = array<i32>} : memref<80x128xf32, #tpu.memory_space<vmem>>, vector<1x16xf32>,
      %broadcast_in_dim3A_299 = arith.constant 0.000000e+00 : f32
      %broadcast_in_dim3A_300 = vector.broadcast %broadcast_in_dim3A_299 : f32 to vector<16xf32>
      %swap3A_301 = arith.index_cast %while3A_265 : i32 to index
      %swap3A_302 = arith.constant 80 : index
      %swap3A_303 = tpu.vector_load %arg8[%swap3A_301, %swap3A_302] {strides = array<i32>} : memref<80x128xf32, #tpu.memory_space<vmem>>, vector<1x16xf32>,
      %swap3A_304 = vector.shape_cast %swap3A_303 : vector<1x16xf32> to vector<16xf32>
      %swap3A_305 = vector.shape_cast %broadcast_in_dim3A_300 : vector<16xf32> to vector<1x16xf32>
      tpu.vector_store %arg8[%swap3A_301, %swap3A_302], %swap3A_305 {strides = array<i32>} : memref<80x128xf32, #tpu.memory_space<vmem>>, vector<1x16xf32>,
      %broadcast_in_dim3A_306 = arith.constant 0.000000e+00 : f32
      %broadcast_in_dim3A_307 = vector.broadcast %broadcast_in_dim3A_306 : f32 to vector<16xf32>
      %swap3A_308 = arith.index_cast %while3A_265 : i32 to index
      %swap3A_309 = arith.constant 96 : index
      %swap3A_310 = tpu.vector_load %arg8[%swap3A_308, %swap3A_309] {strides = array<i32>} : memref<80x128xf32, #tpu.memory_space<vmem>>, vector<1x16xf32>,
      %swap3A_311 = vector.shape_cast %swap3A_310 : vector<1x16xf32> to vector<16xf32>
      %swap3A_312 = vector.shape_cast %broadcast_in_dim3A_307 : vector<16xf32> to vector<1x16xf32>
      tpu.vector_store %arg8[%swap3A_308, %swap3A_309], %swap3A_312 {strides = array<i32>} : memref<80x128xf32, #tpu.memory_space<vmem>>, vector<1x16xf32>,
      %broadcast_in_dim3A_313 = arith.constant 0.000000e+00 : f32
      %broadcast_in_dim3A_314 = vector.broadcast %broadcast_in_dim3A_313 : f32 to vector<16xf32>
      %swap3A_315 = arith.index_cast %while3A_265 : i32 to index
      %swap3A_316 = arith.constant 112 : index
      %swap3A_317 = tpu.vector_load %arg8[%swap3A_315, %swap3A_316] {strides = array<i32>} : memref<80x128xf32, #tpu.memory_space<vmem>>, vector<1x16xf32>,
      %swap3A_318 = vector.shape_cast %swap3A_317 : vector<1x16xf32> to vector<16xf32>
      %swap3A_319 = vector.shape_cast %broadcast_in_dim3A_314 : vector<16xf32> to vector<1x16xf32>
      tpu.vector_store %arg8[%swap3A_315, %swap3A_316], %swap3A_319 {strides = array<i32>} : memref<80x128xf32, #tpu.memory_space<vmem>>, vector<1x16xf32>,
    }
    %add3A_15 = arith.constant 0 : i32
    %add3A_16 = arith.addi %mul3A_4, %add3A_15 : i32
    "tpu.region"() ({
      %run_scoped3A = tpu.sem_alloc : memref<!tpu.dma_semaphore, #tpu.memory_space<semaphore_mem>>
      %dma_start3A_265 = arith.constant 0 : i32
      %dma_start3A_266 = tpu.memref_slice %arg12[%add3A_16, %dma_start3A_265] : memref<10240x128xf32, #tpu.memory_space<vmem_shared>> -> memref<80x128xf32, #tpu.memory_space<vmem_shared>>
      %dma_start3A_267 = arith.constant 0 : i32
      %dma_start3A_268 = tpu.memref_slice %arg12[%add3A_16, %dma_start3A_267] : memref<10240x128xf32, #tpu.memory_space<vmem_shared>> -> memref<80x128xf32, #tpu.memory_space<vmem_shared>>
      tpu.enqueue_dma source(%arg8 : memref<80x128xf32, #tpu.memory_space<vmem>>) target(%dma_start3A_268 : memref<80x128xf32, #tpu.memory_space<vmem_shared>>) target_semaphore(%run_scoped3A : memref<!tpu.dma_semaphore, #tpu.memory_space<semaphore_mem>>)
      %dma_wait3A_269 = arith.constant 0 : i32
      %dma_wait3A_270 = tpu.memref_slice %arg12[%add3A_16, %dma_wait3A_269] : memref<10240x128xf32, #tpu.memory_space<vmem_shared>> -> memref<80x128xf32, #tpu.memory_space<vmem_shared>>
      %dma_wait3A_271 = arith.constant 0 : i32
      %dma_wait3A_272 = tpu.memref_slice %arg12[%add3A_16, %dma_wait3A_271] : memref<10240x128xf32, #tpu.memory_space<vmem_shared>> -> memref<80x128xf32, #tpu.memory_space<vmem_shared>>
      tpu.wait_dma2 semaphore(%run_scoped3A : memref<!tpu.dma_semaphore, #tpu.memory_space<semaphore_mem>>) src(%arg8 : memref<80x128xf32, #tpu.memory_space<vmem>>) dst(%dma_wait3A_272 : memref<80x128xf32, #tpu.memory_space<vmem_shared>>)
      tpu.yield
    }) : () -> ()
    %add3A_17 = arith.constant 80 : i32
    %add3A_18 = arith.addi %mul3A_4, %add3A_17 : i32
    "tpu.region"() ({
      %run_scoped3A = tpu.sem_alloc : memref<!tpu.dma_semaphore, #tpu.memory_space<semaphore_mem>>
      %dma_start3A_265 = arith.constant 0 : i32
      %dma_start3A_266 = tpu.memref_slice %arg12[%add3A_18, %dma_start3A_265] : memref<10240x128xf32, #tpu.memory_space<vmem_shared>> -> memref<80x128xf32, #tpu.memory_space<vmem_shared>>
      %dma_start3A_267 = arith.constant 0 : i32
      %dma_start3A_268 = tpu.memref_slice %arg12[%add3A_18, %dma_start3A_267] : memref<10240x128xf32, #tpu.memory_space<vmem_shared>> -> memref<80x128xf32, #tpu.memory_space<vmem_shared>>
      tpu.enqueue_dma source(%arg8 : memref<80x128xf32, #tpu.memory_space<vmem>>) target(%dma_start3A_268 : memref<80x128xf32, #tpu.memory_space<vmem_shared>>) target_semaphore(%run_scoped3A : memref<!tpu.dma_semaphore, #tpu.memory_space<semaphore_mem>>)
      %dma_wait3A_269 = arith.constant 0 : i32
      %dma_wait3A_270 = tpu.memref_slice %arg12[%add3A_18, %dma_wait3A_269] : memref<10240x128xf32, #tpu.memory_space<vmem_shared>> -> memref<80x128xf32, #tpu.memory_space<vmem_shared>>
      %dma_wait3A_271 = arith.constant 0 : i32
      %dma_wait3A_272 = tpu.memref_slice %arg12[%add3A_18, %dma_wait3A_271] : memref<10240x128xf32, #tpu.memory_space<vmem_shared>> -> memref<80x128xf32, #tpu.memory_space<vmem_shared>>
      tpu.wait_dma2 semaphore(%run_scoped3A : memref<!tpu.dma_semaphore, #tpu.memory_space<semaphore_mem>>) src(%arg8 : memref<80x128xf32, #tpu.memory_space<vmem>>) dst(%dma_wait3A_272 : memref<80x128xf32, #tpu.memory_space<vmem_shared>>)
      tpu.yield
    }) : () -> ()
    %add3A_19 = arith.constant 160 : i32
    %add3A_20 = arith.addi %mul3A_4, %add3A_19 : i32
    "tpu.region"() ({
      %run_scoped3A = tpu.sem_alloc : memref<!tpu.dma_semaphore, #tpu.memory_space<semaphore_mem>>
      %dma_start3A_265 = arith.constant 0 : i32
      %dma_start3A_266 = tpu.memref_slice %arg12[%add3A_20, %dma_start3A_265] : memref<10240x128xf32, #tpu.memory_space<vmem_shared>> -> memref<80x128xf32, #tpu.memory_space<vmem_shared>>
      %dma_start3A_267 = arith.constant 0 : i32
      %dma_start3A_268 = tpu.memref_slice %arg12[%add3A_20, %dma_start3A_267] : memref<10240x128xf32, #tpu.memory_space<vmem_shared>> -> memref<80x128xf32, #tpu.memory_space<vmem_shared>>
      tpu.enqueue_dma source(%arg8 : memref<80x128xf32, #tpu.memory_space<vmem>>) target(%dma_start3A_268 : memref<80x128xf32, #tpu.memory_space<vmem_shared>>) target_semaphore(%run_scoped3A : memref<!tpu.dma_semaphore, #tpu.memory_space<semaphore_mem>>)
      %dma_wait3A_269 = arith.constant 0 : i32
      %dma_wait3A_270 = tpu.memref_slice %arg12[%add3A_20, %dma_wait3A_269] : memref<10240x128xf32, #tpu.memory_space<vmem_shared>> -> memref<80x128xf32, #tpu.memory_space<vmem_shared>>
      %dma_wait3A_271 = arith.constant 0 : i32
      %dma_wait3A_272 = tpu.memref_slice %arg12[%add3A_20, %dma_wait3A_271] : memref<10240x128xf32, #tpu.memory_space<vmem_shared>> -> memref<80x128xf32, #tpu.memory_space<vmem_shared>>
      tpu.wait_dma2 semaphore(%run_scoped3A : memref<!tpu.dma_semaphore, #tpu.memory_space<semaphore_mem>>) src(%arg8 : memref<80x128xf32, #tpu.memory_space<vmem>>) dst(%dma_wait3A_272 : memref<80x128xf32, #tpu.memory_space<vmem_shared>>)
      tpu.yield
    }) : () -> ()
    %add3A_21 = arith.constant 240 : i32
    %add3A_22 = arith.addi %mul3A_4, %add3A_21 : i32
    "tpu.region"() ({
      %run_scoped3A = tpu.sem_alloc : memref<!tpu.dma_semaphore, #tpu.memory_space<semaphore_mem>>
      %dma_start3A_265 = arith.constant 0 : i32
      %dma_start3A_266 = tpu.memref_slice %arg12[%add3A_22, %dma_start3A_265] : memref<10240x128xf32, #tpu.memory_space<vmem_shared>> -> memref<80x128xf32, #tpu.memory_space<vmem_shared>>
      %dma_start3A_267 = arith.constant 0 : i32
      %dma_start3A_268 = tpu.memref_slice %arg12[%add3A_22, %dma_start3A_267] : memref<10240x128xf32, #tpu.memory_space<vmem_shared>> -> memref<80x128xf32, #tpu.memory_space<vmem_shared>>
      tpu.enqueue_dma source(%arg8 : memref<80x128xf32, #tpu.memory_space<vmem>>) target(%dma_start3A_268 : memref<80x128xf32, #tpu.memory_space<vmem_shared>>) target_semaphore(%run_scoped3A : memref<!tpu.dma_semaphore, #tpu.memory_space<semaphore_mem>>)
      %dma_wait3A_269 = arith.constant 0 : i32
      %dma_wait3A_270 = tpu.memref_slice %arg12[%add3A_22, %dma_wait3A_269] : memref<10240x128xf32, #tpu.memory_space<vmem_shared>> -> memref<80x128xf32, #tpu.memory_space<vmem_shared>>
      %dma_wait3A_271 = arith.constant 0 : i32
      %dma_wait3A_272 = tpu.memref_slice %arg12[%add3A_22, %dma_wait3A_271] : memref<10240x128xf32, #tpu.memory_space<vmem_shared>> -> memref<80x128xf32, #tpu.memory_space<vmem_shared>>
      tpu.wait_dma2 semaphore(%run_scoped3A : memref<!tpu.dma_semaphore, #tpu.memory_space<semaphore_mem>>) src(%arg8 : memref<80x128xf32, #tpu.memory_space<vmem>>) dst(%dma_wait3A_272 : memref<80x128xf32, #tpu.memory_space<vmem_shared>>)
      tpu.yield
    }) : () -> ()
    %add3A_23 = arith.constant 320 : i32
    %add3A_24 = arith.addi %mul3A_4, %add3A_23 : i32
    "tpu.region"() ({
      %run_scoped3A = tpu.sem_alloc : memref<!tpu.dma_semaphore, #tpu.memory_space<semaphore_mem>>
      %dma_start3A_265 = arith.constant 0 : i32
      %dma_start3A_266 = tpu.memref_slice %arg12[%add3A_24, %dma_start3A_265] : memref<10240x128xf32, #tpu.memory_space<vmem_shared>> -> memref<80x128xf32, #tpu.memory_space<vmem_shared>>
      %dma_start3A_267 = arith.constant 0 : i32
      %dma_start3A_268 = tpu.memref_slice %arg12[%add3A_24, %dma_start3A_267] : memref<10240x128xf32, #tpu.memory_space<vmem_shared>> -> memref<80x128xf32, #tpu.memory_space<vmem_shared>>
      tpu.enqueue_dma source(%arg8 : memref<80x128xf32, #tpu.memory_space<vmem>>) target(%dma_start3A_268 : memref<80x128xf32, #tpu.memory_space<vmem_shared>>) target_semaphore(%run_scoped3A : memref<!tpu.dma_semaphore, #tpu.memory_space<semaphore_mem>>)
      %dma_wait3A_269 = arith.constant 0 : i32
      %dma_wait3A_270 = tpu.memref_slice %arg12[%add3A_24, %dma_wait3A_269] : memref<10240x128xf32, #tpu.memory_space<vmem_shared>> -> memref<80x128xf32, #tpu.memory_space<vmem_shared>>
      %dma_wait3A_271 = arith.constant 0 : i32
      %dma_wait3A_272 = tpu.memref_slice %arg12[%add3A_24, %dma_wait3A_271] : memref<10240x128xf32, #tpu.memory_space<vmem_shared>> -> memref<80x128xf32, #tpu.memory_space<vmem_shared>>
      tpu.wait_dma2 semaphore(%run_scoped3A : memref<!tpu.dma_semaphore, #tpu.memory_space<semaphore_mem>>) src(%arg8 : memref<80x128xf32, #tpu.memory_space<vmem>>) dst(%dma_wait3A_272 : memref<80x128xf32, #tpu.memory_space<vmem_shared>>)
      tpu.yield
    }) : () -> ()
    %add3A_25 = arith.constant 400 : i32
    %add3A_26 = arith.addi %mul3A_4, %add3A_25 : i32
    "tpu.region"() ({
      %run_scoped3A = tpu.sem_alloc : memref<!tpu.dma_semaphore, #tpu.memory_space<semaphore_mem>>
      %dma_start3A_265 = arith.constant 0 : i32
      %dma_start3A_266 = tpu.memref_slice %arg12[%add3A_26, %dma_start3A_265] : memref<10240x128xf32, #tpu.memory_space<vmem_shared>> -> memref<80x128xf32, #tpu.memory_space<vmem_shared>>
      %dma_start3A_267 = arith.constant 0 : i32
      %dma_start3A_268 = tpu.memref_slice %arg12[%add3A_26, %dma_start3A_267] : memref<10240x128xf32, #tpu.memory_space<vmem_shared>> -> memref<80x128xf32, #tpu.memory_space<vmem_shared>>
      tpu.enqueue_dma source(%arg8 : memref<80x128xf32, #tpu.memory_space<vmem>>) target(%dma_start3A_268 : memref<80x128xf32, #tpu.memory_space<vmem_shared>>) target_semaphore(%run_scoped3A : memref<!tpu.dma_semaphore, #tpu.memory_space<semaphore_mem>>)
      %dma_wait3A_269 = arith.constant 0 : i32
      %dma_wait3A_270 = tpu.memref_slice %arg12[%add3A_26, %dma_wait3A_269] : memref<10240x128xf32, #tpu.memory_space<vmem_shared>> -> memref<80x128xf32, #tpu.memory_space<vmem_shared>>
      %dma_wait3A_271 = arith.constant 0 : i32
      %dma_wait3A_272 = tpu.memref_slice %arg12[%add3A_26, %dma_wait3A_271] : memref<10240x128xf32, #tpu.memory_space<vmem_shared>> -> memref<80x128xf32, #tpu.memory_space<vmem_shared>>
      tpu.wait_dma2 semaphore(%run_scoped3A : memref<!tpu.dma_semaphore, #tpu.memory_space<semaphore_mem>>) src(%arg8 : memref<80x128xf32, #tpu.memory_space<vmem>>) dst(%dma_wait3A_272 : memref<80x128xf32, #tpu.memory_space<vmem_shared>>)
      tpu.yield
    }) : () -> ()
    %add3A_27 = arith.constant 480 : i32
    %add3A_28 = arith.addi %mul3A_4, %add3A_27 : i32
    "tpu.region"() ({
      %run_scoped3A = tpu.sem_alloc : memref<!tpu.dma_semaphore, #tpu.memory_space<semaphore_mem>>
      %dma_start3A_265 = arith.constant 0 : i32
      %dma_start3A_266 = tpu.memref_slice %arg12[%add3A_28, %dma_start3A_265] : memref<10240x128xf32, #tpu.memory_space<vmem_shared>> -> memref<80x128xf32, #tpu.memory_space<vmem_shared>>
      %dma_start3A_267 = arith.constant 0 : i32
      %dma_start3A_268 = tpu.memref_slice %arg12[%add3A_28, %dma_start3A_267] : memref<10240x128xf32, #tpu.memory_space<vmem_shared>> -> memref<80x128xf32, #tpu.memory_space<vmem_shared>>
      tpu.enqueue_dma source(%arg8 : memref<80x128xf32, #tpu.memory_space<vmem>>) target(%dma_start3A_268 : memref<80x128xf32, #tpu.memory_space<vmem_shared>>) target_semaphore(%run_scoped3A : memref<!tpu.dma_semaphore, #tpu.memory_space<semaphore_mem>>)
      %dma_wait3A_269 = arith.constant 0 : i32
      %dma_wait3A_270 = tpu.memref_slice %arg12[%add3A_28, %dma_wait3A_269] : memref<10240x128xf32, #tpu.memory_space<vmem_shared>> -> memref<80x128xf32, #tpu.memory_space<vmem_shared>>
      %dma_wait3A_271 = arith.constant 0 : i32
      %dma_wait3A_272 = tpu.memref_slice %arg12[%add3A_28, %dma_wait3A_271] : memref<10240x128xf32, #tpu.memory_space<vmem_shared>> -> memref<80x128xf32, #tpu.memory_space<vmem_shared>>
      tpu.wait_dma2 semaphore(%run_scoped3A : memref<!tpu.dma_semaphore, #tpu.memory_space<semaphore_mem>>) src(%arg8 : memref<80x128xf32, #tpu.memory_space<vmem>>) dst(%dma_wait3A_272 : memref<80x128xf32, #tpu.memory_space<vmem_shared>>)
      tpu.yield
    }) : () -> ()
    %add3A_29 = arith.constant 560 : i32
    %add3A_30 = arith.addi %mul3A_4, %add3A_29 : i32
    "tpu.region"() ({
      %run_scoped3A = tpu.sem_alloc : memref<!tpu.dma_semaphore, #tpu.memory_space<semaphore_mem>>
      %dma_start3A_265 = arith.constant 0 : i32
      %dma_start3A_266 = tpu.memref_slice %arg12[%add3A_30, %dma_start3A_265] : memref<10240x128xf32, #tpu.memory_space<vmem_shared>> -> memref<80x128xf32, #tpu.memory_space<vmem_shared>>
      %dma_start3A_267 = arith.constant 0 : i32
      %dma_start3A_268 = tpu.memref_slice %arg12[%add3A_30, %dma_start3A_267] : memref<10240x128xf32, #tpu.memory_space<vmem_shared>> -> memref<80x128xf32, #tpu.memory_space<vmem_shared>>
      tpu.enqueue_dma source(%arg8 : memref<80x128xf32, #tpu.memory_space<vmem>>) target(%dma_start3A_268 : memref<80x128xf32, #tpu.memory_space<vmem_shared>>) target_semaphore(%run_scoped3A : memref<!tpu.dma_semaphore, #tpu.memory_space<semaphore_mem>>)
      %dma_wait3A_269 = arith.constant 0 : i32
      %dma_wait3A_270 = tpu.memref_slice %arg12[%add3A_30, %dma_wait3A_269] : memref<10240x128xf32, #tpu.memory_space<vmem_shared>> -> memref<80x128xf32, #tpu.memory_space<vmem_shared>>
      %dma_wait3A_271 = arith.constant 0 : i32
      %dma_wait3A_272 = tpu.memref_slice %arg12[%add3A_30, %dma_wait3A_271] : memref<10240x128xf32, #tpu.memory_space<vmem_shared>> -> memref<80x128xf32, #tpu.memory_space<vmem_shared>>
      tpu.wait_dma2 semaphore(%run_scoped3A : memref<!tpu.dma_semaphore, #tpu.memory_space<semaphore_mem>>) src(%arg8 : memref<80x128xf32, #tpu.memory_space<vmem>>) dst(%dma_wait3A_272 : memref<80x128xf32, #tpu.memory_space<vmem_shared>>)
      tpu.yield
    }) : () -> ()
    %barrier3A = arith.constant 0 : index
    tpu.barrier barrier_id(%barrier3A)
    %mul3A_31 = arith.constant 0 : i32
    %mul3A_32 = arith.constant 80 : i32
    %mul3A_33 = arith.muli %mul3A_31, %mul3A_32 : i32
    %add3A_34 = arith.addi %mul3A_2, %mul3A_33 : i32
    %dma_start3A = arith.constant 0 : i32
    %dma_start3A_35 = arith.constant 0 : i32
    %dma_start3A_36 = arith.constant 0 : i32
    %dma_start3A_37 = tpu.memref_slice %arg6[%dma_start3A, %dma_start3A_35, %dma_start3A_36] : memref<8x1x80xi32, #tpu.memory_space<vmem>> -> memref<1x1x80xi32, #tpu.memory_space<vmem>>
    %dma_start3A_38 = tpu.memref_squeeze %dma_start3A_37 : memref<1x1x80xi32, #tpu.memory_space<vmem>> -> memref<80xi32, #tpu.memory_space<vmem>>
    %dma_start3A_39 = tpu.memref_slice %arg3[%add3A_34] : memref<327680xi32, #tpu.memory_space<hbm>> -> memref<80xi32, #tpu.memory_space<hbm>>
    %dma_start3A_40 = arith.constant 0 : i32
    %dma_start3A_41 = tpu.memref_slice %arg6[%dma_start3A, %dma_start3A_35, %dma_start3A_40] : memref<8x1x80xi32, #tpu.memory_space<vmem>> -> memref<1x1x80xi32, #tpu.memory_space<vmem>>
    %dma_start3A_42 = tpu.memref_squeeze %dma_start3A_41 : memref<1x1x80xi32, #tpu.memory_space<vmem>> -> memref<80xi32, #tpu.memory_space<vmem>>
    %dma_start3A_43 = tpu.memref_slice %arg3[%add3A_34] : memref<327680xi32, #tpu.memory_space<hbm>> -> memref<80xi32, #tpu.memory_space<hbm>>
    tpu.enqueue_dma source(%dma_start3A_43 : memref<80xi32, #tpu.memory_space<hbm>>) target(%dma_start3A_42 : memref<80xi32, #tpu.memory_space<vmem>>) target_semaphore(%arg15 : memref<!tpu.dma_semaphore, #tpu.memory_space<semaphore_mem>>)
    %dma_start3A_44 = arith.constant 0 : i32
    %dma_start3A_45 = arith.constant 0 : i32
    %dma_start3A_46 = arith.constant 0 : i32
    %dma_start3A_47 = tpu.memref_slice %arg7[%dma_start3A_44, %dma_start3A_45, %dma_start3A_46] : memref<8x1x80xi32, #tpu.memory_space<vmem>> -> memref<1x1x80xi32, #tpu.memory_space<vmem>>
    %dma_start3A_48 = tpu.memref_squeeze %dma_start3A_47 : memref<1x1x80xi32, #tpu.memory_space<vmem>> -> memref<80xi32, #tpu.memory_space<vmem>>
    %dma_start3A_49 = tpu.memref_slice %arg4[%add3A_34] : memref<327680xi32, #tpu.memory_space<hbm>> -> memref<80xi32, #tpu.memory_space<hbm>>
    %dma_start3A_50 = arith.constant 0 : i32
    %dma_start3A_51 = tpu.memref_slice %arg7[%dma_start3A_44, %dma_start3A_45, %dma_start3A_50] : memref<8x1x80xi32, #tpu.memory_space<vmem>> -> memref<1x1x80xi32, #tpu.memory_space<vmem>>
    %dma_start3A_52 = tpu.memref_squeeze %dma_start3A_51 : memref<1x1x80xi32, #tpu.memory_space<vmem>> -> memref<80xi32, #tpu.memory_space<vmem>>
    %dma_start3A_53 = tpu.memref_slice %arg4[%add3A_34] : memref<327680xi32, #tpu.memory_space<hbm>> -> memref<80xi32, #tpu.memory_space<hbm>>
    tpu.enqueue_dma source(%dma_start3A_53 : memref<80xi32, #tpu.memory_space<hbm>>) target(%dma_start3A_52 : memref<80xi32, #tpu.memory_space<vmem>>) target_semaphore(%arg15 : memref<!tpu.dma_semaphore, #tpu.memory_space<semaphore_mem>>)
    %mul3A_54 = arith.constant 1 : i32
    %mul3A_55 = arith.constant 80 : i32
    %mul3A_56 = arith.muli %mul3A_54, %mul3A_55 : i32
    %add3A_57 = arith.addi %mul3A_2, %mul3A_56 : i32
    %dma_start3A_58 = arith.constant 1 : i32
    %dma_start3A_59 = arith.constant 0 : i32
    %dma_start3A_60 = arith.constant 0 : i32
    %dma_start3A_61 = tpu.memref_slice %arg6[%dma_start3A_58, %dma_start3A_59, %dma_start3A_60] : memref<8x1x80xi32, #tpu.memory_space<vmem>> -> memref<1x1x80xi32, #tpu.memory_space<vmem>>
    %dma_start3A_62 = tpu.memref_squeeze %dma_start3A_61 : memref<1x1x80xi32, #tpu.memory_space<vmem>> -> memref<80xi32, #tpu.memory_space<vmem>>
    %dma_start3A_63 = tpu.memref_slice %arg3[%add3A_57] : memref<327680xi32, #tpu.memory_space<hbm>> -> memref<80xi32, #tpu.memory_space<hbm>>
    %dma_start3A_64 = arith.constant 0 : i32
    %dma_start3A_65 = tpu.memref_slice %arg6[%dma_start3A_58, %dma_start3A_59, %dma_start3A_64] : memref<8x1x80xi32, #tpu.memory_space<vmem>> -> memref<1x1x80xi32, #tpu.memory_space<vmem>>
    %dma_start3A_66 = tpu.memref_squeeze %dma_start3A_65 : memref<1x1x80xi32, #tpu.memory_space<vmem>> -> memref<80xi32, #tpu.memory_space<vmem>>
    %dma_start3A_67 = tpu.memref_slice %arg3[%add3A_57] : memref<327680xi32, #tpu.memory_space<hbm>> -> memref<80xi32, #tpu.memory_space<hbm>>
    tpu.enqueue_dma source(%dma_start3A_67 : memref<80xi32, #tpu.memory_space<hbm>>) target(%dma_start3A_66 : memref<80xi32, #tpu.memory_space<vmem>>) target_semaphore(%arg15 : memref<!tpu.dma_semaphore, #tpu.memory_space<semaphore_mem>>)
    %dma_start3A_68 = arith.constant 1 : i32
    %dma_start3A_69 = arith.constant 0 : i32
    %dma_start3A_70 = arith.constant 0 : i32
    %dma_start3A_71 = tpu.memref_slice %arg7[%dma_start3A_68, %dma_start3A_69, %dma_start3A_70] : memref<8x1x80xi32, #tpu.memory_space<vmem>> -> memref<1x1x80xi32, #tpu.memory_space<vmem>>
    %dma_start3A_72 = tpu.memref_squeeze %dma_start3A_71 : memref<1x1x80xi32, #tpu.memory_space<vmem>> -> memref<80xi32, #tpu.memory_space<vmem>>
    %dma_start3A_73 = tpu.memref_slice %arg4[%add3A_57] : memref<327680xi32, #tpu.memory_space<hbm>> -> memref<80xi32, #tpu.memory_space<hbm>>
    %dma_start3A_74 = arith.constant 0 : i32
    %dma_start3A_75 = tpu.memref_slice %arg7[%dma_start3A_68, %dma_start3A_69, %dma_start3A_74] : memref<8x1x80xi32, #tpu.memory_space<vmem>> -> memref<1x1x80xi32, #tpu.memory_space<vmem>>
    %dma_start3A_76 = tpu.memref_squeeze %dma_start3A_75 : memref<1x1x80xi32, #tpu.memory_space<vmem>> -> memref<80xi32, #tpu.memory_space<vmem>>
    %dma_start3A_77 = tpu.memref_slice %arg4[%add3A_57] : memref<327680xi32, #tpu.memory_space<hbm>> -> memref<80xi32, #tpu.memory_space<hbm>>
    tpu.enqueue_dma source(%dma_start3A_77 : memref<80xi32, #tpu.memory_space<hbm>>) target(%dma_start3A_76 : memref<80xi32, #tpu.memory_space<vmem>>) target_semaphore(%arg15 : memref<!tpu.dma_semaphore, #tpu.memory_space<semaphore_mem>>)
    %mul3A_78 = arith.constant 2 : i32
    %mul3A_79 = arith.constant 80 : i32
    %mul3A_80 = arith.muli %mul3A_78, %mul3A_79 : i32
    %add3A_81 = arith.addi %mul3A_2, %mul3A_80 : i32
    %dma_start3A_82 = arith.constant 2 : i32
    %dma_start3A_83 = arith.constant 0 : i32
    %dma_start3A_84 = arith.constant 0 : i32
    %dma_start3A_85 = tpu.memref_slice %arg6[%dma_start3A_82, %dma_start3A_83, %dma_start3A_84] : memref<8x1x80xi32, #tpu.memory_space<vmem>> -> memref<1x1x80xi32, #tpu.memory_space<vmem>>
    %dma_start3A_86 = tpu.memref_squeeze %dma_start3A_85 : memref<1x1x80xi32, #tpu.memory_space<vmem>> -> memref<80xi32, #tpu.memory_space<vmem>>
    %dma_start3A_87 = tpu.memref_slice %arg3[%add3A_81] : memref<327680xi32, #tpu.memory_space<hbm>> -> memref<80xi32, #tpu.memory_space<hbm>>
    %dma_start3A_88 = arith.constant 0 : i32
    %dma_start3A_89 = tpu.memref_slice %arg6[%dma_start3A_82, %dma_start3A_83, %dma_start3A_88] : memref<8x1x80xi32, #tpu.memory_space<vmem>> -> memref<1x1x80xi32, #tpu.memory_space<vmem>>
    %dma_start3A_90 = tpu.memref_squeeze %dma_start3A_89 : memref<1x1x80xi32, #tpu.memory_space<vmem>> -> memref<80xi32, #tpu.memory_space<vmem>>
    %dma_start3A_91 = tpu.memref_slice %arg3[%add3A_81] : memref<327680xi32, #tpu.memory_space<hbm>> -> memref<80xi32, #tpu.memory_space<hbm>>
    tpu.enqueue_dma source(%dma_start3A_91 : memref<80xi32, #tpu.memory_space<hbm>>) target(%dma_start3A_90 : memref<80xi32, #tpu.memory_space<vmem>>) target_semaphore(%arg15 : memref<!tpu.dma_semaphore, #tpu.memory_space<semaphore_mem>>)
    %dma_start3A_92 = arith.constant 2 : i32
    %dma_start3A_93 = arith.constant 0 : i32
    %dma_start3A_94 = arith.constant 0 : i32
    %dma_start3A_95 = tpu.memref_slice %arg7[%dma_start3A_92, %dma_start3A_93, %dma_start3A_94] : memref<8x1x80xi32, #tpu.memory_space<vmem>> -> memref<1x1x80xi32, #tpu.memory_space<vmem>>
    %dma_start3A_96 = tpu.memref_squeeze %dma_start3A_95 : memref<1x1x80xi32, #tpu.memory_space<vmem>> -> memref<80xi32, #tpu.memory_space<vmem>>
    %dma_start3A_97 = tpu.memref_slice %arg4[%add3A_81] : memref<327680xi32, #tpu.memory_space<hbm>> -> memref<80xi32, #tpu.memory_space<hbm>>
    %dma_start3A_98 = arith.constant 0 : i32
    %dma_start3A_99 = tpu.memref_slice %arg7[%dma_start3A_92, %dma_start3A_93, %dma_start3A_98] : memref<8x1x80xi32, #tpu.memory_space<vmem>> -> memref<1x1x80xi32, #tpu.memory_space<vmem>>
    %dma_start3A_100 = tpu.memref_squeeze %dma_start3A_99 : memref<1x1x80xi32, #tpu.memory_space<vmem>> -> memref<80xi32, #tpu.memory_space<vmem>>
    %dma_start3A_101 = tpu.memref_slice %arg4[%add3A_81] : memref<327680xi32, #tpu.memory_space<hbm>> -> memref<80xi32, #tpu.memory_space<hbm>>
    tpu.enqueue_dma source(%dma_start3A_101 : memref<80xi32, #tpu.memory_space<hbm>>) target(%dma_start3A_100 : memref<80xi32, #tpu.memory_space<vmem>>) target_semaphore(%arg15 : memref<!tpu.dma_semaphore, #tpu.memory_space<semaphore_mem>>)
    %mul3A_102 = arith.constant 3 : i32
    %mul3A_103 = arith.constant 80 : i32
    %mul3A_104 = arith.muli %mul3A_102, %mul3A_103 : i32
    %add3A_105 = arith.addi %mul3A_2, %mul3A_104 : i32
    %dma_start3A_106 = arith.constant 3 : i32
    %dma_start3A_107 = arith.constant 0 : i32
    %dma_start3A_108 = arith.constant 0 : i32
    %dma_start3A_109 = tpu.memref_slice %arg6[%dma_start3A_106, %dma_start3A_107, %dma_start3A_108] : memref<8x1x80xi32, #tpu.memory_space<vmem>> -> memref<1x1x80xi32, #tpu.memory_space<vmem>>
    %dma_start3A_110 = tpu.memref_squeeze %dma_start3A_109 : memref<1x1x80xi32, #tpu.memory_space<vmem>> -> memref<80xi32, #tpu.memory_space<vmem>>
    %dma_start3A_111 = tpu.memref_slice %arg3[%add3A_105] : memref<327680xi32, #tpu.memory_space<hbm>> -> memref<80xi32, #tpu.memory_space<hbm>>
    %dma_start3A_112 = arith.constant 0 : i32
    %dma_start3A_113 = tpu.memref_slice %arg6[%dma_start3A_106, %dma_start3A_107, %dma_start3A_112] : memref<8x1x80xi32, #tpu.memory_space<vmem>> -> memref<1x1x80xi32, #tpu.memory_space<vmem>>
    %dma_start3A_114 = tpu.memref_squeeze %dma_start3A_113 : memref<1x1x80xi32, #tpu.memory_space<vmem>> -> memref<80xi32, #tpu.memory_space<vmem>>
    %dma_start3A_115 = tpu.memref_slice %arg3[%add3A_105] : memref<327680xi32, #tpu.memory_space<hbm>> -> memref<80xi32, #tpu.memory_space<hbm>>
    tpu.enqueue_dma source(%dma_start3A_115 : memref<80xi32, #tpu.memory_space<hbm>>) target(%dma_start3A_114 : memref<80xi32, #tpu.memory_space<vmem>>) target_semaphore(%arg15 : memref<!tpu.dma_semaphore, #tpu.memory_space<semaphore_mem>>)
    %dma_start3A_116 = arith.constant 3 : i32
    %dma_start3A_117 = arith.constant 0 : i32
    %dma_start3A_118 = arith.constant 0 : i32
    %dma_start3A_119 = tpu.memref_slice %arg7[%dma_start3A_116, %dma_start3A_117, %dma_start3A_118] : memref<8x1x80xi32, #tpu.memory_space<vmem>> -> memref<1x1x80xi32, #tpu.memory_space<vmem>>
    %dma_start3A_120 = tpu.memref_squeeze %dma_start3A_119 : memref<1x1x80xi32, #tpu.memory_space<vmem>> -> memref<80xi32, #tpu.memory_space<vmem>>
    %dma_start3A_121 = tpu.memref_slice %arg4[%add3A_105] : memref<327680xi32, #tpu.memory_space<hbm>> -> memref<80xi32, #tpu.memory_space<hbm>>
    %dma_start3A_122 = arith.constant 0 : i32
    %dma_start3A_123 = tpu.memref_slice %arg7[%dma_start3A_116, %dma_start3A_117, %dma_start3A_122] : memref<8x1x80xi32, #tpu.memory_space<vmem>> -> memref<1x1x80xi32, #tpu.memory_space<vmem>>
    %dma_start3A_124 = tpu.memref_squeeze %dma_start3A_123 : memref<1x1x80xi32, #tpu.memory_space<vmem>> -> memref<80xi32, #tpu.memory_space<vmem>>
    %dma_start3A_125 = tpu.memref_slice %arg4[%add3A_105] : memref<327680xi32, #tpu.memory_space<hbm>> -> memref<80xi32, #tpu.memory_space<hbm>>
    tpu.enqueue_dma source(%dma_start3A_125 : memref<80xi32, #tpu.memory_space<hbm>>) target(%dma_start3A_124 : memref<80xi32, #tpu.memory_space<vmem>>) target_semaphore(%arg15 : memref<!tpu.dma_semaphore, #tpu.memory_space<semaphore_mem>>)
    %mul3A_126 = arith.constant 4 : i32
    %mul3A_127 = arith.constant 80 : i32
    %mul3A_128 = arith.muli %mul3A_126, %mul3A_127 : i32
    %add3A_129 = arith.addi %mul3A_2, %mul3A_128 : i32
    %dma_start3A_130 = arith.constant 4 : i32
    %dma_start3A_131 = arith.constant 0 : i32
    %dma_start3A_132 = arith.constant 0 : i32
    %dma_start3A_133 = tpu.memref_slice %arg6[%dma_start3A_130, %dma_start3A_131, %dma_start3A_132] : memref<8x1x80xi32, #tpu.memory_space<vmem>> -> memref<1x1x80xi32, #tpu.memory_space<vmem>>
    %dma_start3A_134 = tpu.memref_squeeze %dma_start3A_133 : memref<1x1x80xi32, #tpu.memory_space<vmem>> -> memref<80xi32, #tpu.memory_space<vmem>>
    %dma_start3A_135 = tpu.memref_slice %arg3[%add3A_129] : memref<327680xi32, #tpu.memory_space<hbm>> -> memref<80xi32, #tpu.memory_space<hbm>>
    %dma_start3A_136 = arith.constant 0 : i32
    %dma_start3A_137 = tpu.memref_slice %arg6[%dma_start3A_130, %dma_start3A_131, %dma_start3A_136] : memref<8x1x80xi32, #tpu.memory_space<vmem>> -> memref<1x1x80xi32, #tpu.memory_space<vmem>>
    %dma_start3A_138 = tpu.memref_squeeze %dma_start3A_137 : memref<1x1x80xi32, #tpu.memory_space<vmem>> -> memref<80xi32, #tpu.memory_space<vmem>>
    %dma_start3A_139 = tpu.memref_slice %arg3[%add3A_129] : memref<327680xi32, #tpu.memory_space<hbm>> -> memref<80xi32, #tpu.memory_space<hbm>>
    tpu.enqueue_dma source(%dma_start3A_139 : memref<80xi32, #tpu.memory_space<hbm>>) target(%dma_start3A_138 : memref<80xi32, #tpu.memory_space<vmem>>) target_semaphore(%arg15 : memref<!tpu.dma_semaphore, #tpu.memory_space<semaphore_mem>>)
    %dma_start3A_140 = arith.constant 4 : i32
    %dma_start3A_141 = arith.constant 0 : i32
    %dma_start3A_142 = arith.constant 0 : i32
    %dma_start3A_143 = tpu.memref_slice %arg7[%dma_start3A_140, %dma_start3A_141, %dma_start3A_142] : memref<8x1x80xi32, #tpu.memory_space<vmem>> -> memref<1x1x80xi32, #tpu.memory_space<vmem>>
    %dma_start3A_144 = tpu.memref_squeeze %dma_start3A_143 : memref<1x1x80xi32, #tpu.memory_space<vmem>> -> memref<80xi32, #tpu.memory_space<vmem>>
    %dma_start3A_145 = tpu.memref_slice %arg4[%add3A_129] : memref<327680xi32, #tpu.memory_space<hbm>> -> memref<80xi32, #tpu.memory_space<hbm>>
    %dma_start3A_146 = arith.constant 0 : i32
    %dma_start3A_147 = tpu.memref_slice %arg7[%dma_start3A_140, %dma_start3A_141, %dma_start3A_146] : memref<8x1x80xi32, #tpu.memory_space<vmem>> -> memref<1x1x80xi32, #tpu.memory_space<vmem>>
    %dma_start3A_148 = tpu.memref_squeeze %dma_start3A_147 : memref<1x1x80xi32, #tpu.memory_space<vmem>> -> memref<80xi32, #tpu.memory_space<vmem>>
    %dma_start3A_149 = tpu.memref_slice %arg4[%add3A_129] : memref<327680xi32, #tpu.memory_space<hbm>> -> memref<80xi32, #tpu.memory_space<hbm>>
    tpu.enqueue_dma source(%dma_start3A_149 : memref<80xi32, #tpu.memory_space<hbm>>) target(%dma_start3A_148 : memref<80xi32, #tpu.memory_space<vmem>>) target_semaphore(%arg15 : memref<!tpu.dma_semaphore, #tpu.memory_space<semaphore_mem>>)
    %mul3A_150 = arith.constant 0 : i32
    %mul3A_151 = arith.constant 80 : i32
    %mul3A_152 = arith.muli %mul3A_150, %mul3A_151 : i32
    %add3A_153 = arith.addi %mul3A_2, %mul3A_152 : i32
    %dma_wait3A = arith.constant 0 : i32
    %dma_wait3A_154 = arith.constant 0 : i32
    %dma_wait3A_155 = arith.constant 0 : i32
    %dma_wait3A_156 = tpu.memref_slice %arg6[%dma_wait3A, %dma_wait3A_154, %dma_wait3A_155] : memref<8x1x80xi32, #tpu.memory_space<vmem>> -> memref<1x1x80xi32, #tpu.memory_space<vmem>>
    %dma_wait3A_157 = tpu.memref_squeeze %dma_wait3A_156 : memref<1x1x80xi32, #tpu.memory_space<vmem>> -> memref<80xi32, #tpu.memory_space<vmem>>
    %dma_wait3A_158 = tpu.memref_slice %arg3[%add3A_153] : memref<327680xi32, #tpu.memory_space<hbm>> -> memref<80xi32, #tpu.memory_space<hbm>>
    %dma_wait3A_159 = arith.constant 0 : i32
    %dma_wait3A_160 = tpu.memref_slice %arg6[%dma_wait3A, %dma_wait3A_154, %dma_wait3A_159] : memref<8x1x80xi32, #tpu.memory_space<vmem>> -> memref<1x1x80xi32, #tpu.memory_space<vmem>>
    %dma_wait3A_161 = tpu.memref_squeeze %dma_wait3A_160 : memref<1x1x80xi32, #tpu.memory_space<vmem>> -> memref<80xi32, #tpu.memory_space<vmem>>
    %dma_wait3A_162 = tpu.memref_slice %arg3[%add3A_153] : memref<327680xi32, #tpu.memory_space<hbm>> -> memref<80xi32, #tpu.memory_space<hbm>>
    tpu.wait_dma2 semaphore(%arg15 : memref<!tpu.dma_semaphore, #tpu.memory_space<semaphore_mem>>) src(%dma_wait3A_162 : memref<80xi32, #tpu.memory_space<hbm>>) dst(%dma_wait3A_161 : memref<80xi32, #tpu.memory_space<vmem>>)
    %dma_wait3A_163 = arith.constant 0 : i32
    %dma_wait3A_164 = arith.constant 0 : i32
    %dma_wait3A_165 = arith.constant 0 : i32
    %dma_wait3A_166 = tpu.memref_slice %arg7[%dma_wait3A_163, %dma_wait3A_164, %dma_wait3A_165] : memref<8x1x80xi32, #tpu.memory_space<vmem>> -> memref<1x1x80xi32, #tpu.memory_space<vmem>>
    %dma_wait3A_167 = tpu.memref_squeeze %dma_wait3A_166 : memref<1x1x80xi32, #tpu.memory_space<vmem>> -> memref<80xi32, #tpu.memory_space<vmem>>
    %dma_wait3A_168 = tpu.memref_slice %arg4[%add3A_153] : memref<327680xi32, #tpu.memory_space<hbm>> -> memref<80xi32, #tpu.memory_space<hbm>>
    %dma_wait3A_169 = arith.constant 0 : i32
    %dma_wait3A_170 = tpu.memref_slice %arg7[%dma_wait3A_163, %dma_wait3A_164, %dma_wait3A_169] : memref<8x1x80xi32, #tpu.memory_space<vmem>> -> memref<1x1x80xi32, #tpu.memory_space<vmem>>
    %dma_wait3A_171 = tpu.memref_squeeze %dma_wait3A_170 : memref<1x1x80xi32, #tpu.memory_space<vmem>> -> memref<80xi32, #tpu.memory_space<vmem>>
    %dma_wait3A_172 = tpu.memref_slice %arg4[%add3A_153] : memref<327680xi32, #tpu.memory_space<hbm>> -> memref<80xi32, #tpu.memory_space<hbm>>
    tpu.wait_dma2 semaphore(%arg15 : memref<!tpu.dma_semaphore, #tpu.memory_space<semaphore_mem>>) src(%dma_wait3A_172 : memref<80xi32, #tpu.memory_space<hbm>>) dst(%dma_wait3A_171 : memref<80xi32, #tpu.memory_space<vmem>>)
    %dma_start3A_173 = arith.constant 0 : i32
    %dma_start3A_174 = arith.constant 0 : i32
    %dma_start3A_175 = arith.constant 0 : i32
    %dma_start3A_176 = tpu.memref_slice %arg6[%dma_start3A_173, %dma_start3A_174, %dma_start3A_175] : memref<8x1x80xi32, #tpu.memory_space<vmem>> -> memref<1x1x80xi32, #tpu.memory_space<vmem>>
    %dma_start3A_177 = tpu.memref_squeeze %dma_start3A_176 : memref<1x1x80xi32, #tpu.memory_space<vmem>> -> memref<80xi32, #tpu.memory_space<vmem>>
    %dma_start3A_178 = arith.constant 0 : i32
    %dma_start3A_179 = arith.constant 0 : i32
    %dma_start3A_180 = tpu.memref_slice %arg2[%dma_start3A_178, %dma_start3A_179] : memref<50000x128xf32, #tpu.memory_space<hbm>> -> memref<50000x128xf32, #tpu.memory_space<hbm>>
    tpu.enqueue_indirect_dma source(%dma_start3A_180 : memref<50000x128xf32, #tpu.memory_space<hbm>>) target(%arg8 : memref<80x128xf32, #tpu.memory_space<vmem>>) offsets(%dma_start3A_177 : memref<80xi32, #tpu.memory_space<vmem>>) semaphore(%arg13 : memref<!tpu.dma_semaphore, #tpu.memory_space<semaphore_mem>>)
    %mul3A_181 = arith.constant 1 : i32
    %mul3A_182 = arith.constant 80 : i32
    %mul3A_183 = arith.muli %mul3A_181, %mul3A_182 : i32
    %add3A_184 = arith.addi %mul3A_2, %mul3A_183 : i32
    %dma_wait3A_185 = arith.constant 1 : i32
    %dma_wait3A_186 = arith.constant 0 : i32
    %dma_wait3A_187 = arith.constant 0 : i32
    %dma_wait3A_188 = tpu.memref_slice %arg6[%dma_wait3A_185, %dma_wait3A_186, %dma_wait3A_187] : memref<8x1x80xi32, #tpu.memory_space<vmem>> -> memref<1x1x80xi32, #tpu.memory_space<vmem>>
    %dma_wait3A_189 = tpu.memref_squeeze %dma_wait3A_188 : memref<1x1x80xi32, #tpu.memory_space<vmem>> -> memref<80xi32, #tpu.memory_space<vmem>>
    %dma_wait3A_190 = tpu.memref_slice %arg3[%add3A_184] : memref<327680xi32, #tpu.memory_space<hbm>> -> memref<80xi32, #tpu.memory_space<hbm>>
    %dma_wait3A_191 = arith.constant 0 : i32
    %dma_wait3A_192 = tpu.memref_slice %arg6[%dma_wait3A_185, %dma_wait3A_186, %dma_wait3A_191] : memref<8x1x80xi32, #tpu.memory_space<vmem>> -> memref<1x1x80xi32, #tpu.memory_space<vmem>>
    %dma_wait3A_193 = tpu.memref_squeeze %dma_wait3A_192 : memref<1x1x80xi32, #tpu.memory_space<vmem>> -> memref<80xi32, #tpu.memory_space<vmem>>
    %dma_wait3A_194 = tpu.memref_slice %arg3[%add3A_184] : memref<327680xi32, #tpu.memory_space<hbm>> -> memref<80xi32, #tpu.memory_space<hbm>>
    tpu.wait_dma2 semaphore(%arg15 : memref<!tpu.dma_semaphore, #tpu.memory_space<semaphore_mem>>) src(%dma_wait3A_194 : memref<80xi32, #tpu.memory_space<hbm>>) dst(%dma_wait3A_193 : memref<80xi32, #tpu.memory_space<vmem>>)
    %dma_wait3A_195 = arith.constant 1 : i32
    %dma_wait3A_196 = arith.constant 0 : i32
    %dma_wait3A_197 = arith.constant 0 : i32
    %dma_wait3A_198 = tpu.memref_slice %arg7[%dma_wait3A_195, %dma_wait3A_196, %dma_wait3A_197] : memref<8x1x80xi32, #tpu.memory_space<vmem>> -> memref<1x1x80xi32, #tpu.memory_space<vmem>>
    %dma_wait3A_199 = tpu.memref_squeeze %dma_wait3A_198 : memref<1x1x80xi32, #tpu.memory_space<vmem>> -> memref<80xi32, #tpu.memory_space<vmem>>
    %dma_wait3A_200 = tpu.memref_slice %arg4[%add3A_184] : memref<327680xi32, #tpu.memory_space<hbm>> -> memref<80xi32, #tpu.memory_space<hbm>>
    %dma_wait3A_201 = arith.constant 0 : i32
    %dma_wait3A_202 = tpu.memref_slice %arg7[%dma_wait3A_195, %dma_wait3A_196, %dma_wait3A_201] : memref<8x1x80xi32, #tpu.memory_space<vmem>> -> memref<1x1x80xi32, #tpu.memory_space<vmem>>
    %dma_wait3A_203 = tpu.memref_squeeze %dma_wait3A_202 : memref<1x1x80xi32, #tpu.memory_space<vmem>> -> memref<80xi32, #tpu.memory_space<vmem>>
    %dma_wait3A_204 = tpu.memref_slice %arg4[%add3A_184] : memref<327680xi32, #tpu.memory_space<hbm>> -> memref<80xi32, #tpu.memory_space<hbm>>
    tpu.wait_dma2 semaphore(%arg15 : memref<!tpu.dma_semaphore, #tpu.memory_space<semaphore_mem>>) src(%dma_wait3A_204 : memref<80xi32, #tpu.memory_space<hbm>>) dst(%dma_wait3A_203 : memref<80xi32, #tpu.memory_space<vmem>>)
    %dma_start3A_205 = arith.constant 1 : i32
    %dma_start3A_206 = arith.constant 0 : i32
    %dma_start3A_207 = arith.constant 0 : i32
    %dma_start3A_208 = tpu.memref_slice %arg6[%dma_start3A_205, %dma_start3A_206, %dma_start3A_207] : memref<8x1x80xi32, #tpu.memory_space<vmem>> -> memref<1x1x80xi32, #tpu.memory_space<vmem>>
    %dma_start3A_209 = tpu.memref_squeeze %dma_start3A_208 : memref<1x1x80xi32, #tpu.memory_space<vmem>> -> memref<80xi32, #tpu.memory_space<vmem>>
    %dma_start3A_210 = arith.constant 0 : i32
    %dma_start3A_211 = arith.constant 0 : i32
    %dma_start3A_212 = tpu.memref_slice %arg2[%dma_start3A_210, %dma_start3A_211] : memref<50000x128xf32, #tpu.memory_space<hbm>> -> memref<50000x128xf32, #tpu.memory_space<hbm>>
    tpu.enqueue_indirect_dma source(%dma_start3A_212 : memref<50000x128xf32, #tpu.memory_space<hbm>>) target(%arg9 : memref<80x128xf32, #tpu.memory_space<vmem>>) offsets(%dma_start3A_209 : memref<80xi32, #tpu.memory_space<vmem>>) semaphore(%arg13 : memref<!tpu.dma_semaphore, #tpu.memory_space<semaphore_mem>>)
    %mul3A_213 = arith.constant 2 : i32
    %mul3A_214 = arith.constant 80 : i32
    %mul3A_215 = arith.muli %mul3A_213, %mul3A_214 : i32
    %add3A_216 = arith.addi %mul3A_2, %mul3A_215 : i32
    %dma_wait3A_217 = arith.constant 2 : i32
    %dma_wait3A_218 = arith.constant 0 : i32
    %dma_wait3A_219 = arith.constant 0 : i32
    %dma_wait3A_220 = tpu.memref_slice %arg6[%dma_wait3A_217, %dma_wait3A_218, %dma_wait3A_219] : memref<8x1x80xi32, #tpu.memory_space<vmem>> -> memref<1x1x80xi32, #tpu.memory_space<vmem>>
    %dma_wait3A_221 = tpu.memref_squeeze %dma_wait3A_220 : memref<1x1x80xi32, #tpu.memory_space<vmem>> -> memref<80xi32, #tpu.memory_space<vmem>>
    %dma_wait3A_222 = tpu.memref_slice %arg3[%add3A_216] : memref<327680xi32, #tpu.memory_space<hbm>> -> memref<80xi32, #tpu.memory_space<hbm>>
    %dma_wait3A_223 = arith.constant 0 : i32
    %dma_wait3A_224 = tpu.memref_slice %arg6[%dma_wait3A_217, %dma_wait3A_218, %dma_wait3A_223] : memref<8x1x80xi32, #tpu.memory_space<vmem>> -> memref<1x1x80xi32, #tpu.memory_space<vmem>>
    %dma_wait3A_225 = tpu.memref_squeeze %dma_wait3A_224 : memref<1x1x80xi32, #tpu.memory_space<vmem>> -> memref<80xi32, #tpu.memory_space<vmem>>
    %dma_wait3A_226 = tpu.memref_slice %arg3[%add3A_216] : memref<327680xi32, #tpu.memory_space<hbm>> -> memref<80xi32, #tpu.memory_space<hbm>>
    tpu.wait_dma2 semaphore(%arg15 : memref<!tpu.dma_semaphore, #tpu.memory_space<semaphore_mem>>) src(%dma_wait3A_226 : memref<80xi32, #tpu.memory_space<hbm>>) dst(%dma_wait3A_225 : memref<80xi32, #tpu.memory_space<vmem>>)
    %dma_wait3A_227 = arith.constant 2 : i32
    %dma_wait3A_228 = arith.constant 0 : i32
    %dma_wait3A_229 = arith.constant 0 : i32
    %dma_wait3A_230 = tpu.memref_slice %arg7[%dma_wait3A_227, %dma_wait3A_228, %dma_wait3A_229] : memref<8x1x80xi32, #tpu.memory_space<vmem>> -> memref<1x1x80xi32, #tpu.memory_space<vmem>>
    %dma_wait3A_231 = tpu.memref_squeeze %dma_wait3A_230 : memref<1x1x80xi32, #tpu.memory_space<vmem>> -> memref<80xi32, #tpu.memory_space<vmem>>
    %dma_wait3A_232 = tpu.memref_slice %arg4[%add3A_216] : memref<327680xi32, #tpu.memory_space<hbm>> -> memref<80xi32, #tpu.memory_space<hbm>>
    %dma_wait3A_233 = arith.constant 0 : i32
    %dma_wait3A_234 = tpu.memref_slice %arg7[%dma_wait3A_227, %dma_wait3A_228, %dma_wait3A_233] : memref<8x1x80xi32, #tpu.memory_space<vmem>> -> memref<1x1x80xi32, #tpu.memory_space<vmem>>
    %dma_wait3A_235 = tpu.memref_squeeze %dma_wait3A_234 : memref<1x1x80xi32, #tpu.memory_space<vmem>> -> memref<80xi32, #tpu.memory_space<vmem>>
    %dma_wait3A_236 = tpu.memref_slice %arg4[%add3A_216] : memref<327680xi32, #tpu.memory_space<hbm>> -> memref<80xi32, #tpu.memory_space<hbm>>
    tpu.wait_dma2 semaphore(%arg15 : memref<!tpu.dma_semaphore, #tpu.memory_space<semaphore_mem>>) src(%dma_wait3A_236 : memref<80xi32, #tpu.memory_space<hbm>>) dst(%dma_wait3A_235 : memref<80xi32, #tpu.memory_space<vmem>>)
    %dma_start3A_237 = arith.constant 2 : i32
    %dma_start3A_238 = arith.constant 0 : i32
    %dma_start3A_239 = arith.constant 0 : i32
    %dma_start3A_240 = tpu.memref_slice %arg6[%dma_start3A_237, %dma_start3A_238, %dma_start3A_239] : memref<8x1x80xi32, #tpu.memory_space<vmem>> -> memref<1x1x80xi32, #tpu.memory_space<vmem>>
    %dma_start3A_241 = tpu.memref_squeeze %dma_start3A_240 : memref<1x1x80xi32, #tpu.memory_space<vmem>> -> memref<80xi32, #tpu.memory_space<vmem>>
    %dma_start3A_242 = arith.constant 0 : i32
    %dma_start3A_243 = arith.constant 0 : i32
    %dma_start3A_244 = tpu.memref_slice %arg2[%dma_start3A_242, %dma_start3A_243] : memref<50000x128xf32, #tpu.memory_space<hbm>> -> memref<50000x128xf32, #tpu.memory_space<hbm>>
    tpu.enqueue_indirect_dma source(%dma_start3A_244 : memref<50000x128xf32, #tpu.memory_space<hbm>>) target(%arg10 : memref<80x128xf32, #tpu.memory_space<vmem>>) offsets(%dma_start3A_241 : memref<80xi32, #tpu.memory_space<vmem>>) semaphore(%arg13 : memref<!tpu.dma_semaphore, #tpu.memory_space<semaphore_mem>>)
    %while3A_245 = arith.constant 0 : i64
    %while3A_246 = arith.constant 0 : i32
    %while3A_247 = arith.constant 16 : i32
    %while3A_248 = arith.subi %while3A_247, %while3A_246 : i32
    %while3A_249 = arith.addi %while3A_246, %while3A_248 : i32
    %while3A_250 = arith.constant 1 : i32
    %while3A_251 = arith.divsi %while3A_248, %while3A_250 : i32
    %while3A_252 = arith.muli %while3A_251, %while3A_250 : i32
    %while3A_253 = arith.addi %while3A_246, %while3A_252 : i32
    %while3A_254 = arith.constant 1 : i32
    scf.for %while3A_265 = %while3A_246 to %while3A_253 step %while3A_254  : i32 {
      %mul3A_266 = arith.constant 8 : i32
      %mul3A_267 = arith.muli %while3A_265, %mul3A_266 : i32
      %add3A_268 = arith.constant 0 : i32
      %add3A_269 = arith.addi %mul3A_267, %add3A_268 : i32
      %add3A_270 = arith.constant 0 : i32
      %add3A_271 = arith.addi %add3A_269, %add3A_270 : i32
      %ge3A = arith.constant 1 : i32
      %ge3A_272 = arith.cmpi sge, %add3A_271, %ge3A : i32
      %convert_element_type3A = arith.extui %ge3A_272 : i1 to i32
      %cond3A = arith.constant 0 : i32
      %cond3A_273 = arith.cmpi ne, %convert_element_type3A, %cond3A : i32
      scf.if %cond3A_273 {
        %add3A_622 = arith.constant -1 : i32
        %add3A_623 = arith.addi %add3A_269, %add3A_622 : i32
        %dma_wait3A_624 = arith.constant 7 : i32
        %dma_wait3A_625 = arith.constant 0 : i32
        %dma_wait3A_626 = arith.constant 0 : i32
        %dma_wait3A_627 = tpu.memref_slice %arg7[%dma_wait3A_624, %dma_wait3A_625, %dma_wait3A_626] : memref<8x1x80xi32, #tpu.memory_space<vmem>> -> memref<1x1x80xi32, #tpu.memory_space<vmem>>
        %dma_wait3A_628 = tpu.memref_squeeze %dma_wait3A_627 : memref<1x1x80xi32, #tpu.memory_space<vmem>> -> memref<80xi32, #tpu.memory_space<vmem>>
        %dma_wait3A_629 = arith.constant 0 : i32
        %dma_wait3A_630 = arith.constant 0 : i32
        %dma_wait3A_631 = tpu.memref_slice %arg12[%dma_wait3A_629, %dma_wait3A_630] : memref<10240x128xf32, #tpu.memory_space<vmem_shared>> -> memref<10240x128xf32, #tpu.memory_space<vmem_shared>>
        tpu.wait_indirect_dma semaphore(%arg14 : memref<!tpu.dma_semaphore, #tpu.memory_space<semaphore_mem>>) src(%arg11 : memref<80x128xf32, #tpu.memory_space<vmem>>) dst(%dma_wait3A_631 : memref<10240x128xf32, #tpu.memory_space<vmem_shared>>)
      } else {
      }
      %add3A_274 = arith.constant 3 : i32
      %add3A_275 = arith.addi %add3A_269, %add3A_274 : i32
      %lt3A = arith.constant 128 : i32
      %lt3A_276 = arith.cmpi slt, %add3A_275, %lt3A : i32
      %convert_element_type3A_277 = arith.extui %lt3A_276 : i1 to i32
      %cond3A_278 = arith.constant 0 : i32
      %cond3A_279 = arith.cmpi ne, %convert_element_type3A_277, %cond3A_278 : i32
      scf.if %cond3A_279 {
        %add3A_622 = arith.constant 3 : i32
        %add3A_623 = arith.addi %add3A_269, %add3A_622 : i32
        %mul3A_624 = arith.constant 80 : i32
        %mul3A_625 = arith.muli %add3A_623, %mul3A_624 : i32
        %add3A_626 = arith.addi %mul3A_2, %mul3A_625 : i32
        %dma_wait3A_627 = arith.constant 3 : i32
        %dma_wait3A_628 = arith.constant 0 : i32
        %dma_wait3A_629 = arith.constant 0 : i32
        %dma_wait3A_630 = tpu.memref_slice %arg6[%dma_wait3A_627, %dma_wait3A_628, %dma_wait3A_629] : memref<8x1x80xi32, #tpu.memory_space<vmem>> -> memref<1x1x80xi32, #tpu.memory_space<vmem>>
        %dma_wait3A_631 = tpu.memref_squeeze %dma_wait3A_630 : memref<1x1x80xi32, #tpu.memory_space<vmem>> -> memref<80xi32, #tpu.memory_space<vmem>>
        %dma_wait3A_632 = tpu.memref_slice %arg3[%add3A_626] : memref<327680xi32, #tpu.memory_space<hbm>> -> memref<80xi32, #tpu.memory_space<hbm>>
        %dma_wait3A_633 = arith.constant 0 : i32
        %dma_wait3A_634 = tpu.memref_slice %arg6[%dma_wait3A_627, %dma_wait3A_628, %dma_wait3A_633] : memref<8x1x80xi32, #tpu.memory_space<vmem>> -> memref<1x1x80xi32, #tpu.memory_space<vmem>>
        %dma_wait3A_635 = tpu.memref_squeeze %dma_wait3A_634 : memref<1x1x80xi32, #tpu.memory_space<vmem>> -> memref<80xi32, #tpu.memory_space<vmem>>
        %dma_wait3A_636 = tpu.memref_slice %arg3[%add3A_626] : memref<327680xi32, #tpu.memory_space<hbm>> -> memref<80xi32, #tpu.memory_space<hbm>>
        tpu.wait_dma2 semaphore(%arg15 : memref<!tpu.dma_semaphore, #tpu.memory_space<semaphore_mem>>) src(%dma_wait3A_636 : memref<80xi32, #tpu.memory_space<hbm>>) dst(%dma_wait3A_635 : memref<80xi32, #tpu.memory_space<vmem>>)
        %dma_wait3A_637 = arith.constant 3 : i32
        %dma_wait3A_638 = arith.constant 0 : i32
        %dma_wait3A_639 = arith.constant 0 : i32
        %dma_wait3A_640 = tpu.memref_slice %arg7[%dma_wait3A_637, %dma_wait3A_638, %dma_wait3A_639] : memref<8x1x80xi32, #tpu.memory_space<vmem>> -> memref<1x1x80xi32, #tpu.memory_space<vmem>>
        %dma_wait3A_641 = tpu.memref_squeeze %dma_wait3A_640 : memref<1x1x80xi32, #tpu.memory_space<vmem>> -> memref<80xi32, #tpu.memory_space<vmem>>
        %dma_wait3A_642 = tpu.memref_slice %arg4[%add3A_626] : memref<327680xi32, #tpu.memory_space<hbm>> -> memref<80xi32, #tpu.memory_space<hbm>>
        %dma_wait3A_643 = arith.constant 0 : i32
        %dma_wait3A_644 = tpu.memref_slice %arg7[%dma_wait3A_637, %dma_wait3A_638, %dma_wait3A_643] : memref<8x1x80xi32, #tpu.memory_space<vmem>> -> memref<1x1x80xi32, #tpu.memory_space<vmem>>
        %dma_wait3A_645 = tpu.memref_squeeze %dma_wait3A_644 : memref<1x1x80xi32, #tpu.memory_space<vmem>> -> memref<80xi32, #tpu.memory_space<vmem>>
        %dma_wait3A_646 = tpu.memref_slice %arg4[%add3A_626] : memref<327680xi32, #tpu.memory_space<hbm>> -> memref<80xi32, #tpu.memory_space<hbm>>
        tpu.wait_dma2 semaphore(%arg15 : memref<!tpu.dma_semaphore, #tpu.memory_space<semaphore_mem>>) src(%dma_wait3A_646 : memref<80xi32, #tpu.memory_space<hbm>>) dst(%dma_wait3A_645 : memref<80xi32, #tpu.memory_space<vmem>>)
        %add3A_647 = arith.constant 3 : i32
        %add3A_648 = arith.addi %add3A_269, %add3A_647 : i32
        %dma_start3A_649 = arith.constant 3 : i32
        %dma_start3A_650 = arith.constant 0 : i32
        %dma_start3A_651 = arith.constant 0 : i32
        %dma_start3A_652 = tpu.memref_slice %arg6[%dma_start3A_649, %dma_start3A_650, %dma_start3A_651] : memref<8x1x80xi32, #tpu.memory_space<vmem>> -> memref<1x1x80xi32, #tpu.memory_space<vmem>>
        %dma_start3A_653 = tpu.memref_squeeze %dma_start3A_652 : memref<1x1x80xi32, #tpu.memory_space<vmem>> -> memref<80xi32, #tpu.memory_space<vmem>>
        %dma_start3A_654 = arith.constant 0 : i32
        %dma_start3A_655 = arith.constant 0 : i32
        %dma_start3A_656 = tpu.memref_slice %arg2[%dma_start3A_654, %dma_start3A_655] : memref<50000x128xf32, #tpu.memory_space<hbm>> -> memref<50000x128xf32, #tpu.memory_space<hbm>>
        tpu.enqueue_indirect_dma source(%dma_start3A_656 : memref<50000x128xf32, #tpu.memory_space<hbm>>) target(%arg11 : memref<80x128xf32, #tpu.memory_space<vmem>>) offsets(%dma_start3A_653 : memref<80xi32, #tpu.memory_space<vmem>>) semaphore(%arg13 : memref<!tpu.dma_semaphore, #tpu.memory_space<semaphore_mem>>)
      } else {
      }
      %add3A_280 = arith.constant 0 : i32
      %add3A_281 = arith.addi %add3A_269, %add3A_280 : i32
      %dma_wait3A_282 = arith.constant 0 : i32
      %dma_wait3A_283 = arith.constant 0 : i32
      %dma_wait3A_284 = arith.constant 0 : i32
      %dma_wait3A_285 = tpu.memref_slice %arg6[%dma_wait3A_282, %dma_wait3A_283, %dma_wait3A_284] : memref<8x1x80xi32, #tpu.memory_space<vmem>> -> memref<1x1x80xi32, #tpu.memory_space<vmem>>
      %dma_wait3A_286 = tpu.memref_squeeze %dma_wait3A_285 : memref<1x1x80xi32, #tpu.memory_space<vmem>> -> memref<80xi32, #tpu.memory_space<vmem>>
      %dma_wait3A_287 = arith.constant 0 : i32
      %dma_wait3A_288 = arith.constant 0 : i32
      %dma_wait3A_289 = tpu.memref_slice %arg2[%dma_wait3A_287, %dma_wait3A_288] : memref<50000x128xf32, #tpu.memory_space<hbm>> -> memref<50000x128xf32, #tpu.memory_space<hbm>>
      tpu.wait_indirect_dma semaphore(%arg13 : memref<!tpu.dma_semaphore, #tpu.memory_space<semaphore_mem>>) src(%dma_wait3A_289 : memref<50000x128xf32, #tpu.memory_space<hbm>>) dst(%arg8 : memref<80x128xf32, #tpu.memory_space<vmem>>)
      %add3A_290 = arith.constant 0 : i32
      %add3A_291 = arith.addi %add3A_269, %add3A_290 : i32
      %dma_start3A_292 = arith.constant 0 : i32
      %dma_start3A_293 = arith.constant 0 : i32
      %dma_start3A_294 = arith.constant 0 : i32
      %dma_start3A_295 = tpu.memref_slice %arg7[%dma_start3A_292, %dma_start3A_293, %dma_start3A_294] : memref<8x1x80xi32, #tpu.memory_space<vmem>> -> memref<1x1x80xi32, #tpu.memory_space<vmem>>
      %dma_start3A_296 = tpu.memref_squeeze %dma_start3A_295 : memref<1x1x80xi32, #tpu.memory_space<vmem>> -> memref<80xi32, #tpu.memory_space<vmem>>
      %dma_start3A_297 = arith.constant 0 : i32
      %dma_start3A_298 = arith.constant 0 : i32
      %dma_start3A_299 = tpu.memref_slice %arg12[%dma_start3A_297, %dma_start3A_298] : memref<10240x128xf32, #tpu.memory_space<vmem_shared>> -> memref<10240x128xf32, #tpu.memory_space<vmem_shared>>
      tpu.enqueue_indirect_dma source(%arg8 : memref<80x128xf32, #tpu.memory_space<vmem>>) target(%dma_start3A_299 : memref<10240x128xf32, #tpu.memory_space<vmem_shared>>) offsets(%dma_start3A_296 : memref<80xi32, #tpu.memory_space<vmem>>) semaphore(%arg14 : memref<!tpu.dma_semaphore, #tpu.memory_space<semaphore_mem>>) {add = true}
      %add3A_300 = arith.constant 5 : i32
      %add3A_301 = arith.addi %add3A_269, %add3A_300 : i32
      %lt3A_302 = arith.constant 128 : i32
      %lt3A_303 = arith.cmpi slt, %add3A_301, %lt3A_302 : i32
      %convert_element_type3A_304 = arith.extui %lt3A_303 : i1 to i32
      %cond3A_305 = arith.constant 0 : i32
      %cond3A_306 = arith.cmpi ne, %convert_element_type3A_304, %cond3A_305 : i32
      scf.if %cond3A_306 {
        %add3A_622 = arith.constant 5 : i32
        %add3A_623 = arith.addi %add3A_269, %add3A_622 : i32
        %mul3A_624 = arith.constant 80 : i32
        %mul3A_625 = arith.muli %add3A_623, %mul3A_624 : i32
        %add3A_626 = arith.addi %mul3A_2, %mul3A_625 : i32
        %dma_start3A_627 = arith.constant 5 : i32
        %dma_start3A_628 = arith.constant 0 : i32
        %dma_start3A_629 = arith.constant 0 : i32
        %dma_start3A_630 = tpu.memref_slice %arg6[%dma_start3A_627, %dma_start3A_628, %dma_start3A_629] : memref<8x1x80xi32, #tpu.memory_space<vmem>> -> memref<1x1x80xi32, #tpu.memory_space<vmem>>
        %dma_start3A_631 = tpu.memref_squeeze %dma_start3A_630 : memref<1x1x80xi32, #tpu.memory_space<vmem>> -> memref<80xi32, #tpu.memory_space<vmem>>
        %dma_start3A_632 = tpu.memref_slice %arg3[%add3A_626] : memref<327680xi32, #tpu.memory_space<hbm>> -> memref<80xi32, #tpu.memory_space<hbm>>
        %dma_start3A_633 = arith.constant 0 : i32
        %dma_start3A_634 = tpu.memref_slice %arg6[%dma_start3A_627, %dma_start3A_628, %dma_start3A_633] : memref<8x1x80xi32, #tpu.memory_space<vmem>> -> memref<1x1x80xi32, #tpu.memory_space<vmem>>
        %dma_start3A_635 = tpu.memref_squeeze %dma_start3A_634 : memref<1x1x80xi32, #tpu.memory_space<vmem>> -> memref<80xi32, #tpu.memory_space<vmem>>
        %dma_start3A_636 = tpu.memref_slice %arg3[%add3A_626] : memref<327680xi32, #tpu.memory_space<hbm>> -> memref<80xi32, #tpu.memory_space<hbm>>
        tpu.enqueue_dma source(%dma_start3A_636 : memref<80xi32, #tpu.memory_space<hbm>>) target(%dma_start3A_635 : memref<80xi32, #tpu.memory_space<vmem>>) target_semaphore(%arg15 : memref<!tpu.dma_semaphore, #tpu.memory_space<semaphore_mem>>)
        %dma_start3A_637 = arith.constant 5 : i32
        %dma_start3A_638 = arith.constant 0 : i32
        %dma_start3A_639 = arith.constant 0 : i32
        %dma_start3A_640 = tpu.memref_slice %arg7[%dma_start3A_637, %dma_start3A_638, %dma_start3A_639] : memref<8x1x80xi32, #tpu.memory_space<vmem>> -> memref<1x1x80xi32, #tpu.memory_space<vmem>>
        %dma_start3A_641 = tpu.memref_squeeze %dma_start3A_640 : memref<1x1x80xi32, #tpu.memory_space<vmem>> -> memref<80xi32, #tpu.memory_space<vmem>>
        %dma_start3A_642 = tpu.memref_slice %arg4[%add3A_626] : memref<327680xi32, #tpu.memory_space<hbm>> -> memref<80xi32, #tpu.memory_space<hbm>>
        %dma_start3A_643 = arith.constant 0 : i32
        %dma_start3A_644 = tpu.memref_slice %arg7[%dma_start3A_637, %dma_start3A_638, %dma_start3A_643] : memref<8x1x80xi32, #tpu.memory_space<vmem>> -> memref<1x1x80xi32, #tpu.memory_space<vmem>>
        %dma_start3A_645 = tpu.memref_squeeze %dma_start3A_644 : memref<1x1x80xi32, #tpu.memory_space<vmem>> -> memref<80xi32, #tpu.memory_space<vmem>>
        %dma_start3A_646 = tpu.memref_slice %arg4[%add3A_626] : memref<327680xi32, #tpu.memory_space<hbm>> -> memref<80xi32, #tpu.memory_space<hbm>>
        tpu.enqueue_dma source(%dma_start3A_646 : memref<80xi32, #tpu.memory_space<hbm>>) target(%dma_start3A_645 : memref<80xi32, #tpu.memory_space<vmem>>) target_semaphore(%arg15 : memref<!tpu.dma_semaphore, #tpu.memory_space<semaphore_mem>>)
      } else {
      }
      %mul3A_307 = arith.constant 8 : i32
      %mul3A_308 = arith.muli %while3A_265, %mul3A_307 : i32
      %add3A_309 = arith.constant 1 : i32
      %add3A_310 = arith.addi %mul3A_308, %add3A_309 : i32
      %add3A_311 = arith.constant 0 : i32
      %add3A_312 = arith.addi %add3A_310, %add3A_311 : i32
      %ge3A_313 = arith.constant 1 : i32
      %ge3A_314 = arith.cmpi sge, %add3A_312, %ge3A_313 : i32
      %convert_element_type3A_315 = arith.extui %ge3A_314 : i1 to i32
      %cond3A_316 = arith.constant 0 : i32
      %cond3A_317 = arith.cmpi ne, %convert_element_type3A_315, %cond3A_316 : i32
      scf.if %cond3A_317 {
        %add3A_622 = arith.constant -1 : i32
        %add3A_623 = arith.addi %add3A_310, %add3A_622 : i32
        %dma_wait3A_624 = arith.constant 0 : i32
        %dma_wait3A_625 = arith.constant 0 : i32
        %dma_wait3A_626 = arith.constant 0 : i32
        %dma_wait3A_627 = tpu.memref_slice %arg7[%dma_wait3A_624, %dma_wait3A_625, %dma_wait3A_626] : memref<8x1x80xi32, #tpu.memory_space<vmem>> -> memref<1x1x80xi32, #tpu.memory_space<vmem>>
        %dma_wait3A_628 = tpu.memref_squeeze %dma_wait3A_627 : memref<1x1x80xi32, #tpu.memory_space<vmem>> -> memref<80xi32, #tpu.memory_space<vmem>>
        %dma_wait3A_629 = arith.constant 0 : i32
        %dma_wait3A_630 = arith.constant 0 : i32
        %dma_wait3A_631 = tpu.memref_slice %arg12[%dma_wait3A_629, %dma_wait3A_630] : memref<10240x128xf32, #tpu.memory_space<vmem_shared>> -> memref<10240x128xf32, #tpu.memory_space<vmem_shared>>
        tpu.wait_indirect_dma semaphore(%arg14 : memref<!tpu.dma_semaphore, #tpu.memory_space<semaphore_mem>>) src(%arg8 : memref<80x128xf32, #tpu.memory_space<vmem>>) dst(%dma_wait3A_631 : memref<10240x128xf32, #tpu.memory_space<vmem_shared>>)
      } else {
      }
      %add3A_318 = arith.constant 3 : i32
      %add3A_319 = arith.addi %add3A_310, %add3A_318 : i32
      %lt3A_320 = arith.constant 128 : i32
      %lt3A_321 = arith.cmpi slt, %add3A_319, %lt3A_320 : i32
      %convert_element_type3A_322 = arith.extui %lt3A_321 : i1 to i32
      %cond3A_323 = arith.constant 0 : i32
      %cond3A_324 = arith.cmpi ne, %convert_element_type3A_322, %cond3A_323 : i32
      scf.if %cond3A_324 {
        %add3A_622 = arith.constant 3 : i32
        %add3A_623 = arith.addi %add3A_310, %add3A_622 : i32
        %mul3A_624 = arith.constant 80 : i32
        %mul3A_625 = arith.muli %add3A_623, %mul3A_624 : i32
        %add3A_626 = arith.addi %mul3A_2, %mul3A_625 : i32
        %dma_wait3A_627 = arith.constant 4 : i32
        %dma_wait3A_628 = arith.constant 0 : i32
        %dma_wait3A_629 = arith.constant 0 : i32
        %dma_wait3A_630 = tpu.memref_slice %arg6[%dma_wait3A_627, %dma_wait3A_628, %dma_wait3A_629] : memref<8x1x80xi32, #tpu.memory_space<vmem>> -> memref<1x1x80xi32, #tpu.memory_space<vmem>>
        %dma_wait3A_631 = tpu.memref_squeeze %dma_wait3A_630 : memref<1x1x80xi32, #tpu.memory_space<vmem>> -> memref<80xi32, #tpu.memory_space<vmem>>
        %dma_wait3A_632 = tpu.memref_slice %arg3[%add3A_626] : memref<327680xi32, #tpu.memory_space<hbm>> -> memref<80xi32, #tpu.memory_space<hbm>>
        %dma_wait3A_633 = arith.constant 0 : i32
        %dma_wait3A_634 = tpu.memref_slice %arg6[%dma_wait3A_627, %dma_wait3A_628, %dma_wait3A_633] : memref<8x1x80xi32, #tpu.memory_space<vmem>> -> memref<1x1x80xi32, #tpu.memory_space<vmem>>
        %dma_wait3A_635 = tpu.memref_squeeze %dma_wait3A_634 : memref<1x1x80xi32, #tpu.memory_space<vmem>> -> memref<80xi32, #tpu.memory_space<vmem>>
        %dma_wait3A_636 = tpu.memref_slice %arg3[%add3A_626] : memref<327680xi32, #tpu.memory_space<hbm>> -> memref<80xi32, #tpu.memory_space<hbm>>
        tpu.wait_dma2 semaphore(%arg15 : memref<!tpu.dma_semaphore, #tpu.memory_space<semaphore_mem>>) src(%dma_wait3A_636 : memref<80xi32, #tpu.memory_space<hbm>>) dst(%dma_wait3A_635 : memref<80xi32, #tpu.memory_space<vmem>>)
        %dma_wait3A_637 = arith.constant 4 : i32
        %dma_wait3A_638 = arith.constant 0 : i32
        %dma_wait3A_639 = arith.constant 0 : i32
        %dma_wait3A_640 = tpu.memref_slice %arg7[%dma_wait3A_637, %dma_wait3A_638, %dma_wait3A_639] : memref<8x1x80xi32, #tpu.memory_space<vmem>> -> memref<1x1x80xi32, #tpu.memory_space<vmem>>
        %dma_wait3A_641 = tpu.memref_squeeze %dma_wait3A_640 : memref<1x1x80xi32, #tpu.memory_space<vmem>> -> memref<80xi32, #tpu.memory_space<vmem>>
        %dma_wait3A_642 = tpu.memref_slice %arg4[%add3A_626] : memref<327680xi32, #tpu.memory_space<hbm>> -> memref<80xi32, #tpu.memory_space<hbm>>
        %dma_wait3A_643 = arith.constant 0 : i32
        %dma_wait3A_644 = tpu.memref_slice %arg7[%dma_wait3A_637, %dma_wait3A_638, %dma_wait3A_643] : memref<8x1x80xi32, #tpu.memory_space<vmem>> -> memref<1x1x80xi32, #tpu.memory_space<vmem>>
        %dma_wait3A_645 = tpu.memref_squeeze %dma_wait3A_644 : memref<1x1x80xi32, #tpu.memory_space<vmem>> -> memref<80xi32, #tpu.memory_space<vmem>>
        %dma_wait3A_646 = tpu.memref_slice %arg4[%add3A_626] : memref<327680xi32, #tpu.memory_space<hbm>> -> memref<80xi32, #tpu.memory_space<hbm>>
        tpu.wait_dma2 semaphore(%arg15 : memref<!tpu.dma_semaphore, #tpu.memory_space<semaphore_mem>>) src(%dma_wait3A_646 : memref<80xi32, #tpu.memory_space<hbm>>) dst(%dma_wait3A_645 : memref<80xi32, #tpu.memory_space<vmem>>)
        %add3A_647 = arith.constant 3 : i32
        %add3A_648 = arith.addi %add3A_310, %add3A_647 : i32
        %dma_start3A_649 = arith.constant 4 : i32
        %dma_start3A_650 = arith.constant 0 : i32
        %dma_start3A_651 = arith.constant 0 : i32
        %dma_start3A_652 = tpu.memref_slice %arg6[%dma_start3A_649, %dma_start3A_650, %dma_start3A_651] : memref<8x1x80xi32, #tpu.memory_space<vmem>> -> memref<1x1x80xi32, #tpu.memory_space<vmem>>
        %dma_start3A_653 = tpu.memref_squeeze %dma_start3A_652 : memref<1x1x80xi32, #tpu.memory_space<vmem>> -> memref<80xi32, #tpu.memory_space<vmem>>
        %dma_start3A_654 = arith.constant 0 : i32
        %dma_start3A_655 = arith.constant 0 : i32
        %dma_start3A_656 = tpu.memref_slice %arg2[%dma_start3A_654, %dma_start3A_655] : memref<50000x128xf32, #tpu.memory_space<hbm>> -> memref<50000x128xf32, #tpu.memory_space<hbm>>
        tpu.enqueue_indirect_dma source(%dma_start3A_656 : memref<50000x128xf32, #tpu.memory_space<hbm>>) target(%arg8 : memref<80x128xf32, #tpu.memory_space<vmem>>) offsets(%dma_start3A_653 : memref<80xi32, #tpu.memory_space<vmem>>) semaphore(%arg13 : memref<!tpu.dma_semaphore, #tpu.memory_space<semaphore_mem>>)
      } else {
      }
      %add3A_325 = arith.constant 0 : i32
      %add3A_326 = arith.addi %add3A_310, %add3A_325 : i32
      %dma_wait3A_327 = arith.constant 1 : i32
      %dma_wait3A_328 = arith.constant 0 : i32
      %dma_wait3A_329 = arith.constant 0 : i32
      %dma_wait3A_330 = tpu.memref_slice %arg6[%dma_wait3A_327, %dma_wait3A_328, %dma_wait3A_329] : memref<8x1x80xi32, #tpu.memory_space<vmem>> -> memref<1x1x80xi32, #tpu.memory_space<vmem>>
      %dma_wait3A_331 = tpu.memref_squeeze %dma_wait3A_330 : memref<1x1x80xi32, #tpu.memory_space<vmem>> -> memref<80xi32, #tpu.memory_space<vmem>>
      %dma_wait3A_332 = arith.constant 0 : i32
      %dma_wait3A_333 = arith.constant 0 : i32
      %dma_wait3A_334 = tpu.memref_slice %arg2[%dma_wait3A_332, %dma_wait3A_333] : memref<50000x128xf32, #tpu.memory_space<hbm>> -> memref<50000x128xf32, #tpu.memory_space<hbm>>
      tpu.wait_indirect_dma semaphore(%arg13 : memref<!tpu.dma_semaphore, #tpu.memory_space<semaphore_mem>>) src(%dma_wait3A_334 : memref<50000x128xf32, #tpu.memory_space<hbm>>) dst(%arg9 : memref<80x128xf32, #tpu.memory_space<vmem>>)
      %add3A_335 = arith.constant 0 : i32
      %add3A_336 = arith.addi %add3A_310, %add3A_335 : i32
      %dma_start3A_337 = arith.constant 1 : i32
      %dma_start3A_338 = arith.constant 0 : i32
      %dma_start3A_339 = arith.constant 0 : i32
      %dma_start3A_340 = tpu.memref_slice %arg7[%dma_start3A_337, %dma_start3A_338, %dma_start3A_339] : memref<8x1x80xi32, #tpu.memory_space<vmem>> -> memref<1x1x80xi32, #tpu.memory_space<vmem>>
      %dma_start3A_341 = tpu.memref_squeeze %dma_start3A_340 : memref<1x1x80xi32, #tpu.memory_space<vmem>> -> memref<80xi32, #tpu.memory_space<vmem>>
      %dma_start3A_342 = arith.constant 0 : i32
      %dma_start3A_343 = arith.constant 0 : i32
      %dma_start3A_344 = tpu.memref_slice %arg12[%dma_start3A_342, %dma_start3A_343] : memref<10240x128xf32, #tpu.memory_space<vmem_shared>> -> memref<10240x128xf32, #tpu.memory_space<vmem_shared>>
      tpu.enqueue_indirect_dma source(%arg9 : memref<80x128xf32, #tpu.memory_space<vmem>>) target(%dma_start3A_344 : memref<10240x128xf32, #tpu.memory_space<vmem_shared>>) offsets(%dma_start3A_341 : memref<80xi32, #tpu.memory_space<vmem>>) semaphore(%arg14 : memref<!tpu.dma_semaphore, #tpu.memory_space<semaphore_mem>>) {add = true}
      %add3A_345 = arith.constant 5 : i32
      %add3A_346 = arith.addi %add3A_310, %add3A_345 : i32
      %lt3A_347 = arith.constant 128 : i32
      %lt3A_348 = arith.cmpi slt, %add3A_346, %lt3A_347 : i32
      %convert_element_type3A_349 = arith.extui %lt3A_348 : i1 to i32
      %cond3A_350 = arith.constant 0 : i32
      %cond3A_351 = arith.cmpi ne, %convert_element_type3A_349, %cond3A_350 : i32
      scf.if %cond3A_351 {
        %add3A_622 = arith.constant 5 : i32
        %add3A_623 = arith.addi %add3A_310, %add3A_622 : i32
        %mul3A_624 = arith.constant 80 : i32
        %mul3A_625 = arith.muli %add3A_623, %mul3A_624 : i32
        %add3A_626 = arith.addi %mul3A_2, %mul3A_625 : i32
        %dma_start3A_627 = arith.constant 6 : i32
        %dma_start3A_628 = arith.constant 0 : i32
        %dma_start3A_629 = arith.constant 0 : i32
        %dma_start3A_630 = tpu.memref_slice %arg6[%dma_start3A_627, %dma_start3A_628, %dma_start3A_629] : memref<8x1x80xi32, #tpu.memory_space<vmem>> -> memref<1x1x80xi32, #tpu.memory_space<vmem>>
        %dma_start3A_631 = tpu.memref_squeeze %dma_start3A_630 : memref<1x1x80xi32, #tpu.memory_space<vmem>> -> memref<80xi32, #tpu.memory_space<vmem>>
        %dma_start3A_632 = tpu.memref_slice %arg3[%add3A_626] : memref<327680xi32, #tpu.memory_space<hbm>> -> memref<80xi32, #tpu.memory_space<hbm>>
        %dma_start3A_633 = arith.constant 0 : i32
        %dma_start3A_634 = tpu.memref_slice %arg6[%dma_start3A_627, %dma_start3A_628, %dma_start3A_633] : memref<8x1x80xi32, #tpu.memory_space<vmem>> -> memref<1x1x80xi32, #tpu.memory_space<vmem>>
        %dma_start3A_635 = tpu.memref_squeeze %dma_start3A_634 : memref<1x1x80xi32, #tpu.memory_space<vmem>> -> memref<80xi32, #tpu.memory_space<vmem>>
        %dma_start3A_636 = tpu.memref_slice %arg3[%add3A_626] : memref<327680xi32, #tpu.memory_space<hbm>> -> memref<80xi32, #tpu.memory_space<hbm>>
        tpu.enqueue_dma source(%dma_start3A_636 : memref<80xi32, #tpu.memory_space<hbm>>) target(%dma_start3A_635 : memref<80xi32, #tpu.memory_space<vmem>>) target_semaphore(%arg15 : memref<!tpu.dma_semaphore, #tpu.memory_space<semaphore_mem>>)
        %dma_start3A_637 = arith.constant 6 : i32
        %dma_start3A_638 = arith.constant 0 : i32
        %dma_start3A_639 = arith.constant 0 : i32
        %dma_start3A_640 = tpu.memref_slice %arg7[%dma_start3A_637, %dma_start3A_638, %dma_start3A_639] : memref<8x1x80xi32, #tpu.memory_space<vmem>> -> memref<1x1x80xi32, #tpu.memory_space<vmem>>
        %dma_start3A_641 = tpu.memref_squeeze %dma_start3A_640 : memref<1x1x80xi32, #tpu.memory_space<vmem>> -> memref<80xi32, #tpu.memory_space<vmem>>
        %dma_start3A_642 = tpu.memref_slice %arg4[%add3A_626] : memref<327680xi32, #tpu.memory_space<hbm>> -> memref<80xi32, #tpu.memory_space<hbm>>
        %dma_start3A_643 = arith.constant 0 : i32
        %dma_start3A_644 = tpu.memref_slice %arg7[%dma_start3A_637, %dma_start3A_638, %dma_start3A_643] : memref<8x1x80xi32, #tpu.memory_space<vmem>> -> memref<1x1x80xi32, #tpu.memory_space<vmem>>
        %dma_start3A_645 = tpu.memref_squeeze %dma_start3A_644 : memref<1x1x80xi32, #tpu.memory_space<vmem>> -> memref<80xi32, #tpu.memory_space<vmem>>
        %dma_start3A_646 = tpu.memref_slice %arg4[%add3A_626] : memref<327680xi32, #tpu.memory_space<hbm>> -> memref<80xi32, #tpu.memory_space<hbm>>
        tpu.enqueue_dma source(%dma_start3A_646 : memref<80xi32, #tpu.memory_space<hbm>>) target(%dma_start3A_645 : memref<80xi32, #tpu.memory_space<vmem>>) target_semaphore(%arg15 : memref<!tpu.dma_semaphore, #tpu.memory_space<semaphore_mem>>)
      } else {
      }
      %mul3A_352 = arith.constant 8 : i32
      %mul3A_353 = arith.muli %while3A_265, %mul3A_352 : i32
      %add3A_354 = arith.constant 2 : i32
      %add3A_355 = arith.addi %mul3A_353, %add3A_354 : i32
      %add3A_356 = arith.constant 0 : i32
      %add3A_357 = arith.addi %add3A_355, %add3A_356 : i32
      %ge3A_358 = arith.constant 1 : i32
      %ge3A_359 = arith.cmpi sge, %add3A_357, %ge3A_358 : i32
      %convert_element_type3A_360 = arith.extui %ge3A_359 : i1 to i32
      %cond3A_361 = arith.constant 0 : i32
      %cond3A_362 = arith.cmpi ne, %convert_element_type3A_360, %cond3A_361 : i32
      scf.if %cond3A_362 {
        %add3A_622 = arith.constant -1 : i32
        %add3A_623 = arith.addi %add3A_355, %add3A_622 : i32
        %dma_wait3A_624 = arith.constant 1 : i32
        %dma_wait3A_625 = arith.constant 0 : i32
        %dma_wait3A_626 = arith.constant 0 : i32
        %dma_wait3A_627 = tpu.memref_slice %arg7[%dma_wait3A_624, %dma_wait3A_625, %dma_wait3A_626] : memref<8x1x80xi32, #tpu.memory_space<vmem>> -> memref<1x1x80xi32, #tpu.memory_space<vmem>>
        %dma_wait3A_628 = tpu.memref_squeeze %dma_wait3A_627 : memref<1x1x80xi32, #tpu.memory_space<vmem>> -> memref<80xi32, #tpu.memory_space<vmem>>
        %dma_wait3A_629 = arith.constant 0 : i32
        %dma_wait3A_630 = arith.constant 0 : i32
        %dma_wait3A_631 = tpu.memref_slice %arg12[%dma_wait3A_629, %dma_wait3A_630] : memref<10240x128xf32, #tpu.memory_space<vmem_shared>> -> memref<10240x128xf32, #tpu.memory_space<vmem_shared>>
        tpu.wait_indirect_dma semaphore(%arg14 : memref<!tpu.dma_semaphore, #tpu.memory_space<semaphore_mem>>) src(%arg9 : memref<80x128xf32, #tpu.memory_space<vmem>>) dst(%dma_wait3A_631 : memref<10240x128xf32, #tpu.memory_space<vmem_shared>>)
      } else {
      }
      %add3A_363 = arith.constant 3 : i32
      %add3A_364 = arith.addi %add3A_355, %add3A_363 : i32
      %lt3A_365 = arith.constant 128 : i32
      %lt3A_366 = arith.cmpi slt, %add3A_364, %lt3A_365 : i32
      %convert_element_type3A_367 = arith.extui %lt3A_366 : i1 to i32
      %cond3A_368 = arith.constant 0 : i32
      %cond3A_369 = arith.cmpi ne, %convert_element_type3A_367, %cond3A_368 : i32
      scf.if %cond3A_369 {
        %add3A_622 = arith.constant 3 : i32
        %add3A_623 = arith.addi %add3A_355, %add3A_622 : i32
        %mul3A_624 = arith.constant 80 : i32
        %mul3A_625 = arith.muli %add3A_623, %mul3A_624 : i32
        %add3A_626 = arith.addi %mul3A_2, %mul3A_625 : i32
        %dma_wait3A_627 = arith.constant 5 : i32
        %dma_wait3A_628 = arith.constant 0 : i32
        %dma_wait3A_629 = arith.constant 0 : i32
        %dma_wait3A_630 = tpu.memref_slice %arg6[%dma_wait3A_627, %dma_wait3A_628, %dma_wait3A_629] : memref<8x1x80xi32, #tpu.memory_space<vmem>> -> memref<1x1x80xi32, #tpu.memory_space<vmem>>
        %dma_wait3A_631 = tpu.memref_squeeze %dma_wait3A_630 : memref<1x1x80xi32, #tpu.memory_space<vmem>> -> memref<80xi32, #tpu.memory_space<vmem>>
        %dma_wait3A_632 = tpu.memref_slice %arg3[%add3A_626] : memref<327680xi32, #tpu.memory_space<hbm>> -> memref<80xi32, #tpu.memory_space<hbm>>
        %dma_wait3A_633 = arith.constant 0 : i32
        %dma_wait3A_634 = tpu.memref_slice %arg6[%dma_wait3A_627, %dma_wait3A_628, %dma_wait3A_633] : memref<8x1x80xi32, #tpu.memory_space<vmem>> -> memref<1x1x80xi32, #tpu.memory_space<vmem>>
        %dma_wait3A_635 = tpu.memref_squeeze %dma_wait3A_634 : memref<1x1x80xi32, #tpu.memory_space<vmem>> -> memref<80xi32, #tpu.memory_space<vmem>>
        %dma_wait3A_636 = tpu.memref_slice %arg3[%add3A_626] : memref<327680xi32, #tpu.memory_space<hbm>> -> memref<80xi32, #tpu.memory_space<hbm>>
        tpu.wait_dma2 semaphore(%arg15 : memref<!tpu.dma_semaphore, #tpu.memory_space<semaphore_mem>>) src(%dma_wait3A_636 : memref<80xi32, #tpu.memory_space<hbm>>) dst(%dma_wait3A_635 : memref<80xi32, #tpu.memory_space<vmem>>)
        %dma_wait3A_637 = arith.constant 5 : i32
        %dma_wait3A_638 = arith.constant 0 : i32
        %dma_wait3A_639 = arith.constant 0 : i32
        %dma_wait3A_640 = tpu.memref_slice %arg7[%dma_wait3A_637, %dma_wait3A_638, %dma_wait3A_639] : memref<8x1x80xi32, #tpu.memory_space<vmem>> -> memref<1x1x80xi32, #tpu.memory_space<vmem>>
        %dma_wait3A_641 = tpu.memref_squeeze %dma_wait3A_640 : memref<1x1x80xi32, #tpu.memory_space<vmem>> -> memref<80xi32, #tpu.memory_space<vmem>>
        %dma_wait3A_642 = tpu.memref_slice %arg4[%add3A_626] : memref<327680xi32, #tpu.memory_space<hbm>> -> memref<80xi32, #tpu.memory_space<hbm>>
        %dma_wait3A_643 = arith.constant 0 : i32
        %dma_wait3A_644 = tpu.memref_slice %arg7[%dma_wait3A_637, %dma_wait3A_638, %dma_wait3A_643] : memref<8x1x80xi32, #tpu.memory_space<vmem>> -> memref<1x1x80xi32, #tpu.memory_space<vmem>>
        %dma_wait3A_645 = tpu.memref_squeeze %dma_wait3A_644 : memref<1x1x80xi32, #tpu.memory_space<vmem>> -> memref<80xi32, #tpu.memory_space<vmem>>
        %dma_wait3A_646 = tpu.memref_slice %arg4[%add3A_626] : memref<327680xi32, #tpu.memory_space<hbm>> -> memref<80xi32, #tpu.memory_space<hbm>>
        tpu.wait_dma2 semaphore(%arg15 : memref<!tpu.dma_semaphore, #tpu.memory_space<semaphore_mem>>) src(%dma_wait3A_646 : memref<80xi32, #tpu.memory_space<hbm>>) dst(%dma_wait3A_645 : memref<80xi32, #tpu.memory_space<vmem>>)
        %add3A_647 = arith.constant 3 : i32
        %add3A_648 = arith.addi %add3A_355, %add3A_647 : i32
        %dma_start3A_649 = arith.constant 5 : i32
        %dma_start3A_650 = arith.constant 0 : i32
        %dma_start3A_651 = arith.constant 0 : i32
        %dma_start3A_652 = tpu.memref_slice %arg6[%dma_start3A_649, %dma_start3A_650, %dma_start3A_651] : memref<8x1x80xi32, #tpu.memory_space<vmem>> -> memref<1x1x80xi32, #tpu.memory_space<vmem>>
        %dma_start3A_653 = tpu.memref_squeeze %dma_start3A_652 : memref<1x1x80xi32, #tpu.memory_space<vmem>> -> memref<80xi32, #tpu.memory_space<vmem>>
        %dma_start3A_654 = arith.constant 0 : i32
        %dma_start3A_655 = arith.constant 0 : i32
        %dma_start3A_656 = tpu.memref_slice %arg2[%dma_start3A_654, %dma_start3A_655] : memref<50000x128xf32, #tpu.memory_space<hbm>> -> memref<50000x128xf32, #tpu.memory_space<hbm>>
        tpu.enqueue_indirect_dma source(%dma_start3A_656 : memref<50000x128xf32, #tpu.memory_space<hbm>>) target(%arg9 : memref<80x128xf32, #tpu.memory_space<vmem>>) offsets(%dma_start3A_653 : memref<80xi32, #tpu.memory_space<vmem>>) semaphore(%arg13 : memref<!tpu.dma_semaphore, #tpu.memory_space<semaphore_mem>>)
      } else {
      }
      %add3A_370 = arith.constant 0 : i32
      %add3A_371 = arith.addi %add3A_355, %add3A_370 : i32
      %dma_wait3A_372 = arith.constant 2 : i32
      %dma_wait3A_373 = arith.constant 0 : i32
      %dma_wait3A_374 = arith.constant 0 : i32
      %dma_wait3A_375 = tpu.memref_slice %arg6[%dma_wait3A_372, %dma_wait3A_373, %dma_wait3A_374] : memref<8x1x80xi32, #tpu.memory_space<vmem>> -> memref<1x1x80xi32, #tpu.memory_space<vmem>>
      %dma_wait3A_376 = tpu.memref_squeeze %dma_wait3A_375 : memref<1x1x80xi32, #tpu.memory_space<vmem>> -> memref<80xi32, #tpu.memory_space<vmem>>
      %dma_wait3A_377 = arith.constant 0 : i32
      %dma_wait3A_378 = arith.constant 0 : i32
      %dma_wait3A_379 = tpu.memref_slice %arg2[%dma_wait3A_377, %dma_wait3A_378] : memref<50000x128xf32, #tpu.memory_space<hbm>> -> memref<50000x128xf32, #tpu.memory_space<hbm>>
      tpu.wait_indirect_dma semaphore(%arg13 : memref<!tpu.dma_semaphore, #tpu.memory_space<semaphore_mem>>) src(%dma_wait3A_379 : memref<50000x128xf32, #tpu.memory_space<hbm>>) dst(%arg10 : memref<80x128xf32, #tpu.memory_space<vmem>>)
      %add3A_380 = arith.constant 0 : i32
      %add3A_381 = arith.addi %add3A_355, %add3A_380 : i32
      %dma_start3A_382 = arith.constant 2 : i32
      %dma_start3A_383 = arith.constant 0 : i32
      %dma_start3A_384 = arith.constant 0 : i32
      %dma_start3A_385 = tpu.memref_slice %arg7[%dma_start3A_382, %dma_start3A_383, %dma_start3A_384] : memref<8x1x80xi32, #tpu.memory_space<vmem>> -> memref<1x1x80xi32, #tpu.memory_space<vmem>>
      %dma_start3A_386 = tpu.memref_squeeze %dma_start3A_385 : memref<1x1x80xi32, #tpu.memory_space<vmem>> -> memref<80xi32, #tpu.memory_space<vmem>>
      %dma_start3A_387 = arith.constant 0 : i32
      %dma_start3A_388 = arith.constant 0 : i32
      %dma_start3A_389 = tpu.memref_slice %arg12[%dma_start3A_387, %dma_start3A_388] : memref<10240x128xf32, #tpu.memory_space<vmem_shared>> -> memref<10240x128xf32, #tpu.memory_space<vmem_shared>>
      tpu.enqueue_indirect_dma source(%arg10 : memref<80x128xf32, #tpu.memory_space<vmem>>) target(%dma_start3A_389 : memref<10240x128xf32, #tpu.memory_space<vmem_shared>>) offsets(%dma_start3A_386 : memref<80xi32, #tpu.memory_space<vmem>>) semaphore(%arg14 : memref<!tpu.dma_semaphore, #tpu.memory_space<semaphore_mem>>) {add = true}
      %add3A_390 = arith.constant 5 : i32
      %add3A_391 = arith.addi %add3A_355, %add3A_390 : i32
      %lt3A_392 = arith.constant 128 : i32
      %lt3A_393 = arith.cmpi slt, %add3A_391, %lt3A_392 : i32
      %convert_element_type3A_394 = arith.extui %lt3A_393 : i1 to i32
      %cond3A_395 = arith.constant 0 : i32
      %cond3A_396 = arith.cmpi ne, %convert_element_type3A_394, %cond3A_395 : i32
      scf.if %cond3A_396 {
        %add3A_622 = arith.constant 5 : i32
        %add3A_623 = arith.addi %add3A_355, %add3A_622 : i32
        %mul3A_624 = arith.constant 80 : i32
        %mul3A_625 = arith.muli %add3A_623, %mul3A_624 : i32
        %add3A_626 = arith.addi %mul3A_2, %mul3A_625 : i32
        %dma_start3A_627 = arith.constant 7 : i32
        %dma_start3A_628 = arith.constant 0 : i32
        %dma_start3A_629 = arith.constant 0 : i32
        %dma_start3A_630 = tpu.memref_slice %arg6[%dma_start3A_627, %dma_start3A_628, %dma_start3A_629] : memref<8x1x80xi32, #tpu.memory_space<vmem>> -> memref<1x1x80xi32, #tpu.memory_space<vmem>>
        %dma_start3A_631 = tpu.memref_squeeze %dma_start3A_630 : memref<1x1x80xi32, #tpu.memory_space<vmem>> -> memref<80xi32, #tpu.memory_space<vmem>>
        %dma_start3A_632 = tpu.memref_slice %arg3[%add3A_626] : memref<327680xi32, #tpu.memory_space<hbm>> -> memref<80xi32, #tpu.memory_space<hbm>>
        %dma_start3A_633 = arith.constant 0 : i32
        %dma_start3A_634 = tpu.memref_slice %arg6[%dma_start3A_627, %dma_start3A_628, %dma_start3A_633] : memref<8x1x80xi32, #tpu.memory_space<vmem>> -> memref<1x1x80xi32, #tpu.memory_space<vmem>>
        %dma_start3A_635 = tpu.memref_squeeze %dma_start3A_634 : memref<1x1x80xi32, #tpu.memory_space<vmem>> -> memref<80xi32, #tpu.memory_space<vmem>>
        %dma_start3A_636 = tpu.memref_slice %arg3[%add3A_626] : memref<327680xi32, #tpu.memory_space<hbm>> -> memref<80xi32, #tpu.memory_space<hbm>>
        tpu.enqueue_dma source(%dma_start3A_636 : memref<80xi32, #tpu.memory_space<hbm>>) target(%dma_start3A_635 : memref<80xi32, #tpu.memory_space<vmem>>) target_semaphore(%arg15 : memref<!tpu.dma_semaphore, #tpu.memory_space<semaphore_mem>>)
        %dma_start3A_637 = arith.constant 7 : i32
        %dma_start3A_638 = arith.constant 0 : i32
        %dma_start3A_639 = arith.constant 0 : i32
        %dma_start3A_640 = tpu.memref_slice %arg7[%dma_start3A_637, %dma_start3A_638, %dma_start3A_639] : memref<8x1x80xi32, #tpu.memory_space<vmem>> -> memref<1x1x80xi32, #tpu.memory_space<vmem>>
        %dma_start3A_641 = tpu.memref_squeeze %dma_start3A_640 : memref<1x1x80xi32, #tpu.memory_space<vmem>> -> memref<80xi32, #tpu.memory_space<vmem>>
        %dma_start3A_642 = tpu.memref_slice %arg4[%add3A_626] : memref<327680xi32, #tpu.memory_space<hbm>> -> memref<80xi32, #tpu.memory_space<hbm>>
        %dma_start3A_643 = arith.constant 0 : i32
        %dma_start3A_644 = tpu.memref_slice %arg7[%dma_start3A_637, %dma_start3A_638, %dma_start3A_643] : memref<8x1x80xi32, #tpu.memory_space<vmem>> -> memref<1x1x80xi32, #tpu.memory_space<vmem>>
        %dma_start3A_645 = tpu.memref_squeeze %dma_start3A_644 : memref<1x1x80xi32, #tpu.memory_space<vmem>> -> memref<80xi32, #tpu.memory_space<vmem>>
        %dma_start3A_646 = tpu.memref_slice %arg4[%add3A_626] : memref<327680xi32, #tpu.memory_space<hbm>> -> memref<80xi32, #tpu.memory_space<hbm>>
        tpu.enqueue_dma source(%dma_start3A_646 : memref<80xi32, #tpu.memory_space<hbm>>) target(%dma_start3A_645 : memref<80xi32, #tpu.memory_space<vmem>>) target_semaphore(%arg15 : memref<!tpu.dma_semaphore, #tpu.memory_space<semaphore_mem>>)
      } else {
      }
      %mul3A_397 = arith.constant 8 : i32
      %mul3A_398 = arith.muli %while3A_265, %mul3A_397 : i32
      %add3A_399 = arith.constant 3 : i32
      %add3A_400 = arith.addi %mul3A_398, %add3A_399 : i32
      %add3A_401 = arith.constant 0 : i32
      %add3A_402 = arith.addi %add3A_400, %add3A_401 : i32
      %ge3A_403 = arith.constant 1 : i32
      %ge3A_404 = arith.cmpi sge, %add3A_402, %ge3A_403 : i32
      %convert_element_type3A_405 = arith.extui %ge3A_404 : i1 to i32
      %cond3A_406 = arith.constant 0 : i32
      %cond3A_407 = arith.cmpi ne, %convert_element_type3A_405, %cond3A_406 : i32
      scf.if %cond3A_407 {
        %add3A_622 = arith.constant -1 : i32
        %add3A_623 = arith.addi %add3A_400, %add3A_622 : i32
        %dma_wait3A_624 = arith.constant 2 : i32
        %dma_wait3A_625 = arith.constant 0 : i32
        %dma_wait3A_626 = arith.constant 0 : i32
        %dma_wait3A_627 = tpu.memref_slice %arg7[%dma_wait3A_624, %dma_wait3A_625, %dma_wait3A_626] : memref<8x1x80xi32, #tpu.memory_space<vmem>> -> memref<1x1x80xi32, #tpu.memory_space<vmem>>
        %dma_wait3A_628 = tpu.memref_squeeze %dma_wait3A_627 : memref<1x1x80xi32, #tpu.memory_space<vmem>> -> memref<80xi32, #tpu.memory_space<vmem>>
        %dma_wait3A_629 = arith.constant 0 : i32
        %dma_wait3A_630 = arith.constant 0 : i32
        %dma_wait3A_631 = tpu.memref_slice %arg12[%dma_wait3A_629, %dma_wait3A_630] : memref<10240x128xf32, #tpu.memory_space<vmem_shared>> -> memref<10240x128xf32, #tpu.memory_space<vmem_shared>>
        tpu.wait_indirect_dma semaphore(%arg14 : memref<!tpu.dma_semaphore, #tpu.memory_space<semaphore_mem>>) src(%arg10 : memref<80x128xf32, #tpu.memory_space<vmem>>) dst(%dma_wait3A_631 : memref<10240x128xf32, #tpu.memory_space<vmem_shared>>)
      } else {
      }
      %add3A_408 = arith.constant 3 : i32
      %add3A_409 = arith.addi %add3A_400, %add3A_408 : i32
      %lt3A_410 = arith.constant 128 : i32
      %lt3A_411 = arith.cmpi slt, %add3A_409, %lt3A_410 : i32
      %convert_element_type3A_412 = arith.extui %lt3A_411 : i1 to i32
      %cond3A_413 = arith.constant 0 : i32
      %cond3A_414 = arith.cmpi ne, %convert_element_type3A_412, %cond3A_413 : i32
      scf.if %cond3A_414 {
        %add3A_622 = arith.constant 3 : i32
        %add3A_623 = arith.addi %add3A_400, %add3A_622 : i32
        %mul3A_624 = arith.constant 80 : i32
        %mul3A_625 = arith.muli %add3A_623, %mul3A_624 : i32
        %add3A_626 = arith.addi %mul3A_2, %mul3A_625 : i32
        %dma_wait3A_627 = arith.constant 6 : i32
        %dma_wait3A_628 = arith.constant 0 : i32
        %dma_wait3A_629 = arith.constant 0 : i32
        %dma_wait3A_630 = tpu.memref_slice %arg6[%dma_wait3A_627, %dma_wait3A_628, %dma_wait3A_629] : memref<8x1x80xi32, #tpu.memory_space<vmem>> -> memref<1x1x80xi32, #tpu.memory_space<vmem>>
        %dma_wait3A_631 = tpu.memref_squeeze %dma_wait3A_630 : memref<1x1x80xi32, #tpu.memory_space<vmem>> -> memref<80xi32, #tpu.memory_space<vmem>>
        %dma_wait3A_632 = tpu.memref_slice %arg3[%add3A_626] : memref<327680xi32, #tpu.memory_space<hbm>> -> memref<80xi32, #tpu.memory_space<hbm>>
        %dma_wait3A_633 = arith.constant 0 : i32
        %dma_wait3A_634 = tpu.memref_slice %arg6[%dma_wait3A_627, %dma_wait3A_628, %dma_wait3A_633] : memref<8x1x80xi32, #tpu.memory_space<vmem>> -> memref<1x1x80xi32, #tpu.memory_space<vmem>>
        %dma_wait3A_635 = tpu.memref_squeeze %dma_wait3A_634 : memref<1x1x80xi32, #tpu.memory_space<vmem>> -> memref<80xi32, #tpu.memory_space<vmem>>
        %dma_wait3A_636 = tpu.memref_slice %arg3[%add3A_626] : memref<327680xi32, #tpu.memory_space<hbm>> -> memref<80xi32, #tpu.memory_space<hbm>>
        tpu.wait_dma2 semaphore(%arg15 : memref<!tpu.dma_semaphore, #tpu.memory_space<semaphore_mem>>) src(%dma_wait3A_636 : memref<80xi32, #tpu.memory_space<hbm>>) dst(%dma_wait3A_635 : memref<80xi32, #tpu.memory_space<vmem>>)
        %dma_wait3A_637 = arith.constant 6 : i32
        %dma_wait3A_638 = arith.constant 0 : i32
        %dma_wait3A_639 = arith.constant 0 : i32
        %dma_wait3A_640 = tpu.memref_slice %arg7[%dma_wait3A_637, %dma_wait3A_638, %dma_wait3A_639] : memref<8x1x80xi32, #tpu.memory_space<vmem>> -> memref<1x1x80xi32, #tpu.memory_space<vmem>>
        %dma_wait3A_641 = tpu.memref_squeeze %dma_wait3A_640 : memref<1x1x80xi32, #tpu.memory_space<vmem>> -> memref<80xi32, #tpu.memory_space<vmem>>
        %dma_wait3A_642 = tpu.memref_slice %arg4[%add3A_626] : memref<327680xi32, #tpu.memory_space<hbm>> -> memref<80xi32, #tpu.memory_space<hbm>>
        %dma_wait3A_643 = arith.constant 0 : i32
        %dma_wait3A_644 = tpu.memref_slice %arg7[%dma_wait3A_637, %dma_wait3A_638, %dma_wait3A_643] : memref<8x1x80xi32, #tpu.memory_space<vmem>> -> memref<1x1x80xi32, #tpu.memory_space<vmem>>
        %dma_wait3A_645 = tpu.memref_squeeze %dma_wait3A_644 : memref<1x1x80xi32, #tpu.memory_space<vmem>> -> memref<80xi32, #tpu.memory_space<vmem>>
        %dma_wait3A_646 = tpu.memref_slice %arg4[%add3A_626] : memref<327680xi32, #tpu.memory_space<hbm>> -> memref<80xi32, #tpu.memory_space<hbm>>
        tpu.wait_dma2 semaphore(%arg15 : memref<!tpu.dma_semaphore, #tpu.memory_space<semaphore_mem>>) src(%dma_wait3A_646 : memref<80xi32, #tpu.memory_space<hbm>>) dst(%dma_wait3A_645 : memref<80xi32, #tpu.memory_space<vmem>>)
        %add3A_647 = arith.constant 3 : i32
        %add3A_648 = arith.addi %add3A_400, %add3A_647 : i32
        %dma_start3A_649 = arith.constant 6 : i32
        %dma_start3A_650 = arith.constant 0 : i32
        %dma_start3A_651 = arith.constant 0 : i32
        %dma_start3A_652 = tpu.memref_slice %arg6[%dma_start3A_649, %dma_start3A_650, %dma_start3A_651] : memref<8x1x80xi32, #tpu.memory_space<vmem>> -> memref<1x1x80xi32, #tpu.memory_space<vmem>>
        %dma_start3A_653 = tpu.memref_squeeze %dma_start3A_652 : memref<1x1x80xi32, #tpu.memory_space<vmem>> -> memref<80xi32, #tpu.memory_space<vmem>>
        %dma_start3A_654 = arith.constant 0 : i32
        %dma_start3A_655 = arith.constant 0 : i32
        %dma_start3A_656 = tpu.memref_slice %arg2[%dma_start3A_654, %dma_start3A_655] : memref<50000x128xf32, #tpu.memory_space<hbm>> -> memref<50000x128xf32, #tpu.memory_space<hbm>>
        tpu.enqueue_indirect_dma source(%dma_start3A_656 : memref<50000x128xf32, #tpu.memory_space<hbm>>) target(%arg10 : memref<80x128xf32, #tpu.memory_space<vmem>>) offsets(%dma_start3A_653 : memref<80xi32, #tpu.memory_space<vmem>>) semaphore(%arg13 : memref<!tpu.dma_semaphore, #tpu.memory_space<semaphore_mem>>)
      } else {
      }
      %add3A_415 = arith.constant 0 : i32
      %add3A_416 = arith.addi %add3A_400, %add3A_415 : i32
      %dma_wait3A_417 = arith.constant 3 : i32
      %dma_wait3A_418 = arith.constant 0 : i32
      %dma_wait3A_419 = arith.constant 0 : i32
      %dma_wait3A_420 = tpu.memref_slice %arg6[%dma_wait3A_417, %dma_wait3A_418, %dma_wait3A_419] : memref<8x1x80xi32, #tpu.memory_space<vmem>> -> memref<1x1x80xi32, #tpu.memory_space<vmem>>
      %dma_wait3A_421 = tpu.memref_squeeze %dma_wait3A_420 : memref<1x1x80xi32, #tpu.memory_space<vmem>> -> memref<80xi32, #tpu.memory_space<vmem>>
      %dma_wait3A_422 = arith.constant 0 : i32
      %dma_wait3A_423 = arith.constant 0 : i32
      %dma_wait3A_424 = tpu.memref_slice %arg2[%dma_wait3A_422, %dma_wait3A_423] : memref<50000x128xf32, #tpu.memory_space<hbm>> -> memref<50000x128xf32, #tpu.memory_space<hbm>>
      tpu.wait_indirect_dma semaphore(%arg13 : memref<!tpu.dma_semaphore, #tpu.memory_space<semaphore_mem>>) src(%dma_wait3A_424 : memref<50000x128xf32, #tpu.memory_space<hbm>>) dst(%arg11 : memref<80x128xf32, #tpu.memory_space<vmem>>)
      %add3A_425 = arith.constant 0 : i32
      %add3A_426 = arith.addi %add3A_400, %add3A_425 : i32
      %dma_start3A_427 = arith.constant 3 : i32
      %dma_start3A_428 = arith.constant 0 : i32
      %dma_start3A_429 = arith.constant 0 : i32
      %dma_start3A_430 = tpu.memref_slice %arg7[%dma_start3A_427, %dma_start3A_428, %dma_start3A_429] : memref<8x1x80xi32, #tpu.memory_space<vmem>> -> memref<1x1x80xi32, #tpu.memory_space<vmem>>
      %dma_start3A_431 = tpu.memref_squeeze %dma_start3A_430 : memref<1x1x80xi32, #tpu.memory_space<vmem>> -> memref<80xi32, #tpu.memory_space<vmem>>
      %dma_start3A_432 = arith.constant 0 : i32
      %dma_start3A_433 = arith.constant 0 : i32
      %dma_start3A_434 = tpu.memref_slice %arg12[%dma_start3A_432, %dma_start3A_433] : memref<10240x128xf32, #tpu.memory_space<vmem_shared>> -> memref<10240x128xf32, #tpu.memory_space<vmem_shared>>
      tpu.enqueue_indirect_dma source(%arg11 : memref<80x128xf32, #tpu.memory_space<vmem>>) target(%dma_start3A_434 : memref<10240x128xf32, #tpu.memory_space<vmem_shared>>) offsets(%dma_start3A_431 : memref<80xi32, #tpu.memory_space<vmem>>) semaphore(%arg14 : memref<!tpu.dma_semaphore, #tpu.memory_space<semaphore_mem>>) {add = true}
      %add3A_435 = arith.constant 5 : i32
      %add3A_436 = arith.addi %add3A_400, %add3A_435 : i32
      %lt3A_437 = arith.constant 128 : i32
      %lt3A_438 = arith.cmpi slt, %add3A_436, %lt3A_437 : i32
      %convert_element_type3A_439 = arith.extui %lt3A_438 : i1 to i32
      %cond3A_440 = arith.constant 0 : i32
      %cond3A_441 = arith.cmpi ne, %convert_element_type3A_439, %cond3A_440 : i32
      scf.if %cond3A_441 {
        %add3A_622 = arith.constant 5 : i32
        %add3A_623 = arith.addi %add3A_400, %add3A_622 : i32
        %mul3A_624 = arith.constant 80 : i32
        %mul3A_625 = arith.muli %add3A_623, %mul3A_624 : i32
        %add3A_626 = arith.addi %mul3A_2, %mul3A_625 : i32
        %dma_start3A_627 = arith.constant 0 : i32
        %dma_start3A_628 = arith.constant 0 : i32
        %dma_start3A_629 = arith.constant 0 : i32
        %dma_start3A_630 = tpu.memref_slice %arg6[%dma_start3A_627, %dma_start3A_628, %dma_start3A_629] : memref<8x1x80xi32, #tpu.memory_space<vmem>> -> memref<1x1x80xi32, #tpu.memory_space<vmem>>
        %dma_start3A_631 = tpu.memref_squeeze %dma_start3A_630 : memref<1x1x80xi32, #tpu.memory_space<vmem>> -> memref<80xi32, #tpu.memory_space<vmem>>
        %dma_start3A_632 = tpu.memref_slice %arg3[%add3A_626] : memref<327680xi32, #tpu.memory_space<hbm>> -> memref<80xi32, #tpu.memory_space<hbm>>
        %dma_start3A_633 = arith.constant 0 : i32
        %dma_start3A_634 = tpu.memref_slice %arg6[%dma_start3A_627, %dma_start3A_628, %dma_start3A_633] : memref<8x1x80xi32, #tpu.memory_space<vmem>> -> memref<1x1x80xi32, #tpu.memory_space<vmem>>
        %dma_start3A_635 = tpu.memref_squeeze %dma_start3A_634 : memref<1x1x80xi32, #tpu.memory_space<vmem>> -> memref<80xi32, #tpu.memory_space<vmem>>
        %dma_start3A_636 = tpu.memref_slice %arg3[%add3A_626] : memref<327680xi32, #tpu.memory_space<hbm>> -> memref<80xi32, #tpu.memory_space<hbm>>
        tpu.enqueue_dma source(%dma_start3A_636 : memref<80xi32, #tpu.memory_space<hbm>>) target(%dma_start3A_635 : memref<80xi32, #tpu.memory_space<vmem>>) target_semaphore(%arg15 : memref<!tpu.dma_semaphore, #tpu.memory_space<semaphore_mem>>)
        %dma_start3A_637 = arith.constant 0 : i32
        %dma_start3A_638 = arith.constant 0 : i32
        %dma_start3A_639 = arith.constant 0 : i32
        %dma_start3A_640 = tpu.memref_slice %arg7[%dma_start3A_637, %dma_start3A_638, %dma_start3A_639] : memref<8x1x80xi32, #tpu.memory_space<vmem>> -> memref<1x1x80xi32, #tpu.memory_space<vmem>>
        %dma_start3A_641 = tpu.memref_squeeze %dma_start3A_640 : memref<1x1x80xi32, #tpu.memory_space<vmem>> -> memref<80xi32, #tpu.memory_space<vmem>>
        %dma_start3A_642 = tpu.memref_slice %arg4[%add3A_626] : memref<327680xi32, #tpu.memory_space<hbm>> -> memref<80xi32, #tpu.memory_space<hbm>>
        %dma_start3A_643 = arith.constant 0 : i32
        %dma_start3A_644 = tpu.memref_slice %arg7[%dma_start3A_637, %dma_start3A_638, %dma_start3A_643] : memref<8x1x80xi32, #tpu.memory_space<vmem>> -> memref<1x1x80xi32, #tpu.memory_space<vmem>>
        %dma_start3A_645 = tpu.memref_squeeze %dma_start3A_644 : memref<1x1x80xi32, #tpu.memory_space<vmem>> -> memref<80xi32, #tpu.memory_space<vmem>>
        %dma_start3A_646 = tpu.memref_slice %arg4[%add3A_626] : memref<327680xi32, #tpu.memory_space<hbm>> -> memref<80xi32, #tpu.memory_space<hbm>>
        tpu.enqueue_dma source(%dma_start3A_646 : memref<80xi32, #tpu.memory_space<hbm>>) target(%dma_start3A_645 : memref<80xi32, #tpu.memory_space<vmem>>) target_semaphore(%arg15 : memref<!tpu.dma_semaphore, #tpu.memory_space<semaphore_mem>>)
      } else {
      }
      %mul3A_442 = arith.constant 8 : i32
      %mul3A_443 = arith.muli %while3A_265, %mul3A_442 : i32
      %add3A_444 = arith.constant 4 : i32
      %add3A_445 = arith.addi %mul3A_443, %add3A_444 : i32
      %add3A_446 = arith.constant 0 : i32
      %add3A_447 = arith.addi %add3A_445, %add3A_446 : i32
      %ge3A_448 = arith.constant 1 : i32
      %ge3A_449 = arith.cmpi sge, %add3A_447, %ge3A_448 : i32
      %convert_element_type3A_450 = arith.extui %ge3A_449 : i1 to i32
      %cond3A_451 = arith.constant 0 : i32
      %cond3A_452 = arith.cmpi ne, %convert_element_type3A_450, %cond3A_451 : i32
      scf.if %cond3A_452 {
        %add3A_622 = arith.constant -1 : i32
        %add3A_623 = arith.addi %add3A_445, %add3A_622 : i32
        %dma_wait3A_624 = arith.constant 3 : i32
        %dma_wait3A_625 = arith.constant 0 : i32
        %dma_wait3A_626 = arith.constant 0 : i32
        %dma_wait3A_627 = tpu.memref_slice %arg7[%dma_wait3A_624, %dma_wait3A_625, %dma_wait3A_626] : memref<8x1x80xi32, #tpu.memory_space<vmem>> -> memref<1x1x80xi32, #tpu.memory_space<vmem>>
        %dma_wait3A_628 = tpu.memref_squeeze %dma_wait3A_627 : memref<1x1x80xi32, #tpu.memory_space<vmem>> -> memref<80xi32, #tpu.memory_space<vmem>>
        %dma_wait3A_629 = arith.constant 0 : i32
        %dma_wait3A_630 = arith.constant 0 : i32
        %dma_wait3A_631 = tpu.memref_slice %arg12[%dma_wait3A_629, %dma_wait3A_630] : memref<10240x128xf32, #tpu.memory_space<vmem_shared>> -> memref<10240x128xf32, #tpu.memory_space<vmem_shared>>
        tpu.wait_indirect_dma semaphore(%arg14 : memref<!tpu.dma_semaphore, #tpu.memory_space<semaphore_mem>>) src(%arg11 : memref<80x128xf32, #tpu.memory_space<vmem>>) dst(%dma_wait3A_631 : memref<10240x128xf32, #tpu.memory_space<vmem_shared>>)
      } else {
      }
      %add3A_453 = arith.constant 3 : i32
      %add3A_454 = arith.addi %add3A_445, %add3A_453 : i32
      %lt3A_455 = arith.constant 128 : i32
      %lt3A_456 = arith.cmpi slt, %add3A_454, %lt3A_455 : i32
      %convert_element_type3A_457 = arith.extui %lt3A_456 : i1 to i32
      %cond3A_458 = arith.constant 0 : i32
      %cond3A_459 = arith.cmpi ne, %convert_element_type3A_457, %cond3A_458 : i32
      scf.if %cond3A_459 {
        %add3A_622 = arith.constant 3 : i32
        %add3A_623 = arith.addi %add3A_445, %add3A_622 : i32
        %mul3A_624 = arith.constant 80 : i32
        %mul3A_625 = arith.muli %add3A_623, %mul3A_624 : i32
        %add3A_626 = arith.addi %mul3A_2, %mul3A_625 : i32
        %dma_wait3A_627 = arith.constant 7 : i32
        %dma_wait3A_628 = arith.constant 0 : i32
        %dma_wait3A_629 = arith.constant 0 : i32
        %dma_wait3A_630 = tpu.memref_slice %arg6[%dma_wait3A_627, %dma_wait3A_628, %dma_wait3A_629] : memref<8x1x80xi32, #tpu.memory_space<vmem>> -> memref<1x1x80xi32, #tpu.memory_space<vmem>>
        %dma_wait3A_631 = tpu.memref_squeeze %dma_wait3A_630 : memref<1x1x80xi32, #tpu.memory_space<vmem>> -> memref<80xi32, #tpu.memory_space<vmem>>
        %dma_wait3A_632 = tpu.memref_slice %arg3[%add3A_626] : memref<327680xi32, #tpu.memory_space<hbm>> -> memref<80xi32, #tpu.memory_space<hbm>>
        %dma_wait3A_633 = arith.constant 0 : i32
        %dma_wait3A_634 = tpu.memref_slice %arg6[%dma_wait3A_627, %dma_wait3A_628, %dma_wait3A_633] : memref<8x1x80xi32, #tpu.memory_space<vmem>> -> memref<1x1x80xi32, #tpu.memory_space<vmem>>
        %dma_wait3A_635 = tpu.memref_squeeze %dma_wait3A_634 : memref<1x1x80xi32, #tpu.memory_space<vmem>> -> memref<80xi32, #tpu.memory_space<vmem>>
        %dma_wait3A_636 = tpu.memref_slice %arg3[%add3A_626] : memref<327680xi32, #tpu.memory_space<hbm>> -> memref<80xi32, #tpu.memory_space<hbm>>
        tpu.wait_dma2 semaphore(%arg15 : memref<!tpu.dma_semaphore, #tpu.memory_space<semaphore_mem>>) src(%dma_wait3A_636 : memref<80xi32, #tpu.memory_space<hbm>>) dst(%dma_wait3A_635 : memref<80xi32, #tpu.memory_space<vmem>>)
        %dma_wait3A_637 = arith.constant 7 : i32
        %dma_wait3A_638 = arith.constant 0 : i32
        %dma_wait3A_639 = arith.constant 0 : i32
        %dma_wait3A_640 = tpu.memref_slice %arg7[%dma_wait3A_637, %dma_wait3A_638, %dma_wait3A_639] : memref<8x1x80xi32, #tpu.memory_space<vmem>> -> memref<1x1x80xi32, #tpu.memory_space<vmem>>
        %dma_wait3A_641 = tpu.memref_squeeze %dma_wait3A_640 : memref<1x1x80xi32, #tpu.memory_space<vmem>> -> memref<80xi32, #tpu.memory_space<vmem>>
        %dma_wait3A_642 = tpu.memref_slice %arg4[%add3A_626] : memref<327680xi32, #tpu.memory_space<hbm>> -> memref<80xi32, #tpu.memory_space<hbm>>
        %dma_wait3A_643 = arith.constant 0 : i32
        %dma_wait3A_644 = tpu.memref_slice %arg7[%dma_wait3A_637, %dma_wait3A_638, %dma_wait3A_643] : memref<8x1x80xi32, #tpu.memory_space<vmem>> -> memref<1x1x80xi32, #tpu.memory_space<vmem>>
        %dma_wait3A_645 = tpu.memref_squeeze %dma_wait3A_644 : memref<1x1x80xi32, #tpu.memory_space<vmem>> -> memref<80xi32, #tpu.memory_space<vmem>>
        %dma_wait3A_646 = tpu.memref_slice %arg4[%add3A_626] : memref<327680xi32, #tpu.memory_space<hbm>> -> memref<80xi32, #tpu.memory_space<hbm>>
        tpu.wait_dma2 semaphore(%arg15 : memref<!tpu.dma_semaphore, #tpu.memory_space<semaphore_mem>>) src(%dma_wait3A_646 : memref<80xi32, #tpu.memory_space<hbm>>) dst(%dma_wait3A_645 : memref<80xi32, #tpu.memory_space<vmem>>)
        %add3A_647 = arith.constant 3 : i32
        %add3A_648 = arith.addi %add3A_445, %add3A_647 : i32
        %dma_start3A_649 = arith.constant 7 : i32
        %dma_start3A_650 = arith.constant 0 : i32
        %dma_start3A_651 = arith.constant 0 : i32
        %dma_start3A_652 = tpu.memref_slice %arg6[%dma_start3A_649, %dma_start3A_650, %dma_start3A_651] : memref<8x1x80xi32, #tpu.memory_space<vmem>> -> memref<1x1x80xi32, #tpu.memory_space<vmem>>
        %dma_start3A_653 = tpu.memref_squeeze %dma_start3A_652 : memref<1x1x80xi32, #tpu.memory_space<vmem>> -> memref<80xi32, #tpu.memory_space<vmem>>
        %dma_start3A_654 = arith.constant 0 : i32
        %dma_start3A_655 = arith.constant 0 : i32
        %dma_start3A_656 = tpu.memref_slice %arg2[%dma_start3A_654, %dma_start3A_655] : memref<50000x128xf32, #tpu.memory_space<hbm>> -> memref<50000x128xf32, #tpu.memory_space<hbm>>
        tpu.enqueue_indirect_dma source(%dma_start3A_656 : memref<50000x128xf32, #tpu.memory_space<hbm>>) target(%arg11 : memref<80x128xf32, #tpu.memory_space<vmem>>) offsets(%dma_start3A_653 : memref<80xi32, #tpu.memory_space<vmem>>) semaphore(%arg13 : memref<!tpu.dma_semaphore, #tpu.memory_space<semaphore_mem>>)
      } else {
      }
      %add3A_460 = arith.constant 0 : i32
      %add3A_461 = arith.addi %add3A_445, %add3A_460 : i32
      %dma_wait3A_462 = arith.constant 4 : i32
      %dma_wait3A_463 = arith.constant 0 : i32
      %dma_wait3A_464 = arith.constant 0 : i32
      %dma_wait3A_465 = tpu.memref_slice %arg6[%dma_wait3A_462, %dma_wait3A_463, %dma_wait3A_464] : memref<8x1x80xi32, #tpu.memory_space<vmem>> -> memref<1x1x80xi32, #tpu.memory_space<vmem>>
      %dma_wait3A_466 = tpu.memref_squeeze %dma_wait3A_465 : memref<1x1x80xi32, #tpu.memory_space<vmem>> -> memref<80xi32, #tpu.memory_space<vmem>>
      %dma_wait3A_467 = arith.constant 0 : i32
      %dma_wait3A_468 = arith.constant 0 : i32
      %dma_wait3A_469 = tpu.memref_slice %arg2[%dma_wait3A_467, %dma_wait3A_468] : memref<50000x128xf32, #tpu.memory_space<hbm>> -> memref<50000x128xf32, #tpu.memory_space<hbm>>
      tpu.wait_indirect_dma semaphore(%arg13 : memref<!tpu.dma_semaphore, #tpu.memory_space<semaphore_mem>>) src(%dma_wait3A_469 : memref<50000x128xf32, #tpu.memory_space<hbm>>) dst(%arg8 : memref<80x128xf32, #tpu.memory_space<vmem>>)
      %add3A_470 = arith.constant 0 : i32
      %add3A_471 = arith.addi %add3A_445, %add3A_470 : i32
      %dma_start3A_472 = arith.constant 4 : i32
      %dma_start3A_473 = arith.constant 0 : i32
      %dma_start3A_474 = arith.constant 0 : i32
      %dma_start3A_475 = tpu.memref_slice %arg7[%dma_start3A_472, %dma_start3A_473, %dma_start3A_474] : memref<8x1x80xi32, #tpu.memory_space<vmem>> -> memref<1x1x80xi32, #tpu.memory_space<vmem>>
      %dma_start3A_476 = tpu.memref_squeeze %dma_start3A_475 : memref<1x1x80xi32, #tpu.memory_space<vmem>> -> memref<80xi32, #tpu.memory_space<vmem>>
      %dma_start3A_477 = arith.constant 0 : i32
      %dma_start3A_478 = arith.constant 0 : i32
      %dma_start3A_479 = tpu.memref_slice %arg12[%dma_start3A_477, %dma_start3A_478] : memref<10240x128xf32, #tpu.memory_space<vmem_shared>> -> memref<10240x128xf32, #tpu.memory_space<vmem_shared>>
      tpu.enqueue_indirect_dma source(%arg8 : memref<80x128xf32, #tpu.memory_space<vmem>>) target(%dma_start3A_479 : memref<10240x128xf32, #tpu.memory_space<vmem_shared>>) offsets(%dma_start3A_476 : memref<80xi32, #tpu.memory_space<vmem>>) semaphore(%arg14 : memref<!tpu.dma_semaphore, #tpu.memory_space<semaphore_mem>>) {add = true}
      %add3A_480 = arith.constant 5 : i32
      %add3A_481 = arith.addi %add3A_445, %add3A_480 : i32
      %lt3A_482 = arith.constant 128 : i32
      %lt3A_483 = arith.cmpi slt, %add3A_481, %lt3A_482 : i32
      %convert_element_type3A_484 = arith.extui %lt3A_483 : i1 to i32
      %cond3A_485 = arith.constant 0 : i32
      %cond3A_486 = arith.cmpi ne, %convert_element_type3A_484, %cond3A_485 : i32
      scf.if %cond3A_486 {
        %add3A_622 = arith.constant 5 : i32
        %add3A_623 = arith.addi %add3A_445, %add3A_622 : i32
        %mul3A_624 = arith.constant 80 : i32
        %mul3A_625 = arith.muli %add3A_623, %mul3A_624 : i32
        %add3A_626 = arith.addi %mul3A_2, %mul3A_625 : i32
        %dma_start3A_627 = arith.constant 1 : i32
        %dma_start3A_628 = arith.constant 0 : i32
        %dma_start3A_629 = arith.constant 0 : i32
        %dma_start3A_630 = tpu.memref_slice %arg6[%dma_start3A_627, %dma_start3A_628, %dma_start3A_629] : memref<8x1x80xi32, #tpu.memory_space<vmem>> -> memref<1x1x80xi32, #tpu.memory_space<vmem>>
        %dma_start3A_631 = tpu.memref_squeeze %dma_start3A_630 : memref<1x1x80xi32, #tpu.memory_space<vmem>> -> memref<80xi32, #tpu.memory_space<vmem>>
        %dma_start3A_632 = tpu.memref_slice %arg3[%add3A_626] : memref<327680xi32, #tpu.memory_space<hbm>> -> memref<80xi32, #tpu.memory_space<hbm>>
        %dma_start3A_633 = arith.constant 0 : i32
        %dma_start3A_634 = tpu.memref_slice %arg6[%dma_start3A_627, %dma_start3A_628, %dma_start3A_633] : memref<8x1x80xi32, #tpu.memory_space<vmem>> -> memref<1x1x80xi32, #tpu.memory_space<vmem>>
        %dma_start3A_635 = tpu.memref_squeeze %dma_start3A_634 : memref<1x1x80xi32, #tpu.memory_space<vmem>> -> memref<80xi32, #tpu.memory_space<vmem>>
        %dma_start3A_636 = tpu.memref_slice %arg3[%add3A_626] : memref<327680xi32, #tpu.memory_space<hbm>> -> memref<80xi32, #tpu.memory_space<hbm>>
        tpu.enqueue_dma source(%dma_start3A_636 : memref<80xi32, #tpu.memory_space<hbm>>) target(%dma_start3A_635 : memref<80xi32, #tpu.memory_space<vmem>>) target_semaphore(%arg15 : memref<!tpu.dma_semaphore, #tpu.memory_space<semaphore_mem>>)
        %dma_start3A_637 = arith.constant 1 : i32
        %dma_start3A_638 = arith.constant 0 : i32
        %dma_start3A_639 = arith.constant 0 : i32
        %dma_start3A_640 = tpu.memref_slice %arg7[%dma_start3A_637, %dma_start3A_638, %dma_start3A_639] : memref<8x1x80xi32, #tpu.memory_space<vmem>> -> memref<1x1x80xi32, #tpu.memory_space<vmem>>
        %dma_start3A_641 = tpu.memref_squeeze %dma_start3A_640 : memref<1x1x80xi32, #tpu.memory_space<vmem>> -> memref<80xi32, #tpu.memory_space<vmem>>
        %dma_start3A_642 = tpu.memref_slice %arg4[%add3A_626] : memref<327680xi32, #tpu.memory_space<hbm>> -> memref<80xi32, #tpu.memory_space<hbm>>
        %dma_start3A_643 = arith.constant 0 : i32
        %dma_start3A_644 = tpu.memref_slice %arg7[%dma_start3A_637, %dma_start3A_638, %dma_start3A_643] : memref<8x1x80xi32, #tpu.memory_space<vmem>> -> memref<1x1x80xi32, #tpu.memory_space<vmem>>
        %dma_start3A_645 = tpu.memref_squeeze %dma_start3A_644 : memref<1x1x80xi32, #tpu.memory_space<vmem>> -> memref<80xi32, #tpu.memory_space<vmem>>
        %dma_start3A_646 = tpu.memref_slice %arg4[%add3A_626] : memref<327680xi32, #tpu.memory_space<hbm>> -> memref<80xi32, #tpu.memory_space<hbm>>
        tpu.enqueue_dma source(%dma_start3A_646 : memref<80xi32, #tpu.memory_space<hbm>>) target(%dma_start3A_645 : memref<80xi32, #tpu.memory_space<vmem>>) target_semaphore(%arg15 : memref<!tpu.dma_semaphore, #tpu.memory_space<semaphore_mem>>)
      } else {
      }
      %mul3A_487 = arith.constant 8 : i32
      %mul3A_488 = arith.muli %while3A_265, %mul3A_487 : i32
      %add3A_489 = arith.constant 5 : i32
      %add3A_490 = arith.addi %mul3A_488, %add3A_489 : i32
      %add3A_491 = arith.constant 0 : i32
      %add3A_492 = arith.addi %add3A_490, %add3A_491 : i32
      %ge3A_493 = arith.constant 1 : i32
      %ge3A_494 = arith.cmpi sge, %add3A_492, %ge3A_493 : i32
      %convert_element_type3A_495 = arith.extui %ge3A_494 : i1 to i32
      %cond3A_496 = arith.constant 0 : i32
      %cond3A_497 = arith.cmpi ne, %convert_element_type3A_495, %cond3A_496 : i32
      scf.if %cond3A_497 {
        %add3A_622 = arith.constant -1 : i32
        %add3A_623 = arith.addi %add3A_490, %add3A_622 : i32
        %dma_wait3A_624 = arith.constant 4 : i32
        %dma_wait3A_625 = arith.constant 0 : i32
        %dma_wait3A_626 = arith.constant 0 : i32
        %dma_wait3A_627 = tpu.memref_slice %arg7[%dma_wait3A_624, %dma_wait3A_625, %dma_wait3A_626] : memref<8x1x80xi32, #tpu.memory_space<vmem>> -> memref<1x1x80xi32, #tpu.memory_space<vmem>>
        %dma_wait3A_628 = tpu.memref_squeeze %dma_wait3A_627 : memref<1x1x80xi32, #tpu.memory_space<vmem>> -> memref<80xi32, #tpu.memory_space<vmem>>
        %dma_wait3A_629 = arith.constant 0 : i32
        %dma_wait3A_630 = arith.constant 0 : i32
        %dma_wait3A_631 = tpu.memref_slice %arg12[%dma_wait3A_629, %dma_wait3A_630] : memref<10240x128xf32, #tpu.memory_space<vmem_shared>> -> memref<10240x128xf32, #tpu.memory_space<vmem_shared>>
        tpu.wait_indirect_dma semaphore(%arg14 : memref<!tpu.dma_semaphore, #tpu.memory_space<semaphore_mem>>) src(%arg8 : memref<80x128xf32, #tpu.memory_space<vmem>>) dst(%dma_wait3A_631 : memref<10240x128xf32, #tpu.memory_space<vmem_shared>>)
      } else {
      }
      %add3A_498 = arith.constant 3 : i32
      %add3A_499 = arith.addi %add3A_490, %add3A_498 : i32
      %lt3A_500 = arith.constant 128 : i32
      %lt3A_501 = arith.cmpi slt, %add3A_499, %lt3A_500 : i32
      %convert_element_type3A_502 = arith.extui %lt3A_501 : i1 to i32
      %cond3A_503 = arith.constant 0 : i32
      %cond3A_504 = arith.cmpi ne, %convert_element_type3A_502, %cond3A_503 : i32
      scf.if %cond3A_504 {
        %add3A_622 = arith.constant 3 : i32
        %add3A_623 = arith.addi %add3A_490, %add3A_622 : i32
        %mul3A_624 = arith.constant 80 : i32
        %mul3A_625 = arith.muli %add3A_623, %mul3A_624 : i32
        %add3A_626 = arith.addi %mul3A_2, %mul3A_625 : i32
        %dma_wait3A_627 = arith.constant 0 : i32
        %dma_wait3A_628 = arith.constant 0 : i32
        %dma_wait3A_629 = arith.constant 0 : i32
        %dma_wait3A_630 = tpu.memref_slice %arg6[%dma_wait3A_627, %dma_wait3A_628, %dma_wait3A_629] : memref<8x1x80xi32, #tpu.memory_space<vmem>> -> memref<1x1x80xi32, #tpu.memory_space<vmem>>
        %dma_wait3A_631 = tpu.memref_squeeze %dma_wait3A_630 : memref<1x1x80xi32, #tpu.memory_space<vmem>> -> memref<80xi32, #tpu.memory_space<vmem>>
        %dma_wait3A_632 = tpu.memref_slice %arg3[%add3A_626] : memref<327680xi32, #tpu.memory_space<hbm>> -> memref<80xi32, #tpu.memory_space<hbm>>
        %dma_wait3A_633 = arith.constant 0 : i32
        %dma_wait3A_634 = tpu.memref_slice %arg6[%dma_wait3A_627, %dma_wait3A_628, %dma_wait3A_633] : memref<8x1x80xi32, #tpu.memory_space<vmem>> -> memref<1x1x80xi32, #tpu.memory_space<vmem>>
        %dma_wait3A_635 = tpu.memref_squeeze %dma_wait3A_634 : memref<1x1x80xi32, #tpu.memory_space<vmem>> -> memref<80xi32, #tpu.memory_space<vmem>>
        %dma_wait3A_636 = tpu.memref_slice %arg3[%add3A_626] : memref<327680xi32, #tpu.memory_space<hbm>> -> memref<80xi32, #tpu.memory_space<hbm>>
        tpu.wait_dma2 semaphore(%arg15 : memref<!tpu.dma_semaphore, #tpu.memory_space<semaphore_mem>>) src(%dma_wait3A_636 : memref<80xi32, #tpu.memory_space<hbm>>) dst(%dma_wait3A_635 : memref<80xi32, #tpu.memory_space<vmem>>)
        %dma_wait3A_637 = arith.constant 0 : i32
        %dma_wait3A_638 = arith.constant 0 : i32
        %dma_wait3A_639 = arith.constant 0 : i32
        %dma_wait3A_640 = tpu.memref_slice %arg7[%dma_wait3A_637, %dma_wait3A_638, %dma_wait3A_639] : memref<8x1x80xi32, #tpu.memory_space<vmem>> -> memref<1x1x80xi32, #tpu.memory_space<vmem>>
        %dma_wait3A_641 = tpu.memref_squeeze %dma_wait3A_640 : memref<1x1x80xi32, #tpu.memory_space<vmem>> -> memref<80xi32, #tpu.memory_space<vmem>>
        %dma_wait3A_642 = tpu.memref_slice %arg4[%add3A_626] : memref<327680xi32, #tpu.memory_space<hbm>> -> memref<80xi32, #tpu.memory_space<hbm>>
        %dma_wait3A_643 = arith.constant 0 : i32
        %dma_wait3A_644 = tpu.memref_slice %arg7[%dma_wait3A_637, %dma_wait3A_638, %dma_wait3A_643] : memref<8x1x80xi32, #tpu.memory_space<vmem>> -> memref<1x1x80xi32, #tpu.memory_space<vmem>>
        %dma_wait3A_645 = tpu.memref_squeeze %dma_wait3A_644 : memref<1x1x80xi32, #tpu.memory_space<vmem>> -> memref<80xi32, #tpu.memory_space<vmem>>
        %dma_wait3A_646 = tpu.memref_slice %arg4[%add3A_626] : memref<327680xi32, #tpu.memory_space<hbm>> -> memref<80xi32, #tpu.memory_space<hbm>>
        tpu.wait_dma2 semaphore(%arg15 : memref<!tpu.dma_semaphore, #tpu.memory_space<semaphore_mem>>) src(%dma_wait3A_646 : memref<80xi32, #tpu.memory_space<hbm>>) dst(%dma_wait3A_645 : memref<80xi32, #tpu.memory_space<vmem>>)
        %add3A_647 = arith.constant 3 : i32
        %add3A_648 = arith.addi %add3A_490, %add3A_647 : i32
        %dma_start3A_649 = arith.constant 0 : i32
        %dma_start3A_650 = arith.constant 0 : i32
        %dma_start3A_651 = arith.constant 0 : i32
        %dma_start3A_652 = tpu.memref_slice %arg6[%dma_start3A_649, %dma_start3A_650, %dma_start3A_651] : memref<8x1x80xi32, #tpu.memory_space<vmem>> -> memref<1x1x80xi32, #tpu.memory_space<vmem>>
        %dma_start3A_653 = tpu.memref_squeeze %dma_start3A_652 : memref<1x1x80xi32, #tpu.memory_space<vmem>> -> memref<80xi32, #tpu.memory_space<vmem>>
        %dma_start3A_654 = arith.constant 0 : i32
        %dma_start3A_655 = arith.constant 0 : i32
        %dma_start3A_656 = tpu.memref_slice %arg2[%dma_start3A_654, %dma_start3A_655] : memref<50000x128xf32, #tpu.memory_space<hbm>> -> memref<50000x128xf32, #tpu.memory_space<hbm>>
        tpu.enqueue_indirect_dma source(%dma_start3A_656 : memref<50000x128xf32, #tpu.memory_space<hbm>>) target(%arg8 : memref<80x128xf32, #tpu.memory_space<vmem>>) offsets(%dma_start3A_653 : memref<80xi32, #tpu.memory_space<vmem>>) semaphore(%arg13 : memref<!tpu.dma_semaphore, #tpu.memory_space<semaphore_mem>>)
      } else {
      }
      %add3A_505 = arith.constant 0 : i32
      %add3A_506 = arith.addi %add3A_490, %add3A_505 : i32
      %dma_wait3A_507 = arith.constant 5 : i32
      %dma_wait3A_508 = arith.constant 0 : i32
      %dma_wait3A_509 = arith.constant 0 : i32
      %dma_wait3A_510 = tpu.memref_slice %arg6[%dma_wait3A_507, %dma_wait3A_508, %dma_wait3A_509] : memref<8x1x80xi32, #tpu.memory_space<vmem>> -> memref<1x1x80xi32, #tpu.memory_space<vmem>>
      %dma_wait3A_511 = tpu.memref_squeeze %dma_wait3A_510 : memref<1x1x80xi32, #tpu.memory_space<vmem>> -> memref<80xi32, #tpu.memory_space<vmem>>
      %dma_wait3A_512 = arith.constant 0 : i32
      %dma_wait3A_513 = arith.constant 0 : i32
      %dma_wait3A_514 = tpu.memref_slice %arg2[%dma_wait3A_512, %dma_wait3A_513] : memref<50000x128xf32, #tpu.memory_space<hbm>> -> memref<50000x128xf32, #tpu.memory_space<hbm>>
      tpu.wait_indirect_dma semaphore(%arg13 : memref<!tpu.dma_semaphore, #tpu.memory_space<semaphore_mem>>) src(%dma_wait3A_514 : memref<50000x128xf32, #tpu.memory_space<hbm>>) dst(%arg9 : memref<80x128xf32, #tpu.memory_space<vmem>>)
      %add3A_515 = arith.constant 0 : i32
      %add3A_516 = arith.addi %add3A_490, %add3A_515 : i32
      %dma_start3A_517 = arith.constant 5 : i32
      %dma_start3A_518 = arith.constant 0 : i32
      %dma_start3A_519 = arith.constant 0 : i32
      %dma_start3A_520 = tpu.memref_slice %arg7[%dma_start3A_517, %dma_start3A_518, %dma_start3A_519] : memref<8x1x80xi32, #tpu.memory_space<vmem>> -> memref<1x1x80xi32, #tpu.memory_space<vmem>>
      %dma_start3A_521 = tpu.memref_squeeze %dma_start3A_520 : memref<1x1x80xi32, #tpu.memory_space<vmem>> -> memref<80xi32, #tpu.memory_space<vmem>>
      %dma_start3A_522 = arith.constant 0 : i32
      %dma_start3A_523 = arith.constant 0 : i32
      %dma_start3A_524 = tpu.memref_slice %arg12[%dma_start3A_522, %dma_start3A_523] : memref<10240x128xf32, #tpu.memory_space<vmem_shared>> -> memref<10240x128xf32, #tpu.memory_space<vmem_shared>>
      tpu.enqueue_indirect_dma source(%arg9 : memref<80x128xf32, #tpu.memory_space<vmem>>) target(%dma_start3A_524 : memref<10240x128xf32, #tpu.memory_space<vmem_shared>>) offsets(%dma_start3A_521 : memref<80xi32, #tpu.memory_space<vmem>>) semaphore(%arg14 : memref<!tpu.dma_semaphore, #tpu.memory_space<semaphore_mem>>) {add = true}
      %add3A_525 = arith.constant 5 : i32
      %add3A_526 = arith.addi %add3A_490, %add3A_525 : i32
      %lt3A_527 = arith.constant 128 : i32
      %lt3A_528 = arith.cmpi slt, %add3A_526, %lt3A_527 : i32
      %convert_element_type3A_529 = arith.extui %lt3A_528 : i1 to i32
      %cond3A_530 = arith.constant 0 : i32
      %cond3A_531 = arith.cmpi ne, %convert_element_type3A_529, %cond3A_530 : i32
      scf.if %cond3A_531 {
        %add3A_622 = arith.constant 5 : i32
        %add3A_623 = arith.addi %add3A_490, %add3A_622 : i32
        %mul3A_624 = arith.constant 80 : i32
        %mul3A_625 = arith.muli %add3A_623, %mul3A_624 : i32
        %add3A_626 = arith.addi %mul3A_2, %mul3A_625 : i32
        %dma_start3A_627 = arith.constant 2 : i32
        %dma_start3A_628 = arith.constant 0 : i32
        %dma_start3A_629 = arith.constant 0 : i32
        %dma_start3A_630 = tpu.memref_slice %arg6[%dma_start3A_627, %dma_start3A_628, %dma_start3A_629] : memref<8x1x80xi32, #tpu.memory_space<vmem>> -> memref<1x1x80xi32, #tpu.memory_space<vmem>>
        %dma_start3A_631 = tpu.memref_squeeze %dma_start3A_630 : memref<1x1x80xi32, #tpu.memory_space<vmem>> -> memref<80xi32, #tpu.memory_space<vmem>>
        %dma_start3A_632 = tpu.memref_slice %arg3[%add3A_626] : memref<327680xi32, #tpu.memory_space<hbm>> -> memref<80xi32, #tpu.memory_space<hbm>>
        %dma_start3A_633 = arith.constant 0 : i32
        %dma_start3A_634 = tpu.memref_slice %arg6[%dma_start3A_627, %dma_start3A_628, %dma_start3A_633] : memref<8x1x80xi32, #tpu.memory_space<vmem>> -> memref<1x1x80xi32, #tpu.memory_space<vmem>>
        %dma_start3A_635 = tpu.memref_squeeze %dma_start3A_634 : memref<1x1x80xi32, #tpu.memory_space<vmem>> -> memref<80xi32, #tpu.memory_space<vmem>>
        %dma_start3A_636 = tpu.memref_slice %arg3[%add3A_626] : memref<327680xi32, #tpu.memory_space<hbm>> -> memref<80xi32, #tpu.memory_space<hbm>>
        tpu.enqueue_dma source(%dma_start3A_636 : memref<80xi32, #tpu.memory_space<hbm>>) target(%dma_start3A_635 : memref<80xi32, #tpu.memory_space<vmem>>) target_semaphore(%arg15 : memref<!tpu.dma_semaphore, #tpu.memory_space<semaphore_mem>>)
        %dma_start3A_637 = arith.constant 2 : i32
        %dma_start3A_638 = arith.constant 0 : i32
        %dma_start3A_639 = arith.constant 0 : i32
        %dma_start3A_640 = tpu.memref_slice %arg7[%dma_start3A_637, %dma_start3A_638, %dma_start3A_639] : memref<8x1x80xi32, #tpu.memory_space<vmem>> -> memref<1x1x80xi32, #tpu.memory_space<vmem>>
        %dma_start3A_641 = tpu.memref_squeeze %dma_start3A_640 : memref<1x1x80xi32, #tpu.memory_space<vmem>> -> memref<80xi32, #tpu.memory_space<vmem>>
        %dma_start3A_642 = tpu.memref_slice %arg4[%add3A_626] : memref<327680xi32, #tpu.memory_space<hbm>> -> memref<80xi32, #tpu.memory_space<hbm>>
        %dma_start3A_643 = arith.constant 0 : i32
        %dma_start3A_644 = tpu.memref_slice %arg7[%dma_start3A_637, %dma_start3A_638, %dma_start3A_643] : memref<8x1x80xi32, #tpu.memory_space<vmem>> -> memref<1x1x80xi32, #tpu.memory_space<vmem>>
        %dma_start3A_645 = tpu.memref_squeeze %dma_start3A_644 : memref<1x1x80xi32, #tpu.memory_space<vmem>> -> memref<80xi32, #tpu.memory_space<vmem>>
        %dma_start3A_646 = tpu.memref_slice %arg4[%add3A_626] : memref<327680xi32, #tpu.memory_space<hbm>> -> memref<80xi32, #tpu.memory_space<hbm>>
        tpu.enqueue_dma source(%dma_start3A_646 : memref<80xi32, #tpu.memory_space<hbm>>) target(%dma_start3A_645 : memref<80xi32, #tpu.memory_space<vmem>>) target_semaphore(%arg15 : memref<!tpu.dma_semaphore, #tpu.memory_space<semaphore_mem>>)
      } else {
      }
      %mul3A_532 = arith.constant 8 : i32
      %mul3A_533 = arith.muli %while3A_265, %mul3A_532 : i32
      %add3A_534 = arith.constant 6 : i32
      %add3A_535 = arith.addi %mul3A_533, %add3A_534 : i32
      %add3A_536 = arith.constant 0 : i32
      %add3A_537 = arith.addi %add3A_535, %add3A_536 : i32
      %ge3A_538 = arith.constant 1 : i32
      %ge3A_539 = arith.cmpi sge, %add3A_537, %ge3A_538 : i32
      %convert_element_type3A_540 = arith.extui %ge3A_539 : i1 to i32
      %cond3A_541 = arith.constant 0 : i32
      %cond3A_542 = arith.cmpi ne, %convert_element_type3A_540, %cond3A_541 : i32
      scf.if %cond3A_542 {
        %add3A_622 = arith.constant -1 : i32
        %add3A_623 = arith.addi %add3A_535, %add3A_622 : i32
        %dma_wait3A_624 = arith.constant 5 : i32
        %dma_wait3A_625 = arith.constant 0 : i32
        %dma_wait3A_626 = arith.constant 0 : i32
        %dma_wait3A_627 = tpu.memref_slice %arg7[%dma_wait3A_624, %dma_wait3A_625, %dma_wait3A_626] : memref<8x1x80xi32, #tpu.memory_space<vmem>> -> memref<1x1x80xi32, #tpu.memory_space<vmem>>
        %dma_wait3A_628 = tpu.memref_squeeze %dma_wait3A_627 : memref<1x1x80xi32, #tpu.memory_space<vmem>> -> memref<80xi32, #tpu.memory_space<vmem>>
        %dma_wait3A_629 = arith.constant 0 : i32
        %dma_wait3A_630 = arith.constant 0 : i32
        %dma_wait3A_631 = tpu.memref_slice %arg12[%dma_wait3A_629, %dma_wait3A_630] : memref<10240x128xf32, #tpu.memory_space<vmem_shared>> -> memref<10240x128xf32, #tpu.memory_space<vmem_shared>>
        tpu.wait_indirect_dma semaphore(%arg14 : memref<!tpu.dma_semaphore, #tpu.memory_space<semaphore_mem>>) src(%arg9 : memref<80x128xf32, #tpu.memory_space<vmem>>) dst(%dma_wait3A_631 : memref<10240x128xf32, #tpu.memory_space<vmem_shared>>)
      } else {
      }
      %add3A_543 = arith.constant 3 : i32
      %add3A_544 = arith.addi %add3A_535, %add3A_543 : i32
      %lt3A_545 = arith.constant 128 : i32
      %lt3A_546 = arith.cmpi slt, %add3A_544, %lt3A_545 : i32
      %convert_element_type3A_547 = arith.extui %lt3A_546 : i1 to i32
      %cond3A_548 = arith.constant 0 : i32
      %cond3A_549 = arith.cmpi ne, %convert_element_type3A_547, %cond3A_548 : i32
      scf.if %cond3A_549 {
        %add3A_622 = arith.constant 3 : i32
        %add3A_623 = arith.addi %add3A_535, %add3A_622 : i32
        %mul3A_624 = arith.constant 80 : i32
        %mul3A_625 = arith.muli %add3A_623, %mul3A_624 : i32
        %add3A_626 = arith.addi %mul3A_2, %mul3A_625 : i32
        %dma_wait3A_627 = arith.constant 1 : i32
        %dma_wait3A_628 = arith.constant 0 : i32
        %dma_wait3A_629 = arith.constant 0 : i32
        %dma_wait3A_630 = tpu.memref_slice %arg6[%dma_wait3A_627, %dma_wait3A_628, %dma_wait3A_629] : memref<8x1x80xi32, #tpu.memory_space<vmem>> -> memref<1x1x80xi32, #tpu.memory_space<vmem>>
        %dma_wait3A_631 = tpu.memref_squeeze %dma_wait3A_630 : memref<1x1x80xi32, #tpu.memory_space<vmem>> -> memref<80xi32, #tpu.memory_space<vmem>>
        %dma_wait3A_632 = tpu.memref_slice %arg3[%add3A_626] : memref<327680xi32, #tpu.memory_space<hbm>> -> memref<80xi32, #tpu.memory_space<hbm>>
        %dma_wait3A_633 = arith.constant 0 : i32
        %dma_wait3A_634 = tpu.memref_slice %arg6[%dma_wait3A_627, %dma_wait3A_628, %dma_wait3A_633] : memref<8x1x80xi32, #tpu.memory_space<vmem>> -> memref<1x1x80xi32, #tpu.memory_space<vmem>>
        %dma_wait3A_635 = tpu.memref_squeeze %dma_wait3A_634 : memref<1x1x80xi32, #tpu.memory_space<vmem>> -> memref<80xi32, #tpu.memory_space<vmem>>
        %dma_wait3A_636 = tpu.memref_slice %arg3[%add3A_626] : memref<327680xi32, #tpu.memory_space<hbm>> -> memref<80xi32, #tpu.memory_space<hbm>>
        tpu.wait_dma2 semaphore(%arg15 : memref<!tpu.dma_semaphore, #tpu.memory_space<semaphore_mem>>) src(%dma_wait3A_636 : memref<80xi32, #tpu.memory_space<hbm>>) dst(%dma_wait3A_635 : memref<80xi32, #tpu.memory_space<vmem>>)
        %dma_wait3A_637 = arith.constant 1 : i32
        %dma_wait3A_638 = arith.constant 0 : i32
        %dma_wait3A_639 = arith.constant 0 : i32
        %dma_wait3A_640 = tpu.memref_slice %arg7[%dma_wait3A_637, %dma_wait3A_638, %dma_wait3A_639] : memref<8x1x80xi32, #tpu.memory_space<vmem>> -> memref<1x1x80xi32, #tpu.memory_space<vmem>>
        %dma_wait3A_641 = tpu.memref_squeeze %dma_wait3A_640 : memref<1x1x80xi32, #tpu.memory_space<vmem>> -> memref<80xi32, #tpu.memory_space<vmem>>
        %dma_wait3A_642 = tpu.memref_slice %arg4[%add3A_626] : memref<327680xi32, #tpu.memory_space<hbm>> -> memref<80xi32, #tpu.memory_space<hbm>>
        %dma_wait3A_643 = arith.constant 0 : i32
        %dma_wait3A_644 = tpu.memref_slice %arg7[%dma_wait3A_637, %dma_wait3A_638, %dma_wait3A_643] : memref<8x1x80xi32, #tpu.memory_space<vmem>> -> memref<1x1x80xi32, #tpu.memory_space<vmem>>
        %dma_wait3A_645 = tpu.memref_squeeze %dma_wait3A_644 : memref<1x1x80xi32, #tpu.memory_space<vmem>> -> memref<80xi32, #tpu.memory_space<vmem>>
        %dma_wait3A_646 = tpu.memref_slice %arg4[%add3A_626] : memref<327680xi32, #tpu.memory_space<hbm>> -> memref<80xi32, #tpu.memory_space<hbm>>
        tpu.wait_dma2 semaphore(%arg15 : memref<!tpu.dma_semaphore, #tpu.memory_space<semaphore_mem>>) src(%dma_wait3A_646 : memref<80xi32, #tpu.memory_space<hbm>>) dst(%dma_wait3A_645 : memref<80xi32, #tpu.memory_space<vmem>>)
        %add3A_647 = arith.constant 3 : i32
        %add3A_648 = arith.addi %add3A_535, %add3A_647 : i32
        %dma_start3A_649 = arith.constant 1 : i32
        %dma_start3A_650 = arith.constant 0 : i32
        %dma_start3A_651 = arith.constant 0 : i32
        %dma_start3A_652 = tpu.memref_slice %arg6[%dma_start3A_649, %dma_start3A_650, %dma_start3A_651] : memref<8x1x80xi32, #tpu.memory_space<vmem>> -> memref<1x1x80xi32, #tpu.memory_space<vmem>>
        %dma_start3A_653 = tpu.memref_squeeze %dma_start3A_652 : memref<1x1x80xi32, #tpu.memory_space<vmem>> -> memref<80xi32, #tpu.memory_space<vmem>>
        %dma_start3A_654 = arith.constant 0 : i32
        %dma_start3A_655 = arith.constant 0 : i32
        %dma_start3A_656 = tpu.memref_slice %arg2[%dma_start3A_654, %dma_start3A_655] : memref<50000x128xf32, #tpu.memory_space<hbm>> -> memref<50000x128xf32, #tpu.memory_space<hbm>>
        tpu.enqueue_indirect_dma source(%dma_start3A_656 : memref<50000x128xf32, #tpu.memory_space<hbm>>) target(%arg9 : memref<80x128xf32, #tpu.memory_space<vmem>>) offsets(%dma_start3A_653 : memref<80xi32, #tpu.memory_space<vmem>>) semaphore(%arg13 : memref<!tpu.dma_semaphore, #tpu.memory_space<semaphore_mem>>)
      } else {
      }
      %add3A_550 = arith.constant 0 : i32
      %add3A_551 = arith.addi %add3A_535, %add3A_550 : i32
      %dma_wait3A_552 = arith.constant 6 : i32
      %dma_wait3A_553 = arith.constant 0 : i32
      %dma_wait3A_554 = arith.constant 0 : i32
      %dma_wait3A_555 = tpu.memref_slice %arg6[%dma_wait3A_552, %dma_wait3A_553, %dma_wait3A_554] : memref<8x1x80xi32, #tpu.memory_space<vmem>> -> memref<1x1x80xi32, #tpu.memory_space<vmem>>
      %dma_wait3A_556 = tpu.memref_squeeze %dma_wait3A_555 : memref<1x1x80xi32, #tpu.memory_space<vmem>> -> memref<80xi32, #tpu.memory_space<vmem>>
      %dma_wait3A_557 = arith.constant 0 : i32
      %dma_wait3A_558 = arith.constant 0 : i32
      %dma_wait3A_559 = tpu.memref_slice %arg2[%dma_wait3A_557, %dma_wait3A_558] : memref<50000x128xf32, #tpu.memory_space<hbm>> -> memref<50000x128xf32, #tpu.memory_space<hbm>>
      tpu.wait_indirect_dma semaphore(%arg13 : memref<!tpu.dma_semaphore, #tpu.memory_space<semaphore_mem>>) src(%dma_wait3A_559 : memref<50000x128xf32, #tpu.memory_space<hbm>>) dst(%arg10 : memref<80x128xf32, #tpu.memory_space<vmem>>)
      %add3A_560 = arith.constant 0 : i32
      %add3A_561 = arith.addi %add3A_535, %add3A_560 : i32
      %dma_start3A_562 = arith.constant 6 : i32
      %dma_start3A_563 = arith.constant 0 : i32
      %dma_start3A_564 = arith.constant 0 : i32
      %dma_start3A_565 = tpu.memref_slice %arg7[%dma_start3A_562, %dma_start3A_563, %dma_start3A_564] : memref<8x1x80xi32, #tpu.memory_space<vmem>> -> memref<1x1x80xi32, #tpu.memory_space<vmem>>
      %dma_start3A_566 = tpu.memref_squeeze %dma_start3A_565 : memref<1x1x80xi32, #tpu.memory_space<vmem>> -> memref<80xi32, #tpu.memory_space<vmem>>
      %dma_start3A_567 = arith.constant 0 : i32
      %dma_start3A_568 = arith.constant 0 : i32
      %dma_start3A_569 = tpu.memref_slice %arg12[%dma_start3A_567, %dma_start3A_568] : memref<10240x128xf32, #tpu.memory_space<vmem_shared>> -> memref<10240x128xf32, #tpu.memory_space<vmem_shared>>
      tpu.enqueue_indirect_dma source(%arg10 : memref<80x128xf32, #tpu.memory_space<vmem>>) target(%dma_start3A_569 : memref<10240x128xf32, #tpu.memory_space<vmem_shared>>) offsets(%dma_start3A_566 : memref<80xi32, #tpu.memory_space<vmem>>) semaphore(%arg14 : memref<!tpu.dma_semaphore, #tpu.memory_space<semaphore_mem>>) {add = true}
      %add3A_570 = arith.constant 5 : i32
      %add3A_571 = arith.addi %add3A_535, %add3A_570 : i32
      %lt3A_572 = arith.constant 128 : i32
      %lt3A_573 = arith.cmpi slt, %add3A_571, %lt3A_572 : i32
      %convert_element_type3A_574 = arith.extui %lt3A_573 : i1 to i32
      %cond3A_575 = arith.constant 0 : i32
      %cond3A_576 = arith.cmpi ne, %convert_element_type3A_574, %cond3A_575 : i32
      scf.if %cond3A_576 {
        %add3A_622 = arith.constant 5 : i32
        %add3A_623 = arith.addi %add3A_535, %add3A_622 : i32
        %mul3A_624 = arith.constant 80 : i32
        %mul3A_625 = arith.muli %add3A_623, %mul3A_624 : i32
        %add3A_626 = arith.addi %mul3A_2, %mul3A_625 : i32
        %dma_start3A_627 = arith.constant 3 : i32
        %dma_start3A_628 = arith.constant 0 : i32
        %dma_start3A_629 = arith.constant 0 : i32
        %dma_start3A_630 = tpu.memref_slice %arg6[%dma_start3A_627, %dma_start3A_628, %dma_start3A_629] : memref<8x1x80xi32, #tpu.memory_space<vmem>> -> memref<1x1x80xi32, #tpu.memory_space<vmem>>
        %dma_start3A_631 = tpu.memref_squeeze %dma_start3A_630 : memref<1x1x80xi32, #tpu.memory_space<vmem>> -> memref<80xi32, #tpu.memory_space<vmem>>
        %dma_start3A_632 = tpu.memref_slice %arg3[%add3A_626] : memref<327680xi32, #tpu.memory_space<hbm>> -> memref<80xi32, #tpu.memory_space<hbm>>
        %dma_start3A_633 = arith.constant 0 : i32
        %dma_start3A_634 = tpu.memref_slice %arg6[%dma_start3A_627, %dma_start3A_628, %dma_start3A_633] : memref<8x1x80xi32, #tpu.memory_space<vmem>> -> memref<1x1x80xi32, #tpu.memory_space<vmem>>
        %dma_start3A_635 = tpu.memref_squeeze %dma_start3A_634 : memref<1x1x80xi32, #tpu.memory_space<vmem>> -> memref<80xi32, #tpu.memory_space<vmem>>
        %dma_start3A_636 = tpu.memref_slice %arg3[%add3A_626] : memref<327680xi32, #tpu.memory_space<hbm>> -> memref<80xi32, #tpu.memory_space<hbm>>
        tpu.enqueue_dma source(%dma_start3A_636 : memref<80xi32, #tpu.memory_space<hbm>>) target(%dma_start3A_635 : memref<80xi32, #tpu.memory_space<vmem>>) target_semaphore(%arg15 : memref<!tpu.dma_semaphore, #tpu.memory_space<semaphore_mem>>)
        %dma_start3A_637 = arith.constant 3 : i32
        %dma_start3A_638 = arith.constant 0 : i32
        %dma_start3A_639 = arith.constant 0 : i32
        %dma_start3A_640 = tpu.memref_slice %arg7[%dma_start3A_637, %dma_start3A_638, %dma_start3A_639] : memref<8x1x80xi32, #tpu.memory_space<vmem>> -> memref<1x1x80xi32, #tpu.memory_space<vmem>>
        %dma_start3A_641 = tpu.memref_squeeze %dma_start3A_640 : memref<1x1x80xi32, #tpu.memory_space<vmem>> -> memref<80xi32, #tpu.memory_space<vmem>>
        %dma_start3A_642 = tpu.memref_slice %arg4[%add3A_626] : memref<327680xi32, #tpu.memory_space<hbm>> -> memref<80xi32, #tpu.memory_space<hbm>>
        %dma_start3A_643 = arith.constant 0 : i32
        %dma_start3A_644 = tpu.memref_slice %arg7[%dma_start3A_637, %dma_start3A_638, %dma_start3A_643] : memref<8x1x80xi32, #tpu.memory_space<vmem>> -> memref<1x1x80xi32, #tpu.memory_space<vmem>>
        %dma_start3A_645 = tpu.memref_squeeze %dma_start3A_644 : memref<1x1x80xi32, #tpu.memory_space<vmem>> -> memref<80xi32, #tpu.memory_space<vmem>>
        %dma_start3A_646 = tpu.memref_slice %arg4[%add3A_626] : memref<327680xi32, #tpu.memory_space<hbm>> -> memref<80xi32, #tpu.memory_space<hbm>>
        tpu.enqueue_dma source(%dma_start3A_646 : memref<80xi32, #tpu.memory_space<hbm>>) target(%dma_start3A_645 : memref<80xi32, #tpu.memory_space<vmem>>) target_semaphore(%arg15 : memref<!tpu.dma_semaphore, #tpu.memory_space<semaphore_mem>>)
      } else {
      }
      %mul3A_577 = arith.constant 8 : i32
      %mul3A_578 = arith.muli %while3A_265, %mul3A_577 : i32
      %add3A_579 = arith.constant 7 : i32
      %add3A_580 = arith.addi %mul3A_578, %add3A_579 : i32
      %add3A_581 = arith.constant 0 : i32
      %add3A_582 = arith.addi %add3A_580, %add3A_581 : i32
      %ge3A_583 = arith.constant 1 : i32
      %ge3A_584 = arith.cmpi sge, %add3A_582, %ge3A_583 : i32
      %convert_element_type3A_585 = arith.extui %ge3A_584 : i1 to i32
      %cond3A_586 = arith.constant 0 : i32
      %cond3A_587 = arith.cmpi ne, %convert_element_type3A_585, %cond3A_586 : i32
      scf.if %cond3A_587 {
        %add3A_622 = arith.constant -1 : i32
        %add3A_623 = arith.addi %add3A_580, %add3A_622 : i32
        %dma_wait3A_624 = arith.constant 6 : i32
        %dma_wait3A_625 = arith.constant 0 : i32
        %dma_wait3A_626 = arith.constant 0 : i32
        %dma_wait3A_627 = tpu.memref_slice %arg7[%dma_wait3A_624, %dma_wait3A_625, %dma_wait3A_626] : memref<8x1x80xi32, #tpu.memory_space<vmem>> -> memref<1x1x80xi32, #tpu.memory_space<vmem>>
        %dma_wait3A_628 = tpu.memref_squeeze %dma_wait3A_627 : memref<1x1x80xi32, #tpu.memory_space<vmem>> -> memref<80xi32, #tpu.memory_space<vmem>>
        %dma_wait3A_629 = arith.constant 0 : i32
        %dma_wait3A_630 = arith.constant 0 : i32
        %dma_wait3A_631 = tpu.memref_slice %arg12[%dma_wait3A_629, %dma_wait3A_630] : memref<10240x128xf32, #tpu.memory_space<vmem_shared>> -> memref<10240x128xf32, #tpu.memory_space<vmem_shared>>
        tpu.wait_indirect_dma semaphore(%arg14 : memref<!tpu.dma_semaphore, #tpu.memory_space<semaphore_mem>>) src(%arg10 : memref<80x128xf32, #tpu.memory_space<vmem>>) dst(%dma_wait3A_631 : memref<10240x128xf32, #tpu.memory_space<vmem_shared>>)
      } else {
      }
      %add3A_588 = arith.constant 3 : i32
      %add3A_589 = arith.addi %add3A_580, %add3A_588 : i32
      %lt3A_590 = arith.constant 128 : i32
      %lt3A_591 = arith.cmpi slt, %add3A_589, %lt3A_590 : i32
      %convert_element_type3A_592 = arith.extui %lt3A_591 : i1 to i32
      %cond3A_593 = arith.constant 0 : i32
      %cond3A_594 = arith.cmpi ne, %convert_element_type3A_592, %cond3A_593 : i32
      scf.if %cond3A_594 {
        %add3A_622 = arith.constant 3 : i32
        %add3A_623 = arith.addi %add3A_580, %add3A_622 : i32
        %mul3A_624 = arith.constant 80 : i32
        %mul3A_625 = arith.muli %add3A_623, %mul3A_624 : i32
        %add3A_626 = arith.addi %mul3A_2, %mul3A_625 : i32
        %dma_wait3A_627 = arith.constant 2 : i32
        %dma_wait3A_628 = arith.constant 0 : i32
        %dma_wait3A_629 = arith.constant 0 : i32
        %dma_wait3A_630 = tpu.memref_slice %arg6[%dma_wait3A_627, %dma_wait3A_628, %dma_wait3A_629] : memref<8x1x80xi32, #tpu.memory_space<vmem>> -> memref<1x1x80xi32, #tpu.memory_space<vmem>>
        %dma_wait3A_631 = tpu.memref_squeeze %dma_wait3A_630 : memref<1x1x80xi32, #tpu.memory_space<vmem>> -> memref<80xi32, #tpu.memory_space<vmem>>
        %dma_wait3A_632 = tpu.memref_slice %arg3[%add3A_626] : memref<327680xi32, #tpu.memory_space<hbm>> -> memref<80xi32, #tpu.memory_space<hbm>>
        %dma_wait3A_633 = arith.constant 0 : i32
        %dma_wait3A_634 = tpu.memref_slice %arg6[%dma_wait3A_627, %dma_wait3A_628, %dma_wait3A_633] : memref<8x1x80xi32, #tpu.memory_space<vmem>> -> memref<1x1x80xi32, #tpu.memory_space<vmem>>
        %dma_wait3A_635 = tpu.memref_squeeze %dma_wait3A_634 : memref<1x1x80xi32, #tpu.memory_space<vmem>> -> memref<80xi32, #tpu.memory_space<vmem>>
        %dma_wait3A_636 = tpu.memref_slice %arg3[%add3A_626] : memref<327680xi32, #tpu.memory_space<hbm>> -> memref<80xi32, #tpu.memory_space<hbm>>
        tpu.wait_dma2 semaphore(%arg15 : memref<!tpu.dma_semaphore, #tpu.memory_space<semaphore_mem>>) src(%dma_wait3A_636 : memref<80xi32, #tpu.memory_space<hbm>>) dst(%dma_wait3A_635 : memref<80xi32, #tpu.memory_space<vmem>>)
        %dma_wait3A_637 = arith.constant 2 : i32
        %dma_wait3A_638 = arith.constant 0 : i32
        %dma_wait3A_639 = arith.constant 0 : i32
        %dma_wait3A_640 = tpu.memref_slice %arg7[%dma_wait3A_637, %dma_wait3A_638, %dma_wait3A_639] : memref<8x1x80xi32, #tpu.memory_space<vmem>> -> memref<1x1x80xi32, #tpu.memory_space<vmem>>
        %dma_wait3A_641 = tpu.memref_squeeze %dma_wait3A_640 : memref<1x1x80xi32, #tpu.memory_space<vmem>> -> memref<80xi32, #tpu.memory_space<vmem>>
        %dma_wait3A_642 = tpu.memref_slice %arg4[%add3A_626] : memref<327680xi32, #tpu.memory_space<hbm>> -> memref<80xi32, #tpu.memory_space<hbm>>
        %dma_wait3A_643 = arith.constant 0 : i32
        %dma_wait3A_644 = tpu.memref_slice %arg7[%dma_wait3A_637, %dma_wait3A_638, %dma_wait3A_643] : memref<8x1x80xi32, #tpu.memory_space<vmem>> -> memref<1x1x80xi32, #tpu.memory_space<vmem>>
        %dma_wait3A_645 = tpu.memref_squeeze %dma_wait3A_644 : memref<1x1x80xi32, #tpu.memory_space<vmem>> -> memref<80xi32, #tpu.memory_space<vmem>>
        %dma_wait3A_646 = tpu.memref_slice %arg4[%add3A_626] : memref<327680xi32, #tpu.memory_space<hbm>> -> memref<80xi32, #tpu.memory_space<hbm>>
        tpu.wait_dma2 semaphore(%arg15 : memref<!tpu.dma_semaphore, #tpu.memory_space<semaphore_mem>>) src(%dma_wait3A_646 : memref<80xi32, #tpu.memory_space<hbm>>) dst(%dma_wait3A_645 : memref<80xi32, #tpu.memory_space<vmem>>)
        %add3A_647 = arith.constant 3 : i32
        %add3A_648 = arith.addi %add3A_580, %add3A_647 : i32
        %dma_start3A_649 = arith.constant 2 : i32
        %dma_start3A_650 = arith.constant 0 : i32
        %dma_start3A_651 = arith.constant 0 : i32
        %dma_start3A_652 = tpu.memref_slice %arg6[%dma_start3A_649, %dma_start3A_650, %dma_start3A_651] : memref<8x1x80xi32, #tpu.memory_space<vmem>> -> memref<1x1x80xi32, #tpu.memory_space<vmem>>
        %dma_start3A_653 = tpu.memref_squeeze %dma_start3A_652 : memref<1x1x80xi32, #tpu.memory_space<vmem>> -> memref<80xi32, #tpu.memory_space<vmem>>
        %dma_start3A_654 = arith.constant 0 : i32
        %dma_start3A_655 = arith.constant 0 : i32
        %dma_start3A_656 = tpu.memref_slice %arg2[%dma_start3A_654, %dma_start3A_655] : memref<50000x128xf32, #tpu.memory_space<hbm>> -> memref<50000x128xf32, #tpu.memory_space<hbm>>
        tpu.enqueue_indirect_dma source(%dma_start3A_656 : memref<50000x128xf32, #tpu.memory_space<hbm>>) target(%arg10 : memref<80x128xf32, #tpu.memory_space<vmem>>) offsets(%dma_start3A_653 : memref<80xi32, #tpu.memory_space<vmem>>) semaphore(%arg13 : memref<!tpu.dma_semaphore, #tpu.memory_space<semaphore_mem>>)
      } else {
      }
      %add3A_595 = arith.constant 0 : i32
      %add3A_596 = arith.addi %add3A_580, %add3A_595 : i32
      %dma_wait3A_597 = arith.constant 7 : i32
      %dma_wait3A_598 = arith.constant 0 : i32
      %dma_wait3A_599 = arith.constant 0 : i32
      %dma_wait3A_600 = tpu.memref_slice %arg6[%dma_wait3A_597, %dma_wait3A_598, %dma_wait3A_599] : memref<8x1x80xi32, #tpu.memory_space<vmem>> -> memref<1x1x80xi32, #tpu.memory_space<vmem>>
      %dma_wait3A_601 = tpu.memref_squeeze %dma_wait3A_600 : memref<1x1x80xi32, #tpu.memory_space<vmem>> -> memref<80xi32, #tpu.memory_space<vmem>>
      %dma_wait3A_602 = arith.constant 0 : i32
      %dma_wait3A_603 = arith.constant 0 : i32
      %dma_wait3A_604 = tpu.memref_slice %arg2[%dma_wait3A_602, %dma_wait3A_603] : memref<50000x128xf32, #tpu.memory_space<hbm>> -> memref<50000x128xf32, #tpu.memory_space<hbm>>
      tpu.wait_indirect_dma semaphore(%arg13 : memref<!tpu.dma_semaphore, #tpu.memory_space<semaphore_mem>>) src(%dma_wait3A_604 : memref<50000x128xf32, #tpu.memory_space<hbm>>) dst(%arg11 : memref<80x128xf32, #tpu.memory_space<vmem>>)
      %add3A_605 = arith.constant 0 : i32
      %add3A_606 = arith.addi %add3A_580, %add3A_605 : i32
      %dma_start3A_607 = arith.constant 7 : i32
      %dma_start3A_608 = arith.constant 0 : i32
      %dma_start3A_609 = arith.constant 0 : i32
      %dma_start3A_610 = tpu.memref_slice %arg7[%dma_start3A_607, %dma_start3A_608, %dma_start3A_609] : memref<8x1x80xi32, #tpu.memory_space<vmem>> -> memref<1x1x80xi32, #tpu.memory_space<vmem>>
      %dma_start3A_611 = tpu.memref_squeeze %dma_start3A_610 : memref<1x1x80xi32, #tpu.memory_space<vmem>> -> memref<80xi32, #tpu.memory_space<vmem>>
      %dma_start3A_612 = arith.constant 0 : i32
      %dma_start3A_613 = arith.constant 0 : i32
      %dma_start3A_614 = tpu.memref_slice %arg12[%dma_start3A_612, %dma_start3A_613] : memref<10240x128xf32, #tpu.memory_space<vmem_shared>> -> memref<10240x128xf32, #tpu.memory_space<vmem_shared>>
      tpu.enqueue_indirect_dma source(%arg11 : memref<80x128xf32, #tpu.memory_space<vmem>>) target(%dma_start3A_614 : memref<10240x128xf32, #tpu.memory_space<vmem_shared>>) offsets(%dma_start3A_611 : memref<80xi32, #tpu.memory_space<vmem>>) semaphore(%arg14 : memref<!tpu.dma_semaphore, #tpu.memory_space<semaphore_mem>>) {add = true}
      %add3A_615 = arith.constant 5 : i32
      %add3A_616 = arith.addi %add3A_580, %add3A_615 : i32
      %lt3A_617 = arith.constant 128 : i32
      %lt3A_618 = arith.cmpi slt, %add3A_616, %lt3A_617 : i32
      %convert_element_type3A_619 = arith.extui %lt3A_618 : i1 to i32
      %cond3A_620 = arith.constant 0 : i32
      %cond3A_621 = arith.cmpi ne, %convert_element_type3A_619, %cond3A_620 : i32
      scf.if %cond3A_621 {
        %add3A_622 = arith.constant 5 : i32
        %add3A_623 = arith.addi %add3A_580, %add3A_622 : i32
        %mul3A_624 = arith.constant 80 : i32
        %mul3A_625 = arith.muli %add3A_623, %mul3A_624 : i32
        %add3A_626 = arith.addi %mul3A_2, %mul3A_625 : i32
        %dma_start3A_627 = arith.constant 4 : i32
        %dma_start3A_628 = arith.constant 0 : i32
        %dma_start3A_629 = arith.constant 0 : i32
        %dma_start3A_630 = tpu.memref_slice %arg6[%dma_start3A_627, %dma_start3A_628, %dma_start3A_629] : memref<8x1x80xi32, #tpu.memory_space<vmem>> -> memref<1x1x80xi32, #tpu.memory_space<vmem>>
        %dma_start3A_631 = tpu.memref_squeeze %dma_start3A_630 : memref<1x1x80xi32, #tpu.memory_space<vmem>> -> memref<80xi32, #tpu.memory_space<vmem>>
        %dma_start3A_632 = tpu.memref_slice %arg3[%add3A_626] : memref<327680xi32, #tpu.memory_space<hbm>> -> memref<80xi32, #tpu.memory_space<hbm>>
        %dma_start3A_633 = arith.constant 0 : i32
        %dma_start3A_634 = tpu.memref_slice %arg6[%dma_start3A_627, %dma_start3A_628, %dma_start3A_633] : memref<8x1x80xi32, #tpu.memory_space<vmem>> -> memref<1x1x80xi32, #tpu.memory_space<vmem>>
        %dma_start3A_635 = tpu.memref_squeeze %dma_start3A_634 : memref<1x1x80xi32, #tpu.memory_space<vmem>> -> memref<80xi32, #tpu.memory_space<vmem>>
        %dma_start3A_636 = tpu.memref_slice %arg3[%add3A_626] : memref<327680xi32, #tpu.memory_space<hbm>> -> memref<80xi32, #tpu.memory_space<hbm>>
        tpu.enqueue_dma source(%dma_start3A_636 : memref<80xi32, #tpu.memory_space<hbm>>) target(%dma_start3A_635 : memref<80xi32, #tpu.memory_space<vmem>>) target_semaphore(%arg15 : memref<!tpu.dma_semaphore, #tpu.memory_space<semaphore_mem>>)
        %dma_start3A_637 = arith.constant 4 : i32
        %dma_start3A_638 = arith.constant 0 : i32
        %dma_start3A_639 = arith.constant 0 : i32
        %dma_start3A_640 = tpu.memref_slice %arg7[%dma_start3A_637, %dma_start3A_638, %dma_start3A_639] : memref<8x1x80xi32, #tpu.memory_space<vmem>> -> memref<1x1x80xi32, #tpu.memory_space<vmem>>
        %dma_start3A_641 = tpu.memref_squeeze %dma_start3A_640 : memref<1x1x80xi32, #tpu.memory_space<vmem>> -> memref<80xi32, #tpu.memory_space<vmem>>
        %dma_start3A_642 = tpu.memref_slice %arg4[%add3A_626] : memref<327680xi32, #tpu.memory_space<hbm>> -> memref<80xi32, #tpu.memory_space<hbm>>
        %dma_start3A_643 = arith.constant 0 : i32
        %dma_start3A_644 = tpu.memref_slice %arg7[%dma_start3A_637, %dma_start3A_638, %dma_start3A_643] : memref<8x1x80xi32, #tpu.memory_space<vmem>> -> memref<1x1x80xi32, #tpu.memory_space<vmem>>
        %dma_start3A_645 = tpu.memref_squeeze %dma_start3A_644 : memref<1x1x80xi32, #tpu.memory_space<vmem>> -> memref<80xi32, #tpu.memory_space<vmem>>
        %dma_start3A_646 = tpu.memref_slice %arg4[%add3A_626] : memref<327680xi32, #tpu.memory_space<hbm>> -> memref<80xi32, #tpu.memory_space<hbm>>
        tpu.enqueue_dma source(%dma_start3A_646 : memref<80xi32, #tpu.memory_space<hbm>>) target(%dma_start3A_645 : memref<80xi32, #tpu.memory_space<vmem>>) target_semaphore(%arg15 : memref<!tpu.dma_semaphore, #tpu.memory_space<semaphore_mem>>)
      } else {
      }
    }
    %while3A_255 = arith.constant 1 : i32
    scf.for %while3A_265 = %while3A_253 to %while3A_249 step %while3A_255  : i32 {
      %mul3A_266 = arith.constant 8 : i32
      %mul3A_267 = arith.muli %while3A_265, %mul3A_266 : i32
      %add3A_268 = arith.constant 0 : i32
      %add3A_269 = arith.addi %mul3A_267, %add3A_268 : i32
      %add3A_270 = arith.constant 0 : i32
      %add3A_271 = arith.addi %add3A_269, %add3A_270 : i32
      %ge3A = arith.constant 1 : i32
      %ge3A_272 = arith.cmpi sge, %add3A_271, %ge3A : i32
      %convert_element_type3A = arith.extui %ge3A_272 : i1 to i32
      %cond3A = arith.constant 0 : i32
      %cond3A_273 = arith.cmpi ne, %convert_element_type3A, %cond3A : i32
      scf.if %cond3A_273 {
        %add3A_622 = arith.constant -1 : i32
        %add3A_623 = arith.addi %add3A_269, %add3A_622 : i32
        %dma_wait3A_624 = arith.constant 7 : i32
        %dma_wait3A_625 = arith.constant 0 : i32
        %dma_wait3A_626 = arith.constant 0 : i32
        %dma_wait3A_627 = tpu.memref_slice %arg7[%dma_wait3A_624, %dma_wait3A_625, %dma_wait3A_626] : memref<8x1x80xi32, #tpu.memory_space<vmem>> -> memref<1x1x80xi32, #tpu.memory_space<vmem>>
        %dma_wait3A_628 = tpu.memref_squeeze %dma_wait3A_627 : memref<1x1x80xi32, #tpu.memory_space<vmem>> -> memref<80xi32, #tpu.memory_space<vmem>>
        %dma_wait3A_629 = arith.constant 0 : i32
        %dma_wait3A_630 = arith.constant 0 : i32
        %dma_wait3A_631 = tpu.memref_slice %arg12[%dma_wait3A_629, %dma_wait3A_630] : memref<10240x128xf32, #tpu.memory_space<vmem_shared>> -> memref<10240x128xf32, #tpu.memory_space<vmem_shared>>
        tpu.wait_indirect_dma semaphore(%arg14 : memref<!tpu.dma_semaphore, #tpu.memory_space<semaphore_mem>>) src(%arg11 : memref<80x128xf32, #tpu.memory_space<vmem>>) dst(%dma_wait3A_631 : memref<10240x128xf32, #tpu.memory_space<vmem_shared>>)
      } else {
      }
      %add3A_274 = arith.constant 3 : i32
      %add3A_275 = arith.addi %add3A_269, %add3A_274 : i32
      %lt3A = arith.constant 128 : i32
      %lt3A_276 = arith.cmpi slt, %add3A_275, %lt3A : i32
      %convert_element_type3A_277 = arith.extui %lt3A_276 : i1 to i32
      %cond3A_278 = arith.constant 0 : i32
      %cond3A_279 = arith.cmpi ne, %convert_element_type3A_277, %cond3A_278 : i32
      scf.if %cond3A_279 {
        %add3A_622 = arith.constant 3 : i32
        %add3A_623 = arith.addi %add3A_269, %add3A_622 : i32
        %mul3A_624 = arith.constant 80 : i32
        %mul3A_625 = arith.muli %add3A_623, %mul3A_624 : i32
        %add3A_626 = arith.addi %mul3A_2, %mul3A_625 : i32
        %dma_wait3A_627 = arith.constant 3 : i32
        %dma_wait3A_628 = arith.constant 0 : i32
        %dma_wait3A_629 = arith.constant 0 : i32
        %dma_wait3A_630 = tpu.memref_slice %arg6[%dma_wait3A_627, %dma_wait3A_628, %dma_wait3A_629] : memref<8x1x80xi32, #tpu.memory_space<vmem>> -> memref<1x1x80xi32, #tpu.memory_space<vmem>>
        %dma_wait3A_631 = tpu.memref_squeeze %dma_wait3A_630 : memref<1x1x80xi32, #tpu.memory_space<vmem>> -> memref<80xi32, #tpu.memory_space<vmem>>
        %dma_wait3A_632 = tpu.memref_slice %arg3[%add3A_626] : memref<327680xi32, #tpu.memory_space<hbm>> -> memref<80xi32, #tpu.memory_space<hbm>>
        %dma_wait3A_633 = arith.constant 0 : i32
        %dma_wait3A_634 = tpu.memref_slice %arg6[%dma_wait3A_627, %dma_wait3A_628, %dma_wait3A_633] : memref<8x1x80xi32, #tpu.memory_space<vmem>> -> memref<1x1x80xi32, #tpu.memory_space<vmem>>
        %dma_wait3A_635 = tpu.memref_squeeze %dma_wait3A_634 : memref<1x1x80xi32, #tpu.memory_space<vmem>> -> memref<80xi32, #tpu.memory_space<vmem>>
        %dma_wait3A_636 = tpu.memref_slice %arg3[%add3A_626] : memref<327680xi32, #tpu.memory_space<hbm>> -> memref<80xi32, #tpu.memory_space<hbm>>
        tpu.wait_dma2 semaphore(%arg15 : memref<!tpu.dma_semaphore, #tpu.memory_space<semaphore_mem>>) src(%dma_wait3A_636 : memref<80xi32, #tpu.memory_space<hbm>>) dst(%dma_wait3A_635 : memref<80xi32, #tpu.memory_space<vmem>>)
        %dma_wait3A_637 = arith.constant 3 : i32
        %dma_wait3A_638 = arith.constant 0 : i32
        %dma_wait3A_639 = arith.constant 0 : i32
        %dma_wait3A_640 = tpu.memref_slice %arg7[%dma_wait3A_637, %dma_wait3A_638, %dma_wait3A_639] : memref<8x1x80xi32, #tpu.memory_space<vmem>> -> memref<1x1x80xi32, #tpu.memory_space<vmem>>
        %dma_wait3A_641 = tpu.memref_squeeze %dma_wait3A_640 : memref<1x1x80xi32, #tpu.memory_space<vmem>> -> memref<80xi32, #tpu.memory_space<vmem>>
        %dma_wait3A_642 = tpu.memref_slice %arg4[%add3A_626] : memref<327680xi32, #tpu.memory_space<hbm>> -> memref<80xi32, #tpu.memory_space<hbm>>
        %dma_wait3A_643 = arith.constant 0 : i32
        %dma_wait3A_644 = tpu.memref_slice %arg7[%dma_wait3A_637, %dma_wait3A_638, %dma_wait3A_643] : memref<8x1x80xi32, #tpu.memory_space<vmem>> -> memref<1x1x80xi32, #tpu.memory_space<vmem>>
        %dma_wait3A_645 = tpu.memref_squeeze %dma_wait3A_644 : memref<1x1x80xi32, #tpu.memory_space<vmem>> -> memref<80xi32, #tpu.memory_space<vmem>>
        %dma_wait3A_646 = tpu.memref_slice %arg4[%add3A_626] : memref<327680xi32, #tpu.memory_space<hbm>> -> memref<80xi32, #tpu.memory_space<hbm>>
        tpu.wait_dma2 semaphore(%arg15 : memref<!tpu.dma_semaphore, #tpu.memory_space<semaphore_mem>>) src(%dma_wait3A_646 : memref<80xi32, #tpu.memory_space<hbm>>) dst(%dma_wait3A_645 : memref<80xi32, #tpu.memory_space<vmem>>)
        %add3A_647 = arith.constant 3 : i32
        %add3A_648 = arith.addi %add3A_269, %add3A_647 : i32
        %dma_start3A_649 = arith.constant 3 : i32
        %dma_start3A_650 = arith.constant 0 : i32
        %dma_start3A_651 = arith.constant 0 : i32
        %dma_start3A_652 = tpu.memref_slice %arg6[%dma_start3A_649, %dma_start3A_650, %dma_start3A_651] : memref<8x1x80xi32, #tpu.memory_space<vmem>> -> memref<1x1x80xi32, #tpu.memory_space<vmem>>
        %dma_start3A_653 = tpu.memref_squeeze %dma_start3A_652 : memref<1x1x80xi32, #tpu.memory_space<vmem>> -> memref<80xi32, #tpu.memory_space<vmem>>
        %dma_start3A_654 = arith.constant 0 : i32
        %dma_start3A_655 = arith.constant 0 : i32
        %dma_start3A_656 = tpu.memref_slice %arg2[%dma_start3A_654, %dma_start3A_655] : memref<50000x128xf32, #tpu.memory_space<hbm>> -> memref<50000x128xf32, #tpu.memory_space<hbm>>
        tpu.enqueue_indirect_dma source(%dma_start3A_656 : memref<50000x128xf32, #tpu.memory_space<hbm>>) target(%arg11 : memref<80x128xf32, #tpu.memory_space<vmem>>) offsets(%dma_start3A_653 : memref<80xi32, #tpu.memory_space<vmem>>) semaphore(%arg13 : memref<!tpu.dma_semaphore, #tpu.memory_space<semaphore_mem>>)
      } else {
      }
      %add3A_280 = arith.constant 0 : i32
      %add3A_281 = arith.addi %add3A_269, %add3A_280 : i32
      %dma_wait3A_282 = arith.constant 0 : i32
      %dma_wait3A_283 = arith.constant 0 : i32
      %dma_wait3A_284 = arith.constant 0 : i32
      %dma_wait3A_285 = tpu.memref_slice %arg6[%dma_wait3A_282, %dma_wait3A_283, %dma_wait3A_284] : memref<8x1x80xi32, #tpu.memory_space<vmem>> -> memref<1x1x80xi32, #tpu.memory_space<vmem>>
      %dma_wait3A_286 = tpu.memref_squeeze %dma_wait3A_285 : memref<1x1x80xi32, #tpu.memory_space<vmem>> -> memref<80xi32, #tpu.memory_space<vmem>>
      %dma_wait3A_287 = arith.constant 0 : i32
      %dma_wait3A_288 = arith.constant 0 : i32
      %dma_wait3A_289 = tpu.memref_slice %arg2[%dma_wait3A_287, %dma_wait3A_288] : memref<50000x128xf32, #tpu.memory_space<hbm>> -> memref<50000x128xf32, #tpu.memory_space<hbm>>
      tpu.wait_indirect_dma semaphore(%arg13 : memref<!tpu.dma_semaphore, #tpu.memory_space<semaphore_mem>>) src(%dma_wait3A_289 : memref<50000x128xf32, #tpu.memory_space<hbm>>) dst(%arg8 : memref<80x128xf32, #tpu.memory_space<vmem>>)
      %add3A_290 = arith.constant 0 : i32
      %add3A_291 = arith.addi %add3A_269, %add3A_290 : i32
      %dma_start3A_292 = arith.constant 0 : i32
      %dma_start3A_293 = arith.constant 0 : i32
      %dma_start3A_294 = arith.constant 0 : i32
      %dma_start3A_295 = tpu.memref_slice %arg7[%dma_start3A_292, %dma_start3A_293, %dma_start3A_294] : memref<8x1x80xi32, #tpu.memory_space<vmem>> -> memref<1x1x80xi32, #tpu.memory_space<vmem>>
      %dma_start3A_296 = tpu.memref_squeeze %dma_start3A_295 : memref<1x1x80xi32, #tpu.memory_space<vmem>> -> memref<80xi32, #tpu.memory_space<vmem>>
      %dma_start3A_297 = arith.constant 0 : i32
      %dma_start3A_298 = arith.constant 0 : i32
      %dma_start3A_299 = tpu.memref_slice %arg12[%dma_start3A_297, %dma_start3A_298] : memref<10240x128xf32, #tpu.memory_space<vmem_shared>> -> memref<10240x128xf32, #tpu.memory_space<vmem_shared>>
      tpu.enqueue_indirect_dma source(%arg8 : memref<80x128xf32, #tpu.memory_space<vmem>>) target(%dma_start3A_299 : memref<10240x128xf32, #tpu.memory_space<vmem_shared>>) offsets(%dma_start3A_296 : memref<80xi32, #tpu.memory_space<vmem>>) semaphore(%arg14 : memref<!tpu.dma_semaphore, #tpu.memory_space<semaphore_mem>>) {add = true}
      %add3A_300 = arith.constant 5 : i32
      %add3A_301 = arith.addi %add3A_269, %add3A_300 : i32
      %lt3A_302 = arith.constant 128 : i32
      %lt3A_303 = arith.cmpi slt, %add3A_301, %lt3A_302 : i32
      %convert_element_type3A_304 = arith.extui %lt3A_303 : i1 to i32
      %cond3A_305 = arith.constant 0 : i32
      %cond3A_306 = arith.cmpi ne, %convert_element_type3A_304, %cond3A_305 : i32
      scf.if %cond3A_306 {
        %add3A_622 = arith.constant 5 : i32
        %add3A_623 = arith.addi %add3A_269, %add3A_622 : i32
        %mul3A_624 = arith.constant 80 : i32
        %mul3A_625 = arith.muli %add3A_623, %mul3A_624 : i32
        %add3A_626 = arith.addi %mul3A_2, %mul3A_625 : i32
        %dma_start3A_627 = arith.constant 5 : i32
        %dma_start3A_628 = arith.constant 0 : i32
        %dma_start3A_629 = arith.constant 0 : i32
        %dma_start3A_630 = tpu.memref_slice %arg6[%dma_start3A_627, %dma_start3A_628, %dma_start3A_629] : memref<8x1x80xi32, #tpu.memory_space<vmem>> -> memref<1x1x80xi32, #tpu.memory_space<vmem>>
        %dma_start3A_631 = tpu.memref_squeeze %dma_start3A_630 : memref<1x1x80xi32, #tpu.memory_space<vmem>> -> memref<80xi32, #tpu.memory_space<vmem>>
        %dma_start3A_632 = tpu.memref_slice %arg3[%add3A_626] : memref<327680xi32, #tpu.memory_space<hbm>> -> memref<80xi32, #tpu.memory_space<hbm>>
        %dma_start3A_633 = arith.constant 0 : i32
        %dma_start3A_634 = tpu.memref_slice %arg6[%dma_start3A_627, %dma_start3A_628, %dma_start3A_633] : memref<8x1x80xi32, #tpu.memory_space<vmem>> -> memref<1x1x80xi32, #tpu.memory_space<vmem>>
        %dma_start3A_635 = tpu.memref_squeeze %dma_start3A_634 : memref<1x1x80xi32, #tpu.memory_space<vmem>> -> memref<80xi32, #tpu.memory_space<vmem>>
        %dma_start3A_636 = tpu.memref_slice %arg3[%add3A_626] : memref<327680xi32, #tpu.memory_space<hbm>> -> memref<80xi32, #tpu.memory_space<hbm>>
        tpu.enqueue_dma source(%dma_start3A_636 : memref<80xi32, #tpu.memory_space<hbm>>) target(%dma_start3A_635 : memref<80xi32, #tpu.memory_space<vmem>>) target_semaphore(%arg15 : memref<!tpu.dma_semaphore, #tpu.memory_space<semaphore_mem>>)
        %dma_start3A_637 = arith.constant 5 : i32
        %dma_start3A_638 = arith.constant 0 : i32
        %dma_start3A_639 = arith.constant 0 : i32
        %dma_start3A_640 = tpu.memref_slice %arg7[%dma_start3A_637, %dma_start3A_638, %dma_start3A_639] : memref<8x1x80xi32, #tpu.memory_space<vmem>> -> memref<1x1x80xi32, #tpu.memory_space<vmem>>
        %dma_start3A_641 = tpu.memref_squeeze %dma_start3A_640 : memref<1x1x80xi32, #tpu.memory_space<vmem>> -> memref<80xi32, #tpu.memory_space<vmem>>
        %dma_start3A_642 = tpu.memref_slice %arg4[%add3A_626] : memref<327680xi32, #tpu.memory_space<hbm>> -> memref<80xi32, #tpu.memory_space<hbm>>
        %dma_start3A_643 = arith.constant 0 : i32
        %dma_start3A_644 = tpu.memref_slice %arg7[%dma_start3A_637, %dma_start3A_638, %dma_start3A_643] : memref<8x1x80xi32, #tpu.memory_space<vmem>> -> memref<1x1x80xi32, #tpu.memory_space<vmem>>
        %dma_start3A_645 = tpu.memref_squeeze %dma_start3A_644 : memref<1x1x80xi32, #tpu.memory_space<vmem>> -> memref<80xi32, #tpu.memory_space<vmem>>
        %dma_start3A_646 = tpu.memref_slice %arg4[%add3A_626] : memref<327680xi32, #tpu.memory_space<hbm>> -> memref<80xi32, #tpu.memory_space<hbm>>
        tpu.enqueue_dma source(%dma_start3A_646 : memref<80xi32, #tpu.memory_space<hbm>>) target(%dma_start3A_645 : memref<80xi32, #tpu.memory_space<vmem>>) target_semaphore(%arg15 : memref<!tpu.dma_semaphore, #tpu.memory_space<semaphore_mem>>)
      } else {
      }
      %mul3A_307 = arith.constant 8 : i32
      %mul3A_308 = arith.muli %while3A_265, %mul3A_307 : i32
      %add3A_309 = arith.constant 1 : i32
      %add3A_310 = arith.addi %mul3A_308, %add3A_309 : i32
      %add3A_311 = arith.constant 0 : i32
      %add3A_312 = arith.addi %add3A_310, %add3A_311 : i32
      %ge3A_313 = arith.constant 1 : i32
      %ge3A_314 = arith.cmpi sge, %add3A_312, %ge3A_313 : i32
      %convert_element_type3A_315 = arith.extui %ge3A_314 : i1 to i32
      %cond3A_316 = arith.constant 0 : i32
      %cond3A_317 = arith.cmpi ne, %convert_element_type3A_315, %cond3A_316 : i32
      scf.if %cond3A_317 {
        %add3A_622 = arith.constant -1 : i32
        %add3A_623 = arith.addi %add3A_310, %add3A_622 : i32
        %dma_wait3A_624 = arith.constant 0 : i32
        %dma_wait3A_625 = arith.constant 0 : i32
        %dma_wait3A_626 = arith.constant 0 : i32
        %dma_wait3A_627 = tpu.memref_slice %arg7[%dma_wait3A_624, %dma_wait3A_625, %dma_wait3A_626] : memref<8x1x80xi32, #tpu.memory_space<vmem>> -> memref<1x1x80xi32, #tpu.memory_space<vmem>>
        %dma_wait3A_628 = tpu.memref_squeeze %dma_wait3A_627 : memref<1x1x80xi32, #tpu.memory_space<vmem>> -> memref<80xi32, #tpu.memory_space<vmem>>
        %dma_wait3A_629 = arith.constant 0 : i32
        %dma_wait3A_630 = arith.constant 0 : i32
        %dma_wait3A_631 = tpu.memref_slice %arg12[%dma_wait3A_629, %dma_wait3A_630] : memref<10240x128xf32, #tpu.memory_space<vmem_shared>> -> memref<10240x128xf32, #tpu.memory_space<vmem_shared>>
        tpu.wait_indirect_dma semaphore(%arg14 : memref<!tpu.dma_semaphore, #tpu.memory_space<semaphore_mem>>) src(%arg8 : memref<80x128xf32, #tpu.memory_space<vmem>>) dst(%dma_wait3A_631 : memref<10240x128xf32, #tpu.memory_space<vmem_shared>>)
      } else {
      }
      %add3A_318 = arith.constant 3 : i32
      %add3A_319 = arith.addi %add3A_310, %add3A_318 : i32
      %lt3A_320 = arith.constant 128 : i32
      %lt3A_321 = arith.cmpi slt, %add3A_319, %lt3A_320 : i32
      %convert_element_type3A_322 = arith.extui %lt3A_321 : i1 to i32
      %cond3A_323 = arith.constant 0 : i32
      %cond3A_324 = arith.cmpi ne, %convert_element_type3A_322, %cond3A_323 : i32
      scf.if %cond3A_324 {
        %add3A_622 = arith.constant 3 : i32
        %add3A_623 = arith.addi %add3A_310, %add3A_622 : i32
        %mul3A_624 = arith.constant 80 : i32
        %mul3A_625 = arith.muli %add3A_623, %mul3A_624 : i32
        %add3A_626 = arith.addi %mul3A_2, %mul3A_625 : i32
        %dma_wait3A_627 = arith.constant 4 : i32
        %dma_wait3A_628 = arith.constant 0 : i32
        %dma_wait3A_629 = arith.constant 0 : i32
        %dma_wait3A_630 = tpu.memref_slice %arg6[%dma_wait3A_627, %dma_wait3A_628, %dma_wait3A_629] : memref<8x1x80xi32, #tpu.memory_space<vmem>> -> memref<1x1x80xi32, #tpu.memory_space<vmem>>
        %dma_wait3A_631 = tpu.memref_squeeze %dma_wait3A_630 : memref<1x1x80xi32, #tpu.memory_space<vmem>> -> memref<80xi32, #tpu.memory_space<vmem>>
        %dma_wait3A_632 = tpu.memref_slice %arg3[%add3A_626] : memref<327680xi32, #tpu.memory_space<hbm>> -> memref<80xi32, #tpu.memory_space<hbm>>
        %dma_wait3A_633 = arith.constant 0 : i32
        %dma_wait3A_634 = tpu.memref_slice %arg6[%dma_wait3A_627, %dma_wait3A_628, %dma_wait3A_633] : memref<8x1x80xi32, #tpu.memory_space<vmem>> -> memref<1x1x80xi32, #tpu.memory_space<vmem>>
        %dma_wait3A_635 = tpu.memref_squeeze %dma_wait3A_634 : memref<1x1x80xi32, #tpu.memory_space<vmem>> -> memref<80xi32, #tpu.memory_space<vmem>>
        %dma_wait3A_636 = tpu.memref_slice %arg3[%add3A_626] : memref<327680xi32, #tpu.memory_space<hbm>> -> memref<80xi32, #tpu.memory_space<hbm>>
        tpu.wait_dma2 semaphore(%arg15 : memref<!tpu.dma_semaphore, #tpu.memory_space<semaphore_mem>>) src(%dma_wait3A_636 : memref<80xi32, #tpu.memory_space<hbm>>) dst(%dma_wait3A_635 : memref<80xi32, #tpu.memory_space<vmem>>)
        %dma_wait3A_637 = arith.constant 4 : i32
        %dma_wait3A_638 = arith.constant 0 : i32
        %dma_wait3A_639 = arith.constant 0 : i32
        %dma_wait3A_640 = tpu.memref_slice %arg7[%dma_wait3A_637, %dma_wait3A_638, %dma_wait3A_639] : memref<8x1x80xi32, #tpu.memory_space<vmem>> -> memref<1x1x80xi32, #tpu.memory_space<vmem>>
        %dma_wait3A_641 = tpu.memref_squeeze %dma_wait3A_640 : memref<1x1x80xi32, #tpu.memory_space<vmem>> -> memref<80xi32, #tpu.memory_space<vmem>>
        %dma_wait3A_642 = tpu.memref_slice %arg4[%add3A_626] : memref<327680xi32, #tpu.memory_space<hbm>> -> memref<80xi32, #tpu.memory_space<hbm>>
        %dma_wait3A_643 = arith.constant 0 : i32
        %dma_wait3A_644 = tpu.memref_slice %arg7[%dma_wait3A_637, %dma_wait3A_638, %dma_wait3A_643] : memref<8x1x80xi32, #tpu.memory_space<vmem>> -> memref<1x1x80xi32, #tpu.memory_space<vmem>>
        %dma_wait3A_645 = tpu.memref_squeeze %dma_wait3A_644 : memref<1x1x80xi32, #tpu.memory_space<vmem>> -> memref<80xi32, #tpu.memory_space<vmem>>
        %dma_wait3A_646 = tpu.memref_slice %arg4[%add3A_626] : memref<327680xi32, #tpu.memory_space<hbm>> -> memref<80xi32, #tpu.memory_space<hbm>>
        tpu.wait_dma2 semaphore(%arg15 : memref<!tpu.dma_semaphore, #tpu.memory_space<semaphore_mem>>) src(%dma_wait3A_646 : memref<80xi32, #tpu.memory_space<hbm>>) dst(%dma_wait3A_645 : memref<80xi32, #tpu.memory_space<vmem>>)
        %add3A_647 = arith.constant 3 : i32
        %add3A_648 = arith.addi %add3A_310, %add3A_647 : i32
        %dma_start3A_649 = arith.constant 4 : i32
        %dma_start3A_650 = arith.constant 0 : i32
        %dma_start3A_651 = arith.constant 0 : i32
        %dma_start3A_652 = tpu.memref_slice %arg6[%dma_start3A_649, %dma_start3A_650, %dma_start3A_651] : memref<8x1x80xi32, #tpu.memory_space<vmem>> -> memref<1x1x80xi32, #tpu.memory_space<vmem>>
        %dma_start3A_653 = tpu.memref_squeeze %dma_start3A_652 : memref<1x1x80xi32, #tpu.memory_space<vmem>> -> memref<80xi32, #tpu.memory_space<vmem>>
        %dma_start3A_654 = arith.constant 0 : i32
        %dma_start3A_655 = arith.constant 0 : i32
        %dma_start3A_656 = tpu.memref_slice %arg2[%dma_start3A_654, %dma_start3A_655] : memref<50000x128xf32, #tpu.memory_space<hbm>> -> memref<50000x128xf32, #tpu.memory_space<hbm>>
        tpu.enqueue_indirect_dma source(%dma_start3A_656 : memref<50000x128xf32, #tpu.memory_space<hbm>>) target(%arg8 : memref<80x128xf32, #tpu.memory_space<vmem>>) offsets(%dma_start3A_653 : memref<80xi32, #tpu.memory_space<vmem>>) semaphore(%arg13 : memref<!tpu.dma_semaphore, #tpu.memory_space<semaphore_mem>>)
      } else {
      }
      %add3A_325 = arith.constant 0 : i32
      %add3A_326 = arith.addi %add3A_310, %add3A_325 : i32
      %dma_wait3A_327 = arith.constant 1 : i32
      %dma_wait3A_328 = arith.constant 0 : i32
      %dma_wait3A_329 = arith.constant 0 : i32
      %dma_wait3A_330 = tpu.memref_slice %arg6[%dma_wait3A_327, %dma_wait3A_328, %dma_wait3A_329] : memref<8x1x80xi32, #tpu.memory_space<vmem>> -> memref<1x1x80xi32, #tpu.memory_space<vmem>>
      %dma_wait3A_331 = tpu.memref_squeeze %dma_wait3A_330 : memref<1x1x80xi32, #tpu.memory_space<vmem>> -> memref<80xi32, #tpu.memory_space<vmem>>
      %dma_wait3A_332 = arith.constant 0 : i32
      %dma_wait3A_333 = arith.constant 0 : i32
      %dma_wait3A_334 = tpu.memref_slice %arg2[%dma_wait3A_332, %dma_wait3A_333] : memref<50000x128xf32, #tpu.memory_space<hbm>> -> memref<50000x128xf32, #tpu.memory_space<hbm>>
      tpu.wait_indirect_dma semaphore(%arg13 : memref<!tpu.dma_semaphore, #tpu.memory_space<semaphore_mem>>) src(%dma_wait3A_334 : memref<50000x128xf32, #tpu.memory_space<hbm>>) dst(%arg9 : memref<80x128xf32, #tpu.memory_space<vmem>>)
      %add3A_335 = arith.constant 0 : i32
      %add3A_336 = arith.addi %add3A_310, %add3A_335 : i32
      %dma_start3A_337 = arith.constant 1 : i32
      %dma_start3A_338 = arith.constant 0 : i32
      %dma_start3A_339 = arith.constant 0 : i32
      %dma_start3A_340 = tpu.memref_slice %arg7[%dma_start3A_337, %dma_start3A_338, %dma_start3A_339] : memref<8x1x80xi32, #tpu.memory_space<vmem>> -> memref<1x1x80xi32, #tpu.memory_space<vmem>>
      %dma_start3A_341 = tpu.memref_squeeze %dma_start3A_340 : memref<1x1x80xi32, #tpu.memory_space<vmem>> -> memref<80xi32, #tpu.memory_space<vmem>>
      %dma_start3A_342 = arith.constant 0 : i32
      %dma_start3A_343 = arith.constant 0 : i32
      %dma_start3A_344 = tpu.memref_slice %arg12[%dma_start3A_342, %dma_start3A_343] : memref<10240x128xf32, #tpu.memory_space<vmem_shared>> -> memref<10240x128xf32, #tpu.memory_space<vmem_shared>>
      tpu.enqueue_indirect_dma source(%arg9 : memref<80x128xf32, #tpu.memory_space<vmem>>) target(%dma_start3A_344 : memref<10240x128xf32, #tpu.memory_space<vmem_shared>>) offsets(%dma_start3A_341 : memref<80xi32, #tpu.memory_space<vmem>>) semaphore(%arg14 : memref<!tpu.dma_semaphore, #tpu.memory_space<semaphore_mem>>) {add = true}
      %add3A_345 = arith.constant 5 : i32
      %add3A_346 = arith.addi %add3A_310, %add3A_345 : i32
      %lt3A_347 = arith.constant 128 : i32
      %lt3A_348 = arith.cmpi slt, %add3A_346, %lt3A_347 : i32
      %convert_element_type3A_349 = arith.extui %lt3A_348 : i1 to i32
      %cond3A_350 = arith.constant 0 : i32
      %cond3A_351 = arith.cmpi ne, %convert_element_type3A_349, %cond3A_350 : i32
      scf.if %cond3A_351 {
        %add3A_622 = arith.constant 5 : i32
        %add3A_623 = arith.addi %add3A_310, %add3A_622 : i32
        %mul3A_624 = arith.constant 80 : i32
        %mul3A_625 = arith.muli %add3A_623, %mul3A_624 : i32
        %add3A_626 = arith.addi %mul3A_2, %mul3A_625 : i32
        %dma_start3A_627 = arith.constant 6 : i32
        %dma_start3A_628 = arith.constant 0 : i32
        %dma_start3A_629 = arith.constant 0 : i32
        %dma_start3A_630 = tpu.memref_slice %arg6[%dma_start3A_627, %dma_start3A_628, %dma_start3A_629] : memref<8x1x80xi32, #tpu.memory_space<vmem>> -> memref<1x1x80xi32, #tpu.memory_space<vmem>>
        %dma_start3A_631 = tpu.memref_squeeze %dma_start3A_630 : memref<1x1x80xi32, #tpu.memory_space<vmem>> -> memref<80xi32, #tpu.memory_space<vmem>>
        %dma_start3A_632 = tpu.memref_slice %arg3[%add3A_626] : memref<327680xi32, #tpu.memory_space<hbm>> -> memref<80xi32, #tpu.memory_space<hbm>>
        %dma_start3A_633 = arith.constant 0 : i32
        %dma_start3A_634 = tpu.memref_slice %arg6[%dma_start3A_627, %dma_start3A_628, %dma_start3A_633] : memref<8x1x80xi32, #tpu.memory_space<vmem>> -> memref<1x1x80xi32, #tpu.memory_space<vmem>>
        %dma_start3A_635 = tpu.memref_squeeze %dma_start3A_634 : memref<1x1x80xi32, #tpu.memory_space<vmem>> -> memref<80xi32, #tpu.memory_space<vmem>>
        %dma_start3A_636 = tpu.memref_slice %arg3[%add3A_626] : memref<327680xi32, #tpu.memory_space<hbm>> -> memref<80xi32, #tpu.memory_space<hbm>>
        tpu.enqueue_dma source(%dma_start3A_636 : memref<80xi32, #tpu.memory_space<hbm>>) target(%dma_start3A_635 : memref<80xi32, #tpu.memory_space<vmem>>) target_semaphore(%arg15 : memref<!tpu.dma_semaphore, #tpu.memory_space<semaphore_mem>>)
        %dma_start3A_637 = arith.constant 6 : i32
        %dma_start3A_638 = arith.constant 0 : i32
        %dma_start3A_639 = arith.constant 0 : i32
        %dma_start3A_640 = tpu.memref_slice %arg7[%dma_start3A_637, %dma_start3A_638, %dma_start3A_639] : memref<8x1x80xi32, #tpu.memory_space<vmem>> -> memref<1x1x80xi32, #tpu.memory_space<vmem>>
        %dma_start3A_641 = tpu.memref_squeeze %dma_start3A_640 : memref<1x1x80xi32, #tpu.memory_space<vmem>> -> memref<80xi32, #tpu.memory_space<vmem>>
        %dma_start3A_642 = tpu.memref_slice %arg4[%add3A_626] : memref<327680xi32, #tpu.memory_space<hbm>> -> memref<80xi32, #tpu.memory_space<hbm>>
        %dma_start3A_643 = arith.constant 0 : i32
        %dma_start3A_644 = tpu.memref_slice %arg7[%dma_start3A_637, %dma_start3A_638, %dma_start3A_643] : memref<8x1x80xi32, #tpu.memory_space<vmem>> -> memref<1x1x80xi32, #tpu.memory_space<vmem>>
        %dma_start3A_645 = tpu.memref_squeeze %dma_start3A_644 : memref<1x1x80xi32, #tpu.memory_space<vmem>> -> memref<80xi32, #tpu.memory_space<vmem>>
        %dma_start3A_646 = tpu.memref_slice %arg4[%add3A_626] : memref<327680xi32, #tpu.memory_space<hbm>> -> memref<80xi32, #tpu.memory_space<hbm>>
        tpu.enqueue_dma source(%dma_start3A_646 : memref<80xi32, #tpu.memory_space<hbm>>) target(%dma_start3A_645 : memref<80xi32, #tpu.memory_space<vmem>>) target_semaphore(%arg15 : memref<!tpu.dma_semaphore, #tpu.memory_space<semaphore_mem>>)
      } else {
      }
      %mul3A_352 = arith.constant 8 : i32
      %mul3A_353 = arith.muli %while3A_265, %mul3A_352 : i32
      %add3A_354 = arith.constant 2 : i32
      %add3A_355 = arith.addi %mul3A_353, %add3A_354 : i32
      %add3A_356 = arith.constant 0 : i32
      %add3A_357 = arith.addi %add3A_355, %add3A_356 : i32
      %ge3A_358 = arith.constant 1 : i32
      %ge3A_359 = arith.cmpi sge, %add3A_357, %ge3A_358 : i32
      %convert_element_type3A_360 = arith.extui %ge3A_359 : i1 to i32
      %cond3A_361 = arith.constant 0 : i32
      %cond3A_362 = arith.cmpi ne, %convert_element_type3A_360, %cond3A_361 : i32
      scf.if %cond3A_362 {
        %add3A_622 = arith.constant -1 : i32
        %add3A_623 = arith.addi %add3A_355, %add3A_622 : i32
        %dma_wait3A_624 = arith.constant 1 : i32
        %dma_wait3A_625 = arith.constant 0 : i32
        %dma_wait3A_626 = arith.constant 0 : i32
        %dma_wait3A_627 = tpu.memref_slice %arg7[%dma_wait3A_624, %dma_wait3A_625, %dma_wait3A_626] : memref<8x1x80xi32, #tpu.memory_space<vmem>> -> memref<1x1x80xi32, #tpu.memory_space<vmem>>
        %dma_wait3A_628 = tpu.memref_squeeze %dma_wait3A_627 : memref<1x1x80xi32, #tpu.memory_space<vmem>> -> memref<80xi32, #tpu.memory_space<vmem>>
        %dma_wait3A_629 = arith.constant 0 : i32
        %dma_wait3A_630 = arith.constant 0 : i32
        %dma_wait3A_631 = tpu.memref_slice %arg12[%dma_wait3A_629, %dma_wait3A_630] : memref<10240x128xf32, #tpu.memory_space<vmem_shared>> -> memref<10240x128xf32, #tpu.memory_space<vmem_shared>>
        tpu.wait_indirect_dma semaphore(%arg14 : memref<!tpu.dma_semaphore, #tpu.memory_space<semaphore_mem>>) src(%arg9 : memref<80x128xf32, #tpu.memory_space<vmem>>) dst(%dma_wait3A_631 : memref<10240x128xf32, #tpu.memory_space<vmem_shared>>)
      } else {
      }
      %add3A_363 = arith.constant 3 : i32
      %add3A_364 = arith.addi %add3A_355, %add3A_363 : i32
      %lt3A_365 = arith.constant 128 : i32
      %lt3A_366 = arith.cmpi slt, %add3A_364, %lt3A_365 : i32
      %convert_element_type3A_367 = arith.extui %lt3A_366 : i1 to i32
      %cond3A_368 = arith.constant 0 : i32
      %cond3A_369 = arith.cmpi ne, %convert_element_type3A_367, %cond3A_368 : i32
      scf.if %cond3A_369 {
        %add3A_622 = arith.constant 3 : i32
        %add3A_623 = arith.addi %add3A_355, %add3A_622 : i32
        %mul3A_624 = arith.constant 80 : i32
        %mul3A_625 = arith.muli %add3A_623, %mul3A_624 : i32
        %add3A_626 = arith.addi %mul3A_2, %mul3A_625 : i32
        %dma_wait3A_627 = arith.constant 5 : i32
        %dma_wait3A_628 = arith.constant 0 : i32
        %dma_wait3A_629 = arith.constant 0 : i32
        %dma_wait3A_630 = tpu.memref_slice %arg6[%dma_wait3A_627, %dma_wait3A_628, %dma_wait3A_629] : memref<8x1x80xi32, #tpu.memory_space<vmem>> -> memref<1x1x80xi32, #tpu.memory_space<vmem>>
        %dma_wait3A_631 = tpu.memref_squeeze %dma_wait3A_630 : memref<1x1x80xi32, #tpu.memory_space<vmem>> -> memref<80xi32, #tpu.memory_space<vmem>>
        %dma_wait3A_632 = tpu.memref_slice %arg3[%add3A_626] : memref<327680xi32, #tpu.memory_space<hbm>> -> memref<80xi32, #tpu.memory_space<hbm>>
        %dma_wait3A_633 = arith.constant 0 : i32
        %dma_wait3A_634 = tpu.memref_slice %arg6[%dma_wait3A_627, %dma_wait3A_628, %dma_wait3A_633] : memref<8x1x80xi32, #tpu.memory_space<vmem>> -> memref<1x1x80xi32, #tpu.memory_space<vmem>>
        %dma_wait3A_635 = tpu.memref_squeeze %dma_wait3A_634 : memref<1x1x80xi32, #tpu.memory_space<vmem>> -> memref<80xi32, #tpu.memory_space<vmem>>
        %dma_wait3A_636 = tpu.memref_slice %arg3[%add3A_626] : memref<327680xi32, #tpu.memory_space<hbm>> -> memref<80xi32, #tpu.memory_space<hbm>>
        tpu.wait_dma2 semaphore(%arg15 : memref<!tpu.dma_semaphore, #tpu.memory_space<semaphore_mem>>) src(%dma_wait3A_636 : memref<80xi32, #tpu.memory_space<hbm>>) dst(%dma_wait3A_635 : memref<80xi32, #tpu.memory_space<vmem>>)
        %dma_wait3A_637 = arith.constant 5 : i32
        %dma_wait3A_638 = arith.constant 0 : i32
        %dma_wait3A_639 = arith.constant 0 : i32
        %dma_wait3A_640 = tpu.memref_slice %arg7[%dma_wait3A_637, %dma_wait3A_638, %dma_wait3A_639] : memref<8x1x80xi32, #tpu.memory_space<vmem>> -> memref<1x1x80xi32, #tpu.memory_space<vmem>>
        %dma_wait3A_641 = tpu.memref_squeeze %dma_wait3A_640 : memref<1x1x80xi32, #tpu.memory_space<vmem>> -> memref<80xi32, #tpu.memory_space<vmem>>
        %dma_wait3A_642 = tpu.memref_slice %arg4[%add3A_626] : memref<327680xi32, #tpu.memory_space<hbm>> -> memref<80xi32, #tpu.memory_space<hbm>>
        %dma_wait3A_643 = arith.constant 0 : i32
        %dma_wait3A_644 = tpu.memref_slice %arg7[%dma_wait3A_637, %dma_wait3A_638, %dma_wait3A_643] : memref<8x1x80xi32, #tpu.memory_space<vmem>> -> memref<1x1x80xi32, #tpu.memory_space<vmem>>
        %dma_wait3A_645 = tpu.memref_squeeze %dma_wait3A_644 : memref<1x1x80xi32, #tpu.memory_space<vmem>> -> memref<80xi32, #tpu.memory_space<vmem>>
        %dma_wait3A_646 = tpu.memref_slice %arg4[%add3A_626] : memref<327680xi32, #tpu.memory_space<hbm>> -> memref<80xi32, #tpu.memory_space<hbm>>
        tpu.wait_dma2 semaphore(%arg15 : memref<!tpu.dma_semaphore, #tpu.memory_space<semaphore_mem>>) src(%dma_wait3A_646 : memref<80xi32, #tpu.memory_space<hbm>>) dst(%dma_wait3A_645 : memref<80xi32, #tpu.memory_space<vmem>>)
        %add3A_647 = arith.constant 3 : i32
        %add3A_648 = arith.addi %add3A_355, %add3A_647 : i32
        %dma_start3A_649 = arith.constant 5 : i32
        %dma_start3A_650 = arith.constant 0 : i32
        %dma_start3A_651 = arith.constant 0 : i32
        %dma_start3A_652 = tpu.memref_slice %arg6[%dma_start3A_649, %dma_start3A_650, %dma_start3A_651] : memref<8x1x80xi32, #tpu.memory_space<vmem>> -> memref<1x1x80xi32, #tpu.memory_space<vmem>>
        %dma_start3A_653 = tpu.memref_squeeze %dma_start3A_652 : memref<1x1x80xi32, #tpu.memory_space<vmem>> -> memref<80xi32, #tpu.memory_space<vmem>>
        %dma_start3A_654 = arith.constant 0 : i32
        %dma_start3A_655 = arith.constant 0 : i32
        %dma_start3A_656 = tpu.memref_slice %arg2[%dma_start3A_654, %dma_start3A_655] : memref<50000x128xf32, #tpu.memory_space<hbm>> -> memref<50000x128xf32, #tpu.memory_space<hbm>>
        tpu.enqueue_indirect_dma source(%dma_start3A_656 : memref<50000x128xf32, #tpu.memory_space<hbm>>) target(%arg9 : memref<80x128xf32, #tpu.memory_space<vmem>>) offsets(%dma_start3A_653 : memref<80xi32, #tpu.memory_space<vmem>>) semaphore(%arg13 : memref<!tpu.dma_semaphore, #tpu.memory_space<semaphore_mem>>)
      } else {
      }
      %add3A_370 = arith.constant 0 : i32
      %add3A_371 = arith.addi %add3A_355, %add3A_370 : i32
      %dma_wait3A_372 = arith.constant 2 : i32
      %dma_wait3A_373 = arith.constant 0 : i32
      %dma_wait3A_374 = arith.constant 0 : i32
      %dma_wait3A_375 = tpu.memref_slice %arg6[%dma_wait3A_372, %dma_wait3A_373, %dma_wait3A_374] : memref<8x1x80xi32, #tpu.memory_space<vmem>> -> memref<1x1x80xi32, #tpu.memory_space<vmem>>
      %dma_wait3A_376 = tpu.memref_squeeze %dma_wait3A_375 : memref<1x1x80xi32, #tpu.memory_space<vmem>> -> memref<80xi32, #tpu.memory_space<vmem>>
      %dma_wait3A_377 = arith.constant 0 : i32
      %dma_wait3A_378 = arith.constant 0 : i32
      %dma_wait3A_379 = tpu.memref_slice %arg2[%dma_wait3A_377, %dma_wait3A_378] : memref<50000x128xf32, #tpu.memory_space<hbm>> -> memref<50000x128xf32, #tpu.memory_space<hbm>>
      tpu.wait_indirect_dma semaphore(%arg13 : memref<!tpu.dma_semaphore, #tpu.memory_space<semaphore_mem>>) src(%dma_wait3A_379 : memref<50000x128xf32, #tpu.memory_space<hbm>>) dst(%arg10 : memref<80x128xf32, #tpu.memory_space<vmem>>)
      %add3A_380 = arith.constant 0 : i32
      %add3A_381 = arith.addi %add3A_355, %add3A_380 : i32
      %dma_start3A_382 = arith.constant 2 : i32
      %dma_start3A_383 = arith.constant 0 : i32
      %dma_start3A_384 = arith.constant 0 : i32
      %dma_start3A_385 = tpu.memref_slice %arg7[%dma_start3A_382, %dma_start3A_383, %dma_start3A_384] : memref<8x1x80xi32, #tpu.memory_space<vmem>> -> memref<1x1x80xi32, #tpu.memory_space<vmem>>
      %dma_start3A_386 = tpu.memref_squeeze %dma_start3A_385 : memref<1x1x80xi32, #tpu.memory_space<vmem>> -> memref<80xi32, #tpu.memory_space<vmem>>
      %dma_start3A_387 = arith.constant 0 : i32
      %dma_start3A_388 = arith.constant 0 : i32
      %dma_start3A_389 = tpu.memref_slice %arg12[%dma_start3A_387, %dma_start3A_388] : memref<10240x128xf32, #tpu.memory_space<vmem_shared>> -> memref<10240x128xf32, #tpu.memory_space<vmem_shared>>
      tpu.enqueue_indirect_dma source(%arg10 : memref<80x128xf32, #tpu.memory_space<vmem>>) target(%dma_start3A_389 : memref<10240x128xf32, #tpu.memory_space<vmem_shared>>) offsets(%dma_start3A_386 : memref<80xi32, #tpu.memory_space<vmem>>) semaphore(%arg14 : memref<!tpu.dma_semaphore, #tpu.memory_space<semaphore_mem>>) {add = true}
      %add3A_390 = arith.constant 5 : i32
      %add3A_391 = arith.addi %add3A_355, %add3A_390 : i32
      %lt3A_392 = arith.constant 128 : i32
      %lt3A_393 = arith.cmpi slt, %add3A_391, %lt3A_392 : i32
      %convert_element_type3A_394 = arith.extui %lt3A_393 : i1 to i32
      %cond3A_395 = arith.constant 0 : i32
      %cond3A_396 = arith.cmpi ne, %convert_element_type3A_394, %cond3A_395 : i32
      scf.if %cond3A_396 {
        %add3A_622 = arith.constant 5 : i32
        %add3A_623 = arith.addi %add3A_355, %add3A_622 : i32
        %mul3A_624 = arith.constant 80 : i32
        %mul3A_625 = arith.muli %add3A_623, %mul3A_624 : i32
        %add3A_626 = arith.addi %mul3A_2, %mul3A_625 : i32
        %dma_start3A_627 = arith.constant 7 : i32
        %dma_start3A_628 = arith.constant 0 : i32
        %dma_start3A_629 = arith.constant 0 : i32
        %dma_start3A_630 = tpu.memref_slice %arg6[%dma_start3A_627, %dma_start3A_628, %dma_start3A_629] : memref<8x1x80xi32, #tpu.memory_space<vmem>> -> memref<1x1x80xi32, #tpu.memory_space<vmem>>
        %dma_start3A_631 = tpu.memref_squeeze %dma_start3A_630 : memref<1x1x80xi32, #tpu.memory_space<vmem>> -> memref<80xi32, #tpu.memory_space<vmem>>
        %dma_start3A_632 = tpu.memref_slice %arg3[%add3A_626] : memref<327680xi32, #tpu.memory_space<hbm>> -> memref<80xi32, #tpu.memory_space<hbm>>
        %dma_start3A_633 = arith.constant 0 : i32
        %dma_start3A_634 = tpu.memref_slice %arg6[%dma_start3A_627, %dma_start3A_628, %dma_start3A_633] : memref<8x1x80xi32, #tpu.memory_space<vmem>> -> memref<1x1x80xi32, #tpu.memory_space<vmem>>
        %dma_start3A_635 = tpu.memref_squeeze %dma_start3A_634 : memref<1x1x80xi32, #tpu.memory_space<vmem>> -> memref<80xi32, #tpu.memory_space<vmem>>
        %dma_start3A_636 = tpu.memref_slice %arg3[%add3A_626] : memref<327680xi32, #tpu.memory_space<hbm>> -> memref<80xi32, #tpu.memory_space<hbm>>
        tpu.enqueue_dma source(%dma_start3A_636 : memref<80xi32, #tpu.memory_space<hbm>>) target(%dma_start3A_635 : memref<80xi32, #tpu.memory_space<vmem>>) target_semaphore(%arg15 : memref<!tpu.dma_semaphore, #tpu.memory_space<semaphore_mem>>)
        %dma_start3A_637 = arith.constant 7 : i32
        %dma_start3A_638 = arith.constant 0 : i32
        %dma_start3A_639 = arith.constant 0 : i32
        %dma_start3A_640 = tpu.memref_slice %arg7[%dma_start3A_637, %dma_start3A_638, %dma_start3A_639] : memref<8x1x80xi32, #tpu.memory_space<vmem>> -> memref<1x1x80xi32, #tpu.memory_space<vmem>>
        %dma_start3A_641 = tpu.memref_squeeze %dma_start3A_640 : memref<1x1x80xi32, #tpu.memory_space<vmem>> -> memref<80xi32, #tpu.memory_space<vmem>>
        %dma_start3A_642 = tpu.memref_slice %arg4[%add3A_626] : memref<327680xi32, #tpu.memory_space<hbm>> -> memref<80xi32, #tpu.memory_space<hbm>>
        %dma_start3A_643 = arith.constant 0 : i32
        %dma_start3A_644 = tpu.memref_slice %arg7[%dma_start3A_637, %dma_start3A_638, %dma_start3A_643] : memref<8x1x80xi32, #tpu.memory_space<vmem>> -> memref<1x1x80xi32, #tpu.memory_space<vmem>>
        %dma_start3A_645 = tpu.memref_squeeze %dma_start3A_644 : memref<1x1x80xi32, #tpu.memory_space<vmem>> -> memref<80xi32, #tpu.memory_space<vmem>>
        %dma_start3A_646 = tpu.memref_slice %arg4[%add3A_626] : memref<327680xi32, #tpu.memory_space<hbm>> -> memref<80xi32, #tpu.memory_space<hbm>>
        tpu.enqueue_dma source(%dma_start3A_646 : memref<80xi32, #tpu.memory_space<hbm>>) target(%dma_start3A_645 : memref<80xi32, #tpu.memory_space<vmem>>) target_semaphore(%arg15 : memref<!tpu.dma_semaphore, #tpu.memory_space<semaphore_mem>>)
      } else {
      }
      %mul3A_397 = arith.constant 8 : i32
      %mul3A_398 = arith.muli %while3A_265, %mul3A_397 : i32
      %add3A_399 = arith.constant 3 : i32
      %add3A_400 = arith.addi %mul3A_398, %add3A_399 : i32
      %add3A_401 = arith.constant 0 : i32
      %add3A_402 = arith.addi %add3A_400, %add3A_401 : i32
      %ge3A_403 = arith.constant 1 : i32
      %ge3A_404 = arith.cmpi sge, %add3A_402, %ge3A_403 : i32
      %convert_element_type3A_405 = arith.extui %ge3A_404 : i1 to i32
      %cond3A_406 = arith.constant 0 : i32
      %cond3A_407 = arith.cmpi ne, %convert_element_type3A_405, %cond3A_406 : i32
      scf.if %cond3A_407 {
        %add3A_622 = arith.constant -1 : i32
        %add3A_623 = arith.addi %add3A_400, %add3A_622 : i32
        %dma_wait3A_624 = arith.constant 2 : i32
        %dma_wait3A_625 = arith.constant 0 : i32
        %dma_wait3A_626 = arith.constant 0 : i32
        %dma_wait3A_627 = tpu.memref_slice %arg7[%dma_wait3A_624, %dma_wait3A_625, %dma_wait3A_626] : memref<8x1x80xi32, #tpu.memory_space<vmem>> -> memref<1x1x80xi32, #tpu.memory_space<vmem>>
        %dma_wait3A_628 = tpu.memref_squeeze %dma_wait3A_627 : memref<1x1x80xi32, #tpu.memory_space<vmem>> -> memref<80xi32, #tpu.memory_space<vmem>>
        %dma_wait3A_629 = arith.constant 0 : i32
        %dma_wait3A_630 = arith.constant 0 : i32
        %dma_wait3A_631 = tpu.memref_slice %arg12[%dma_wait3A_629, %dma_wait3A_630] : memref<10240x128xf32, #tpu.memory_space<vmem_shared>> -> memref<10240x128xf32, #tpu.memory_space<vmem_shared>>
        tpu.wait_indirect_dma semaphore(%arg14 : memref<!tpu.dma_semaphore, #tpu.memory_space<semaphore_mem>>) src(%arg10 : memref<80x128xf32, #tpu.memory_space<vmem>>) dst(%dma_wait3A_631 : memref<10240x128xf32, #tpu.memory_space<vmem_shared>>)
      } else {
      }
      %add3A_408 = arith.constant 3 : i32
      %add3A_409 = arith.addi %add3A_400, %add3A_408 : i32
      %lt3A_410 = arith.constant 128 : i32
      %lt3A_411 = arith.cmpi slt, %add3A_409, %lt3A_410 : i32
      %convert_element_type3A_412 = arith.extui %lt3A_411 : i1 to i32
      %cond3A_413 = arith.constant 0 : i32
      %cond3A_414 = arith.cmpi ne, %convert_element_type3A_412, %cond3A_413 : i32
      scf.if %cond3A_414 {
        %add3A_622 = arith.constant 3 : i32
        %add3A_623 = arith.addi %add3A_400, %add3A_622 : i32
        %mul3A_624 = arith.constant 80 : i32
        %mul3A_625 = arith.muli %add3A_623, %mul3A_624 : i32
        %add3A_626 = arith.addi %mul3A_2, %mul3A_625 : i32
        %dma_wait3A_627 = arith.constant 6 : i32
        %dma_wait3A_628 = arith.constant 0 : i32
        %dma_wait3A_629 = arith.constant 0 : i32
        %dma_wait3A_630 = tpu.memref_slice %arg6[%dma_wait3A_627, %dma_wait3A_628, %dma_wait3A_629] : memref<8x1x80xi32, #tpu.memory_space<vmem>> -> memref<1x1x80xi32, #tpu.memory_space<vmem>>
        %dma_wait3A_631 = tpu.memref_squeeze %dma_wait3A_630 : memref<1x1x80xi32, #tpu.memory_space<vmem>> -> memref<80xi32, #tpu.memory_space<vmem>>
        %dma_wait3A_632 = tpu.memref_slice %arg3[%add3A_626] : memref<327680xi32, #tpu.memory_space<hbm>> -> memref<80xi32, #tpu.memory_space<hbm>>
        %dma_wait3A_633 = arith.constant 0 : i32
        %dma_wait3A_634 = tpu.memref_slice %arg6[%dma_wait3A_627, %dma_wait3A_628, %dma_wait3A_633] : memref<8x1x80xi32, #tpu.memory_space<vmem>> -> memref<1x1x80xi32, #tpu.memory_space<vmem>>
        %dma_wait3A_635 = tpu.memref_squeeze %dma_wait3A_634 : memref<1x1x80xi32, #tpu.memory_space<vmem>> -> memref<80xi32, #tpu.memory_space<vmem>>
        %dma_wait3A_636 = tpu.memref_slice %arg3[%add3A_626] : memref<327680xi32, #tpu.memory_space<hbm>> -> memref<80xi32, #tpu.memory_space<hbm>>
        tpu.wait_dma2 semaphore(%arg15 : memref<!tpu.dma_semaphore, #tpu.memory_space<semaphore_mem>>) src(%dma_wait3A_636 : memref<80xi32, #tpu.memory_space<hbm>>) dst(%dma_wait3A_635 : memref<80xi32, #tpu.memory_space<vmem>>)
        %dma_wait3A_637 = arith.constant 6 : i32
        %dma_wait3A_638 = arith.constant 0 : i32
        %dma_wait3A_639 = arith.constant 0 : i32
        %dma_wait3A_640 = tpu.memref_slice %arg7[%dma_wait3A_637, %dma_wait3A_638, %dma_wait3A_639] : memref<8x1x80xi32, #tpu.memory_space<vmem>> -> memref<1x1x80xi32, #tpu.memory_space<vmem>>
        %dma_wait3A_641 = tpu.memref_squeeze %dma_wait3A_640 : memref<1x1x80xi32, #tpu.memory_space<vmem>> -> memref<80xi32, #tpu.memory_space<vmem>>
        %dma_wait3A_642 = tpu.memref_slice %arg4[%add3A_626] : memref<327680xi32, #tpu.memory_space<hbm>> -> memref<80xi32, #tpu.memory_space<hbm>>
        %dma_wait3A_643 = arith.constant 0 : i32
        %dma_wait3A_644 = tpu.memref_slice %arg7[%dma_wait3A_637, %dma_wait3A_638, %dma_wait3A_643] : memref<8x1x80xi32, #tpu.memory_space<vmem>> -> memref<1x1x80xi32, #tpu.memory_space<vmem>>
        %dma_wait3A_645 = tpu.memref_squeeze %dma_wait3A_644 : memref<1x1x80xi32, #tpu.memory_space<vmem>> -> memref<80xi32, #tpu.memory_space<vmem>>
        %dma_wait3A_646 = tpu.memref_slice %arg4[%add3A_626] : memref<327680xi32, #tpu.memory_space<hbm>> -> memref<80xi32, #tpu.memory_space<hbm>>
        tpu.wait_dma2 semaphore(%arg15 : memref<!tpu.dma_semaphore, #tpu.memory_space<semaphore_mem>>) src(%dma_wait3A_646 : memref<80xi32, #tpu.memory_space<hbm>>) dst(%dma_wait3A_645 : memref<80xi32, #tpu.memory_space<vmem>>)
        %add3A_647 = arith.constant 3 : i32
        %add3A_648 = arith.addi %add3A_400, %add3A_647 : i32
        %dma_start3A_649 = arith.constant 6 : i32
        %dma_start3A_650 = arith.constant 0 : i32
        %dma_start3A_651 = arith.constant 0 : i32
        %dma_start3A_652 = tpu.memref_slice %arg6[%dma_start3A_649, %dma_start3A_650, %dma_start3A_651] : memref<8x1x80xi32, #tpu.memory_space<vmem>> -> memref<1x1x80xi32, #tpu.memory_space<vmem>>
        %dma_start3A_653 = tpu.memref_squeeze %dma_start3A_652 : memref<1x1x80xi32, #tpu.memory_space<vmem>> -> memref<80xi32, #tpu.memory_space<vmem>>
        %dma_start3A_654 = arith.constant 0 : i32
        %dma_start3A_655 = arith.constant 0 : i32
        %dma_start3A_656 = tpu.memref_slice %arg2[%dma_start3A_654, %dma_start3A_655] : memref<50000x128xf32, #tpu.memory_space<hbm>> -> memref<50000x128xf32, #tpu.memory_space<hbm>>
        tpu.enqueue_indirect_dma source(%dma_start3A_656 : memref<50000x128xf32, #tpu.memory_space<hbm>>) target(%arg10 : memref<80x128xf32, #tpu.memory_space<vmem>>) offsets(%dma_start3A_653 : memref<80xi32, #tpu.memory_space<vmem>>) semaphore(%arg13 : memref<!tpu.dma_semaphore, #tpu.memory_space<semaphore_mem>>)
      } else {
      }
      %add3A_415 = arith.constant 0 : i32
      %add3A_416 = arith.addi %add3A_400, %add3A_415 : i32
      %dma_wait3A_417 = arith.constant 3 : i32
      %dma_wait3A_418 = arith.constant 0 : i32
      %dma_wait3A_419 = arith.constant 0 : i32
      %dma_wait3A_420 = tpu.memref_slice %arg6[%dma_wait3A_417, %dma_wait3A_418, %dma_wait3A_419] : memref<8x1x80xi32, #tpu.memory_space<vmem>> -> memref<1x1x80xi32, #tpu.memory_space<vmem>>
      %dma_wait3A_421 = tpu.memref_squeeze %dma_wait3A_420 : memref<1x1x80xi32, #tpu.memory_space<vmem>> -> memref<80xi32, #tpu.memory_space<vmem>>
      %dma_wait3A_422 = arith.constant 0 : i32
      %dma_wait3A_423 = arith.constant 0 : i32
      %dma_wait3A_424 = tpu.memref_slice %arg2[%dma_wait3A_422, %dma_wait3A_423] : memref<50000x128xf32, #tpu.memory_space<hbm>> -> memref<50000x128xf32, #tpu.memory_space<hbm>>
      tpu.wait_indirect_dma semaphore(%arg13 : memref<!tpu.dma_semaphore, #tpu.memory_space<semaphore_mem>>) src(%dma_wait3A_424 : memref<50000x128xf32, #tpu.memory_space<hbm>>) dst(%arg11 : memref<80x128xf32, #tpu.memory_space<vmem>>)
      %add3A_425 = arith.constant 0 : i32
      %add3A_426 = arith.addi %add3A_400, %add3A_425 : i32
      %dma_start3A_427 = arith.constant 3 : i32
      %dma_start3A_428 = arith.constant 0 : i32
      %dma_start3A_429 = arith.constant 0 : i32
      %dma_start3A_430 = tpu.memref_slice %arg7[%dma_start3A_427, %dma_start3A_428, %dma_start3A_429] : memref<8x1x80xi32, #tpu.memory_space<vmem>> -> memref<1x1x80xi32, #tpu.memory_space<vmem>>
      %dma_start3A_431 = tpu.memref_squeeze %dma_start3A_430 : memref<1x1x80xi32, #tpu.memory_space<vmem>> -> memref<80xi32, #tpu.memory_space<vmem>>
      %dma_start3A_432 = arith.constant 0 : i32
      %dma_start3A_433 = arith.constant 0 : i32
      %dma_start3A_434 = tpu.memref_slice %arg12[%dma_start3A_432, %dma_start3A_433] : memref<10240x128xf32, #tpu.memory_space<vmem_shared>> -> memref<10240x128xf32, #tpu.memory_space<vmem_shared>>
      tpu.enqueue_indirect_dma source(%arg11 : memref<80x128xf32, #tpu.memory_space<vmem>>) target(%dma_start3A_434 : memref<10240x128xf32, #tpu.memory_space<vmem_shared>>) offsets(%dma_start3A_431 : memref<80xi32, #tpu.memory_space<vmem>>) semaphore(%arg14 : memref<!tpu.dma_semaphore, #tpu.memory_space<semaphore_mem>>) {add = true}
      %add3A_435 = arith.constant 5 : i32
      %add3A_436 = arith.addi %add3A_400, %add3A_435 : i32
      %lt3A_437 = arith.constant 128 : i32
      %lt3A_438 = arith.cmpi slt, %add3A_436, %lt3A_437 : i32
      %convert_element_type3A_439 = arith.extui %lt3A_438 : i1 to i32
      %cond3A_440 = arith.constant 0 : i32
      %cond3A_441 = arith.cmpi ne, %convert_element_type3A_439, %cond3A_440 : i32
      scf.if %cond3A_441 {
        %add3A_622 = arith.constant 5 : i32
        %add3A_623 = arith.addi %add3A_400, %add3A_622 : i32
        %mul3A_624 = arith.constant 80 : i32
        %mul3A_625 = arith.muli %add3A_623, %mul3A_624 : i32
        %add3A_626 = arith.addi %mul3A_2, %mul3A_625 : i32
        %dma_start3A_627 = arith.constant 0 : i32
        %dma_start3A_628 = arith.constant 0 : i32
        %dma_start3A_629 = arith.constant 0 : i32
        %dma_start3A_630 = tpu.memref_slice %arg6[%dma_start3A_627, %dma_start3A_628, %dma_start3A_629] : memref<8x1x80xi32, #tpu.memory_space<vmem>> -> memref<1x1x80xi32, #tpu.memory_space<vmem>>
        %dma_start3A_631 = tpu.memref_squeeze %dma_start3A_630 : memref<1x1x80xi32, #tpu.memory_space<vmem>> -> memref<80xi32, #tpu.memory_space<vmem>>
        %dma_start3A_632 = tpu.memref_slice %arg3[%add3A_626] : memref<327680xi32, #tpu.memory_space<hbm>> -> memref<80xi32, #tpu.memory_space<hbm>>
        %dma_start3A_633 = arith.constant 0 : i32
        %dma_start3A_634 = tpu.memref_slice %arg6[%dma_start3A_627, %dma_start3A_628, %dma_start3A_633] : memref<8x1x80xi32, #tpu.memory_space<vmem>> -> memref<1x1x80xi32, #tpu.memory_space<vmem>>
        %dma_start3A_635 = tpu.memref_squeeze %dma_start3A_634 : memref<1x1x80xi32, #tpu.memory_space<vmem>> -> memref<80xi32, #tpu.memory_space<vmem>>
        %dma_start3A_636 = tpu.memref_slice %arg3[%add3A_626] : memref<327680xi32, #tpu.memory_space<hbm>> -> memref<80xi32, #tpu.memory_space<hbm>>
        tpu.enqueue_dma source(%dma_start3A_636 : memref<80xi32, #tpu.memory_space<hbm>>) target(%dma_start3A_635 : memref<80xi32, #tpu.memory_space<vmem>>) target_semaphore(%arg15 : memref<!tpu.dma_semaphore, #tpu.memory_space<semaphore_mem>>)
        %dma_start3A_637 = arith.constant 0 : i32
        %dma_start3A_638 = arith.constant 0 : i32
        %dma_start3A_639 = arith.constant 0 : i32
        %dma_start3A_640 = tpu.memref_slice %arg7[%dma_start3A_637, %dma_start3A_638, %dma_start3A_639] : memref<8x1x80xi32, #tpu.memory_space<vmem>> -> memref<1x1x80xi32, #tpu.memory_space<vmem>>
        %dma_start3A_641 = tpu.memref_squeeze %dma_start3A_640 : memref<1x1x80xi32, #tpu.memory_space<vmem>> -> memref<80xi32, #tpu.memory_space<vmem>>
        %dma_start3A_642 = tpu.memref_slice %arg4[%add3A_626] : memref<327680xi32, #tpu.memory_space<hbm>> -> memref<80xi32, #tpu.memory_space<hbm>>
        %dma_start3A_643 = arith.constant 0 : i32
        %dma_start3A_644 = tpu.memref_slice %arg7[%dma_start3A_637, %dma_start3A_638, %dma_start3A_643] : memref<8x1x80xi32, #tpu.memory_space<vmem>> -> memref<1x1x80xi32, #tpu.memory_space<vmem>>
        %dma_start3A_645 = tpu.memref_squeeze %dma_start3A_644 : memref<1x1x80xi32, #tpu.memory_space<vmem>> -> memref<80xi32, #tpu.memory_space<vmem>>
        %dma_start3A_646 = tpu.memref_slice %arg4[%add3A_626] : memref<327680xi32, #tpu.memory_space<hbm>> -> memref<80xi32, #tpu.memory_space<hbm>>
        tpu.enqueue_dma source(%dma_start3A_646 : memref<80xi32, #tpu.memory_space<hbm>>) target(%dma_start3A_645 : memref<80xi32, #tpu.memory_space<vmem>>) target_semaphore(%arg15 : memref<!tpu.dma_semaphore, #tpu.memory_space<semaphore_mem>>)
      } else {
      }
      %mul3A_442 = arith.constant 8 : i32
      %mul3A_443 = arith.muli %while3A_265, %mul3A_442 : i32
      %add3A_444 = arith.constant 4 : i32
      %add3A_445 = arith.addi %mul3A_443, %add3A_444 : i32
      %add3A_446 = arith.constant 0 : i32
      %add3A_447 = arith.addi %add3A_445, %add3A_446 : i32
      %ge3A_448 = arith.constant 1 : i32
      %ge3A_449 = arith.cmpi sge, %add3A_447, %ge3A_448 : i32
      %convert_element_type3A_450 = arith.extui %ge3A_449 : i1 to i32
      %cond3A_451 = arith.constant 0 : i32
      %cond3A_452 = arith.cmpi ne, %convert_element_type3A_450, %cond3A_451 : i32
      scf.if %cond3A_452 {
        %add3A_622 = arith.constant -1 : i32
        %add3A_623 = arith.addi %add3A_445, %add3A_622 : i32
        %dma_wait3A_624 = arith.constant 3 : i32
        %dma_wait3A_625 = arith.constant 0 : i32
        %dma_wait3A_626 = arith.constant 0 : i32
        %dma_wait3A_627 = tpu.memref_slice %arg7[%dma_wait3A_624, %dma_wait3A_625, %dma_wait3A_626] : memref<8x1x80xi32, #tpu.memory_space<vmem>> -> memref<1x1x80xi32, #tpu.memory_space<vmem>>
        %dma_wait3A_628 = tpu.memref_squeeze %dma_wait3A_627 : memref<1x1x80xi32, #tpu.memory_space<vmem>> -> memref<80xi32, #tpu.memory_space<vmem>>
        %dma_wait3A_629 = arith.constant 0 : i32
        %dma_wait3A_630 = arith.constant 0 : i32
        %dma_wait3A_631 = tpu.memref_slice %arg12[%dma_wait3A_629, %dma_wait3A_630] : memref<10240x128xf32, #tpu.memory_space<vmem_shared>> -> memref<10240x128xf32, #tpu.memory_space<vmem_shared>>
        tpu.wait_indirect_dma semaphore(%arg14 : memref<!tpu.dma_semaphore, #tpu.memory_space<semaphore_mem>>) src(%arg11 : memref<80x128xf32, #tpu.memory_space<vmem>>) dst(%dma_wait3A_631 : memref<10240x128xf32, #tpu.memory_space<vmem_shared>>)
      } else {
      }
      %add3A_453 = arith.constant 3 : i32
      %add3A_454 = arith.addi %add3A_445, %add3A_453 : i32
      %lt3A_455 = arith.constant 128 : i32
      %lt3A_456 = arith.cmpi slt, %add3A_454, %lt3A_455 : i32
      %convert_element_type3A_457 = arith.extui %lt3A_456 : i1 to i32
      %cond3A_458 = arith.constant 0 : i32
      %cond3A_459 = arith.cmpi ne, %convert_element_type3A_457, %cond3A_458 : i32
      scf.if %cond3A_459 {
        %add3A_622 = arith.constant 3 : i32
        %add3A_623 = arith.addi %add3A_445, %add3A_622 : i32
        %mul3A_624 = arith.constant 80 : i32
        %mul3A_625 = arith.muli %add3A_623, %mul3A_624 : i32
        %add3A_626 = arith.addi %mul3A_2, %mul3A_625 : i32
        %dma_wait3A_627 = arith.constant 7 : i32
        %dma_wait3A_628 = arith.constant 0 : i32
        %dma_wait3A_629 = arith.constant 0 : i32
        %dma_wait3A_630 = tpu.memref_slice %arg6[%dma_wait3A_627, %dma_wait3A_628, %dma_wait3A_629] : memref<8x1x80xi32, #tpu.memory_space<vmem>> -> memref<1x1x80xi32, #tpu.memory_space<vmem>>
        %dma_wait3A_631 = tpu.memref_squeeze %dma_wait3A_630 : memref<1x1x80xi32, #tpu.memory_space<vmem>> -> memref<80xi32, #tpu.memory_space<vmem>>
        %dma_wait3A_632 = tpu.memref_slice %arg3[%add3A_626] : memref<327680xi32, #tpu.memory_space<hbm>> -> memref<80xi32, #tpu.memory_space<hbm>>
        %dma_wait3A_633 = arith.constant 0 : i32
        %dma_wait3A_634 = tpu.memref_slice %arg6[%dma_wait3A_627, %dma_wait3A_628, %dma_wait3A_633] : memref<8x1x80xi32, #tpu.memory_space<vmem>> -> memref<1x1x80xi32, #tpu.memory_space<vmem>>
        %dma_wait3A_635 = tpu.memref_squeeze %dma_wait3A_634 : memref<1x1x80xi32, #tpu.memory_space<vmem>> -> memref<80xi32, #tpu.memory_space<vmem>>
        %dma_wait3A_636 = tpu.memref_slice %arg3[%add3A_626] : memref<327680xi32, #tpu.memory_space<hbm>> -> memref<80xi32, #tpu.memory_space<hbm>>
        tpu.wait_dma2 semaphore(%arg15 : memref<!tpu.dma_semaphore, #tpu.memory_space<semaphore_mem>>) src(%dma_wait3A_636 : memref<80xi32, #tpu.memory_space<hbm>>) dst(%dma_wait3A_635 : memref<80xi32, #tpu.memory_space<vmem>>)
        %dma_wait3A_637 = arith.constant 7 : i32
        %dma_wait3A_638 = arith.constant 0 : i32
        %dma_wait3A_639 = arith.constant 0 : i32
        %dma_wait3A_640 = tpu.memref_slice %arg7[%dma_wait3A_637, %dma_wait3A_638, %dma_wait3A_639] : memref<8x1x80xi32, #tpu.memory_space<vmem>> -> memref<1x1x80xi32, #tpu.memory_space<vmem>>
        %dma_wait3A_641 = tpu.memref_squeeze %dma_wait3A_640 : memref<1x1x80xi32, #tpu.memory_space<vmem>> -> memref<80xi32, #tpu.memory_space<vmem>>
        %dma_wait3A_642 = tpu.memref_slice %arg4[%add3A_626] : memref<327680xi32, #tpu.memory_space<hbm>> -> memref<80xi32, #tpu.memory_space<hbm>>
        %dma_wait3A_643 = arith.constant 0 : i32
        %dma_wait3A_644 = tpu.memref_slice %arg7[%dma_wait3A_637, %dma_wait3A_638, %dma_wait3A_643] : memref<8x1x80xi32, #tpu.memory_space<vmem>> -> memref<1x1x80xi32, #tpu.memory_space<vmem>>
        %dma_wait3A_645 = tpu.memref_squeeze %dma_wait3A_644 : memref<1x1x80xi32, #tpu.memory_space<vmem>> -> memref<80xi32, #tpu.memory_space<vmem>>
        %dma_wait3A_646 = tpu.memref_slice %arg4[%add3A_626] : memref<327680xi32, #tpu.memory_space<hbm>> -> memref<80xi32, #tpu.memory_space<hbm>>
        tpu.wait_dma2 semaphore(%arg15 : memref<!tpu.dma_semaphore, #tpu.memory_space<semaphore_mem>>) src(%dma_wait3A_646 : memref<80xi32, #tpu.memory_space<hbm>>) dst(%dma_wait3A_645 : memref<80xi32, #tpu.memory_space<vmem>>)
        %add3A_647 = arith.constant 3 : i32
        %add3A_648 = arith.addi %add3A_445, %add3A_647 : i32
        %dma_start3A_649 = arith.constant 7 : i32
        %dma_start3A_650 = arith.constant 0 : i32
        %dma_start3A_651 = arith.constant 0 : i32
        %dma_start3A_652 = tpu.memref_slice %arg6[%dma_start3A_649, %dma_start3A_650, %dma_start3A_651] : memref<8x1x80xi32, #tpu.memory_space<vmem>> -> memref<1x1x80xi32, #tpu.memory_space<vmem>>
        %dma_start3A_653 = tpu.memref_squeeze %dma_start3A_652 : memref<1x1x80xi32, #tpu.memory_space<vmem>> -> memref<80xi32, #tpu.memory_space<vmem>>
        %dma_start3A_654 = arith.constant 0 : i32
        %dma_start3A_655 = arith.constant 0 : i32
        %dma_start3A_656 = tpu.memref_slice %arg2[%dma_start3A_654, %dma_start3A_655] : memref<50000x128xf32, #tpu.memory_space<hbm>> -> memref<50000x128xf32, #tpu.memory_space<hbm>>
        tpu.enqueue_indirect_dma source(%dma_start3A_656 : memref<50000x128xf32, #tpu.memory_space<hbm>>) target(%arg11 : memref<80x128xf32, #tpu.memory_space<vmem>>) offsets(%dma_start3A_653 : memref<80xi32, #tpu.memory_space<vmem>>) semaphore(%arg13 : memref<!tpu.dma_semaphore, #tpu.memory_space<semaphore_mem>>)
      } else {
      }
      %add3A_460 = arith.constant 0 : i32
      %add3A_461 = arith.addi %add3A_445, %add3A_460 : i32
      %dma_wait3A_462 = arith.constant 4 : i32
      %dma_wait3A_463 = arith.constant 0 : i32
      %dma_wait3A_464 = arith.constant 0 : i32
      %dma_wait3A_465 = tpu.memref_slice %arg6[%dma_wait3A_462, %dma_wait3A_463, %dma_wait3A_464] : memref<8x1x80xi32, #tpu.memory_space<vmem>> -> memref<1x1x80xi32, #tpu.memory_space<vmem>>
      %dma_wait3A_466 = tpu.memref_squeeze %dma_wait3A_465 : memref<1x1x80xi32, #tpu.memory_space<vmem>> -> memref<80xi32, #tpu.memory_space<vmem>>
      %dma_wait3A_467 = arith.constant 0 : i32
      %dma_wait3A_468 = arith.constant 0 : i32
      %dma_wait3A_469 = tpu.memref_slice %arg2[%dma_wait3A_467, %dma_wait3A_468] : memref<50000x128xf32, #tpu.memory_space<hbm>> -> memref<50000x128xf32, #tpu.memory_space<hbm>>
      tpu.wait_indirect_dma semaphore(%arg13 : memref<!tpu.dma_semaphore, #tpu.memory_space<semaphore_mem>>) src(%dma_wait3A_469 : memref<50000x128xf32, #tpu.memory_space<hbm>>) dst(%arg8 : memref<80x128xf32, #tpu.memory_space<vmem>>)
      %add3A_470 = arith.constant 0 : i32
      %add3A_471 = arith.addi %add3A_445, %add3A_470 : i32
      %dma_start3A_472 = arith.constant 4 : i32
      %dma_start3A_473 = arith.constant 0 : i32
      %dma_start3A_474 = arith.constant 0 : i32
      %dma_start3A_475 = tpu.memref_slice %arg7[%dma_start3A_472, %dma_start3A_473, %dma_start3A_474] : memref<8x1x80xi32, #tpu.memory_space<vmem>> -> memref<1x1x80xi32, #tpu.memory_space<vmem>>
      %dma_start3A_476 = tpu.memref_squeeze %dma_start3A_475 : memref<1x1x80xi32, #tpu.memory_space<vmem>> -> memref<80xi32, #tpu.memory_space<vmem>>
      %dma_start3A_477 = arith.constant 0 : i32
      %dma_start3A_478 = arith.constant 0 : i32
      %dma_start3A_479 = tpu.memref_slice %arg12[%dma_start3A_477, %dma_start3A_478] : memref<10240x128xf32, #tpu.memory_space<vmem_shared>> -> memref<10240x128xf32, #tpu.memory_space<vmem_shared>>
      tpu.enqueue_indirect_dma source(%arg8 : memref<80x128xf32, #tpu.memory_space<vmem>>) target(%dma_start3A_479 : memref<10240x128xf32, #tpu.memory_space<vmem_shared>>) offsets(%dma_start3A_476 : memref<80xi32, #tpu.memory_space<vmem>>) semaphore(%arg14 : memref<!tpu.dma_semaphore, #tpu.memory_space<semaphore_mem>>) {add = true}
      %add3A_480 = arith.constant 5 : i32
      %add3A_481 = arith.addi %add3A_445, %add3A_480 : i32
      %lt3A_482 = arith.constant 128 : i32
      %lt3A_483 = arith.cmpi slt, %add3A_481, %lt3A_482 : i32
      %convert_element_type3A_484 = arith.extui %lt3A_483 : i1 to i32
      %cond3A_485 = arith.constant 0 : i32
      %cond3A_486 = arith.cmpi ne, %convert_element_type3A_484, %cond3A_485 : i32
      scf.if %cond3A_486 {
        %add3A_622 = arith.constant 5 : i32
        %add3A_623 = arith.addi %add3A_445, %add3A_622 : i32
        %mul3A_624 = arith.constant 80 : i32
        %mul3A_625 = arith.muli %add3A_623, %mul3A_624 : i32
        %add3A_626 = arith.addi %mul3A_2, %mul3A_625 : i32
        %dma_start3A_627 = arith.constant 1 : i32
        %dma_start3A_628 = arith.constant 0 : i32
        %dma_start3A_629 = arith.constant 0 : i32
        %dma_start3A_630 = tpu.memref_slice %arg6[%dma_start3A_627, %dma_start3A_628, %dma_start3A_629] : memref<8x1x80xi32, #tpu.memory_space<vmem>> -> memref<1x1x80xi32, #tpu.memory_space<vmem>>
        %dma_start3A_631 = tpu.memref_squeeze %dma_start3A_630 : memref<1x1x80xi32, #tpu.memory_space<vmem>> -> memref<80xi32, #tpu.memory_space<vmem>>
        %dma_start3A_632 = tpu.memref_slice %arg3[%add3A_626] : memref<327680xi32, #tpu.memory_space<hbm>> -> memref<80xi32, #tpu.memory_space<hbm>>
        %dma_start3A_633 = arith.constant 0 : i32
        %dma_start3A_634 = tpu.memref_slice %arg6[%dma_start3A_627, %dma_start3A_628, %dma_start3A_633] : memref<8x1x80xi32, #tpu.memory_space<vmem>> -> memref<1x1x80xi32, #tpu.memory_space<vmem>>
        %dma_start3A_635 = tpu.memref_squeeze %dma_start3A_634 : memref<1x1x80xi32, #tpu.memory_space<vmem>> -> memref<80xi32, #tpu.memory_space<vmem>>
        %dma_start3A_636 = tpu.memref_slice %arg3[%add3A_626] : memref<327680xi32, #tpu.memory_space<hbm>> -> memref<80xi32, #tpu.memory_space<hbm>>
        tpu.enqueue_dma source(%dma_start3A_636 : memref<80xi32, #tpu.memory_space<hbm>>) target(%dma_start3A_635 : memref<80xi32, #tpu.memory_space<vmem>>) target_semaphore(%arg15 : memref<!tpu.dma_semaphore, #tpu.memory_space<semaphore_mem>>)
        %dma_start3A_637 = arith.constant 1 : i32
        %dma_start3A_638 = arith.constant 0 : i32
        %dma_start3A_639 = arith.constant 0 : i32
        %dma_start3A_640 = tpu.memref_slice %arg7[%dma_start3A_637, %dma_start3A_638, %dma_start3A_639] : memref<8x1x80xi32, #tpu.memory_space<vmem>> -> memref<1x1x80xi32, #tpu.memory_space<vmem>>
        %dma_start3A_641 = tpu.memref_squeeze %dma_start3A_640 : memref<1x1x80xi32, #tpu.memory_space<vmem>> -> memref<80xi32, #tpu.memory_space<vmem>>
        %dma_start3A_642 = tpu.memref_slice %arg4[%add3A_626] : memref<327680xi32, #tpu.memory_space<hbm>> -> memref<80xi32, #tpu.memory_space<hbm>>
        %dma_start3A_643 = arith.constant 0 : i32
        %dma_start3A_644 = tpu.memref_slice %arg7[%dma_start3A_637, %dma_start3A_638, %dma_start3A_643] : memref<8x1x80xi32, #tpu.memory_space<vmem>> -> memref<1x1x80xi32, #tpu.memory_space<vmem>>
        %dma_start3A_645 = tpu.memref_squeeze %dma_start3A_644 : memref<1x1x80xi32, #tpu.memory_space<vmem>> -> memref<80xi32, #tpu.memory_space<vmem>>
        %dma_start3A_646 = tpu.memref_slice %arg4[%add3A_626] : memref<327680xi32, #tpu.memory_space<hbm>> -> memref<80xi32, #tpu.memory_space<hbm>>
        tpu.enqueue_dma source(%dma_start3A_646 : memref<80xi32, #tpu.memory_space<hbm>>) target(%dma_start3A_645 : memref<80xi32, #tpu.memory_space<vmem>>) target_semaphore(%arg15 : memref<!tpu.dma_semaphore, #tpu.memory_space<semaphore_mem>>)
      } else {
      }
      %mul3A_487 = arith.constant 8 : i32
      %mul3A_488 = arith.muli %while3A_265, %mul3A_487 : i32
      %add3A_489 = arith.constant 5 : i32
      %add3A_490 = arith.addi %mul3A_488, %add3A_489 : i32
      %add3A_491 = arith.constant 0 : i32
      %add3A_492 = arith.addi %add3A_490, %add3A_491 : i32
      %ge3A_493 = arith.constant 1 : i32
      %ge3A_494 = arith.cmpi sge, %add3A_492, %ge3A_493 : i32
      %convert_element_type3A_495 = arith.extui %ge3A_494 : i1 to i32
      %cond3A_496 = arith.constant 0 : i32
      %cond3A_497 = arith.cmpi ne, %convert_element_type3A_495, %cond3A_496 : i32
      scf.if %cond3A_497 {
        %add3A_622 = arith.constant -1 : i32
        %add3A_623 = arith.addi %add3A_490, %add3A_622 : i32
        %dma_wait3A_624 = arith.constant 4 : i32
        %dma_wait3A_625 = arith.constant 0 : i32
        %dma_wait3A_626 = arith.constant 0 : i32
        %dma_wait3A_627 = tpu.memref_slice %arg7[%dma_wait3A_624, %dma_wait3A_625, %dma_wait3A_626] : memref<8x1x80xi32, #tpu.memory_space<vmem>> -> memref<1x1x80xi32, #tpu.memory_space<vmem>>
        %dma_wait3A_628 = tpu.memref_squeeze %dma_wait3A_627 : memref<1x1x80xi32, #tpu.memory_space<vmem>> -> memref<80xi32, #tpu.memory_space<vmem>>
        %dma_wait3A_629 = arith.constant 0 : i32
        %dma_wait3A_630 = arith.constant 0 : i32
        %dma_wait3A_631 = tpu.memref_slice %arg12[%dma_wait3A_629, %dma_wait3A_630] : memref<10240x128xf32, #tpu.memory_space<vmem_shared>> -> memref<10240x128xf32, #tpu.memory_space<vmem_shared>>
        tpu.wait_indirect_dma semaphore(%arg14 : memref<!tpu.dma_semaphore, #tpu.memory_space<semaphore_mem>>) src(%arg8 : memref<80x128xf32, #tpu.memory_space<vmem>>) dst(%dma_wait3A_631 : memref<10240x128xf32, #tpu.memory_space<vmem_shared>>)
      } else {
      }
      %add3A_498 = arith.constant 3 : i32
      %add3A_499 = arith.addi %add3A_490, %add3A_498 : i32
      %lt3A_500 = arith.constant 128 : i32
      %lt3A_501 = arith.cmpi slt, %add3A_499, %lt3A_500 : i32
      %convert_element_type3A_502 = arith.extui %lt3A_501 : i1 to i32
      %cond3A_503 = arith.constant 0 : i32
      %cond3A_504 = arith.cmpi ne, %convert_element_type3A_502, %cond3A_503 : i32
      scf.if %cond3A_504 {
        %add3A_622 = arith.constant 3 : i32
        %add3A_623 = arith.addi %add3A_490, %add3A_622 : i32
        %mul3A_624 = arith.constant 80 : i32
        %mul3A_625 = arith.muli %add3A_623, %mul3A_624 : i32
        %add3A_626 = arith.addi %mul3A_2, %mul3A_625 : i32
        %dma_wait3A_627 = arith.constant 0 : i32
        %dma_wait3A_628 = arith.constant 0 : i32
        %dma_wait3A_629 = arith.constant 0 : i32
        %dma_wait3A_630 = tpu.memref_slice %arg6[%dma_wait3A_627, %dma_wait3A_628, %dma_wait3A_629] : memref<8x1x80xi32, #tpu.memory_space<vmem>> -> memref<1x1x80xi32, #tpu.memory_space<vmem>>
        %dma_wait3A_631 = tpu.memref_squeeze %dma_wait3A_630 : memref<1x1x80xi32, #tpu.memory_space<vmem>> -> memref<80xi32, #tpu.memory_space<vmem>>
        %dma_wait3A_632 = tpu.memref_slice %arg3[%add3A_626] : memref<327680xi32, #tpu.memory_space<hbm>> -> memref<80xi32, #tpu.memory_space<hbm>>
        %dma_wait3A_633 = arith.constant 0 : i32
        %dma_wait3A_634 = tpu.memref_slice %arg6[%dma_wait3A_627, %dma_wait3A_628, %dma_wait3A_633] : memref<8x1x80xi32, #tpu.memory_space<vmem>> -> memref<1x1x80xi32, #tpu.memory_space<vmem>>
        %dma_wait3A_635 = tpu.memref_squeeze %dma_wait3A_634 : memref<1x1x80xi32, #tpu.memory_space<vmem>> -> memref<80xi32, #tpu.memory_space<vmem>>
        %dma_wait3A_636 = tpu.memref_slice %arg3[%add3A_626] : memref<327680xi32, #tpu.memory_space<hbm>> -> memref<80xi32, #tpu.memory_space<hbm>>
        tpu.wait_dma2 semaphore(%arg15 : memref<!tpu.dma_semaphore, #tpu.memory_space<semaphore_mem>>) src(%dma_wait3A_636 : memref<80xi32, #tpu.memory_space<hbm>>) dst(%dma_wait3A_635 : memref<80xi32, #tpu.memory_space<vmem>>)
        %dma_wait3A_637 = arith.constant 0 : i32
        %dma_wait3A_638 = arith.constant 0 : i32
        %dma_wait3A_639 = arith.constant 0 : i32
        %dma_wait3A_640 = tpu.memref_slice %arg7[%dma_wait3A_637, %dma_wait3A_638, %dma_wait3A_639] : memref<8x1x80xi32, #tpu.memory_space<vmem>> -> memref<1x1x80xi32, #tpu.memory_space<vmem>>
        %dma_wait3A_641 = tpu.memref_squeeze %dma_wait3A_640 : memref<1x1x80xi32, #tpu.memory_space<vmem>> -> memref<80xi32, #tpu.memory_space<vmem>>
        %dma_wait3A_642 = tpu.memref_slice %arg4[%add3A_626] : memref<327680xi32, #tpu.memory_space<hbm>> -> memref<80xi32, #tpu.memory_space<hbm>>
        %dma_wait3A_643 = arith.constant 0 : i32
        %dma_wait3A_644 = tpu.memref_slice %arg7[%dma_wait3A_637, %dma_wait3A_638, %dma_wait3A_643] : memref<8x1x80xi32, #tpu.memory_space<vmem>> -> memref<1x1x80xi32, #tpu.memory_space<vmem>>
        %dma_wait3A_645 = tpu.memref_squeeze %dma_wait3A_644 : memref<1x1x80xi32, #tpu.memory_space<vmem>> -> memref<80xi32, #tpu.memory_space<vmem>>
        %dma_wait3A_646 = tpu.memref_slice %arg4[%add3A_626] : memref<327680xi32, #tpu.memory_space<hbm>> -> memref<80xi32, #tpu.memory_space<hbm>>
        tpu.wait_dma2 semaphore(%arg15 : memref<!tpu.dma_semaphore, #tpu.memory_space<semaphore_mem>>) src(%dma_wait3A_646 : memref<80xi32, #tpu.memory_space<hbm>>) dst(%dma_wait3A_645 : memref<80xi32, #tpu.memory_space<vmem>>)
        %add3A_647 = arith.constant 3 : i32
        %add3A_648 = arith.addi %add3A_490, %add3A_647 : i32
        %dma_start3A_649 = arith.constant 0 : i32
        %dma_start3A_650 = arith.constant 0 : i32
        %dma_start3A_651 = arith.constant 0 : i32
        %dma_start3A_652 = tpu.memref_slice %arg6[%dma_start3A_649, %dma_start3A_650, %dma_start3A_651] : memref<8x1x80xi32, #tpu.memory_space<vmem>> -> memref<1x1x80xi32, #tpu.memory_space<vmem>>
        %dma_start3A_653 = tpu.memref_squeeze %dma_start3A_652 : memref<1x1x80xi32, #tpu.memory_space<vmem>> -> memref<80xi32, #tpu.memory_space<vmem>>
        %dma_start3A_654 = arith.constant 0 : i32
        %dma_start3A_655 = arith.constant 0 : i32
        %dma_start3A_656 = tpu.memref_slice %arg2[%dma_start3A_654, %dma_start3A_655] : memref<50000x128xf32, #tpu.memory_space<hbm>> -> memref<50000x128xf32, #tpu.memory_space<hbm>>
        tpu.enqueue_indirect_dma source(%dma_start3A_656 : memref<50000x128xf32, #tpu.memory_space<hbm>>) target(%arg8 : memref<80x128xf32, #tpu.memory_space<vmem>>) offsets(%dma_start3A_653 : memref<80xi32, #tpu.memory_space<vmem>>) semaphore(%arg13 : memref<!tpu.dma_semaphore, #tpu.memory_space<semaphore_mem>>)
      } else {
      }
      %add3A_505 = arith.constant 0 : i32
      %add3A_506 = arith.addi %add3A_490, %add3A_505 : i32
      %dma_wait3A_507 = arith.constant 5 : i32
      %dma_wait3A_508 = arith.constant 0 : i32
      %dma_wait3A_509 = arith.constant 0 : i32
      %dma_wait3A_510 = tpu.memref_slice %arg6[%dma_wait3A_507, %dma_wait3A_508, %dma_wait3A_509] : memref<8x1x80xi32, #tpu.memory_space<vmem>> -> memref<1x1x80xi32, #tpu.memory_space<vmem>>
      %dma_wait3A_511 = tpu.memref_squeeze %dma_wait3A_510 : memref<1x1x80xi32, #tpu.memory_space<vmem>> -> memref<80xi32, #tpu.memory_space<vmem>>
      %dma_wait3A_512 = arith.constant 0 : i32
      %dma_wait3A_513 = arith.constant 0 : i32
      %dma_wait3A_514 = tpu.memref_slice %arg2[%dma_wait3A_512, %dma_wait3A_513] : memref<50000x128xf32, #tpu.memory_space<hbm>> -> memref<50000x128xf32, #tpu.memory_space<hbm>>
      tpu.wait_indirect_dma semaphore(%arg13 : memref<!tpu.dma_semaphore, #tpu.memory_space<semaphore_mem>>) src(%dma_wait3A_514 : memref<50000x128xf32, #tpu.memory_space<hbm>>) dst(%arg9 : memref<80x128xf32, #tpu.memory_space<vmem>>)
      %add3A_515 = arith.constant 0 : i32
      %add3A_516 = arith.addi %add3A_490, %add3A_515 : i32
      %dma_start3A_517 = arith.constant 5 : i32
      %dma_start3A_518 = arith.constant 0 : i32
      %dma_start3A_519 = arith.constant 0 : i32
      %dma_start3A_520 = tpu.memref_slice %arg7[%dma_start3A_517, %dma_start3A_518, %dma_start3A_519] : memref<8x1x80xi32, #tpu.memory_space<vmem>> -> memref<1x1x80xi32, #tpu.memory_space<vmem>>
      %dma_start3A_521 = tpu.memref_squeeze %dma_start3A_520 : memref<1x1x80xi32, #tpu.memory_space<vmem>> -> memref<80xi32, #tpu.memory_space<vmem>>
      %dma_start3A_522 = arith.constant 0 : i32
      %dma_start3A_523 = arith.constant 0 : i32
      %dma_start3A_524 = tpu.memref_slice %arg12[%dma_start3A_522, %dma_start3A_523] : memref<10240x128xf32, #tpu.memory_space<vmem_shared>> -> memref<10240x128xf32, #tpu.memory_space<vmem_shared>>
      tpu.enqueue_indirect_dma source(%arg9 : memref<80x128xf32, #tpu.memory_space<vmem>>) target(%dma_start3A_524 : memref<10240x128xf32, #tpu.memory_space<vmem_shared>>) offsets(%dma_start3A_521 : memref<80xi32, #tpu.memory_space<vmem>>) semaphore(%arg14 : memref<!tpu.dma_semaphore, #tpu.memory_space<semaphore_mem>>) {add = true}
      %add3A_525 = arith.constant 5 : i32
      %add3A_526 = arith.addi %add3A_490, %add3A_525 : i32
      %lt3A_527 = arith.constant 128 : i32
      %lt3A_528 = arith.cmpi slt, %add3A_526, %lt3A_527 : i32
      %convert_element_type3A_529 = arith.extui %lt3A_528 : i1 to i32
      %cond3A_530 = arith.constant 0 : i32
      %cond3A_531 = arith.cmpi ne, %convert_element_type3A_529, %cond3A_530 : i32
      scf.if %cond3A_531 {
        %add3A_622 = arith.constant 5 : i32
        %add3A_623 = arith.addi %add3A_490, %add3A_622 : i32
        %mul3A_624 = arith.constant 80 : i32
        %mul3A_625 = arith.muli %add3A_623, %mul3A_624 : i32
        %add3A_626 = arith.addi %mul3A_2, %mul3A_625 : i32
        %dma_start3A_627 = arith.constant 2 : i32
        %dma_start3A_628 = arith.constant 0 : i32
        %dma_start3A_629 = arith.constant 0 : i32
        %dma_start3A_630 = tpu.memref_slice %arg6[%dma_start3A_627, %dma_start3A_628, %dma_start3A_629] : memref<8x1x80xi32, #tpu.memory_space<vmem>> -> memref<1x1x80xi32, #tpu.memory_space<vmem>>
        %dma_start3A_631 = tpu.memref_squeeze %dma_start3A_630 : memref<1x1x80xi32, #tpu.memory_space<vmem>> -> memref<80xi32, #tpu.memory_space<vmem>>
        %dma_start3A_632 = tpu.memref_slice %arg3[%add3A_626] : memref<327680xi32, #tpu.memory_space<hbm>> -> memref<80xi32, #tpu.memory_space<hbm>>
        %dma_start3A_633 = arith.constant 0 : i32
        %dma_start3A_634 = tpu.memref_slice %arg6[%dma_start3A_627, %dma_start3A_628, %dma_start3A_633] : memref<8x1x80xi32, #tpu.memory_space<vmem>> -> memref<1x1x80xi32, #tpu.memory_space<vmem>>
        %dma_start3A_635 = tpu.memref_squeeze %dma_start3A_634 : memref<1x1x80xi32, #tpu.memory_space<vmem>> -> memref<80xi32, #tpu.memory_space<vmem>>
        %dma_start3A_636 = tpu.memref_slice %arg3[%add3A_626] : memref<327680xi32, #tpu.memory_space<hbm>> -> memref<80xi32, #tpu.memory_space<hbm>>
        tpu.enqueue_dma source(%dma_start3A_636 : memref<80xi32, #tpu.memory_space<hbm>>) target(%dma_start3A_635 : memref<80xi32, #tpu.memory_space<vmem>>) target_semaphore(%arg15 : memref<!tpu.dma_semaphore, #tpu.memory_space<semaphore_mem>>)
        %dma_start3A_637 = arith.constant 2 : i32
        %dma_start3A_638 = arith.constant 0 : i32
        %dma_start3A_639 = arith.constant 0 : i32
        %dma_start3A_640 = tpu.memref_slice %arg7[%dma_start3A_637, %dma_start3A_638, %dma_start3A_639] : memref<8x1x80xi32, #tpu.memory_space<vmem>> -> memref<1x1x80xi32, #tpu.memory_space<vmem>>
        %dma_start3A_641 = tpu.memref_squeeze %dma_start3A_640 : memref<1x1x80xi32, #tpu.memory_space<vmem>> -> memref<80xi32, #tpu.memory_space<vmem>>
        %dma_start3A_642 = tpu.memref_slice %arg4[%add3A_626] : memref<327680xi32, #tpu.memory_space<hbm>> -> memref<80xi32, #tpu.memory_space<hbm>>
        %dma_start3A_643 = arith.constant 0 : i32
        %dma_start3A_644 = tpu.memref_slice %arg7[%dma_start3A_637, %dma_start3A_638, %dma_start3A_643] : memref<8x1x80xi32, #tpu.memory_space<vmem>> -> memref<1x1x80xi32, #tpu.memory_space<vmem>>
        %dma_start3A_645 = tpu.memref_squeeze %dma_start3A_644 : memref<1x1x80xi32, #tpu.memory_space<vmem>> -> memref<80xi32, #tpu.memory_space<vmem>>
        %dma_start3A_646 = tpu.memref_slice %arg4[%add3A_626] : memref<327680xi32, #tpu.memory_space<hbm>> -> memref<80xi32, #tpu.memory_space<hbm>>
        tpu.enqueue_dma source(%dma_start3A_646 : memref<80xi32, #tpu.memory_space<hbm>>) target(%dma_start3A_645 : memref<80xi32, #tpu.memory_space<vmem>>) target_semaphore(%arg15 : memref<!tpu.dma_semaphore, #tpu.memory_space<semaphore_mem>>)
      } else {
      }
      %mul3A_532 = arith.constant 8 : i32
      %mul3A_533 = arith.muli %while3A_265, %mul3A_532 : i32
      %add3A_534 = arith.constant 6 : i32
      %add3A_535 = arith.addi %mul3A_533, %add3A_534 : i32
      %add3A_536 = arith.constant 0 : i32
      %add3A_537 = arith.addi %add3A_535, %add3A_536 : i32
      %ge3A_538 = arith.constant 1 : i32
      %ge3A_539 = arith.cmpi sge, %add3A_537, %ge3A_538 : i32
      %convert_element_type3A_540 = arith.extui %ge3A_539 : i1 to i32
      %cond3A_541 = arith.constant 0 : i32
      %cond3A_542 = arith.cmpi ne, %convert_element_type3A_540, %cond3A_541 : i32
      scf.if %cond3A_542 {
        %add3A_622 = arith.constant -1 : i32
        %add3A_623 = arith.addi %add3A_535, %add3A_622 : i32
        %dma_wait3A_624 = arith.constant 5 : i32
        %dma_wait3A_625 = arith.constant 0 : i32
        %dma_wait3A_626 = arith.constant 0 : i32
        %dma_wait3A_627 = tpu.memref_slice %arg7[%dma_wait3A_624, %dma_wait3A_625, %dma_wait3A_626] : memref<8x1x80xi32, #tpu.memory_space<vmem>> -> memref<1x1x80xi32, #tpu.memory_space<vmem>>
        %dma_wait3A_628 = tpu.memref_squeeze %dma_wait3A_627 : memref<1x1x80xi32, #tpu.memory_space<vmem>> -> memref<80xi32, #tpu.memory_space<vmem>>
        %dma_wait3A_629 = arith.constant 0 : i32
        %dma_wait3A_630 = arith.constant 0 : i32
        %dma_wait3A_631 = tpu.memref_slice %arg12[%dma_wait3A_629, %dma_wait3A_630] : memref<10240x128xf32, #tpu.memory_space<vmem_shared>> -> memref<10240x128xf32, #tpu.memory_space<vmem_shared>>
        tpu.wait_indirect_dma semaphore(%arg14 : memref<!tpu.dma_semaphore, #tpu.memory_space<semaphore_mem>>) src(%arg9 : memref<80x128xf32, #tpu.memory_space<vmem>>) dst(%dma_wait3A_631 : memref<10240x128xf32, #tpu.memory_space<vmem_shared>>)
      } else {
      }
      %add3A_543 = arith.constant 3 : i32
      %add3A_544 = arith.addi %add3A_535, %add3A_543 : i32
      %lt3A_545 = arith.constant 128 : i32
      %lt3A_546 = arith.cmpi slt, %add3A_544, %lt3A_545 : i32
      %convert_element_type3A_547 = arith.extui %lt3A_546 : i1 to i32
      %cond3A_548 = arith.constant 0 : i32
      %cond3A_549 = arith.cmpi ne, %convert_element_type3A_547, %cond3A_548 : i32
      scf.if %cond3A_549 {
        %add3A_622 = arith.constant 3 : i32
        %add3A_623 = arith.addi %add3A_535, %add3A_622 : i32
        %mul3A_624 = arith.constant 80 : i32
        %mul3A_625 = arith.muli %add3A_623, %mul3A_624 : i32
        %add3A_626 = arith.addi %mul3A_2, %mul3A_625 : i32
        %dma_wait3A_627 = arith.constant 1 : i32
        %dma_wait3A_628 = arith.constant 0 : i32
        %dma_wait3A_629 = arith.constant 0 : i32
        %dma_wait3A_630 = tpu.memref_slice %arg6[%dma_wait3A_627, %dma_wait3A_628, %dma_wait3A_629] : memref<8x1x80xi32, #tpu.memory_space<vmem>> -> memref<1x1x80xi32, #tpu.memory_space<vmem>>
        %dma_wait3A_631 = tpu.memref_squeeze %dma_wait3A_630 : memref<1x1x80xi32, #tpu.memory_space<vmem>> -> memref<80xi32, #tpu.memory_space<vmem>>
        %dma_wait3A_632 = tpu.memref_slice %arg3[%add3A_626] : memref<327680xi32, #tpu.memory_space<hbm>> -> memref<80xi32, #tpu.memory_space<hbm>>
        %dma_wait3A_633 = arith.constant 0 : i32
        %dma_wait3A_634 = tpu.memref_slice %arg6[%dma_wait3A_627, %dma_wait3A_628, %dma_wait3A_633] : memref<8x1x80xi32, #tpu.memory_space<vmem>> -> memref<1x1x80xi32, #tpu.memory_space<vmem>>
        %dma_wait3A_635 = tpu.memref_squeeze %dma_wait3A_634 : memref<1x1x80xi32, #tpu.memory_space<vmem>> -> memref<80xi32, #tpu.memory_space<vmem>>
        %dma_wait3A_636 = tpu.memref_slice %arg3[%add3A_626] : memref<327680xi32, #tpu.memory_space<hbm>> -> memref<80xi32, #tpu.memory_space<hbm>>
        tpu.wait_dma2 semaphore(%arg15 : memref<!tpu.dma_semaphore, #tpu.memory_space<semaphore_mem>>) src(%dma_wait3A_636 : memref<80xi32, #tpu.memory_space<hbm>>) dst(%dma_wait3A_635 : memref<80xi32, #tpu.memory_space<vmem>>)
        %dma_wait3A_637 = arith.constant 1 : i32
        %dma_wait3A_638 = arith.constant 0 : i32
        %dma_wait3A_639 = arith.constant 0 : i32
        %dma_wait3A_640 = tpu.memref_slice %arg7[%dma_wait3A_637, %dma_wait3A_638, %dma_wait3A_639] : memref<8x1x80xi32, #tpu.memory_space<vmem>> -> memref<1x1x80xi32, #tpu.memory_space<vmem>>
        %dma_wait3A_641 = tpu.memref_squeeze %dma_wait3A_640 : memref<1x1x80xi32, #tpu.memory_space<vmem>> -> memref<80xi32, #tpu.memory_space<vmem>>
        %dma_wait3A_642 = tpu.memref_slice %arg4[%add3A_626] : memref<327680xi32, #tpu.memory_space<hbm>> -> memref<80xi32, #tpu.memory_space<hbm>>
        %dma_wait3A_643 = arith.constant 0 : i32
        %dma_wait3A_644 = tpu.memref_slice %arg7[%dma_wait3A_637, %dma_wait3A_638, %dma_wait3A_643] : memref<8x1x80xi32, #tpu.memory_space<vmem>> -> memref<1x1x80xi32, #tpu.memory_space<vmem>>
        %dma_wait3A_645 = tpu.memref_squeeze %dma_wait3A_644 : memref<1x1x80xi32, #tpu.memory_space<vmem>> -> memref<80xi32, #tpu.memory_space<vmem>>
        %dma_wait3A_646 = tpu.memref_slice %arg4[%add3A_626] : memref<327680xi32, #tpu.memory_space<hbm>> -> memref<80xi32, #tpu.memory_space<hbm>>
        tpu.wait_dma2 semaphore(%arg15 : memref<!tpu.dma_semaphore, #tpu.memory_space<semaphore_mem>>) src(%dma_wait3A_646 : memref<80xi32, #tpu.memory_space<hbm>>) dst(%dma_wait3A_645 : memref<80xi32, #tpu.memory_space<vmem>>)
        %add3A_647 = arith.constant 3 : i32
        %add3A_648 = arith.addi %add3A_535, %add3A_647 : i32
        %dma_start3A_649 = arith.constant 1 : i32
        %dma_start3A_650 = arith.constant 0 : i32
        %dma_start3A_651 = arith.constant 0 : i32
        %dma_start3A_652 = tpu.memref_slice %arg6[%dma_start3A_649, %dma_start3A_650, %dma_start3A_651] : memref<8x1x80xi32, #tpu.memory_space<vmem>> -> memref<1x1x80xi32, #tpu.memory_space<vmem>>
        %dma_start3A_653 = tpu.memref_squeeze %dma_start3A_652 : memref<1x1x80xi32, #tpu.memory_space<vmem>> -> memref<80xi32, #tpu.memory_space<vmem>>
        %dma_start3A_654 = arith.constant 0 : i32
        %dma_start3A_655 = arith.constant 0 : i32
        %dma_start3A_656 = tpu.memref_slice %arg2[%dma_start3A_654, %dma_start3A_655] : memref<50000x128xf32, #tpu.memory_space<hbm>> -> memref<50000x128xf32, #tpu.memory_space<hbm>>
        tpu.enqueue_indirect_dma source(%dma_start3A_656 : memref<50000x128xf32, #tpu.memory_space<hbm>>) target(%arg9 : memref<80x128xf32, #tpu.memory_space<vmem>>) offsets(%dma_start3A_653 : memref<80xi32, #tpu.memory_space<vmem>>) semaphore(%arg13 : memref<!tpu.dma_semaphore, #tpu.memory_space<semaphore_mem>>)
      } else {
      }
      %add3A_550 = arith.constant 0 : i32
      %add3A_551 = arith.addi %add3A_535, %add3A_550 : i32
      %dma_wait3A_552 = arith.constant 6 : i32
      %dma_wait3A_553 = arith.constant 0 : i32
      %dma_wait3A_554 = arith.constant 0 : i32
      %dma_wait3A_555 = tpu.memref_slice %arg6[%dma_wait3A_552, %dma_wait3A_553, %dma_wait3A_554] : memref<8x1x80xi32, #tpu.memory_space<vmem>> -> memref<1x1x80xi32, #tpu.memory_space<vmem>>
      %dma_wait3A_556 = tpu.memref_squeeze %dma_wait3A_555 : memref<1x1x80xi32, #tpu.memory_space<vmem>> -> memref<80xi32, #tpu.memory_space<vmem>>
      %dma_wait3A_557 = arith.constant 0 : i32
      %dma_wait3A_558 = arith.constant 0 : i32
      %dma_wait3A_559 = tpu.memref_slice %arg2[%dma_wait3A_557, %dma_wait3A_558] : memref<50000x128xf32, #tpu.memory_space<hbm>> -> memref<50000x128xf32, #tpu.memory_space<hbm>>
      tpu.wait_indirect_dma semaphore(%arg13 : memref<!tpu.dma_semaphore, #tpu.memory_space<semaphore_mem>>) src(%dma_wait3A_559 : memref<50000x128xf32, #tpu.memory_space<hbm>>) dst(%arg10 : memref<80x128xf32, #tpu.memory_space<vmem>>)
      %add3A_560 = arith.constant 0 : i32
      %add3A_561 = arith.addi %add3A_535, %add3A_560 : i32
      %dma_start3A_562 = arith.constant 6 : i32
      %dma_start3A_563 = arith.constant 0 : i32
      %dma_start3A_564 = arith.constant 0 : i32
      %dma_start3A_565 = tpu.memref_slice %arg7[%dma_start3A_562, %dma_start3A_563, %dma_start3A_564] : memref<8x1x80xi32, #tpu.memory_space<vmem>> -> memref<1x1x80xi32, #tpu.memory_space<vmem>>
      %dma_start3A_566 = tpu.memref_squeeze %dma_start3A_565 : memref<1x1x80xi32, #tpu.memory_space<vmem>> -> memref<80xi32, #tpu.memory_space<vmem>>
      %dma_start3A_567 = arith.constant 0 : i32
      %dma_start3A_568 = arith.constant 0 : i32
      %dma_start3A_569 = tpu.memref_slice %arg12[%dma_start3A_567, %dma_start3A_568] : memref<10240x128xf32, #tpu.memory_space<vmem_shared>> -> memref<10240x128xf32, #tpu.memory_space<vmem_shared>>
      tpu.enqueue_indirect_dma source(%arg10 : memref<80x128xf32, #tpu.memory_space<vmem>>) target(%dma_start3A_569 : memref<10240x128xf32, #tpu.memory_space<vmem_shared>>) offsets(%dma_start3A_566 : memref<80xi32, #tpu.memory_space<vmem>>) semaphore(%arg14 : memref<!tpu.dma_semaphore, #tpu.memory_space<semaphore_mem>>) {add = true}
      %add3A_570 = arith.constant 5 : i32
      %add3A_571 = arith.addi %add3A_535, %add3A_570 : i32
      %lt3A_572 = arith.constant 128 : i32
      %lt3A_573 = arith.cmpi slt, %add3A_571, %lt3A_572 : i32
      %convert_element_type3A_574 = arith.extui %lt3A_573 : i1 to i32
      %cond3A_575 = arith.constant 0 : i32
      %cond3A_576 = arith.cmpi ne, %convert_element_type3A_574, %cond3A_575 : i32
      scf.if %cond3A_576 {
        %add3A_622 = arith.constant 5 : i32
        %add3A_623 = arith.addi %add3A_535, %add3A_622 : i32
        %mul3A_624 = arith.constant 80 : i32
        %mul3A_625 = arith.muli %add3A_623, %mul3A_624 : i32
        %add3A_626 = arith.addi %mul3A_2, %mul3A_625 : i32
        %dma_start3A_627 = arith.constant 3 : i32
        %dma_start3A_628 = arith.constant 0 : i32
        %dma_start3A_629 = arith.constant 0 : i32
        %dma_start3A_630 = tpu.memref_slice %arg6[%dma_start3A_627, %dma_start3A_628, %dma_start3A_629] : memref<8x1x80xi32, #tpu.memory_space<vmem>> -> memref<1x1x80xi32, #tpu.memory_space<vmem>>
        %dma_start3A_631 = tpu.memref_squeeze %dma_start3A_630 : memref<1x1x80xi32, #tpu.memory_space<vmem>> -> memref<80xi32, #tpu.memory_space<vmem>>
        %dma_start3A_632 = tpu.memref_slice %arg3[%add3A_626] : memref<327680xi32, #tpu.memory_space<hbm>> -> memref<80xi32, #tpu.memory_space<hbm>>
        %dma_start3A_633 = arith.constant 0 : i32
        %dma_start3A_634 = tpu.memref_slice %arg6[%dma_start3A_627, %dma_start3A_628, %dma_start3A_633] : memref<8x1x80xi32, #tpu.memory_space<vmem>> -> memref<1x1x80xi32, #tpu.memory_space<vmem>>
        %dma_start3A_635 = tpu.memref_squeeze %dma_start3A_634 : memref<1x1x80xi32, #tpu.memory_space<vmem>> -> memref<80xi32, #tpu.memory_space<vmem>>
        %dma_start3A_636 = tpu.memref_slice %arg3[%add3A_626] : memref<327680xi32, #tpu.memory_space<hbm>> -> memref<80xi32, #tpu.memory_space<hbm>>
        tpu.enqueue_dma source(%dma_start3A_636 : memref<80xi32, #tpu.memory_space<hbm>>) target(%dma_start3A_635 : memref<80xi32, #tpu.memory_space<vmem>>) target_semaphore(%arg15 : memref<!tpu.dma_semaphore, #tpu.memory_space<semaphore_mem>>)
        %dma_start3A_637 = arith.constant 3 : i32
        %dma_start3A_638 = arith.constant 0 : i32
        %dma_start3A_639 = arith.constant 0 : i32
        %dma_start3A_640 = tpu.memref_slice %arg7[%dma_start3A_637, %dma_start3A_638, %dma_start3A_639] : memref<8x1x80xi32, #tpu.memory_space<vmem>> -> memref<1x1x80xi32, #tpu.memory_space<vmem>>
        %dma_start3A_641 = tpu.memref_squeeze %dma_start3A_640 : memref<1x1x80xi32, #tpu.memory_space<vmem>> -> memref<80xi32, #tpu.memory_space<vmem>>
        %dma_start3A_642 = tpu.memref_slice %arg4[%add3A_626] : memref<327680xi32, #tpu.memory_space<hbm>> -> memref<80xi32, #tpu.memory_space<hbm>>
        %dma_start3A_643 = arith.constant 0 : i32
        %dma_start3A_644 = tpu.memref_slice %arg7[%dma_start3A_637, %dma_start3A_638, %dma_start3A_643] : memref<8x1x80xi32, #tpu.memory_space<vmem>> -> memref<1x1x80xi32, #tpu.memory_space<vmem>>
        %dma_start3A_645 = tpu.memref_squeeze %dma_start3A_644 : memref<1x1x80xi32, #tpu.memory_space<vmem>> -> memref<80xi32, #tpu.memory_space<vmem>>
        %dma_start3A_646 = tpu.memref_slice %arg4[%add3A_626] : memref<327680xi32, #tpu.memory_space<hbm>> -> memref<80xi32, #tpu.memory_space<hbm>>
        tpu.enqueue_dma source(%dma_start3A_646 : memref<80xi32, #tpu.memory_space<hbm>>) target(%dma_start3A_645 : memref<80xi32, #tpu.memory_space<vmem>>) target_semaphore(%arg15 : memref<!tpu.dma_semaphore, #tpu.memory_space<semaphore_mem>>)
      } else {
      }
      %mul3A_577 = arith.constant 8 : i32
      %mul3A_578 = arith.muli %while3A_265, %mul3A_577 : i32
      %add3A_579 = arith.constant 7 : i32
      %add3A_580 = arith.addi %mul3A_578, %add3A_579 : i32
      %add3A_581 = arith.constant 0 : i32
      %add3A_582 = arith.addi %add3A_580, %add3A_581 : i32
      %ge3A_583 = arith.constant 1 : i32
      %ge3A_584 = arith.cmpi sge, %add3A_582, %ge3A_583 : i32
      %convert_element_type3A_585 = arith.extui %ge3A_584 : i1 to i32
      %cond3A_586 = arith.constant 0 : i32
      %cond3A_587 = arith.cmpi ne, %convert_element_type3A_585, %cond3A_586 : i32
      scf.if %cond3A_587 {
        %add3A_622 = arith.constant -1 : i32
        %add3A_623 = arith.addi %add3A_580, %add3A_622 : i32
        %dma_wait3A_624 = arith.constant 6 : i32
        %dma_wait3A_625 = arith.constant 0 : i32
        %dma_wait3A_626 = arith.constant 0 : i32
        %dma_wait3A_627 = tpu.memref_slice %arg7[%dma_wait3A_624, %dma_wait3A_625, %dma_wait3A_626] : memref<8x1x80xi32, #tpu.memory_space<vmem>> -> memref<1x1x80xi32, #tpu.memory_space<vmem>>
        %dma_wait3A_628 = tpu.memref_squeeze %dma_wait3A_627 : memref<1x1x80xi32, #tpu.memory_space<vmem>> -> memref<80xi32, #tpu.memory_space<vmem>>
        %dma_wait3A_629 = arith.constant 0 : i32
        %dma_wait3A_630 = arith.constant 0 : i32
        %dma_wait3A_631 = tpu.memref_slice %arg12[%dma_wait3A_629, %dma_wait3A_630] : memref<10240x128xf32, #tpu.memory_space<vmem_shared>> -> memref<10240x128xf32, #tpu.memory_space<vmem_shared>>
        tpu.wait_indirect_dma semaphore(%arg14 : memref<!tpu.dma_semaphore, #tpu.memory_space<semaphore_mem>>) src(%arg10 : memref<80x128xf32, #tpu.memory_space<vmem>>) dst(%dma_wait3A_631 : memref<10240x128xf32, #tpu.memory_space<vmem_shared>>)
      } else {
      }
      %add3A_588 = arith.constant 3 : i32
      %add3A_589 = arith.addi %add3A_580, %add3A_588 : i32
      %lt3A_590 = arith.constant 128 : i32
      %lt3A_591 = arith.cmpi slt, %add3A_589, %lt3A_590 : i32
      %convert_element_type3A_592 = arith.extui %lt3A_591 : i1 to i32
      %cond3A_593 = arith.constant 0 : i32
      %cond3A_594 = arith.cmpi ne, %convert_element_type3A_592, %cond3A_593 : i32
      scf.if %cond3A_594 {
        %add3A_622 = arith.constant 3 : i32
        %add3A_623 = arith.addi %add3A_580, %add3A_622 : i32
        %mul3A_624 = arith.constant 80 : i32
        %mul3A_625 = arith.muli %add3A_623, %mul3A_624 : i32
        %add3A_626 = arith.addi %mul3A_2, %mul3A_625 : i32
        %dma_wait3A_627 = arith.constant 2 : i32
        %dma_wait3A_628 = arith.constant 0 : i32
        %dma_wait3A_629 = arith.constant 0 : i32
        %dma_wait3A_630 = tpu.memref_slice %arg6[%dma_wait3A_627, %dma_wait3A_628, %dma_wait3A_629] : memref<8x1x80xi32, #tpu.memory_space<vmem>> -> memref<1x1x80xi32, #tpu.memory_space<vmem>>
        %dma_wait3A_631 = tpu.memref_squeeze %dma_wait3A_630 : memref<1x1x80xi32, #tpu.memory_space<vmem>> -> memref<80xi32, #tpu.memory_space<vmem>>
        %dma_wait3A_632 = tpu.memref_slice %arg3[%add3A_626] : memref<327680xi32, #tpu.memory_space<hbm>> -> memref<80xi32, #tpu.memory_space<hbm>>
        %dma_wait3A_633 = arith.constant 0 : i32
        %dma_wait3A_634 = tpu.memref_slice %arg6[%dma_wait3A_627, %dma_wait3A_628, %dma_wait3A_633] : memref<8x1x80xi32, #tpu.memory_space<vmem>> -> memref<1x1x80xi32, #tpu.memory_space<vmem>>
        %dma_wait3A_635 = tpu.memref_squeeze %dma_wait3A_634 : memref<1x1x80xi32, #tpu.memory_space<vmem>> -> memref<80xi32, #tpu.memory_space<vmem>>
        %dma_wait3A_636 = tpu.memref_slice %arg3[%add3A_626] : memref<327680xi32, #tpu.memory_space<hbm>> -> memref<80xi32, #tpu.memory_space<hbm>>
        tpu.wait_dma2 semaphore(%arg15 : memref<!tpu.dma_semaphore, #tpu.memory_space<semaphore_mem>>) src(%dma_wait3A_636 : memref<80xi32, #tpu.memory_space<hbm>>) dst(%dma_wait3A_635 : memref<80xi32, #tpu.memory_space<vmem>>)
        %dma_wait3A_637 = arith.constant 2 : i32
        %dma_wait3A_638 = arith.constant 0 : i32
        %dma_wait3A_639 = arith.constant 0 : i32
        %dma_wait3A_640 = tpu.memref_slice %arg7[%dma_wait3A_637, %dma_wait3A_638, %dma_wait3A_639] : memref<8x1x80xi32, #tpu.memory_space<vmem>> -> memref<1x1x80xi32, #tpu.memory_space<vmem>>
        %dma_wait3A_641 = tpu.memref_squeeze %dma_wait3A_640 : memref<1x1x80xi32, #tpu.memory_space<vmem>> -> memref<80xi32, #tpu.memory_space<vmem>>
        %dma_wait3A_642 = tpu.memref_slice %arg4[%add3A_626] : memref<327680xi32, #tpu.memory_space<hbm>> -> memref<80xi32, #tpu.memory_space<hbm>>
        %dma_wait3A_643 = arith.constant 0 : i32
        %dma_wait3A_644 = tpu.memref_slice %arg7[%dma_wait3A_637, %dma_wait3A_638, %dma_wait3A_643] : memref<8x1x80xi32, #tpu.memory_space<vmem>> -> memref<1x1x80xi32, #tpu.memory_space<vmem>>
        %dma_wait3A_645 = tpu.memref_squeeze %dma_wait3A_644 : memref<1x1x80xi32, #tpu.memory_space<vmem>> -> memref<80xi32, #tpu.memory_space<vmem>>
        %dma_wait3A_646 = tpu.memref_slice %arg4[%add3A_626] : memref<327680xi32, #tpu.memory_space<hbm>> -> memref<80xi32, #tpu.memory_space<hbm>>
        tpu.wait_dma2 semaphore(%arg15 : memref<!tpu.dma_semaphore, #tpu.memory_space<semaphore_mem>>) src(%dma_wait3A_646 : memref<80xi32, #tpu.memory_space<hbm>>) dst(%dma_wait3A_645 : memref<80xi32, #tpu.memory_space<vmem>>)
        %add3A_647 = arith.constant 3 : i32
        %add3A_648 = arith.addi %add3A_580, %add3A_647 : i32
        %dma_start3A_649 = arith.constant 2 : i32
        %dma_start3A_650 = arith.constant 0 : i32
        %dma_start3A_651 = arith.constant 0 : i32
        %dma_start3A_652 = tpu.memref_slice %arg6[%dma_start3A_649, %dma_start3A_650, %dma_start3A_651] : memref<8x1x80xi32, #tpu.memory_space<vmem>> -> memref<1x1x80xi32, #tpu.memory_space<vmem>>
        %dma_start3A_653 = tpu.memref_squeeze %dma_start3A_652 : memref<1x1x80xi32, #tpu.memory_space<vmem>> -> memref<80xi32, #tpu.memory_space<vmem>>
        %dma_start3A_654 = arith.constant 0 : i32
        %dma_start3A_655 = arith.constant 0 : i32
        %dma_start3A_656 = tpu.memref_slice %arg2[%dma_start3A_654, %dma_start3A_655] : memref<50000x128xf32, #tpu.memory_space<hbm>> -> memref<50000x128xf32, #tpu.memory_space<hbm>>
        tpu.enqueue_indirect_dma source(%dma_start3A_656 : memref<50000x128xf32, #tpu.memory_space<hbm>>) target(%arg10 : memref<80x128xf32, #tpu.memory_space<vmem>>) offsets(%dma_start3A_653 : memref<80xi32, #tpu.memory_space<vmem>>) semaphore(%arg13 : memref<!tpu.dma_semaphore, #tpu.memory_space<semaphore_mem>>)
      } else {
      }
      %add3A_595 = arith.constant 0 : i32
      %add3A_596 = arith.addi %add3A_580, %add3A_595 : i32
      %dma_wait3A_597 = arith.constant 7 : i32
      %dma_wait3A_598 = arith.constant 0 : i32
      %dma_wait3A_599 = arith.constant 0 : i32
      %dma_wait3A_600 = tpu.memref_slice %arg6[%dma_wait3A_597, %dma_wait3A_598, %dma_wait3A_599] : memref<8x1x80xi32, #tpu.memory_space<vmem>> -> memref<1x1x80xi32, #tpu.memory_space<vmem>>
      %dma_wait3A_601 = tpu.memref_squeeze %dma_wait3A_600 : memref<1x1x80xi32, #tpu.memory_space<vmem>> -> memref<80xi32, #tpu.memory_space<vmem>>
      %dma_wait3A_602 = arith.constant 0 : i32
      %dma_wait3A_603 = arith.constant 0 : i32
      %dma_wait3A_604 = tpu.memref_slice %arg2[%dma_wait3A_602, %dma_wait3A_603] : memref<50000x128xf32, #tpu.memory_space<hbm>> -> memref<50000x128xf32, #tpu.memory_space<hbm>>
      tpu.wait_indirect_dma semaphore(%arg13 : memref<!tpu.dma_semaphore, #tpu.memory_space<semaphore_mem>>) src(%dma_wait3A_604 : memref<50000x128xf32, #tpu.memory_space<hbm>>) dst(%arg11 : memref<80x128xf32, #tpu.memory_space<vmem>>)
      %add3A_605 = arith.constant 0 : i32
      %add3A_606 = arith.addi %add3A_580, %add3A_605 : i32
      %dma_start3A_607 = arith.constant 7 : i32
      %dma_start3A_608 = arith.constant 0 : i32
      %dma_start3A_609 = arith.constant 0 : i32
      %dma_start3A_610 = tpu.memref_slice %arg7[%dma_start3A_607, %dma_start3A_608, %dma_start3A_609] : memref<8x1x80xi32, #tpu.memory_space<vmem>> -> memref<1x1x80xi32, #tpu.memory_space<vmem>>
      %dma_start3A_611 = tpu.memref_squeeze %dma_start3A_610 : memref<1x1x80xi32, #tpu.memory_space<vmem>> -> memref<80xi32, #tpu.memory_space<vmem>>
      %dma_start3A_612 = arith.constant 0 : i32
      %dma_start3A_613 = arith.constant 0 : i32
      %dma_start3A_614 = tpu.memref_slice %arg12[%dma_start3A_612, %dma_start3A_613] : memref<10240x128xf32, #tpu.memory_space<vmem_shared>> -> memref<10240x128xf32, #tpu.memory_space<vmem_shared>>
      tpu.enqueue_indirect_dma source(%arg11 : memref<80x128xf32, #tpu.memory_space<vmem>>) target(%dma_start3A_614 : memref<10240x128xf32, #tpu.memory_space<vmem_shared>>) offsets(%dma_start3A_611 : memref<80xi32, #tpu.memory_space<vmem>>) semaphore(%arg14 : memref<!tpu.dma_semaphore, #tpu.memory_space<semaphore_mem>>) {add = true}
      %add3A_615 = arith.constant 5 : i32
      %add3A_616 = arith.addi %add3A_580, %add3A_615 : i32
      %lt3A_617 = arith.constant 128 : i32
      %lt3A_618 = arith.cmpi slt, %add3A_616, %lt3A_617 : i32
      %convert_element_type3A_619 = arith.extui %lt3A_618 : i1 to i32
      %cond3A_620 = arith.constant 0 : i32
      %cond3A_621 = arith.cmpi ne, %convert_element_type3A_619, %cond3A_620 : i32
      scf.if %cond3A_621 {
        %add3A_622 = arith.constant 5 : i32
        %add3A_623 = arith.addi %add3A_580, %add3A_622 : i32
        %mul3A_624 = arith.constant 80 : i32
        %mul3A_625 = arith.muli %add3A_623, %mul3A_624 : i32
        %add3A_626 = arith.addi %mul3A_2, %mul3A_625 : i32
        %dma_start3A_627 = arith.constant 4 : i32
        %dma_start3A_628 = arith.constant 0 : i32
        %dma_start3A_629 = arith.constant 0 : i32
        %dma_start3A_630 = tpu.memref_slice %arg6[%dma_start3A_627, %dma_start3A_628, %dma_start3A_629] : memref<8x1x80xi32, #tpu.memory_space<vmem>> -> memref<1x1x80xi32, #tpu.memory_space<vmem>>
        %dma_start3A_631 = tpu.memref_squeeze %dma_start3A_630 : memref<1x1x80xi32, #tpu.memory_space<vmem>> -> memref<80xi32, #tpu.memory_space<vmem>>
        %dma_start3A_632 = tpu.memref_slice %arg3[%add3A_626] : memref<327680xi32, #tpu.memory_space<hbm>> -> memref<80xi32, #tpu.memory_space<hbm>>
        %dma_start3A_633 = arith.constant 0 : i32
        %dma_start3A_634 = tpu.memref_slice %arg6[%dma_start3A_627, %dma_start3A_628, %dma_start3A_633] : memref<8x1x80xi32, #tpu.memory_space<vmem>> -> memref<1x1x80xi32, #tpu.memory_space<vmem>>
        %dma_start3A_635 = tpu.memref_squeeze %dma_start3A_634 : memref<1x1x80xi32, #tpu.memory_space<vmem>> -> memref<80xi32, #tpu.memory_space<vmem>>
        %dma_start3A_636 = tpu.memref_slice %arg3[%add3A_626] : memref<327680xi32, #tpu.memory_space<hbm>> -> memref<80xi32, #tpu.memory_space<hbm>>
        tpu.enqueue_dma source(%dma_start3A_636 : memref<80xi32, #tpu.memory_space<hbm>>) target(%dma_start3A_635 : memref<80xi32, #tpu.memory_space<vmem>>) target_semaphore(%arg15 : memref<!tpu.dma_semaphore, #tpu.memory_space<semaphore_mem>>)
        %dma_start3A_637 = arith.constant 4 : i32
        %dma_start3A_638 = arith.constant 0 : i32
        %dma_start3A_639 = arith.constant 0 : i32
        %dma_start3A_640 = tpu.memref_slice %arg7[%dma_start3A_637, %dma_start3A_638, %dma_start3A_639] : memref<8x1x80xi32, #tpu.memory_space<vmem>> -> memref<1x1x80xi32, #tpu.memory_space<vmem>>
        %dma_start3A_641 = tpu.memref_squeeze %dma_start3A_640 : memref<1x1x80xi32, #tpu.memory_space<vmem>> -> memref<80xi32, #tpu.memory_space<vmem>>
        %dma_start3A_642 = tpu.memref_slice %arg4[%add3A_626] : memref<327680xi32, #tpu.memory_space<hbm>> -> memref<80xi32, #tpu.memory_space<hbm>>
        %dma_start3A_643 = arith.constant 0 : i32
        %dma_start3A_644 = tpu.memref_slice %arg7[%dma_start3A_637, %dma_start3A_638, %dma_start3A_643] : memref<8x1x80xi32, #tpu.memory_space<vmem>> -> memref<1x1x80xi32, #tpu.memory_space<vmem>>
        %dma_start3A_645 = tpu.memref_squeeze %dma_start3A_644 : memref<1x1x80xi32, #tpu.memory_space<vmem>> -> memref<80xi32, #tpu.memory_space<vmem>>
        %dma_start3A_646 = tpu.memref_slice %arg4[%add3A_626] : memref<327680xi32, #tpu.memory_space<hbm>> -> memref<80xi32, #tpu.memory_space<hbm>>
        tpu.enqueue_dma source(%dma_start3A_646 : memref<80xi32, #tpu.memory_space<hbm>>) target(%dma_start3A_645 : memref<80xi32, #tpu.memory_space<vmem>>) target_semaphore(%arg15 : memref<!tpu.dma_semaphore, #tpu.memory_space<semaphore_mem>>)
      } else {
      }
    }
    %dma_wait3A_256 = arith.constant 7 : i32
    %dma_wait3A_257 = arith.constant 0 : i32
    %dma_wait3A_258 = arith.constant 0 : i32
    %dma_wait3A_259 = tpu.memref_slice %arg7[%dma_wait3A_256, %dma_wait3A_257, %dma_wait3A_258] : memref<8x1x80xi32, #tpu.memory_space<vmem>> -> memref<1x1x80xi32, #tpu.memory_space<vmem>>
    %dma_wait3A_260 = tpu.memref_squeeze %dma_wait3A_259 : memref<1x1x80xi32, #tpu.memory_space<vmem>> -> memref<80xi32, #tpu.memory_space<vmem>>
    %dma_wait3A_261 = arith.constant 0 : i32
    %dma_wait3A_262 = arith.constant 0 : i32
    %dma_wait3A_263 = tpu.memref_slice %arg12[%dma_wait3A_261, %dma_wait3A_262] : memref<10240x128xf32, #tpu.memory_space<vmem_shared>> -> memref<10240x128xf32, #tpu.memory_space<vmem_shared>>
    tpu.wait_indirect_dma semaphore(%arg14 : memref<!tpu.dma_semaphore, #tpu.memory_space<semaphore_mem>>) src(%arg11 : memref<80x128xf32, #tpu.memory_space<vmem>>) dst(%dma_wait3A_263 : memref<10240x128xf32, #tpu.memory_space<vmem_shared>>)
    %barrier3A_264 = arith.constant 0 : index
    tpu.barrier barrier_id(%barrier3A_264)
    "tpu.region"() ({
      %run_scoped3A = tpu.sem_alloc : memref<!tpu.dma_semaphore, #tpu.memory_space<semaphore_mem>>
      %dma_start3A_265 = arith.constant 0 : i32
      %dma_start3A_266 = tpu.memref_slice %arg5[%arg0, %mul3A_4, %dma_start3A_265] : memref<2x10240x128xf32, #tpu.memory_space<hbm>> -> memref<1x640x128xf32, #tpu.memory_space<hbm>>
      %dma_start3A_267 = tpu.memref_squeeze %dma_start3A_266 : memref<1x640x128xf32, #tpu.memory_space<hbm>> -> memref<640x128xf32, #tpu.memory_space<hbm>>
      %dma_start3A_268 = arith.constant 0 : i32
      %dma_start3A_269 = tpu.memref_slice %arg12[%mul3A_4, %dma_start3A_268] : memref<10240x128xf32, #tpu.memory_space<vmem_shared>> -> memref<640x128xf32, #tpu.memory_space<vmem_shared>>
      tpu.enqueue_dma source(%dma_start3A_269 : memref<640x128xf32, #tpu.memory_space<vmem_shared>>) target(%dma_start3A_267 : memref<640x128xf32, #tpu.memory_space<hbm>>) target_semaphore(%run_scoped3A : memref<!tpu.dma_semaphore, #tpu.memory_space<semaphore_mem>>)
      %dma_wait3A_270 = arith.constant 0 : i32
      %dma_wait3A_271 = tpu.memref_slice %arg5[%arg0, %mul3A_4, %dma_wait3A_270] : memref<2x10240x128xf32, #tpu.memory_space<hbm>> -> memref<1x640x128xf32, #tpu.memory_space<hbm>>
      %dma_wait3A_272 = tpu.memref_squeeze %dma_wait3A_271 : memref<1x640x128xf32, #tpu.memory_space<hbm>> -> memref<640x128xf32, #tpu.memory_space<hbm>>
      %dma_wait3A_273 = arith.constant 0 : i32
      %dma_wait3A_274 = tpu.memref_slice %arg12[%mul3A_4, %dma_wait3A_273] : memref<10240x128xf32, #tpu.memory_space<vmem_shared>> -> memref<640x128xf32, #tpu.memory_space<vmem_shared>>
      tpu.wait_dma2 semaphore(%run_scoped3A : memref<!tpu.dma_semaphore, #tpu.memory_space<semaphore_mem>>) src(%dma_wait3A_274 : memref<640x128xf32, #tpu.memory_space<vmem_shared>>) dst(%dma_wait3A_272 : memref<640x128xf32, #tpu.memory_space<hbm>>)
      tpu.yield
    }) : () -> ()
    return
  }
}

module attributes {stable_mosaic.version = 14 : i64} {
  func.func @_table_body(%arg0: i32, %arg1: memref<5x4xf32, #tpu.memory_space<smem>>, %arg2: memref<2000x128xf32, #tpu.memory_space<vmem>>, %arg3: memref<4x128x128xf32, #tpu.memory_space<vmem>>, %arg4: memref<2x2500x128xi32, #tpu.memory_space<vmem>>, %arg5: memref<2500x128xi32, #tpu.memory_space<vmem>>, %arg6: memref<5x2000x128xf32, #tpu.memory_space<vmem>>, %arg7: memref<2560x128xi32, #tpu.memory_space<vmem>>, %arg8: memref<2560x128xi32, #tpu.memory_space<vmem>>) attributes {dimension_semantics = [#tpu.dimension_semantics<arbitrary>], iteration_bounds = array<i64: 5>, scalar_prefetch = 0 : i64, scratch_operands = 0 : i64, tpu.core_type = #tpu.core_type<tc>, window_params = [{transform_indices = @transform_0, window_bounds = array<i64: 5, 4>}, {transform_indices = @transform_1, window_bounds = array<i64: 2000, 128>}, {pipeline_mode = #tpu.pipeline_mode<synchronous>, transform_indices = @transform_2, window_bounds = array<i64: 4, 128, 128>}, {pipeline_mode = #tpu.pipeline_mode<synchronous>, transform_indices = @transform_3, window_bounds = array<i64: 2, 2500, 128>}, {pipeline_mode = #tpu.pipeline_mode<synchronous>, transform_indices = @transform_4, window_bounds = array<i64: 2500, 128>}, {transform_indices = @transform_5, window_bounds = array<i64: 5, 2000, 128>}, {pipeline_mode = #tpu.pipeline_mode<synchronous>, transform_indices = @transform_6, window_bounds = array<i64: 2560, 128>}, {pipeline_mode = #tpu.pipeline_mode<synchronous>, transform_indices = @transform_7, window_bounds = array<i64: 2560, 128>}]} {
    %get3A = arith.constant 0 : index
    %get3A_0 = arith.constant 0 : index
    %get3A_1 = vector.load %arg2[%get3A, %get3A_0] : memref<2000x128xf32, #tpu.memory_space<vmem>>, vector<2000x128xf32>
    %get3A_2 = arith.constant 0 : index
    %get3A_3 = arith.constant 0 : index
    %get3A_4 = memref.load %arg1[%get3A_2, %get3A_3] : memref<5x4xf32, #tpu.memory_space<smem>>
    %get3A_5 = arith.constant 0 : index
    %get3A_6 = arith.constant 0 : index
    %get3A_7 = arith.constant 0 : index
    %get3A_8 = vector.load %arg3[%get3A_5, %get3A_6, %get3A_7] : memref<4x128x128xf32, #tpu.memory_space<vmem>>, vector<1x128x128xf32>
    %get3A_9 = vector.shape_cast %get3A_8 : vector<1x128x128xf32> to vector<128x128xf32>
    %mul3A = vector.broadcast %get3A_4 : f32 to vector<128x128xf32>
    %mul3A_10 = arith.mulf %mul3A, %get3A_9 : vector<128x128xf32>
    %get3A_11 = arith.constant 0 : index
    %get3A_12 = arith.constant 1 : index
    %get3A_13 = memref.load %arg1[%get3A_11, %get3A_12] : memref<5x4xf32, #tpu.memory_space<smem>>
    %get3A_14 = arith.constant 1 : index
    %get3A_15 = arith.constant 0 : index
    %get3A_16 = arith.constant 0 : index
    %get3A_17 = vector.load %arg3[%get3A_14, %get3A_15, %get3A_16] : memref<4x128x128xf32, #tpu.memory_space<vmem>>, vector<1x128x128xf32>
    %get3A_18 = vector.shape_cast %get3A_17 : vector<1x128x128xf32> to vector<128x128xf32>
    %mul3A_19 = vector.broadcast %get3A_13 : f32 to vector<128x128xf32>
    %mul3A_20 = arith.mulf %mul3A_19, %get3A_18 : vector<128x128xf32>
    %add3A = arith.addf %mul3A_10, %mul3A_20 : vector<128x128xf32>
    %get3A_21 = arith.constant 0 : index
    %get3A_22 = arith.constant 2 : index
    %get3A_23 = memref.load %arg1[%get3A_21, %get3A_22] : memref<5x4xf32, #tpu.memory_space<smem>>
    %get3A_24 = arith.constant 2 : index
    %get3A_25 = arith.constant 0 : index
    %get3A_26 = arith.constant 0 : index
    %get3A_27 = vector.load %arg3[%get3A_24, %get3A_25, %get3A_26] : memref<4x128x128xf32, #tpu.memory_space<vmem>>, vector<1x128x128xf32>
    %get3A_28 = vector.shape_cast %get3A_27 : vector<1x128x128xf32> to vector<128x128xf32>
    %mul3A_29 = vector.broadcast %get3A_23 : f32 to vector<128x128xf32>
    %mul3A_30 = arith.mulf %mul3A_29, %get3A_28 : vector<128x128xf32>
    %add3A_31 = arith.addf %add3A, %mul3A_30 : vector<128x128xf32>
    %get3A_32 = arith.constant 0 : index
    %get3A_33 = arith.constant 3 : index
    %get3A_34 = memref.load %arg1[%get3A_32, %get3A_33] : memref<5x4xf32, #tpu.memory_space<smem>>
    %get3A_35 = arith.constant 3 : index
    %get3A_36 = arith.constant 0 : index
    %get3A_37 = arith.constant 0 : index
    %get3A_38 = vector.load %arg3[%get3A_35, %get3A_36, %get3A_37] : memref<4x128x128xf32, #tpu.memory_space<vmem>>, vector<1x128x128xf32>
    %get3A_39 = vector.shape_cast %get3A_38 : vector<1x128x128xf32> to vector<128x128xf32>
    %mul3A_40 = vector.broadcast %get3A_34 : f32 to vector<128x128xf32>
    %mul3A_41 = arith.mulf %mul3A_40, %get3A_39 : vector<128x128xf32>
    %add3A_42 = arith.addf %add3A_31, %mul3A_41 : vector<128x128xf32>
    %dot_general3A = arith.constant dense<0.000000e+00> : vector<2000x128xf32>
    %dot_general3A_43 = tpu.matmul %get3A_1, %add3A_42, %dot_general3A {dimension_numbers = #tpu.dot_dimension_numbers<[1], [1], [0], [0], [0, 0, 1, 0], [], []>, transpose_lhs_hint = false} : vector<2000x128xf32>, vector<128x128xf32>, vector<2000x128xf32> -> vector<2000x128xf32>
    %swap3A = arith.constant 0 : index
    %swap3A_44 = arith.constant 0 : index
    %swap3A_45 = arith.constant 0 : index
    %swap3A_46 = vector.load %arg6[%swap3A, %swap3A_44, %swap3A_45] : memref<5x2000x128xf32, #tpu.memory_space<vmem>>, vector<1x2000x128xf32>
    %swap3A_47 = vector.shape_cast %swap3A_46 : vector<1x2000x128xf32> to vector<2000x128xf32>
    %swap3A_48 = vector.shape_cast %dot_general3A_43 : vector<2000x128xf32> to vector<1x2000x128xf32>
    tpu.vector_store %arg6[%swap3A, %swap3A_44, %swap3A_45], %swap3A_48 {strides = array<i32>} : memref<5x2000x128xf32, #tpu.memory_space<vmem>>, vector<1x2000x128xf32>,
    %get3A_49 = arith.constant 1 : index
    %get3A_50 = arith.constant 0 : index
    %get3A_51 = memref.load %arg1[%get3A_49, %get3A_50] : memref<5x4xf32, #tpu.memory_space<smem>>
    %get3A_52 = arith.constant 0 : index
    %get3A_53 = arith.constant 0 : index
    %get3A_54 = arith.constant 0 : index
    %get3A_55 = vector.load %arg3[%get3A_52, %get3A_53, %get3A_54] : memref<4x128x128xf32, #tpu.memory_space<vmem>>, vector<1x128x128xf32>
    %get3A_56 = vector.shape_cast %get3A_55 : vector<1x128x128xf32> to vector<128x128xf32>
    %mul3A_57 = vector.broadcast %get3A_51 : f32 to vector<128x128xf32>
    %mul3A_58 = arith.mulf %mul3A_57, %get3A_56 : vector<128x128xf32>
    %get3A_59 = arith.constant 1 : index
    %get3A_60 = arith.constant 1 : index
    %get3A_61 = memref.load %arg1[%get3A_59, %get3A_60] : memref<5x4xf32, #tpu.memory_space<smem>>
    %get3A_62 = arith.constant 1 : index
    %get3A_63 = arith.constant 0 : index
    %get3A_64 = arith.constant 0 : index
    %get3A_65 = vector.load %arg3[%get3A_62, %get3A_63, %get3A_64] : memref<4x128x128xf32, #tpu.memory_space<vmem>>, vector<1x128x128xf32>
    %get3A_66 = vector.shape_cast %get3A_65 : vector<1x128x128xf32> to vector<128x128xf32>
    %mul3A_67 = vector.broadcast %get3A_61 : f32 to vector<128x128xf32>
    %mul3A_68 = arith.mulf %mul3A_67, %get3A_66 : vector<128x128xf32>
    %add3A_69 = arith.addf %mul3A_58, %mul3A_68 : vector<128x128xf32>
    %get3A_70 = arith.constant 1 : index
    %get3A_71 = arith.constant 2 : index
    %get3A_72 = memref.load %arg1[%get3A_70, %get3A_71] : memref<5x4xf32, #tpu.memory_space<smem>>
    %get3A_73 = arith.constant 2 : index
    %get3A_74 = arith.constant 0 : index
    %get3A_75 = arith.constant 0 : index
    %get3A_76 = vector.load %arg3[%get3A_73, %get3A_74, %get3A_75] : memref<4x128x128xf32, #tpu.memory_space<vmem>>, vector<1x128x128xf32>
    %get3A_77 = vector.shape_cast %get3A_76 : vector<1x128x128xf32> to vector<128x128xf32>
    %mul3A_78 = vector.broadcast %get3A_72 : f32 to vector<128x128xf32>
    %mul3A_79 = arith.mulf %mul3A_78, %get3A_77 : vector<128x128xf32>
    %add3A_80 = arith.addf %add3A_69, %mul3A_79 : vector<128x128xf32>
    %get3A_81 = arith.constant 1 : index
    %get3A_82 = arith.constant 3 : index
    %get3A_83 = memref.load %arg1[%get3A_81, %get3A_82] : memref<5x4xf32, #tpu.memory_space<smem>>
    %get3A_84 = arith.constant 3 : index
    %get3A_85 = arith.constant 0 : index
    %get3A_86 = arith.constant 0 : index
    %get3A_87 = vector.load %arg3[%get3A_84, %get3A_85, %get3A_86] : memref<4x128x128xf32, #tpu.memory_space<vmem>>, vector<1x128x128xf32>
    %get3A_88 = vector.shape_cast %get3A_87 : vector<1x128x128xf32> to vector<128x128xf32>
    %mul3A_89 = vector.broadcast %get3A_83 : f32 to vector<128x128xf32>
    %mul3A_90 = arith.mulf %mul3A_89, %get3A_88 : vector<128x128xf32>
    %add3A_91 = arith.addf %add3A_80, %mul3A_90 : vector<128x128xf32>
    %dot_general3A_92 = arith.constant dense<0.000000e+00> : vector<2000x128xf32>
    %dot_general3A_93 = tpu.matmul %get3A_1, %add3A_91, %dot_general3A_92 {dimension_numbers = #tpu.dot_dimension_numbers<[1], [1], [0], [0], [0, 0, 1, 0], [], []>, transpose_lhs_hint = false} : vector<2000x128xf32>, vector<128x128xf32>, vector<2000x128xf32> -> vector<2000x128xf32>
    %swap3A_94 = arith.constant 1 : index
    %swap3A_95 = arith.constant 0 : index
    %swap3A_96 = arith.constant 0 : index
    %swap3A_97 = vector.load %arg6[%swap3A_94, %swap3A_95, %swap3A_96] : memref<5x2000x128xf32, #tpu.memory_space<vmem>>, vector<1x2000x128xf32>
    %swap3A_98 = vector.shape_cast %swap3A_97 : vector<1x2000x128xf32> to vector<2000x128xf32>
    %swap3A_99 = vector.shape_cast %dot_general3A_93 : vector<2000x128xf32> to vector<1x2000x128xf32>
    tpu.vector_store %arg6[%swap3A_94, %swap3A_95, %swap3A_96], %swap3A_99 {strides = array<i32>} : memref<5x2000x128xf32, #tpu.memory_space<vmem>>, vector<1x2000x128xf32>,
    %get3A_100 = arith.constant 2 : index
    %get3A_101 = arith.constant 0 : index
    %get3A_102 = memref.load %arg1[%get3A_100, %get3A_101] : memref<5x4xf32, #tpu.memory_space<smem>>
    %get3A_103 = arith.constant 0 : index
    %get3A_104 = arith.constant 0 : index
    %get3A_105 = arith.constant 0 : index
    %get3A_106 = vector.load %arg3[%get3A_103, %get3A_104, %get3A_105] : memref<4x128x128xf32, #tpu.memory_space<vmem>>, vector<1x128x128xf32>
    %get3A_107 = vector.shape_cast %get3A_106 : vector<1x128x128xf32> to vector<128x128xf32>
    %mul3A_108 = vector.broadcast %get3A_102 : f32 to vector<128x128xf32>
    %mul3A_109 = arith.mulf %mul3A_108, %get3A_107 : vector<128x128xf32>
    %get3A_110 = arith.constant 2 : index
    %get3A_111 = arith.constant 1 : index
    %get3A_112 = memref.load %arg1[%get3A_110, %get3A_111] : memref<5x4xf32, #tpu.memory_space<smem>>
    %get3A_113 = arith.constant 1 : index
    %get3A_114 = arith.constant 0 : index
    %get3A_115 = arith.constant 0 : index
    %get3A_116 = vector.load %arg3[%get3A_113, %get3A_114, %get3A_115] : memref<4x128x128xf32, #tpu.memory_space<vmem>>, vector<1x128x128xf32>
    %get3A_117 = vector.shape_cast %get3A_116 : vector<1x128x128xf32> to vector<128x128xf32>
    %mul3A_118 = vector.broadcast %get3A_112 : f32 to vector<128x128xf32>
    %mul3A_119 = arith.mulf %mul3A_118, %get3A_117 : vector<128x128xf32>
    %add3A_120 = arith.addf %mul3A_109, %mul3A_119 : vector<128x128xf32>
    %get3A_121 = arith.constant 2 : index
    %get3A_122 = arith.constant 2 : index
    %get3A_123 = memref.load %arg1[%get3A_121, %get3A_122] : memref<5x4xf32, #tpu.memory_space<smem>>
    %get3A_124 = arith.constant 2 : index
    %get3A_125 = arith.constant 0 : index
    %get3A_126 = arith.constant 0 : index
    %get3A_127 = vector.load %arg3[%get3A_124, %get3A_125, %get3A_126] : memref<4x128x128xf32, #tpu.memory_space<vmem>>, vector<1x128x128xf32>
    %get3A_128 = vector.shape_cast %get3A_127 : vector<1x128x128xf32> to vector<128x128xf32>
    %mul3A_129 = vector.broadcast %get3A_123 : f32 to vector<128x128xf32>
    %mul3A_130 = arith.mulf %mul3A_129, %get3A_128 : vector<128x128xf32>
    %add3A_131 = arith.addf %add3A_120, %mul3A_130 : vector<128x128xf32>
    %get3A_132 = arith.constant 2 : index
    %get3A_133 = arith.constant 3 : index
    %get3A_134 = memref.load %arg1[%get3A_132, %get3A_133] : memref<5x4xf32, #tpu.memory_space<smem>>
    %get3A_135 = arith.constant 3 : index
    %get3A_136 = arith.constant 0 : index
    %get3A_137 = arith.constant 0 : index
    %get3A_138 = vector.load %arg3[%get3A_135, %get3A_136, %get3A_137] : memref<4x128x128xf32, #tpu.memory_space<vmem>>, vector<1x128x128xf32>
    %get3A_139 = vector.shape_cast %get3A_138 : vector<1x128x128xf32> to vector<128x128xf32>
    %mul3A_140 = vector.broadcast %get3A_134 : f32 to vector<128x128xf32>
    %mul3A_141 = arith.mulf %mul3A_140, %get3A_139 : vector<128x128xf32>
    %add3A_142 = arith.addf %add3A_131, %mul3A_141 : vector<128x128xf32>
    %dot_general3A_143 = arith.constant dense<0.000000e+00> : vector<2000x128xf32>
    %dot_general3A_144 = tpu.matmul %get3A_1, %add3A_142, %dot_general3A_143 {dimension_numbers = #tpu.dot_dimension_numbers<[1], [1], [0], [0], [0, 0, 1, 0], [], []>, transpose_lhs_hint = false} : vector<2000x128xf32>, vector<128x128xf32>, vector<2000x128xf32> -> vector<2000x128xf32>
    %swap3A_145 = arith.constant 2 : index
    %swap3A_146 = arith.constant 0 : index
    %swap3A_147 = arith.constant 0 : index
    %swap3A_148 = vector.load %arg6[%swap3A_145, %swap3A_146, %swap3A_147] : memref<5x2000x128xf32, #tpu.memory_space<vmem>>, vector<1x2000x128xf32>
    %swap3A_149 = vector.shape_cast %swap3A_148 : vector<1x2000x128xf32> to vector<2000x128xf32>
    %swap3A_150 = vector.shape_cast %dot_general3A_144 : vector<2000x128xf32> to vector<1x2000x128xf32>
    tpu.vector_store %arg6[%swap3A_145, %swap3A_146, %swap3A_147], %swap3A_150 {strides = array<i32>} : memref<5x2000x128xf32, #tpu.memory_space<vmem>>, vector<1x2000x128xf32>,
    %get3A_151 = arith.constant 3 : index
    %get3A_152 = arith.constant 0 : index
    %get3A_153 = memref.load %arg1[%get3A_151, %get3A_152] : memref<5x4xf32, #tpu.memory_space<smem>>
    %get3A_154 = arith.constant 0 : index
    %get3A_155 = arith.constant 0 : index
    %get3A_156 = arith.constant 0 : index
    %get3A_157 = vector.load %arg3[%get3A_154, %get3A_155, %get3A_156] : memref<4x128x128xf32, #tpu.memory_space<vmem>>, vector<1x128x128xf32>
    %get3A_158 = vector.shape_cast %get3A_157 : vector<1x128x128xf32> to vector<128x128xf32>
    %mul3A_159 = vector.broadcast %get3A_153 : f32 to vector<128x128xf32>
    %mul3A_160 = arith.mulf %mul3A_159, %get3A_158 : vector<128x128xf32>
    %get3A_161 = arith.constant 3 : index
    %get3A_162 = arith.constant 1 : index
    %get3A_163 = memref.load %arg1[%get3A_161, %get3A_162] : memref<5x4xf32, #tpu.memory_space<smem>>
    %get3A_164 = arith.constant 1 : index
    %get3A_165 = arith.constant 0 : index
    %get3A_166 = arith.constant 0 : index
    %get3A_167 = vector.load %arg3[%get3A_164, %get3A_165, %get3A_166] : memref<4x128x128xf32, #tpu.memory_space<vmem>>, vector<1x128x128xf32>
    %get3A_168 = vector.shape_cast %get3A_167 : vector<1x128x128xf32> to vector<128x128xf32>
    %mul3A_169 = vector.broadcast %get3A_163 : f32 to vector<128x128xf32>
    %mul3A_170 = arith.mulf %mul3A_169, %get3A_168 : vector<128x128xf32>
    %add3A_171 = arith.addf %mul3A_160, %mul3A_170 : vector<128x128xf32>
    %get3A_172 = arith.constant 3 : index
    %get3A_173 = arith.constant 2 : index
    %get3A_174 = memref.load %arg1[%get3A_172, %get3A_173] : memref<5x4xf32, #tpu.memory_space<smem>>
    %get3A_175 = arith.constant 2 : index
    %get3A_176 = arith.constant 0 : index
    %get3A_177 = arith.constant 0 : index
    %get3A_178 = vector.load %arg3[%get3A_175, %get3A_176, %get3A_177] : memref<4x128x128xf32, #tpu.memory_space<vmem>>, vector<1x128x128xf32>
    %get3A_179 = vector.shape_cast %get3A_178 : vector<1x128x128xf32> to vector<128x128xf32>
    %mul3A_180 = vector.broadcast %get3A_174 : f32 to vector<128x128xf32>
    %mul3A_181 = arith.mulf %mul3A_180, %get3A_179 : vector<128x128xf32>
    %add3A_182 = arith.addf %add3A_171, %mul3A_181 : vector<128x128xf32>
    %get3A_183 = arith.constant 3 : index
    %get3A_184 = arith.constant 3 : index
    %get3A_185 = memref.load %arg1[%get3A_183, %get3A_184] : memref<5x4xf32, #tpu.memory_space<smem>>
    %get3A_186 = arith.constant 3 : index
    %get3A_187 = arith.constant 0 : index
    %get3A_188 = arith.constant 0 : index
    %get3A_189 = vector.load %arg3[%get3A_186, %get3A_187, %get3A_188] : memref<4x128x128xf32, #tpu.memory_space<vmem>>, vector<1x128x128xf32>
    %get3A_190 = vector.shape_cast %get3A_189 : vector<1x128x128xf32> to vector<128x128xf32>
    %mul3A_191 = vector.broadcast %get3A_185 : f32 to vector<128x128xf32>
    %mul3A_192 = arith.mulf %mul3A_191, %get3A_190 : vector<128x128xf32>
    %add3A_193 = arith.addf %add3A_182, %mul3A_192 : vector<128x128xf32>
    %dot_general3A_194 = arith.constant dense<0.000000e+00> : vector<2000x128xf32>
    %dot_general3A_195 = tpu.matmul %get3A_1, %add3A_193, %dot_general3A_194 {dimension_numbers = #tpu.dot_dimension_numbers<[1], [1], [0], [0], [0, 0, 1, 0], [], []>, transpose_lhs_hint = false} : vector<2000x128xf32>, vector<128x128xf32>, vector<2000x128xf32> -> vector<2000x128xf32>
    %swap3A_196 = arith.constant 3 : index
    %swap3A_197 = arith.constant 0 : index
    %swap3A_198 = arith.constant 0 : index
    %swap3A_199 = vector.load %arg6[%swap3A_196, %swap3A_197, %swap3A_198] : memref<5x2000x128xf32, #tpu.memory_space<vmem>>, vector<1x2000x128xf32>
    %swap3A_200 = vector.shape_cast %swap3A_199 : vector<1x2000x128xf32> to vector<2000x128xf32>
    %swap3A_201 = vector.shape_cast %dot_general3A_195 : vector<2000x128xf32> to vector<1x2000x128xf32>
    tpu.vector_store %arg6[%swap3A_196, %swap3A_197, %swap3A_198], %swap3A_201 {strides = array<i32>} : memref<5x2000x128xf32, #tpu.memory_space<vmem>>, vector<1x2000x128xf32>,
    %get3A_202 = arith.constant 4 : index
    %get3A_203 = arith.constant 0 : index
    %get3A_204 = memref.load %arg1[%get3A_202, %get3A_203] : memref<5x4xf32, #tpu.memory_space<smem>>
    %get3A_205 = arith.constant 0 : index
    %get3A_206 = arith.constant 0 : index
    %get3A_207 = arith.constant 0 : index
    %get3A_208 = vector.load %arg3[%get3A_205, %get3A_206, %get3A_207] : memref<4x128x128xf32, #tpu.memory_space<vmem>>, vector<1x128x128xf32>
    %get3A_209 = vector.shape_cast %get3A_208 : vector<1x128x128xf32> to vector<128x128xf32>
    %mul3A_210 = vector.broadcast %get3A_204 : f32 to vector<128x128xf32>
    %mul3A_211 = arith.mulf %mul3A_210, %get3A_209 : vector<128x128xf32>
    %get3A_212 = arith.constant 4 : index
    %get3A_213 = arith.constant 1 : index
    %get3A_214 = memref.load %arg1[%get3A_212, %get3A_213] : memref<5x4xf32, #tpu.memory_space<smem>>
    %get3A_215 = arith.constant 1 : index
    %get3A_216 = arith.constant 0 : index
    %get3A_217 = arith.constant 0 : index
    %get3A_218 = vector.load %arg3[%get3A_215, %get3A_216, %get3A_217] : memref<4x128x128xf32, #tpu.memory_space<vmem>>, vector<1x128x128xf32>
    %get3A_219 = vector.shape_cast %get3A_218 : vector<1x128x128xf32> to vector<128x128xf32>
    %mul3A_220 = vector.broadcast %get3A_214 : f32 to vector<128x128xf32>
    %mul3A_221 = arith.mulf %mul3A_220, %get3A_219 : vector<128x128xf32>
    %add3A_222 = arith.addf %mul3A_211, %mul3A_221 : vector<128x128xf32>
    %get3A_223 = arith.constant 4 : index
    %get3A_224 = arith.constant 2 : index
    %get3A_225 = memref.load %arg1[%get3A_223, %get3A_224] : memref<5x4xf32, #tpu.memory_space<smem>>
    %get3A_226 = arith.constant 2 : index
    %get3A_227 = arith.constant 0 : index
    %get3A_228 = arith.constant 0 : index
    %get3A_229 = vector.load %arg3[%get3A_226, %get3A_227, %get3A_228] : memref<4x128x128xf32, #tpu.memory_space<vmem>>, vector<1x128x128xf32>
    %get3A_230 = vector.shape_cast %get3A_229 : vector<1x128x128xf32> to vector<128x128xf32>
    %mul3A_231 = vector.broadcast %get3A_225 : f32 to vector<128x128xf32>
    %mul3A_232 = arith.mulf %mul3A_231, %get3A_230 : vector<128x128xf32>
    %add3A_233 = arith.addf %add3A_222, %mul3A_232 : vector<128x128xf32>
    %get3A_234 = arith.constant 4 : index
    %get3A_235 = arith.constant 3 : index
    %get3A_236 = memref.load %arg1[%get3A_234, %get3A_235] : memref<5x4xf32, #tpu.memory_space<smem>>
    %get3A_237 = arith.constant 3 : index
    %get3A_238 = arith.constant 0 : index
    %get3A_239 = arith.constant 0 : index
    %get3A_240 = vector.load %arg3[%get3A_237, %get3A_238, %get3A_239] : memref<4x128x128xf32, #tpu.memory_space<vmem>>, vector<1x128x128xf32>
    %get3A_241 = vector.shape_cast %get3A_240 : vector<1x128x128xf32> to vector<128x128xf32>
    %mul3A_242 = vector.broadcast %get3A_236 : f32 to vector<128x128xf32>
    %mul3A_243 = arith.mulf %mul3A_242, %get3A_241 : vector<128x128xf32>
    %add3A_244 = arith.addf %add3A_233, %mul3A_243 : vector<128x128xf32>
    %dot_general3A_245 = arith.constant dense<0.000000e+00> : vector<2000x128xf32>
    %dot_general3A_246 = tpu.matmul %get3A_1, %add3A_244, %dot_general3A_245 {dimension_numbers = #tpu.dot_dimension_numbers<[1], [1], [0], [0], [0, 0, 1, 0], [], []>, transpose_lhs_hint = false} : vector<2000x128xf32>, vector<128x128xf32>, vector<2000x128xf32> -> vector<2000x128xf32>
    %swap3A_247 = arith.constant 4 : index
    %swap3A_248 = arith.constant 0 : index
    %swap3A_249 = arith.constant 0 : index
    %swap3A_250 = vector.load %arg6[%swap3A_247, %swap3A_248, %swap3A_249] : memref<5x2000x128xf32, #tpu.memory_space<vmem>>, vector<1x2000x128xf32>
    %swap3A_251 = vector.shape_cast %swap3A_250 : vector<1x2000x128xf32> to vector<2000x128xf32>
    %swap3A_252 = vector.shape_cast %dot_general3A_246 : vector<2000x128xf32> to vector<1x2000x128xf32>
    tpu.vector_store %arg6[%swap3A_247, %swap3A_248, %swap3A_249], %swap3A_252 {strides = array<i32>} : memref<5x2000x128xf32, #tpu.memory_space<vmem>>, vector<1x2000x128xf32>,
    %eq3A = arith.constant 0 : i32
    %eq3A_253 = arith.cmpi eq, %arg0, %eq3A : i32
    %convert_element_type3A = arith.extui %eq3A_253 : i1 to i32
    %cond3A = arith.constant 0 : i32
    %cond3A_254 = arith.cmpi ne, %convert_element_type3A, %cond3A : i32
    scf.if %cond3A_254 {
      %iota3A = tpu.iota {dimensions = array<i32: 0>} : vector<60x128xi32>
      %mul3A_255 = arith.constant 128 : i32
      %mul3A_256 = vector.broadcast %mul3A_255 : i32 to vector<60x128xi32>
      %mul3A_257 = arith.muli %iota3A, %mul3A_256 : vector<60x128xi32>
      %iota3A_258 = tpu.iota {dimensions = array<i32: 1>} : vector<60x128xi32>
      %add3A_259 = arith.addi %mul3A_257, %iota3A_258 : vector<60x128xi32>
      %get3A_260 = arith.constant 0 : index
      %get3A_261 = arith.constant 0 : index
      %get3A_262 = vector.load %arg5[%get3A_260, %get3A_261] : memref<2500x128xi32, #tpu.memory_space<vmem>>, vector<2500x128xi32>
      %mul3A_263 = arith.constant 10000 : i32
      %mul3A_264 = vector.broadcast %mul3A_263 : i32 to vector<2500x128xi32>
      %mul3A_265 = arith.muli %get3A_262, %mul3A_264 : vector<2500x128xi32>
      %get3A_266 = arith.constant 0 : index
      %get3A_267 = arith.constant 0 : index
      %get3A_268 = arith.constant 0 : index
      %get3A_269 = vector.load %arg4[%get3A_266, %get3A_267, %get3A_268] : memref<2x2500x128xi32, #tpu.memory_space<vmem>>, vector<1x2500x128xi32>
      %get3A_270 = vector.shape_cast %get3A_269 : vector<1x2500x128xi32> to vector<2500x128xi32>
      %add3A_271 = arith.addi %mul3A_265, %get3A_270 : vector<2500x128xi32>
      %concatenate3A = tpu.concatenate %add3A_271, %add3A_259 in 0 : vector<2500x128xi32>, vector<60x128xi32> -> vector<2560x128xi32>
      %swap3A_272 = arith.constant 0 : index
      %swap3A_273 = arith.constant 0 : index
      %swap3A_274 = vector.load %arg7[%swap3A_272, %swap3A_273] : memref<2560x128xi32, #tpu.memory_space<vmem>>, vector<2560x128xi32>
      tpu.vector_store %arg7[%swap3A_272, %swap3A_273], %concatenate3A {strides = array<i32>} : memref<2560x128xi32, #tpu.memory_space<vmem>>, vector<2560x128xi32>,
      %get3A_275 = arith.constant 1 : index
      %get3A_276 = arith.constant 0 : index
      %get3A_277 = arith.constant 0 : index
      %get3A_278 = vector.load %arg4[%get3A_275, %get3A_276, %get3A_277] : memref<2x2500x128xi32, #tpu.memory_space<vmem>>, vector<1x2500x128xi32>
      %get3A_279 = vector.shape_cast %get3A_278 : vector<1x2500x128xi32> to vector<2500x128xi32>
      %jit3A = arith.constant 240 : i32
      %eq3A_280 = arith.constant 0 : i32
      %eq3A_281 = arith.cmpi eq, %jit3A, %eq3A_280 : i32
      %jit3A_282 = arith.constant 1 : i32
      %select_n3A = arith.select %eq3A_281, %jit3A_282, %jit3A : i32
      %rem3A = vector.broadcast %select_n3A : i32 to vector<60x128xi32>
      %rem3A_283 = arith.remsi %add3A_259, %rem3A : vector<60x128xi32>
      %ne3A = arith.constant 0 : i32
      %ne3A_284 = vector.broadcast %ne3A : i32 to vector<60x128xi32>
      %ne3A_285 = arith.cmpi ne, %rem3A_283, %ne3A_284 : vector<60x128xi32>
      %lt3A = arith.constant 0 : i32
      %lt3A_286 = vector.broadcast %lt3A : i32 to vector<60x128xi32>
      %lt3A_287 = arith.cmpi slt, %rem3A_283, %lt3A_286 : vector<60x128xi32>
      %lt3A_288 = arith.constant 0 : i32
      %lt3A_289 = arith.cmpi slt, %select_n3A, %lt3A_288 : i32
      %ne3A_290 = vector.broadcast %lt3A_289 : i1 to vector<60x128xi1>
      %ne3A_291 = vector.broadcast %ne3A_290 : vector<60x128xi1> to vector<60x128xi1>
      %ne3A_292 = arith.xori %lt3A_287, %ne3A_291 : vector<60x128xi1>
      %and3A = arith.andi %ne3A_292, %ne3A_285 : vector<60x128xi1>
      %add3A_293 = vector.broadcast %select_n3A : i32 to vector<60x128xi32>
      %add3A_294 = arith.addi %rem3A_283, %add3A_293 : vector<60x128xi32>
      %select_n3A_295 = arith.select %and3A, %add3A_294, %rem3A_283 : vector<60x128xi1>, vector<60x128xi32>
      %add3A_296 = arith.constant 10000 : i32
      %add3A_297 = vector.broadcast %add3A_296 : i32 to vector<60x128xi32>
      %add3A_298 = arith.addi %add3A_297, %select_n3A_295 : vector<60x128xi32>
      %concatenate3A_299 = tpu.concatenate %get3A_279, %add3A_298 in 0 : vector<2500x128xi32>, vector<60x128xi32> -> vector<2560x128xi32>
      %swap3A_300 = arith.constant 0 : index
      %swap3A_301 = arith.constant 0 : index
      %swap3A_302 = vector.load %arg8[%swap3A_300, %swap3A_301] : memref<2560x128xi32, #tpu.memory_space<vmem>>, vector<2560x128xi32>
      tpu.vector_store %arg8[%swap3A_300, %swap3A_301], %concatenate3A_299 {strides = array<i32>} : memref<2560x128xi32, #tpu.memory_space<vmem>>, vector<2560x128xi32>,
    } else {
    }
    return
  }
  func.func @transform_0(%arg0: i32) -> (i32, i32) {
    %c0_i32 = arith.constant 0 : i32
    %c0_i32_0 = arith.constant 0 : i32
    %c0_i32_1 = arith.constant 0 : i32
    return %c0_i32, %c0_i32_0 : i32, i32
  }
  func.func @transform_1(%arg0: i32) -> (i32, i32) {
    %c0_i32 = arith.constant 0 : i32
    %c0_i32_0 = arith.constant 0 : i32
    return %arg0, %c0_i32 : i32, i32
  }
  func.func @transform_2(%arg0: i32) -> (i32, i32, i32) {
    %c0_i32 = arith.constant 0 : i32
    %c0_i32_0 = arith.constant 0 : i32
    %c0_i32_1 = arith.constant 0 : i32
    %c0_i32_2 = arith.constant 0 : i32
    return %c0_i32, %c0_i32_0, %c0_i32_1 : i32, i32, i32
  }
  func.func @transform_3(%arg0: i32) -> (i32, i32, i32) {
    %c0_i32 = arith.constant 0 : i32
    %c0_i32_0 = arith.constant 0 : i32
    %c0_i32_1 = arith.constant 0 : i32
    %c0_i32_2 = arith.constant 0 : i32
    return %c0_i32, %c0_i32_0, %c0_i32_1 : i32, i32, i32
  }
  func.func @transform_4(%arg0: i32) -> (i32, i32) {
    %c0_i32 = arith.constant 0 : i32
    %c0_i32_0 = arith.constant 0 : i32
    %c0_i32_1 = arith.constant 0 : i32
    return %c0_i32, %c0_i32_0 : i32, i32
  }
  func.func @transform_5(%arg0: i32) -> (i32, i32, i32) {
    %c0_i32 = arith.constant 0 : i32
    %c0_i32_0 = arith.constant 0 : i32
    %c0_i32_1 = arith.constant 0 : i32
    return %c0_i32, %arg0, %c0_i32_0 : i32, i32, i32
  }
  func.func @transform_6(%arg0: i32) -> (i32, i32) {
    %c0_i32 = arith.constant 0 : i32
    %c0_i32_0 = arith.constant 0 : i32
    %c0_i32_1 = arith.constant 0 : i32
    return %c0_i32, %c0_i32_0 : i32, i32
  }
  func.func @transform_7(%arg0: i32) -> (i32, i32) {
    %c0_i32 = arith.constant 0 : i32
    %c0_i32_0 = arith.constant 0 : i32
    %c0_i32_1 = arith.constant 0 : i32
    return %c0_i32, %c0_i32_0 : i32, i32
  }
}

module attributes {stable_mosaic.version = 14 : i64} {
  func.func @_combine_body(%arg0: i32, %arg1: memref<2000x128xf32, #tpu.memory_space<vmem>>, %arg2: memref<128x128xf32, #tpu.memory_space<vmem>>, %arg3: memref<2x2000x128xf32, #tpu.memory_space<vmem>>, %arg4: memref<2000x128xf32, #tpu.memory_space<vmem>>) attributes {dimension_semantics = [#tpu.dimension_semantics<arbitrary>], iteration_bounds = array<i64: 5>, scalar_prefetch = 0 : i64, scratch_operands = 0 : i64, tpu.core_type = #tpu.core_type<tc>, window_params = [{transform_indices = @transform_0, window_bounds = array<i64: 2000, 128>}, {pipeline_mode = #tpu.pipeline_mode<synchronous>, transform_indices = @transform_1, window_bounds = array<i64: 128, 128>}, {transform_indices = @transform_2, window_bounds = array<i64: 2, 2000, 128>}, {transform_indices = @transform_3, window_bounds = array<i64: 2000, 128>}]} {
    %get3A = arith.constant 0 : index
    %get3A_0 = arith.constant 0 : index
    %get3A_1 = vector.load %arg1[%get3A, %get3A_0] : memref<2000x128xf32, #tpu.memory_space<vmem>>, vector<2000x128xf32>
    %get3A_2 = arith.constant 0 : index
    %get3A_3 = arith.constant 0 : index
    %get3A_4 = vector.load %arg2[%get3A_2, %get3A_3] : memref<128x128xf32, #tpu.memory_space<vmem>>, vector<128x128xf32>
    %dot_general3A = arith.constant dense<0.000000e+00> : vector<2000x128xf32>
    %dot_general3A_5 = tpu.matmul %get3A_1, %get3A_4, %dot_general3A {dimension_numbers = #tpu.dot_dimension_numbers<[1], [1], [0], [0], [0, 0, 1, 0], [], []>, transpose_lhs_hint = false} : vector<2000x128xf32>, vector<128x128xf32>, vector<2000x128xf32> -> vector<2000x128xf32>
    %get3A_6 = arith.constant 0 : index
    %get3A_7 = arith.constant 0 : index
    %get3A_8 = arith.constant 0 : index
    %get3A_9 = vector.load %arg3[%get3A_6, %get3A_7, %get3A_8] : memref<2x2000x128xf32, #tpu.memory_space<vmem>>, vector<1x2000x128xf32>
    %get3A_10 = vector.shape_cast %get3A_9 : vector<1x2000x128xf32> to vector<2000x128xf32>
    %add3A = arith.addf %dot_general3A_5, %get3A_10 : vector<2000x128xf32>
    %get3A_11 = arith.constant 1 : index
    %get3A_12 = arith.constant 0 : index
    %get3A_13 = arith.constant 0 : index
    %get3A_14 = vector.load %arg3[%get3A_11, %get3A_12, %get3A_13] : memref<2x2000x128xf32, #tpu.memory_space<vmem>>, vector<1x2000x128xf32>
    %get3A_15 = vector.shape_cast %get3A_14 : vector<1x2000x128xf32> to vector<2000x128xf32>
    %add3A_16 = arith.addf %add3A, %get3A_15 : vector<2000x128xf32>
    %swap3A = arith.constant 0 : index
    %swap3A_17 = arith.constant 0 : index
    %swap3A_18 = vector.load %arg4[%swap3A, %swap3A_17] : memref<2000x128xf32, #tpu.memory_space<vmem>>, vector<2000x128xf32>
    tpu.vector_store %arg4[%swap3A, %swap3A_17], %add3A_16 {strides = array<i32>} : memref<2000x128xf32, #tpu.memory_space<vmem>>, vector<2000x128xf32>,
    return
  }
  func.func @transform_0(%arg0: i32) -> (i32, i32) {
    %c0_i32 = arith.constant 0 : i32
    %c0_i32_0 = arith.constant 0 : i32
    return %arg0, %c0_i32 : i32, i32
  }
  func.func @transform_1(%arg0: i32) -> (i32, i32) {
    %c0_i32 = arith.constant 0 : i32
    %c0_i32_0 = arith.constant 0 : i32
    %c0_i32_1 = arith.constant 0 : i32
    return %c0_i32, %c0_i32_0 : i32, i32
  }
  func.func @transform_2(%arg0: i32) -> (i32, i32, i32) {
    %c0_i32 = arith.constant 0 : i32
    %c0_i32_0 = arith.constant 0 : i32
    %c0_i32_1 = arith.constant 0 : i32
    return %c0_i32, %arg0, %c0_i32_0 : i32, i32, i32
  }
  func.func @transform_3(%arg0: i32) -> (i32, i32) {
    %c0_i32 = arith.constant 0 : i32
    %c0_i32_0 = arith.constant 0 : i32
    return %arg0, %c0_i32 : i32, i32
  }
}

</mosaic_0001>

<sc_bundles>
// kernel: kernel.5.cloned.1.call-start
scs
__scs_entry_jumppad:
0x0: {  	(pc) =	sbr.rel $0x88, $3  }
0x1: {  	(tag) =	ssettag $0x0;
	lr =	simm.s32 $0x1  }
0x2: {  	[smem:$0x3F9B] =	sst lr;
	_ =	strace $0xD0000000  }
0x3: {  	_ = 	snop  }
0x4: {  	_ = 	snop  }
0x5: {  	_ = 	snop  }
0x6: {  	_ = 	snop  }
0x7: {  	_ = 	snop  }
__scs_overlays_trampoline_lowered:
0x8: {  	[smem:$0x3FAA] =	sst s0  }
0x9: {  	[smem:$0x3FAB] =	sst s1  }
0xa: {  	[smem:$0x3FAC] =	sst s2  }
0xb: {  	[smem:$0x3FAD] =	sst s3  }
0xc: {  	[smem:$0x3FAE] =	sst s4  }
0xd: {  	[smem:$0x3FAF] =	sst s5  }
0xe: {  	[smem:$0x3FB0] =	sst s6  }
0xf: {  	[smem:$0x3FB1] =	sst s7  }
0x10: {  	[smem:$0x3FB2] =	sst s8  }
0x11: {  	[smem:$0x3FB3] =	sst s9;
	s0 =	simm.s32 @!p0 $0x0  }
0x12: {  	s1 =	sld [smem:$0x3F99];
	s0 =	simm.s32 @p0 $0x1  }
0x13: {  	[smem:$0x3FB4] =	sst s0;
	s0 =	simm.s32 @!p1 $0x0  }
0x14: {  	s2 =	sld [smem:$0x3F98];
	s0 =	simm.s32 @p1 $0x1  }
0x15: {  	[smem:$0x3FB5] =	sst s0;
	s0 =	simm.s32 @!p2 $0x0  }
0x16: {  	s3 =	sld [smem:$0x3FDB];
	s0 =	simm.s32 @p2 $0x1  }
0x17: {  	s4 =	simm.s32 $0x1BF5;
	[smem:$0x3FB7] =	sst s0  }
0x18: {  	s0 =	sld [smem:$0x3F9A];
	_ =	swait.ge [sflag:s4], $0x0  }
0x19: {  	s7 =	sld [smem:$0x3F9B]  }
0x1a: {  	s8 =	sadd.s32 $0xFFFFE003, lr  }
0x1b: {  	s9 =	sadd.s32 $0xFFFFFEF7, lr;
	s5 =	simm.s32 $0xFFFFFFFF;
	p2 =	slt.u32 s8, $0xFFFFF086  }
0x1c: {  	p1 =	slt.u32 s9, $0xF7A;
	s5 =	simm.s32 @!p2 $0x0  }
0x1d: {  	s5 =	simm.s32 @p1 $0x1;
	p0 =	seq.s32 s7, s2  }
0x1e: {  	s7 =	smul.u32 @!p0 $0xF7A, s2;
	p2 =	seq.s32 @!p0 s5, $0x0  }
0x1f: {  	s9 =	smul.u32 $0xF7A, s1;
	s8 =	simm.s32 @!p0 $0x1BF5;
	p2 =	por !p2, p0  }
0x20: {  	[sflag:s8] =	ssyncset.s32 @!p0 $0xFFFFF086;
	s6 =	sadd.s32 @!p0 s3, s7;
	s7 =	simm.s32 @!p0 $0x108  }
0x21: {  	s3 =	sadd.s32 s3, s9;
	s6 =	sadd.s32 @!p0 $0x88, s6;
	s7 =	simm.s32 @p2 $0x1082  }
0x22: {  	[simem:s7], [sflag:s8] =	dma.local @!p0 [hbm:s6], $0xF7A  }
0x23: {  	s9 =	sor.u32 $0xD0000000, s2;
	s6 =	simm.s32 $0x108;
	_ =	swait.ge @!p0 [sflag:s8], $0x0  }
0x24: {  	s3 =	sadd.s32 $0x88, s3;
	s6 =	simm.s32 @!p1 $0x1082;
	[sflag:s4] =	ssyncset.s32 $0xFFFFF086  }
0x25: {  	[simem:s6], [sflag:s4] =	dma.local [hbm:s3], $0xF7A  }
0x26: {  	[smem:$0x3F9B] =	sst s1;
	(tag) =	ssettag s2;
	_ =	strace s9  }
0x27: {  	s1 =	sld [smem:$0x3FAB]  }
0x28: {  	s2 =	sld [smem:$0x3FAC]  }
0x29: {  	s4 =	sld [smem:$0x3FAE]  }
0x2a: {  	p0 =	seq.s32 s5, $0x0;
	s5 =	sld [smem:$0x3FAF]  }
0x2b: {  	s6 =	sld [smem:$0x3FB0]  }
0x2c: {  	s7 =	sld [smem:$0x3FB1]  }
0x2d: {  	s3 =	simm.s32 $0x108;
	s8 =	sld [smem:$0x3FB2]  }
0x2e: {  	s3 =	simm.s32 @!p0 $0x1082;
	s9 =	sld [smem:$0x3FB3]  }
0x2f: {  	lr =	sadd.s32 s0, s3;
	s0 =	sld [smem:$0x3FAA]  }
0x30: {  	s3 =	sld [smem:$0x3FAD]  }
0x31: {  	[smem:$0x3FB6] =	sst s10  }
0x32: {  	s10 =	sld [smem:$0x3FB4];
	_ =	sdelay $0x3  }
0x33: {  	p0 =	seq.s32 s10, $0x1;
	s10 =	sld [smem:$0x3FB6];
	_ =	sdelay $0x3  }
0x34: {  	[smem:$0x3FB6] =	sst s10  }
0x35: {  	s10 =	sld [smem:$0x3FB5];
	_ =	sdelay $0x3  }
0x36: {  	p1 =	seq.s32 s10, $0x1;
	s10 =	sld [smem:$0x3FB6];
	_ =	sdelay $0x3  }
0x37: {  	[smem:$0x3FB6] =	sst s10  }
0x38: {  	s10 =	sld [smem:$0x3FB7]  }
0x39: {  	_ = 	snop;
	(pc) =	sbr.ind lr, $3  }
0x3a: {  	_ = 	snop  }
0x3b: {  	_ = 	snop  }
0x3c: {  	p2 =	seq.s32 s10, $0x1;
	s10 =	sld [smem:$0x3FB6]  }
0x3d: {  	_ =	shalt  }
0x3e: {  	_ =	shalt  }
0x3f: {  	_ =	shalt  }
0x40: {  	_ =	shalt  }
0x41: {  	_ =	shalt  }
0x42: {  	_ =	shalt  }
0x43: {  	_ =	shalt  }
0x44: {  	_ =	shalt  }
0x45: {  	_ =	shalt  }
0x46: {  	_ =	shalt  }
0x47: {  	_ =	shalt  }
0x48: {  	_ =	shalt  }
0x49: {  	_ =	shalt  }
0x4a: {  	_ =	shalt  }
0x4b: {  	_ =	shalt  }
0x4c: {  	_ =	shalt  }
0x4d: {  	_ =	shalt  }
0x4e: {  	_ =	shalt  }
0x4f: {  	_ =	shalt  }
0x50: {  	_ =	shalt  }
0x51: {  	_ =	shalt  }
0x52: {  	_ =	shalt  }
0x53: {  	_ =	shalt  }
0x54: {  	_ =	shalt  }
0x55: {  	_ =	shalt  }
0x56: {  	_ =	shalt  }
0x57: {  	_ =	shalt  }
0x58: {  	_ =	shalt  }
0x59: {  	_ =	shalt  }
0x5a: {  	_ =	shalt  }
0x5b: {  	_ =	shalt  }
0x5c: {  	_ =	shalt  }
0x5d: {  	_ =	shalt  }
0x5e: {  	_ =	shalt  }
0x5f: {  	_ =	shalt  }
0x60: {  	_ =	shalt  }
0x61: {  	_ =	shalt  }
0x62: {  	_ =	shalt  }
0x63: {  	_ =	shalt  }
0x64: {  	_ =	shalt  }
0x65: {  	_ =	shalt  }
0x66: {  	_ =	shalt  }
0x67: {  	_ =	shalt  }
0x68: {  	_ =	shalt  }
0x69: {  	_ =	shalt  }
0x6a: {  	_ =	shalt  }
0x6b: {  	_ =	shalt  }
0x6c: {  	_ =	shalt  }
0x6d: {  	_ =	shalt  }
0x6e: {  	_ =	shalt  }
0x6f: {  	_ =	shalt  }
0x70: {  	_ =	shalt  }
0x71: {  	_ =	shalt  }
0x72: {  	_ =	shalt  }
0x73: {  	_ =	shalt  }
0x74: {  	_ =	shalt  }
0x75: {  	_ =	shalt  }
0x76: {  	_ =	shalt  }
0x77: {  	_ =	shalt  }
0x78: {  	_ =	shalt  }
0x79: {  	_ =	shalt  }
0x7a: {  	_ =	shalt  }
0x7b: {  	_ =	shalt  }
0x7c: {  	_ =	shalt  }
0x7d: {  	_ =	shalt  }
0x7e: {  	_ =	shalt  }
0x7f: {  	_ =	shalt  }
0x80: {  	_ =	shalt  }
0x81: {  	_ =	shalt  }
0x82: {  	_ =	shalt  }
0x83: {  	_ =	shalt  }
0x84: {  	_ =	shalt  }
0x85: {  	_ =	shalt  }
0x86: {  	_ =	shalt  }
0x87: {  	_ =	shalt  }
.Lfunc_end0:
.L_simem_size_0:
called_computation_lowered:
.L_overlay_start_0:
0x88: {  	s2 =	sld [smem:$0x3FD9]  }
0x89: {  	s3 =	sld [smem:$0x3FFE];
	_ =	sdelay $0x1  }
0x8a: {  	s1 =	srdreg.scid  }
0x8b: {  	s0 =	sand.u32 $0x1, s1  }
0x8c: {  	s17 =	sshll.u32 s0, $0xA;
	s2 =	sadd.s32 s3, s2  }
0x8d: {  	s2 =	sadd.s32 s2, s17  }
0x8e: {  	[smem:$0x3FC2] =	sst s2  }
0x8f: {  	_ = 	snop  }
0x90: {  	s2 =	sld [smem:$0x3FD0];
	(tm) =	ssettm $0x1  }
0x91: {  	s18 =	sld [smem:$0x3FFB];
	_ =	sdelay $0x3  }
0x92: {  	_ =	strace s18  }
0x93: {  	s3 =	sld [smem:$0x3FFC];
	_ =	sdelay $0x3  }
0x94: {  	_ =	strace s3  }
0x95: {  	s3 =	sld [smem:$0x3FFD];
	_ =	sdelay $0x3  }
0x96: {  	_ =	strace s3  }
0x97: {  	_ =	strace $0x8FFFFFFF  }
0x98: {  	s19 =	sld [smem:$0x3FDB];
	_ =	sdelay $0x1  }
0x99: {  	s4 =	simm.s32 $_scs_section_size  }
0x9a: {  	s5 =	simm.s32 $_size__tile_overlayer_lowered;
	s6 =	simm.s32 $_tile_overlayer_lowered  }
0x9b: {  	s22 =	simm.s32 $0x1BFF;
	s21 =	sshll.u32 s6, $0x1;
	s3 =	sadd.s32 s4, s19  }
0x9c: {  	s7 =	simm.s32 $0x0;
	s20 =	sshll.u32 s5, $0x1;
	s5 =	sadd.s32 s21, s3  }
0x9d: {  	[timem:s7], [sflag:s22] =	dma.local [hbm:s5], s20  }
0x9e: {  	_ =	swait.ge [sflag:s22], s20  }
0x9f: {  	s4 =	ssub.s32 $0x0, s20;
	[sflag:s22] =	ssyncset.done $0x0  }
0xa0: {  	[sflag:s22] =	ssyncadd.s32 s4;
	_ =	sdelay $0x1  }
0xa1: {  	s23 =	simm.s32 $0x1B8B  }
0xa2: {  	_ =	swait.ge [sflag:s23], $0x1  }
0xa3: {  	[sflag:s23] =	ssyncset.done $0x0  }
0xa4: {  	s25 =	simm.s32 $0x1B8E;
	s24 =	sld [smem:$0x3FFE];
	[sflag:s23] =	ssyncadd.s32 $0xFFFFFFFF  }
0xa5: {  	s26 =	simm.s32 $execute0_lowered;
	[smem:$0x3FD2] =	sst s25  }
0xa6: {  	s5 =	sshll.u32 s26, $0x1;
	_ =	strace $0x80000046;
	[dreg:$0x1] =	wrdreg $0xFFFFFFFF  }
0xa7: {  	s28 =	simm.s32 $_size_execute0_lowered;
	s3 =	sadd.s32 s3, s5;
	[dreg:$0x0] =	wrdreg $0x0  }
0xa8: {  	s5 =	sshll.u32 s28, $0x1;
	[dreg:$0x2] =	wrdreg s3  }
0xa9: {  	[dreg:$0x3] =	wrdreg s5  }
0xaa: {  	[dreg:$0x4] =	wrdreg $0xC0  }
0xab: {  	_ =	task [dreg:s7], $0x5FFFF  }
0xac: {  	[dreg:$0x1] =	wrdreg $0xFFFFFFFF  }
0xad: {  	[dreg:$0x0] =	wrdreg $0x60  }
0xae: {  	[dreg:$0x2] =	wrdreg s24  }
0xaf: {  	[dreg:$0x3] =	wrdreg s2  }
0xb0: {  	[dreg:$0x4] =	wrdreg $0xA8000  }
0xb1: {  	[dreg:$0x5] =	wrdreg $0x9  }
0xb2: {  	_ =	task.clear_ibuf [dreg:s7], $0x6FFFF;
	_ =	strace $0x90000046  }
0xb3: {  	s29 =	simm.s32 $0x9;
	_ =	strace $0x80000048  }
0xb4: {  	_ =	swait.ge [sflag:s29], $0x1  }
0xb5: {  	[sflag:s29] =	ssyncadd.s32 $0xFFFFFFFF  }
0xb6: {  	_ =	strace $0x90000048  }
0xb7: {  	_ =	sfence  }
0xb8: {  	s30 =	sld [smem:$0x0];
	_ =	sdelay $0x2  }
0xb9: {  	s31 =	sshll.u32 s1, $0xD;
	s1 =	sshrl.u32 s1, $0x2  }
0xba: {  	s3 =	sand.u32 $0x4000, s31;
	s1 =	sadd.s32 s1, s30  }
0xbb: {  	s0 =	sor.u32 s3, s0;
	s1 =	sshll.u32 s1, $0x11  }
0xbc: {  	s0 =	sor.u32 s1, s0  }
0xbd: {  	s0 =	sadd.s32 $0x8F2B, s0  }
0xbe: {  	[sflag:s0] =	ssyncadd.remote.s32 $0x1  }
0xbf: {  	_ =	sfence.sel $0xFFFF  }
0xc0: {  	[dreg:$0x0] =	wrdreg $0xFFFFFFFF;
	(pc) =	sbr.abs _section_cstart, $3  }
0xc1: {  	[dreg:$0x1] =	wrdreg $0xFFFFFFFF  }
0xc2: {  	_ =	task.clear_ibuf [dreg:s7], $0x2FFFF;
	_ =	strace $0x9FFFFFFF  }
0xc3: {  	(tm) =	ssettm $0x7FFFFFFF  }
tec
execute0_lowered:
.L_overlay_start_1:
0x0: {  	(tag) =	ssettag $0x1  }
0x1: {  	s0 =	srdreg.scid  }
0x2: {  	s10 =	stileid.u32;
	s6 =	rddreg [dreg:$0x1]  }
0x3: {  	s29 =	rddreg [dreg:$0x2];
	s4 =	smul.u32 $0x14000, s10  }
0x4: {  	s2 =	sand.u32 $0x1, s0;
	s1 =	sshll.u32 s10, $0x1;
	s23 =	smul.u32 $0x5000, s10  }
0x5: {  	s0 =	rddreg [dreg:$0x0];
	s3 =	smul.u32 $0x140000, s2;
	s5 =	sor.u32 s2, s1  }
0x6: {  	s1 =	simm.s32 $0x0;
	s8 =	ssub.s32 $0x2, s2;
	s2 =	smul.u32 $0x2800, s2  }
0x7: {  	s7 =	sadd.s32 $0xC4E00, s0;
	s31 =	sadd.s32 $0x1800, s0;
	s5 =	smul.u32 $0x2800, s5  }
0x8: {  	[smem:$0x7FF] =	sst s1;
	s19 =	sshrl.u32 s8, $0x1;
	s3 =	sadd.s32 s4, s3  }
0x9: {  	s4 =	ssub.s32 s8, s19;
	s2 =	sadd.s32 s2, s23;
	s5 =	sshrl.u32 s5, $0x3  }
0xa: {  	s12 =	sor.u32 $0x3C0, s2;
	s14 =	sor.u32 $0x370, s2;
	s16 =	sor.u32 $0x320, s2  }
0xb: {  	s20 =	sadd.s32 s6, s5;
	s21 =	sor.u32 $0xA, s5;
	s9 =	sadd.s32 s7, s5  }
0xc: {  	s24 =	sor.u32 $0x14, s5;
	s25 =	sor.u32 $0x1E, s5;
	s5 =	sor.u32 $0x28, s5  }
0xd: {  	s13 =	sshrl.u32 s12, $0x3;
	s18 =	sshrl.u32 s16, $0x3;
	[dreg:$0x4] =	wrdreg s20  }
0xe: {  	s12 =	sor.u32 $0x1E0, s2;
	[dreg:$0x5] =	wrdreg s9;
	s22 =	sadd.s32 s6, s21  }
0xf: {  	s8 =	sadd.s32 s7, s21;
	s11 =	sadd.s32 s6, s24;
	[dreg:$0x6] =	wrdreg s22  }
0x10: {  	s26 =	sadd.s32 s6, s25;
	s15 =	sadd.s32 s13, s7;
	[dreg:$0x7] =	wrdreg s8  }
0x11: {  	s19 =	sadd.s32 s18, s7;
	s20 =	sor.u32 $0x2D0, s2;
	[dreg:$0x8] =	wrdreg s11  }
0x12: {  	s9 =	simm.s32 $0x3;
	s8 =	sadd.s32 s7, s24;
	[dreg:$0xa] =	wrdreg s26  }
0x13: {  	s11 =	sadd.s32 s6, s5;
	s5 =	sadd.s32 s7, s5;
	[dreg:$0xe] =	wrdreg s15  }
0x14: {  	[dreg:$0x12] =	wrdreg s19;
	s21 =	sshrl.u32 s20, $0x3;
	s22 =	sor.u32 $0x280, s2  }
0x15: {  	s24 =	sor.u32 $0x230, s2;
	s2 =	sor.u32 $0x190, s2;
	s15 =	sshrl.u32 s3, $0x3  }
0x16: {  	s19 =	smax.u32 s4, $0x1;
	s4 =	simm.s32 $0x50;
	[dreg:$0x9] =	wrdreg s8  }
0x17: {  	s3 =	simm.s32 $0x1;
	s8 =	sadd.s32 s7, s25;
	[dreg:$0xc] =	wrdreg s11  }
0x18: {  	[dreg:$0xd] =	wrdreg s5;
	s5 =	sadd.s32 s13, s6;
	s23 =	sadd.s32 s21, s7  }
0x19: {  	s25 =	sshrl.u32 s24, $0x3;
	s13 =	sshrl.u32 s12, $0x3;
	[dreg:$0xb] =	wrdreg s8  }
0x1a: {  	s2 =	sshrl.u32 s2, $0x3;
	s12 =	simm.s32 $0x300;
	[dreg:$0xf] =	wrdreg s5  }
0x1b: {  	s8 =	sshrl.u32 s14, $0x3;
	s5 =	sadd.s32 s18, s6;
	[dreg:$0x14] =	wrdreg s23  }
0x1c: {  	s11 =	sadd.s32 s25, s7;
	s28 =	sadd.s32 s2, s7;
	[dreg:$0x13] =	wrdreg s5  }
0x1d: {  	s14 =	smul.u32 $0x50000, s10;
	s17 =	sadd.s32 s8, s7;
	[dreg:$0x18] =	wrdreg s11  }
0x1e: {  	s30 =	sadd.s32 s2, s6;
	s8 =	sadd.s32 s8, s6;
	[dreg:$0x10] =	wrdreg s17  }
0x1f: {  	s2 =	sadd.s32 s15, s0;
	s5 =	sadd.s32 s21, s6;
	[dreg:$0x11] =	wrdreg s8  }
0x20: {  	s8 =	sshrl.u32 s22, $0x3;
	[dreg:$0x15] =	wrdreg s5;
	s5 =	sadd.s32 s25, s6  }
0x21: {  	s10 =	simm.s32 $0x800;
	s26 =	sadd.s32 s8, s7;
	[dreg:$0x19] =	wrdreg s5  }
0x22: {  	s0 =	simm.s32 $0x8000;
	s8 =	sadd.s32 s8, s6;
	[dreg:$0x16] =	wrdreg s26  }
0x23: {  	s15 =	simm.s32 $0x780;
	s5 =	sadd.s32 s13, s6;
	[dreg:$0x17] =	wrdreg s8  }
0x24: {  	s11 =	simm.s32 $0x5800;
	s8 =	sadd.s32 s13, s7;
	[dreg:$0x1b] =	wrdreg s5  }
0x25: {  	s16 =	sshrl.u32 s14, $0x2;
	s17 =	sadd.s32 $0xCEE00, s2;
	[dreg:$0x1a] =	wrdreg s8  }
0x26: {  	s18 =	sadd.s32 s16, s29;
	_ =	strace $0x80000047;
	[dreg:$0x1d] =	wrdreg s17  }
0x27: {  	s2 =	simm.s32 $0x200;
	s20 =	sadd.s32 $0x2800, s18;
	[dreg:$0x1e] =	wrdreg s19  }
0x28: {  	s14 =	simm.s32 $0x380;
	s21 =	sadd.s32 $0x5000, s18;
	[dreg:$0x1f] =	wrdreg s20  }
0x29: {  	s6 =	simm.s32 $0x680;
	s22 =	sadd.s32 $0x7800, s18;
	[smem:$0x7F8] =	sst s21  }
0x2a: {  	s23 =	sadd.s32 $0xA000, s18;
	s24 =	sadd.s32 $0xC800, s18;
	[smem:$0x7F9] =	sst s22  }
.Ltmp0:
0x2b: {  	s25 =	sadd.s32 $0xF000, s18;
	[smem:$0x7FA] =	sst s23;
	(pc) =	sbr.rel .LBB2_1-.Ltmp0, $4  }
0x2c: {  	s26 =	sadd.s32 $0x11800, s18;
	s5 =	simm.s32 $0x280;
	[smem:$0x7FB] =	sst s24  }
0x2d: {  	s7 =	simm.s32 $0x2;
	s13 =	simm.s32 $0x700;
	[smem:$0x7FC] =	sst s25  }
0x2e: {  	s8 =	simm.s32 $0x600;
	[smem:$0x7FD] =	sst s26;
	s19 =	simm.s32 $0x4  }
0x2f: {  	v0 =	vimm.f32 $0.0e+00;
	s26 =	simm.s32 $0x3000;
	s17 =	simm.s32 $0x0;
	[dreg:$0x1c] =	wrdreg s18  }
.LBB2_6:
0x30: {  	_ =	swait.ge [sflag:s7], $0x2800  }
0x31: {  	[sflag:s7] =	ssyncset.done $0x0  }
0x32: {  	[sflag:s7] =	ssyncadd.s32 $0xFFFFD800  }
0x33: {  	s16 =	stileid.u32;
	[bflag:$0x0] =	sbarrier.arrive $0xFFFF  }
0x34: {  	s16 =	sshll.u32 s16, $0x6;
	s18 =	rddreg [dreg:$0x1c]  }
0x35: {  	s16 =	sor.u32 $0x1C04, s16;
	s19 =	rddreg [dreg:$0x1d];
	s17 =	sshrl.u32 s18, $0x3  }
0x36: {  	[hbm:s19], [sflag:s16] =	dma.local [spmem:s17], $0x2800  }
0x37: {  	s19 =	simm.s32 $0x4  }
0x38: {  	_ =	swait.ge [sflag:s19], $0x2800  }
0x39: {  	s24 =	sld [smem:$0x7F7];
	_ =	sdelay $0x2  }
0x3a: {  	s25 =	rddreg [dreg:$0x1e];
	s17 =	sadd.s32 $0x1, s24  }
0x3b: {  	p0 =	sne.s32 s17, s25  }
.Ltmp1:
0x3c: {  	_ = 	snop;
	(pc) =	sbr.rel @!p0 .LBB2_7-.Ltmp1, $3  }
0x3d: {  	_ =	sdelay $0x1  }
0x3e: {  	[sflag:s19] =	ssyncset.done $0x0  }
0x3f: {  	[sflag:s19] =	ssyncadd.s32 $0xFFFFD800  }
.LBB2_1:
0x40: {  	[smem:$0x7F7] =	sst s17;
	s16 =	simm.s32 $0x0;
	s17 =	simm.s32 $0x200  }
.LBB2_2:
0x41: {  	p0 =	sne.s32 s17, $0x9E00;
	[tilespmem:s16+$0x870] =	vst v0  }
0x42: {  	[tilespmem:s16+$0x800] =	vst v0  }
0x43: {  	[tilespmem:s16+$0x810] =	vst v0  }
.Ltmp2:
0x44: {  	[tilespmem:s16+$0x820] =	vst v0;
	(pc) =	sbr.rel @p0 .LBB2_2-.Ltmp2, $4  }
0x45: {  	[tilespmem:s16+$0x830] =	vst v0  }
0x46: {  	[tilespmem:s16+$0x840] =	vst v0  }
0x47: {  	[tilespmem:s16+$0x850] =	vst v0  }
0x48: {  	[tilespmem:s16+$0x860] =	vst v0;
	s16 =	sshra.s32 s17, $0x2;
	s17 =	sadd.s32 $0x200, s17  }
0x49: {  	[tilespmem:s16+$0x870] =	vst v0  }
0x4a: {  	[tilespmem:s16+$0x800] =	vst v0  }
0x4b: {  	[tilespmem:s16+$0x810] =	vst v0  }
0x4c: {  	[tilespmem:s16+$0x820] =	vst v0  }
0x4d: {  	[tilespmem:s16+$0x830] =	vst v0  }
0x4e: {  	[tilespmem:s16+$0x840] =	vst v0  }
0x4f: {  	[tilespmem:s16+$0x850] =	vst v0  }
0x50: {  	[tilespmem:s16+$0x860] =	vst v0  }
0x51: {  	[spmem:s18] =	stream.linear.scatter [tilespmem:s10], [sflag:$0x4], $0x2800, $0x38;
	[tilespmem:$0x1E800] =	vst v63  }
0x52: {  	_ =	swait.ge [sflag:s19], $0x2800  }
0x53: {  	[sflag:s19] =	ssyncset.done $0x0  }
0x54: {  	s21 =	rddreg [dreg:$0x1f];
	[sflag:s19] =	ssyncadd.s32 $0xFFFFD800  }
0x55: {  	[spmem:s21] =	stream.linear.scatter [tilespmem:s10], [sflag:$0x4], $0x2800, $0x38;
	[tilespmem:$0x1E800] =	vst v63  }
0x56: {  	_ =	swait.ge [sflag:s19], $0x2800  }
0x57: {  	s22 =	sld [smem:$0x7F8]  }
0x58: {  	[sflag:s19] =	ssyncset.done $0x0  }
0x59: {  	[sflag:s19] =	ssyncadd.s32 $0xFFFFD800  }
0x5a: {  	[spmem:s22] =	stream.linear.scatter [tilespmem:s10], [sflag:$0x4], $0x2800, $0x38;
	[tilespmem:$0x1E800] =	vst v63  }
0x5b: {  	_ =	swait.ge [sflag:s19], $0x2800  }
0x5c: {  	s23 =	sld [smem:$0x7F9]  }
0x5d: {  	[sflag:s19] =	ssyncset.done $0x0  }
0x5e: {  	[sflag:s19] =	ssyncadd.s32 $0xFFFFD800  }
0x5f: {  	[spmem:s23] =	stream.linear.scatter [tilespmem:s10], [sflag:$0x4], $0x2800, $0x38;
	[tilespmem:$0x1E800] =	vst v63  }
0x60: {  	_ =	swait.ge [sflag:s19], $0x2800  }
0x61: {  	s24 =	sld [smem:$0x7FA]  }
0x62: {  	[sflag:s19] =	ssyncset.done $0x0  }
0x63: {  	[sflag:s19] =	ssyncadd.s32 $0xFFFFD800  }
0x64: {  	[spmem:s24] =	stream.linear.scatter [tilespmem:s10], [sflag:$0x4], $0x2800, $0x38;
	[tilespmem:$0x1E800] =	vst v63  }
0x65: {  	_ =	swait.ge [sflag:s19], $0x2800  }
0x66: {  	s25 =	sld [smem:$0x7FB]  }
0x67: {  	[sflag:s19] =	ssyncset.done $0x0  }
0x68: {  	[sflag:s19] =	ssyncadd.s32 $0xFFFFD800  }
0x69: {  	[spmem:s25] =	stream.linear.scatter [tilespmem:s10], [sflag:$0x4], $0x2800, $0x38;
	[tilespmem:$0x1E800] =	vst v63  }
0x6a: {  	_ =	swait.ge [sflag:s19], $0x2800  }
0x6b: {  	s17 =	sld [smem:$0x7FC]  }
0x6c: {  	[sflag:s19] =	ssyncset.done $0x0  }
0x6d: {  	[sflag:s19] =	ssyncadd.s32 $0xFFFFD800  }
0x6e: {  	[spmem:s17] =	stream.linear.scatter [tilespmem:s10], [sflag:$0x4], $0x2800, $0x38;
	[tilespmem:$0x1E800] =	vst v63  }
0x6f: {  	_ =	swait.ge [sflag:s19], $0x2800  }
0x70: {  	s18 =	sld [smem:$0x7FD]  }
0x71: {  	[sflag:s19] =	ssyncset.done $0x0  }
0x72: {  	[sflag:s19] =	ssyncadd.s32 $0xFFFFD800  }
0x73: {  	[spmem:s18] =	stream.linear.scatter [tilespmem:s10], [sflag:$0x4], $0x2800, $0x38;
	[tilespmem:$0x1E800] =	vst v63  }
0x74: {  	_ =	swait.ge [sflag:s19], $0x2800  }
0x75: {  	[sflag:s19] =	ssyncset.done $0x0  }
0x76: {  	[sflag:s19] =	ssyncadd.s32 $0xFFFFD800  }
0x77: {  	[bflag:$0x0] =	sbarrier.arrive $0xFFFF  }
0x78: {  	s16 =	simm.s32 $0x0;
	s17 =	rddreg [dreg:$0x4]  }
0x79: {  	[tilespmem:s16], [sflag:$0x3] =	stream.linear.gather [hbm4b:s17+s16], $0x50, $0x38;
	[tilespmem:$0x1E800] =	vst v63  }
0x7a: {  	s20 =	simm.s32 $0x400;
	s19 =	rddreg [dreg:$0x5]  }
0x7b: {  	[tilespmem:s20], [sflag:$0x3] =	stream.linear.gather [hbm4b:s19+s16], $0x50, $0x38;
	[tilespmem:$0x1E800] =	vst v63  }
0x7c: {  	s18 =	simm.s32 $0x80;
	s21 =	rddreg [dreg:$0x6]  }
0x7d: {  	[tilespmem:s18], [sflag:$0x3] =	stream.linear.gather [hbm4b:s21+s16], $0x50, $0x38;
	[tilespmem:$0x1E800] =	vst v63  }
0x7e: {  	s23 =	simm.s32 $0x480;
	s22 =	rddreg [dreg:$0x7]  }
0x7f: {  	[tilespmem:s23], [sflag:$0x3] =	stream.linear.gather [hbm4b:s22+s16], $0x50, $0x38;
	[tilespmem:$0x1E800] =	vst v63  }
0x80: {  	s24 =	rddreg [dreg:$0x8];
	s19 =	simm.s32 $0x100  }
0x81: {  	[tilespmem:s19], [sflag:$0x3] =	stream.linear.gather [hbm4b:s24+s16], $0x50, $0x38;
	[tilespmem:$0x1E800] =	vst v63  }
0x82: {  	s25 =	rddreg [dreg:$0x9];
	s20 =	simm.s32 $0x500  }
0x83: {  	[tilespmem:s20], [sflag:$0x3] =	stream.linear.gather [hbm4b:s25+s16], $0x50, $0x38;
	[tilespmem:$0x1E800] =	vst v63  }
0x84: {  	s21 =	simm.s32 $0x180;
	s20 =	rddreg [dreg:$0xa]  }
0x85: {  	[tilespmem:s21], [sflag:$0x3] =	stream.linear.gather [hbm4b:s20+s16], $0x50, $0x38;
	[tilespmem:$0x1E800] =	vst v63  }
0x86: {  	s22 =	rddreg [dreg:$0xb];
	s23 =	simm.s32 $0x580  }
0x87: {  	[tilespmem:s23], [sflag:$0x3] =	stream.linear.gather [hbm4b:s22+s16], $0x50, $0x38;
	[tilespmem:$0x1E800] =	vst v63  }
0x88: {  	s24 =	rddreg [dreg:$0xc]  }
0x89: {  	[tilespmem:s2], [sflag:$0x3] =	stream.linear.gather [hbm4b:s24+s16], $0x50, $0x38;
	[tilespmem:$0x1E800] =	vst v63  }
0x8a: {  	s25 =	rddreg [dreg:$0xd]  }
0x8b: {  	[tilespmem:s8], [sflag:$0x3] =	stream.linear.gather [hbm4b:s25+s16], $0x50, $0x38;
	[tilespmem:$0x1E800] =	vst v63  }
0x8c: {  	_ =	swait.ge [sflag:s9], $0x50  }
0x8d: {  	[sflag:s9] =	ssyncset.done $0x0  }
0x8e: {  	[sflag:s9] =	ssyncadd.s32 $0xFFFFFFB0  }
0x8f: {  	_ =	swait.ge [sflag:s9], $0x50  }
0x90: {  	[sflag:s9] =	ssyncset.done $0x0  }
0x91: {  	[sflag:s9] =	ssyncadd.s32 $0xFFFFFFB0  }
0x92: {  	[tilespmem:s10], [sflag:$0x1] =	stream.indirect.gather [hbm4b:s31+s4], $0x80, s16, s4, $0xb8;
	[tilespmem:$0x1E800] =	vst v63  }
0x93: {  	_ =	swait.ge [sflag:s9], $0x50  }
0x94: {  	[sflag:s9] =	ssyncset.done $0x0  }
0x95: {  	[sflag:s9] =	ssyncadd.s32 $0xFFFFFFB0  }
0x96: {  	_ =	swait.ge [sflag:s9], $0x50  }
0x97: {  	[sflag:s9] =	ssyncset.done $0x0  }
0x98: {  	[sflag:s9] =	ssyncadd.s32 $0xFFFFFFB0  }
0x99: {  	[tilespmem:s26], [sflag:$0x1] =	stream.indirect.gather [hbm4b:s31+s4], $0x80, s18, s4, $0xb8;
	[tilespmem:$0x1E800] =	vst v63  }
0x9a: {  	_ =	swait.ge [sflag:s9], $0x50  }
0x9b: {  	[sflag:s9] =	ssyncset.done $0x0  }
0x9c: {  	[sflag:s9] =	ssyncadd.s32 $0xFFFFFFB0  }
0x9d: {  	_ =	swait.ge [sflag:s9], $0x50  }
0x9e: {  	[sflag:s9] =	ssyncset.done $0x0  }
0x9f: {  	[sflag:s9] =	ssyncadd.s32 $0xFFFFFFB0  }
0xa0: {  	[tilespmem:s11], [sflag:$0x1] =	stream.indirect.gather [hbm4b:s31+s4], $0x80, s19, s4, $0xb8;
	[tilespmem:$0x1E800] =	vst v63  }
.LBB2_4:
0xa1: {  	p0 =	seq.s32 s16, $0x0  }
0xa2: {  	s17 =	simm.s32 @!p0 $0x2  }
0xa3: {  	_ =	swait.ge @!p0 [sflag:s17], $0x2800  }
0xa4: {  	[sflag:s17] =	ssyncset.done @!p0 $0x0  }
0xa5: {  	[sflag:s17] =	ssyncadd.s32 @!p0 $0xFFFFD800  }
0xa6: {  	_ =	swait.ge [sflag:s9], $0x50  }
0xa7: {  	[sflag:s9] =	ssyncset.done $0x0  }
0xa8: {  	[sflag:s9] =	ssyncadd.s32 $0xFFFFFFB0  }
0xa9: {  	_ =	swait.ge [sflag:s9], $0x50  }
0xaa: {  	[sflag:s9] =	ssyncset.done $0x0  }
0xab: {  	s23 =	simm.s32 $0x180;
	[sflag:s9] =	ssyncadd.s32 $0xFFFFFFB0  }
0xac: {  	[tilespmem:s0], [sflag:$0x1] =	stream.indirect.gather [hbm4b:s31+s4], $0x80, s23, s4, $0xb8;
	[tilespmem:$0x1E800] =	vst v63  }
0xad: {  	_ =	swait.ge [sflag:s3], $0x2800  }
0xae: {  	[sflag:s3] =	ssyncset.done $0x0  }
0xaf: {  	s24 =	simm.s32 $0x400;
	[sflag:s3] =	ssyncadd.s32 $0xFFFFD800  }
0xb0: {  	[spmem:s29] =	stream.indirect.scatter.add.f32 [tilespmem:s10], [sflag:$0x2], $0x80, s24, s4, $0xb8;
	[tilespmem:$0x1E800] =	vst v63  }
0xb1: {  	s25 =	sadd.s32 s16, s30  }
0xb2: {  	[tilespmem:s5], [sflag:$0x3] =	stream.linear.gather [hbm4b:s25+s1], $0x50, $0x38;
	[tilespmem:$0x1E800] =	vst v63  }
0xb3: {  	s18 =	sadd.s32 s16, s28  }
0xb4: {  	[tilespmem:s6], [sflag:$0x3] =	stream.linear.gather [hbm4b:s18+s1], $0x50, $0x38;
	[tilespmem:$0x1E800] =	vst v63  }
0xb5: {  	_ =	swait.ge [sflag:s7], $0x2800  }
0xb6: {  	[sflag:s7] =	ssyncset.done $0x0  }
0xb7: {  	[sflag:s7] =	ssyncadd.s32 $0xFFFFD800  }
0xb8: {  	_ =	swait.ge [sflag:s9], $0x50  }
0xb9: {  	[sflag:s9] =	ssyncset.done $0x0  }
0xba: {  	[sflag:s9] =	ssyncadd.s32 $0xFFFFFFB0  }
0xbb: {  	_ =	swait.ge [sflag:s9], $0x50  }
0xbc: {  	[sflag:s9] =	ssyncset.done $0x0  }
0xbd: {  	[sflag:s9] =	ssyncadd.s32 $0xFFFFFFB0  }
0xbe: {  	[tilespmem:s10], [sflag:$0x1] =	stream.indirect.gather [hbm4b:s31+s4], $0x80, s2, s4, $0xb8;
	[tilespmem:$0x1E800] =	vst v63  }
0xbf: {  	_ =	swait.ge [sflag:s3], $0x2800  }
0xc0: {  	[sflag:s3] =	ssyncset.done $0x0  }
0xc1: {  	s19 =	simm.s32 $0x480;
	s20 =	rddreg [dreg:$0x1b];
	[sflag:s3] =	ssyncadd.s32 $0xFFFFD800  }
0xc2: {  	[spmem:s29] =	stream.indirect.scatter.add.f32 [tilespmem:s26], [sflag:$0x2], $0x80, s19, s4, $0xb8;
	[tilespmem:$0x1E800] =	vst v63  }
0xc3: {  	s21 =	rddreg [dreg:$0x1a];
	s17 =	sadd.s32 s16, s20  }
0xc4: {  	[tilespmem:s12], [sflag:$0x3] =	stream.linear.gather [hbm4b:s17+s1], $0x50, $0x38;
	[tilespmem:$0x1E800] =	vst v63  }
0xc5: {  	s17 =	sadd.s32 s16, s21  }
0xc6: {  	[tilespmem:s13], [sflag:$0x3] =	stream.linear.gather [hbm4b:s17+s1], $0x50, $0x38;
	[tilespmem:$0x1E800] =	vst v63  }
0xc7: {  	_ =	swait.ge [sflag:s7], $0x2800  }
0xc8: {  	[sflag:s7] =	ssyncset.done $0x0  }
0xc9: {  	[sflag:s7] =	ssyncadd.s32 $0xFFFFD800  }
0xca: {  	_ =	swait.ge [sflag:s9], $0x50  }
0xcb: {  	[sflag:s9] =	ssyncset.done $0x0  }
0xcc: {  	[sflag:s9] =	ssyncadd.s32 $0xFFFFFFB0  }
0xcd: {  	_ =	swait.ge [sflag:s9], $0x50  }
0xce: {  	[sflag:s9] =	ssyncset.done $0x0  }
0xcf: {  	[sflag:s9] =	ssyncadd.s32 $0xFFFFFFB0  }
0xd0: {  	[tilespmem:s26], [sflag:$0x1] =	stream.indirect.gather [hbm4b:s31+s4], $0x80, s5, s4, $0xb8;
	[tilespmem:$0x1E800] =	vst v63  }
0xd1: {  	_ =	swait.ge [sflag:s3], $0x2800  }
0xd2: {  	[sflag:s3] =	ssyncset.done $0x0  }
0xd3: {  	s22 =	simm.s32 $0x500;
	s23 =	rddreg [dreg:$0x19];
	[sflag:s3] =	ssyncadd.s32 $0xFFFFD800  }
0xd4: {  	[spmem:s29] =	stream.indirect.scatter.add.f32 [tilespmem:s11], [sflag:$0x2], $0x80, s22, s4, $0xb8;
	[tilespmem:$0x1E800] =	vst v63  }
0xd5: {  	s24 =	rddreg [dreg:$0x18];
	s17 =	sadd.s32 s16, s23  }
0xd6: {  	[tilespmem:s14], [sflag:$0x3] =	stream.linear.gather [hbm4b:s17+s1], $0x50, $0x38;
	[tilespmem:$0x1E800] =	vst v63  }
0xd7: {  	s17 =	sadd.s32 s16, s24  }
0xd8: {  	[tilespmem:s15], [sflag:$0x3] =	stream.linear.gather [hbm4b:s17+s1], $0x50, $0x38;
	[tilespmem:$0x1E800] =	vst v63  }
0xd9: {  	_ =	swait.ge [sflag:s7], $0x2800  }
0xda: {  	[sflag:s7] =	ssyncset.done $0x0  }
0xdb: {  	[sflag:s7] =	ssyncadd.s32 $0xFFFFD800  }
0xdc: {  	_ =	swait.ge [sflag:s9], $0x50  }
0xdd: {  	[sflag:s9] =	ssyncset.done $0x0  }
0xde: {  	[sflag:s9] =	ssyncadd.s32 $0xFFFFFFB0  }
0xdf: {  	_ =	swait.ge [sflag:s9], $0x50  }
0xe0: {  	[sflag:s9] =	ssyncset.done $0x0  }
0xe1: {  	[sflag:s9] =	ssyncadd.s32 $0xFFFFFFB0  }
0xe2: {  	[tilespmem:s11], [sflag:$0x1] =	stream.indirect.gather [hbm4b:s31+s4], $0x80, s12, s4, $0xb8;
	[tilespmem:$0x1E800] =	vst v63  }
0xe3: {  	_ =	swait.ge [sflag:s3], $0x2800  }
0xe4: {  	p0 =	seq.s32 s16, $0x4B0;
	[sflag:s3] =	ssyncset.done $0x0  }
0xe5: {  	s25 =	simm.s32 $0x580;
	s17 =	rddreg [dreg:$0x17];
	[sflag:s3] =	ssyncadd.s32 $0xFFFFD800  }
0xe6: {  	[spmem:s29] =	stream.indirect.scatter.add.f32 [tilespmem:s0], [sflag:$0x2], $0x80, s25, s4, $0xb8;
	[tilespmem:$0x1E800] =	vst v63  }
0xe7: {  	s18 =	simm.s32 @!p0 $0x0;
	s17 =	sadd.s32 @!p0 s16, s17  }
0xe8: {  	[tilespmem:s18], [sflag:$0x3] =	stream.linear.gather @!p0 [hbm4b:s17+s18], $0x50, $0x38;
	[tilespmem:$0x1E800] =	vst v63  }
0xe9: {  	s17 =	rddreg [dreg:$0x16]  }
0xea: {  	s19 =	simm.s32 @!p0 $0x400;
	s17 =	sadd.s32 @!p0 s16, s17  }
0xeb: {  	[tilespmem:s19], [sflag:$0x3] =	stream.linear.gather @!p0 [hbm4b:s17+s18], $0x50, $0x38;
	[tilespmem:$0x1E800] =	vst v63  }
0xec: {  	_ =	swait.ge [sflag:s7], $0x2800  }
0xed: {  	[sflag:s7] =	ssyncset.done $0x0  }
0xee: {  	[sflag:s7] =	ssyncadd.s32 $0xFFFFD800  }
0xef: {  	_ =	swait.ge [sflag:s9], $0x50  }
0xf0: {  	[sflag:s9] =	ssyncset.done $0x0  }
0xf1: {  	[sflag:s9] =	ssyncadd.s32 $0xFFFFFFB0  }
0xf2: {  	_ =	swait.ge [sflag:s9], $0x50  }
0xf3: {  	[sflag:s9] =	ssyncset.done $0x0  }
0xf4: {  	[sflag:s9] =	ssyncadd.s32 $0xFFFFFFB0  }
0xf5: {  	[tilespmem:s0], [sflag:$0x1] =	stream.indirect.gather [hbm4b:s31+s4], $0x80, s14, s4, $0xb8;
	[tilespmem:$0x1E800] =	vst v63  }
0xf6: {  	_ =	swait.ge [sflag:s3], $0x2800  }
0xf7: {  	[sflag:s3] =	ssyncset.done $0x0  }
0xf8: {  	p1 =	sne.s32 s16, $0x4B0;
	s17 =	rddreg [dreg:$0x15];
	[sflag:s3] =	ssyncadd.s32 $0xFFFFD800  }
0xf9: {  	[spmem:s29] =	stream.indirect.scatter.add.f32 [tilespmem:s10], [sflag:$0x2], $0x80, s8, s4, $0xb8;
	[tilespmem:$0x1E800] =	vst v63  }
0xfa: {  	s18 =	simm.s32 @p1 $0x0;
	s19 =	simm.s32 @p1 $0x80;
	s17 =	sadd.s32 @p1 s16, s17  }
0xfb: {  	[tilespmem:s19], [sflag:$0x3] =	stream.linear.gather @p1 [hbm4b:s17+s18], $0x50, $0x38;
	[tilespmem:$0x1E800] =	vst v63  }
0xfc: {  	s17 =	rddreg [dreg:$0x14]  }
0xfd: {  	s20 =	simm.s32 @p1 $0x480;
	s17 =	sadd.s32 @p1 s16, s17  }
0xfe: {  	[tilespmem:s20], [sflag:$0x3] =	stream.linear.gather @p1 [hbm4b:s17+s18], $0x50, $0x38;
	[tilespmem:$0x1E800] =	vst v63  }
0xff: {  	s17 =	simm.s32 @p1 $0x2  }
0x100: {  	_ =	swait.ge @p1 [sflag:s17], $0x2800  }
0x101: {  	[sflag:s17] =	ssyncset.done @p1 $0x0  }
0x102: {  	s20 =	simm.s32 @p1 $0x3;
	[sflag:s17] =	ssyncadd.s32 @p1 $0xFFFFD800  }
0x103: {  	_ =	swait.ge @p1 [sflag:s20], $0x50  }
0x104: {  	[sflag:s20] =	ssyncset.done @p1 $0x0  }
0x105: {  	[sflag:s20] =	ssyncadd.s32 @p1 $0xFFFFFFB0  }
0x106: {  	_ =	swait.ge @p1 [sflag:s20], $0x50  }
0x107: {  	[sflag:s20] =	ssyncset.done @p1 $0x0  }
0x108: {  	s21 =	simm.s32 @p1 $0x50;
	s22 =	simm.s32 @p1 $0x800;
	[sflag:s20] =	ssyncadd.s32 @p1 $0xFFFFFFB0  }
0x109: {  	[tilespmem:s22], [sflag:$0x1] =	stream.indirect.gather @p1 [hbm4b:s31+s21], $0x80, s18, s21, $0xb8;
	[tilespmem:$0x1E800] =	vst v63  }
0x10a: {  	s22 =	simm.s32 @!p1 $0x2  }
0x10b: {  	_ =	swait.ge @!p1 [sflag:s22], $0x2800  }
0x10c: {  	[sflag:s22] =	ssyncset.done @!p1 $0x0  }
0x10d: {  	[sflag:s22] =	ssyncadd.s32 @!p1 $0xFFFFD800  }
0x10e: {  	_ =	swait.ge [sflag:s3], $0x2800  }
0x10f: {  	[sflag:s3] =	ssyncset.done $0x0  }
0x110: {  	s23 =	rddreg [dreg:$0x13];
	[sflag:s3] =	ssyncadd.s32 $0xFFFFD800  }
0x111: {  	[spmem:s29] =	stream.indirect.scatter.add.f32 [tilespmem:s26], [sflag:$0x2], $0x80, s6, s4, $0xb8;
	[tilespmem:$0x1E800] =	vst v63  }
0x112: {  	s24 =	simm.s32 @p1 $0x100;
	s23 =	sadd.s32 @p1 s16, s23  }
0x113: {  	[tilespmem:s24], [sflag:$0x3] =	stream.linear.gather @p1 [hbm4b:s23+s18], $0x50, $0x38;
	[tilespmem:$0x1E800] =	vst v63  }
0x114: {  	s23 =	rddreg [dreg:$0x12]  }
0x115: {  	s25 =	simm.s32 @p1 $0x500;
	s23 =	sadd.s32 @p1 s16, s23  }
0x116: {  	[tilespmem:s25], [sflag:$0x3] =	stream.linear.gather @p1 [hbm4b:s23+s18], $0x50, $0x38;
	[tilespmem:$0x1E800] =	vst v63  }
0x117: {  	_ =	swait.ge @p1 [sflag:s17], $0x2800  }
0x118: {  	[sflag:s17] =	ssyncset.done @p1 $0x0  }
0x119: {  	[sflag:s17] =	ssyncadd.s32 @p1 $0xFFFFD800  }
0x11a: {  	_ =	swait.ge @p1 [sflag:s20], $0x50  }
0x11b: {  	[sflag:s20] =	ssyncset.done @p1 $0x0  }
0x11c: {  	[sflag:s20] =	ssyncadd.s32 @p1 $0xFFFFFFB0  }
0x11d: {  	_ =	swait.ge @p1 [sflag:s20], $0x50  }
0x11e: {  	[sflag:s20] =	ssyncset.done @p1 $0x0  }
0x11f: {  	s23 =	simm.s32 @p1 $0x3000;
	[sflag:s20] =	ssyncadd.s32 @p1 $0xFFFFFFB0  }
0x120: {  	[tilespmem:s23], [sflag:$0x1] =	stream.indirect.gather @p1 [hbm4b:s31+s21], $0x80, s19, s21, $0xb8;
	[tilespmem:$0x1E800] =	vst v63  }
0x121: {  	_ =	swait.ge @!p1 [sflag:s22], $0x2800  }
0x122: {  	[sflag:s22] =	ssyncset.done @!p1 $0x0  }
0x123: {  	[sflag:s22] =	ssyncadd.s32 @!p1 $0xFFFFD800  }
0x124: {  	_ =	swait.ge [sflag:s3], $0x2800  }
0x125: {  	[sflag:s3] =	ssyncset.done $0x0  }
0x126: {  	s19 =	rddreg [dreg:$0x11];
	[sflag:s3] =	ssyncadd.s32 $0xFFFFD800  }
0x127: {  	[spmem:s29] =	stream.indirect.scatter.add.f32 [tilespmem:s11], [sflag:$0x2], $0x80, s13, s4, $0xb8;
	[tilespmem:$0x1E800] =	vst v63  }
0x128: {  	s23 =	simm.s32 @p1 $0x180;
	s19 =	sadd.s32 @p1 s16, s19  }
0x129: {  	[tilespmem:s23], [sflag:$0x3] =	stream.linear.gather @p1 [hbm4b:s19+s18], $0x50, $0x38;
	[tilespmem:$0x1E800] =	vst v63  }
0x12a: {  	s19 =	rddreg [dreg:$0x10]  }
0x12b: {  	s23 =	simm.s32 @p1 $0x580;
	s19 =	sadd.s32 @p1 s16, s19  }
0x12c: {  	[tilespmem:s23], [sflag:$0x3] =	stream.linear.gather @p1 [hbm4b:s19+s18], $0x50, $0x38;
	[tilespmem:$0x1E800] =	vst v63  }
0x12d: {  	_ =	swait.ge @p1 [sflag:s17], $0x2800  }
0x12e: {  	[sflag:s17] =	ssyncset.done @p1 $0x0  }
0x12f: {  	[sflag:s17] =	ssyncadd.s32 @p1 $0xFFFFD800  }
0x130: {  	_ =	swait.ge @p1 [sflag:s20], $0x50  }
0x131: {  	[sflag:s20] =	ssyncset.done @p1 $0x0  }
0x132: {  	[sflag:s20] =	ssyncadd.s32 @p1 $0xFFFFFFB0  }
0x133: {  	_ =	swait.ge @p1 [sflag:s20], $0x50  }
0x134: {  	[sflag:s20] =	ssyncset.done @p1 $0x0  }
0x135: {  	s17 =	simm.s32 @p1 $0x5800;
	[sflag:s20] =	ssyncadd.s32 @p1 $0xFFFFFFB0  }
0x136: {  	[tilespmem:s17], [sflag:$0x1] =	stream.indirect.gather @p1 [hbm4b:s31+s21], $0x80, s24, s21, $0xb8;
	[tilespmem:$0x1E800] =	vst v63  }
0x137: {  	_ =	swait.ge @!p1 [sflag:s22], $0x2800  }
0x138: {  	[sflag:s22] =	ssyncset.done @!p1 $0x0  }
.Ltmp3:
0x139: {  	[sflag:s22] =	ssyncadd.s32 @!p1 $0xFFFFD800;
	(pc) =	sbr.rel @p0 .LBB2_6-.Ltmp3, $4  }
0x13a: {  	_ =	swait.ge [sflag:s3], $0x2800  }
0x13b: {  	[sflag:s3] =	ssyncset.done $0x0  }
0x13c: {  	[sflag:s3] =	ssyncadd.s32 $0xFFFFD800  }
0x13d: {  	[spmem:s29] =	stream.indirect.scatter.add.f32 [tilespmem:s0], [sflag:$0x2], $0x80, s15, s4, $0xb8;
	[tilespmem:$0x1E800] =	vst v63  }
.Ltmp4:
0x13e: {  	s17 =	rddreg [dreg:$0xf];
	(pc) =	sbr.rel .LBB2_4-.Ltmp4, $4  }
0x13f: {  	s25 =	rddreg [dreg:$0xe];
	s17 =	sadd.s32 s16, s17  }
0x140: {  	[tilespmem:s2], [sflag:$0x3] =	stream.linear.gather [hbm4b:s17+s1], $0x50, $0x38;
	[tilespmem:$0x1E800] =	vst v63  }
0x141: {  	s17 =	sadd.s32 s16, s25;
	s16 =	sadd.s32 $0x50, s16  }
0x142: {  	[tilespmem:s8], [sflag:$0x3] =	stream.linear.gather [hbm4b:s17+s1], $0x50, $0x38;
	[tilespmem:$0x1E800] =	vst v63  }
.LBB2_7:
0x143: {  	_ =	sfence.sel $0x180000  }
0x144: {  	[bflag:$0x0] =	sbarrier.arrive $0xFFFF  }
0x145: {  	_ =	strace $0x90000047  }
0x146: {  	s0 =	stileid.u32;
	[bflag:$0x2] =	sbarrier.arrive $0xFFFF  }
0x147: {  	p0 =	sne.s32 s0, $0x0;
	s0 =	rddreg [dreg:$0x3]  }
0x148: {  	s0 =	sadd.s32 @!p0 $0x100000, s0  }
0x149: {  	[sflag:s0] =	ssyncadd.tile.s32 @!p0 $0x1;
	_ =	shalt  }
.Lfunc_end2:
_tile_overlayer_lowered:
.L_overlay_start_2:
0x14a: {  	(tag) =	ssettag $0x2  }
0x14b: {  	s0 =	rddreg [dreg:$0x0];
	s2 =	stileid.u32  }
0x14c: {  	s1 =	rddreg [dreg:$0x1];
	p0 =	sne.s32 s2, $0x0  }
0x14d: {  	s3 =	rddreg [dreg:$0x2];
	[bflag:$0x3] =	sbarrier.arrive $0xFFFF;
	s2 =	simm.s32 @!p0 $0x1C04  }
0x14e: {  	[timem:s3], [sflag:s2] =	dma.local @!p0 [hbm:s0], s1  }
0x14f: {  	s0 =	simm.s32 @!p0 $0x4  }
0x150: {  	_ =	swait.ge @!p0 [sflag:s0], s1  }
0x151: {  	s1 =	ssub.s32 @!p0 $0x0, s1;
	[sflag:s0] =	ssyncset.done @!p0 $0x0  }
0x152: {  	[sflag:s0] =	ssyncadd.s32 @!p0 s1  }
0x153: {  	[bflag:$0x3] =	sbarrier.arrive $0xFFFF  }
0x154: {  	_ =	shalt  }

</sc_bundles>
